<compile_context>
chip_gen: v7x
topology: tpu7x:2x2x1
jax: 0.10.2.dev20260603
libtpu: 0.0.44.dev20260713+nightly
codegen_flags: <defaults>
</compile_context>

<pallas_src>
import functools

import jax
import jax.numpy as jnp
from jax import lax
from jax.experimental import pallas as pl
from jax.experimental.pallas import tpu as pltpu
from jax.experimental.pallas import tpu_sc as plsc

NN = 10000
NE = 320000
D = 128
DB = 16
NC = 2
NS = 16
NW = NC * NS
CH = 128
NCH = 80
EPW = CH * NCH
NE_P = NW * EPW
NN_P = 10240
RPW = NN_P // NS
GB = 2
NG = NCH // GB
CPW = EPW // CH
NCR = NE_P // CH


def _mesh():
    return plsc.VectorSubcoreMesh(core_axis_name="c", subcore_axis_name="s")



def _sc_gather(table, idx3):

    @functools.partial(
        pl.kernel,
        out_type=jax.ShapeDtypeStruct((NE_P, D), jnp.float32),
        mesh=_mesh(),
        scratch_types=[
            pltpu.VMEM((NCH, CH), jnp.int32),
            pltpu.VMEM((2, CH, D), jnp.float32),
            pltpu.VMEM_SHARED((NN_P, D), jnp.float32),
            pltpu.SemaphoreType.DMA((2,)),
        ],
    )
    def k(table_hbm, idx_hbm, out_hbm, idx_v, rows_v, tab_sh, gsem):
        c = lax.axis_index("c")
        s = lax.axis_index("s")
        w = s * NC + c
        pltpu.sync_copy(table_hbm.at[pl.ds(s * RPW, RPW)],
                        tab_sh.at[pl.ds(s * RPW, RPW)])
        pltpu.sync_copy(idx_hbm.at[w], idx_v)
        plsc.subcore_barrier()
        ebase = w * EPW

        def g_copy(j, b):
            return pltpu.make_async_copy(
                tab_sh.at[idx_v.at[j]], rows_v.at[b], gsem.at[b])

        g_copy(0, 0).start()
        g_copy(1, 1).start()

        def body(t, carry):
            j0 = 2 * t
            for b in range(2):
                j = j0 + b
                g_copy(j, b).wait()
                pltpu.sync_copy(rows_v.at[b],
                                out_hbm.at[pl.ds(ebase + j * CH, CH)])

                @pl.when(j + 2 < NCH)
                def _():
                    g_copy(j + 2, b).start()

            return carry

        lax.fori_loop(0, NCH // 2, body, 0)

    return k(table, idx3)


REV0 = 120
REV1 = 40


def _sc_scatter(vals3, dst3, zrows, rev2=None):
    with_rev = rev2 is not None
    out_types = [jax.ShapeDtypeStruct((NC, NN_P, D), jnp.float32)]
    if with_rev:
        out_types.append(jax.ShapeDtypeStruct((NE_P, D), jnp.float32))

    @functools.partial(
        pl.kernel,
        out_type=tuple(out_types),
        mesh=_mesh(),
        scratch_types=[
            pltpu.VMEM((NCH, CH), jnp.int32),
            pltpu.VMEM((2, CH, D), jnp.float32),
            pltpu.VMEM((2, CH), jnp.int32),
            pltpu.VMEM_SHARED((NN_P, D), jnp.float32),
            pltpu.SemaphoreType.DMA((2,)),
            pltpu.SemaphoreType.DMA((2,)),
            pltpu.SemaphoreType.DMA((2,)),
        ],
    )
    def k(vals_hbm, idx_hbm, z_hbm, *rest):
        if with_rev:
            (rev_hbm, out_hbm, rout_hbm, idx_v, rows_v, ridx_v, agg_sh,
             lsem, ssem, rsem) = rest
        else:
            (out_hbm, idx_v, rows_v, ridx_v, agg_sh,
             lsem, ssem, rsem) = rest
        c = lax.axis_index("c")
        s = lax.axis_index("s")
        w = s * NC + c
        pltpu.sync_copy(z_hbm.at[pl.ds(s * RPW, RPW)],
                        agg_sh.at[pl.ds(s * RPW, RPW)])
        pltpu.sync_copy(idx_hbm.at[w], idx_v)
        plsc.subcore_barrier()
        ebase = w * EPW

        def l_copy(j, b):
            return pltpu.make_async_copy(
                vals_hbm.at[pl.ds(ebase + j * CH, CH)], rows_v.at[b],
                lsem.at[b])

        def s_copy(j, b):
            return pltpu.make_async_copy(
                rows_v.at[b], agg_sh.at[idx_v.at[j]], ssem.at[b])

        l_copy(0, 0).start()
        l_copy(1, 1).start()

        def body(t, carry):
            j0 = 2 * t
            l_copy(j0, 0).wait()
            pltpu.async_copy(rows_v.at[0], agg_sh.at[idx_v.at[j0]],
                             ssem.at[0], add=True)
            l_copy(j0 + 1, 1).wait()
            pltpu.async_copy(rows_v.at[1], agg_sh.at[idx_v.at[j0 + 1]],
                             ssem.at[1], add=True)

            @pl.when(j0 + 2 < NCH)
            def _():
                s_copy(j0, 0).wait()
                l_copy(j0 + 2, 0).start()
                s_copy(j0 + 1, 1).wait()
                l_copy(j0 + 3, 1).start()

            return carry

        lax.fori_loop(0, NCH // 2, body, 0)
        s_copy(NCH - 2, 0).wait()
        s_copy(NCH - 1, 1).wait()
        plsc.subcore_barrier()
        pltpu.sync_copy(agg_sh.at[pl.ds(s * RPW, RPW)],
                        out_hbm.at[c, pl.ds(s * RPW, RPW)])

        if with_rev:
            start = jnp.where(c == 0, s * REV0, NS * REV0 + s * REV1)
            n_my = jnp.where(c == 0, REV0, REV1)

            def r_idx(i, b):
                return pltpu.make_async_copy(
                    rev_hbm.at[start + i], ridx_v.at[b], rsem.at[b])

            def r_gat(i, b):
                return pltpu.make_async_copy(
                    vals_hbm.at[ridx_v.at[b]], rows_v.at[b], lsem.at[b])

            r_idx(0, 0).start()
            r_idx(1, 1).start()

            def gbody(t, carry):
                i0 = 2 * t
                r_idx(i0, 0).wait()
                r_gat(i0, 0).start()
                r_idx(i0 + 1, 1).wait()
                r_gat(i0 + 1, 1).start()
                for b in range(2):
                    i = i0 + b
                    r_gat(i, b).wait()
                    pltpu.sync_copy(
                        rows_v.at[b],
                        rout_hbm.at[pl.ds((start + i) * CH, CH)])

                    @pl.when(i + 2 < n_my)
                    def _():
                        r_idx(i + 2, b).start()

                return carry

            lax.fori_loop(0, n_my // 2, gbody, 0)

    if with_rev:
        return k(vals3, dst3, zrows, rev2)
    return k(vals3, dst3, zrows)



def _tc_g(x_p, wix, bi2):
    BR = 512

    def body(x_ref, w_ref, b_ref, o_ref):
        o_ref[...] = jnp.dot(x_ref[...], w_ref[...],
                             preferred_element_type=jnp.float32) + b_ref[...]

    return pl.pallas_call(
        body,
        grid=(NN_P // BR,),
        in_specs=[
            pl.BlockSpec((BR, D), lambda i: (i, 0)),
            pl.BlockSpec((D, D), lambda i: (0, 0)),
            pl.BlockSpec((1, D), lambda i: (0, 0)),
        ],
        out_specs=pl.BlockSpec((BR, D), lambda i: (i, 0)),
        out_shape=jax.ShapeDtypeStruct((NN_P, D), jnp.float32),
    )(x_p, wix, bi2)


def _tc_h0p1(xs, ea, wie, wh):
    BR = 512

    def body(xs_ref, ea_ref, wie_ref, wh_ref, h0_ref, p_ref):
        h0 = xs_ref[...] + jnp.dot(ea_ref[...], wie_ref[...],
                                   preferred_element_type=jnp.float32)
        h0_ref[...] = h0.astype(jnp.bfloat16)
        p_ref[...] = jnp.dot(jnp.maximum(h0, 0.0), wh_ref[...],
                             preferred_element_type=jnp.float32)

    return pl.pallas_call(
        body,
        grid=(NE_P // BR,),
        in_specs=[
            pl.BlockSpec((BR, D), lambda i: (i, 0)),
            pl.BlockSpec((BR, DB), lambda i: (i, 0)),
            pl.BlockSpec((DB, D), lambda i: (0, 0)),
            pl.BlockSpec((D, D), lambda i: (0, 0)),
        ],
        out_specs=[pl.BlockSpec((BR, D), lambda i: (i, 0))] * 2,
        out_shape=[jax.ShapeDtypeStruct((NE_P, D), jnp.bfloat16),
                   jax.ShapeDtypeStruct((NE_P, D), jnp.float32)],
    )(xs, ea, wie, wh)


def _tc_addp(parts):
    BR = 512

    def body(p_ref, o_ref):
        o_ref[...] = p_ref[0] + p_ref[1]

    return pl.pallas_call(
        body,
        grid=(NN_P // BR,),
        in_specs=[pl.BlockSpec((NC, BR, D), lambda i: (0, i, 0))],
        out_specs=pl.BlockSpec((BR, D), lambda i: (i, 0)),
        out_shape=jax.ShapeDtypeStruct((NN_P, D), jnp.float32),
    )(parts)


def _tc_mm2(h0, s_g, r_g, bh2, wh):
    BR = 512

    def body(h0_ref, s_ref, r_ref, b_ref, wh_ref, p_ref):
        a = (h0_ref[...].astype(jnp.float32) + s_ref[...] - r_ref[...]
             + b_ref[...])
        p_ref[...] = jnp.dot(jnp.maximum(a, 0.0), wh_ref[...],
                             preferred_element_type=jnp.float32)

    return pl.pallas_call(
        body,
        grid=(NE_P // BR,),
        in_specs=[
            pl.BlockSpec((BR, D), lambda i: (i, 0)),
            pl.BlockSpec((BR, D), lambda i: (i, 0)),
            pl.BlockSpec((BR, D), lambda i: (i, 0)),
            pl.BlockSpec((1, D), lambda i: (0, 0)),
            pl.BlockSpec((D, D), lambda i: (0, 0)),
        ],
        out_specs=pl.BlockSpec((BR, D), lambda i: (i, 0)),
        out_shape=jax.ShapeDtypeStruct((NE_P, D), jnp.float32),
    )(h0, s_g, r_g, bh2, wh)


def _tc_h3(h0, s_g, r_g, bh2):
    BR = 512

    def body(h0_ref, s_ref, r_ref, b_ref, o_ref):
        a = (h0_ref[...].astype(jnp.float32) + s_ref[...] - r_ref[...]
             + b_ref[...])
        o_ref[...] = jnp.maximum(a, 0.0)

    return pl.pallas_call(
        body,
        grid=(NE_P // BR,),
        in_specs=[
            pl.BlockSpec((BR, D), lambda i: (i, 0)),
            pl.BlockSpec((BR, D), lambda i: (i, 0)),
            pl.BlockSpec((BR, D), lambda i: (i, 0)),
            pl.BlockSpec((1, D), lambda i: (0, 0)),
        ],
        out_specs=pl.BlockSpec((BR, D), lambda i: (i, 0)),
        out_shape=jax.ShapeDtypeStruct((NE_P, D), jnp.float32),
    )(h0, s_g, r_g, bh2)


def _tc_out(x, parts, wox, wom, bo2):
    BR = 400

    def body(x_ref, p_ref, wox_ref, wom_ref, b_ref, o_ref):
        aggf = p_ref[0] + p_ref[1]
        rs = jnp.sum(aggf, axis=1, keepdims=True)
        xb = x_ref[...]
        mfin = jnp.where(rs == 0.0, xb, aggf)
        acc = jnp.dot(xb, wox_ref[...], preferred_element_type=jnp.float32)
        acc += jnp.dot(mfin, wom_ref[...], preferred_element_type=jnp.float32)
        o_ref[...] = jnp.maximum(acc + b_ref[...], 0.0)

    return pl.pallas_call(
        body,
        grid=(NN // BR,),
        in_specs=[
            pl.BlockSpec((BR, D), lambda i: (i, 0)),
            pl.BlockSpec((NC, BR, D), lambda i: (0, i, 0)),
            pl.BlockSpec((D, D), lambda i: (0, 0)),
            pl.BlockSpec((D, D), lambda i: (0, 0)),
            pl.BlockSpec((1, D), lambda i: (0, 0)),
        ],
        out_specs=pl.BlockSpec((BR, D), lambda i: (i, 0)),
        out_shape=jax.ShapeDtypeStruct((NN, D), jnp.float32),
    )(x, parts, wox, wom, bo2)



def kernel(x, edge_index, rev_edge_index, edge_attr, Wi, bi, Wh, bh, Wo, bo):
    src = edge_index[0]
    dst = edge_index[1]
    pad = NE_P - NE
    src3 = jnp.pad(src, (0, pad)).reshape(NW, NCH, CH)
    rev2 = jnp.pad(rev_edge_index, (0, pad)).reshape(NCR, CH)
    dst3 = jnp.pad(dst, (0, pad), constant_values=NN_P - 1).reshape(NW, NCH, CH)
    ea_p = jnp.pad(edge_attr, ((0, pad), (0, 0)))
    zrows = jnp.zeros((NN_P, D), jnp.float32)
    wix, wie = Wi[:D], Wi[D:]
    wox, wom = Wo[:D], Wo[D:]
    bi2 = bi.reshape(1, D)
    bh2 = bh.reshape(1, D)
    bo2 = bo.reshape(1, D)

    x_p = jnp.pad(x, ((0, NN_P - NN), (0, 0)))
    g = _tc_g(x_p, wix, bi2)
    xs = _sc_gather(g, src3)
    h0, p = _tc_h0p1(xs, ea_p, wie, Wh)

    h3 = None
    for it in range(2):
        parts, r_g = _sc_scatter(p, dst3, zrows, rev2)
        agg = _tc_addp(parts)
        s_g = _sc_gather(agg, src3)
        if it == 0:
            p = _tc_mm2(h0, s_g, r_g, bh2, Wh)
        else:
            h3 = _tc_h3(h0, s_g, r_g, bh2)

    parts, = _sc_scatter(h3, dst3, zrows)
    return _tc_out(x, parts, wox, wom, bo2)

# --- scband reference (transcript-rebuilt; emitter-appended) ---
"""Pipeline reference for scband-omgnn-rnn-6021544149650 (READ-ONLY COPY).

The authoritative reference and input builder live on the scoring server;
editing this copy changes nothing except your own understanding.
"""

import jax, jax.numpy as jnp
import numpy as np

N_NODES = 10000
N_EDGES = 320000
D_NODE = 128
D_BOND = 16
HIDDEN = 128
DEPTH = 3


def setup_inputs(seed: int = 0) -> dict:
    key = jax.random.key(seed)
    ks = jax.random.split(key, 10)
    x = jax.random.normal(ks[0], (N_NODES, D_NODE), dtype=jnp.float32)
    edge_index = jax.random.randint(ks[1], (2, N_EDGES), 0, N_NODES, dtype=jnp.int32)
    rev_edge_index = jax.random.randint(ks[2], (N_EDGES,), 0, N_EDGES, dtype=jnp.int32)
    edge_attr = jax.random.normal(ks[3], (N_EDGES, D_BOND), dtype=jnp.float32)
    Wi = jax.random.normal(ks[4], (D_NODE + D_BOND, HIDDEN), dtype=jnp.float32) * 0.05
    bi = jnp.zeros((HIDDEN,), dtype=jnp.float32)
    Wh = jax.random.normal(ks[5], (HIDDEN, HIDDEN), dtype=jnp.float32) * 0.05
    bh = jnp.zeros((HIDDEN,), dtype=jnp.float32)
    Wo = jax.random.normal(ks[6], (D_NODE + HIDDEN, HIDDEN), dtype=jnp.float32) * 0.05
    bo = jnp.zeros((HIDDEN,), dtype=jnp.float32)
    return {"x": x, "edge_index": edge_index, "rev_edge_index": rev_edge_index,
            "edge_attr": edge_attr, "Wi": Wi, "bi": bi, "Wh": Wh, "bh": bh,
            "Wo": Wo, "bo": bo}


def reference(x, edge_index, rev_edge_index, edge_attr, Wi, bi, Wh, bh, Wo, bo):
    # Faithful JAX translation of BondMessagePassing.forward (eval mode: dropout = identity)
    src = edge_index[0]
    dst = edge_index[1]
    # H_0 = W_i(cat(x[src], edge_attr)); H = relu(H_0)
    H0 = jnp.concatenate([x[src], edge_attr], axis=1) @ Wi + bi
    H = jax.nn.relu(H0)
    for _ in range(1, DEPTH):
        # message: scatter-add edge states to dst nodes, gather back at src, subtract reverse-edge state
        agg = jax.ops.segment_sum(H, dst, num_segments=N_NODES)
        M = agg[src] - H[rev_edge_index]
        # update: H = relu(H_0 + W_h(M))
        H = jax.nn.relu(H0 + (M @ Wh + bh))
    # final node aggregation
    agg = jax.ops.segment_sum(H, dst, num_segments=N_NODES)
    Mfin = jnp.where(jnp.sum(agg, axis=1, keepdims=True) == 0, x, agg)
    out = jax.nn.relu(jnp.concatenate([x, Mfin], axis=1) @ Wo + bo)
    return out

if __name__ == "__main__":
    import jax
    _d = setup_inputs()
    print(jax.jit(kernel)(*tuple(_d.values())))

</pallas_src>

<mosaic_0001>
#map = affine_map<(d0, d1) -> (0, 0)>
#map1 = affine_map<(d0, d1) -> (0, 0, 0)>
module attributes {stable_mosaic.version = 14 : i64} {
  func.func @k(%arg0: i32, %arg1: i32, %arg2: memref<10240x128xf32, #tpu.memory_space<hbm>>, %arg3: memref<32x80x128xi32, #tpu.memory_space<hbm>>, %arg4: memref<327680x128xf32, #tpu.memory_space<hbm>>, %arg5: memref<80x128xi32, #tpu.memory_space<vmem>>, %arg6: memref<2x128x128xf32, #tpu.memory_space<vmem>>, %arg7: memref<10240x128xf32, #tpu.memory_space<vmem_shared>>, %arg8: memref<2x!tpu.dma_semaphore, #tpu.memory_space<semaphore_mem>>) attributes {dimension_semantics = [#tpu.dimension_semantics<core_parallel>, #tpu.dimension_semantics<subcore_parallel>], iteration_bounds = array<i64: 2, 16>, scalar_prefetch = 0 : i64, scratch_operands = 4 : i64, tpu.core_type = #tpu.core_type<sc_vector_subcore>, window_params = [{transform_indices = #map}, {transform_indices = #map1}, {transform_indices = #map}]} {
    %mul3A = arith.constant 2 : i32
    %mul3A_0 = arith.muli %arg1, %mul3A : i32
    %add3A = arith.addi %mul3A_0, %arg0 : i32
    %mul3A_1 = arith.constant 640 : i32
    %mul3A_2 = arith.muli %arg1, %mul3A_1 : i32
    %mul3A_3 = arith.constant 640 : i32
    %mul3A_4 = arith.muli %arg1, %mul3A_3 : i32
    "tpu.region"() ({
      %run_scoped3A = tpu.sem_alloc : memref<!tpu.dma_semaphore, #tpu.memory_space<semaphore_mem>>
      %dma_start3A_41 = arith.constant 0 : i32
      %dma_start3A_42 = tpu.memref_slice %arg7[%mul3A_4, %dma_start3A_41] : memref<10240x128xf32, #tpu.memory_space<vmem_shared>> -> memref<640x128xf32, #tpu.memory_space<vmem_shared>>
      %dma_start3A_43 = arith.constant 0 : i32
      %dma_start3A_44 = tpu.memref_slice %arg2[%mul3A_2, %dma_start3A_43] : memref<10240x128xf32, #tpu.memory_space<hbm>> -> memref<640x128xf32, #tpu.memory_space<hbm>>
      tpu.enqueue_dma source(%dma_start3A_44 : memref<640x128xf32, #tpu.memory_space<hbm>>) target(%dma_start3A_42 : memref<640x128xf32, #tpu.memory_space<vmem_shared>>) target_semaphore(%run_scoped3A : memref<!tpu.dma_semaphore, #tpu.memory_space<semaphore_mem>>)
      %dma_wait3A = arith.constant 0 : i32
      %dma_wait3A_45 = tpu.memref_slice %arg7[%mul3A_4, %dma_wait3A] : memref<10240x128xf32, #tpu.memory_space<vmem_shared>> -> memref<640x128xf32, #tpu.memory_space<vmem_shared>>
      %dma_wait3A_46 = arith.constant 0 : i32
      %dma_wait3A_47 = tpu.memref_slice %arg2[%mul3A_2, %dma_wait3A_46] : memref<10240x128xf32, #tpu.memory_space<hbm>> -> memref<640x128xf32, #tpu.memory_space<hbm>>
      tpu.wait_dma2 semaphore(%run_scoped3A : memref<!tpu.dma_semaphore, #tpu.memory_space<semaphore_mem>>) src(%dma_wait3A_47 : memref<640x128xf32, #tpu.memory_space<hbm>>) dst(%dma_wait3A_45 : memref<640x128xf32, #tpu.memory_space<vmem_shared>>)
      tpu.yield
    }) : () -> ()
    "tpu.region"() ({
      %run_scoped3A = tpu.sem_alloc : memref<!tpu.dma_semaphore, #tpu.memory_space<semaphore_mem>>
      %dma_start3A_41 = arith.constant 0 : i32
      %dma_start3A_42 = arith.constant 0 : i32
      %dma_start3A_43 = tpu.memref_slice %arg3[%add3A, %dma_start3A_41, %dma_start3A_42] : memref<32x80x128xi32, #tpu.memory_space<hbm>> -> memref<1x80x128xi32, #tpu.memory_space<hbm>>
      %dma_start3A_44 = tpu.memref_squeeze %dma_start3A_43 : memref<1x80x128xi32, #tpu.memory_space<hbm>> -> memref<80x128xi32, #tpu.memory_space<hbm>>
      %dma_start3A_45 = arith.constant 0 : i32
      %dma_start3A_46 = arith.constant 0 : i32
      %dma_start3A_47 = tpu.memref_slice %arg3[%add3A, %dma_start3A_45, %dma_start3A_46] : memref<32x80x128xi32, #tpu.memory_space<hbm>> -> memref<1x80x128xi32, #tpu.memory_space<hbm>>
      %dma_start3A_48 = tpu.memref_squeeze %dma_start3A_47 : memref<1x80x128xi32, #tpu.memory_space<hbm>> -> memref<80x128xi32, #tpu.memory_space<hbm>>
      tpu.enqueue_dma source(%dma_start3A_48 : memref<80x128xi32, #tpu.memory_space<hbm>>) target(%arg5 : memref<80x128xi32, #tpu.memory_space<vmem>>) target_semaphore(%run_scoped3A : memref<!tpu.dma_semaphore, #tpu.memory_space<semaphore_mem>>)
      %dma_wait3A = arith.constant 0 : i32
      %dma_wait3A_49 = arith.constant 0 : i32
      %dma_wait3A_50 = tpu.memref_slice %arg3[%add3A, %dma_wait3A, %dma_wait3A_49] : memref<32x80x128xi32, #tpu.memory_space<hbm>> -> memref<1x80x128xi32, #tpu.memory_space<hbm>>
      %dma_wait3A_51 = tpu.memref_squeeze %dma_wait3A_50 : memref<1x80x128xi32, #tpu.memory_space<hbm>> -> memref<80x128xi32, #tpu.memory_space<hbm>>
      %dma_wait3A_52 = arith.constant 0 : i32
      %dma_wait3A_53 = arith.constant 0 : i32
      %dma_wait3A_54 = tpu.memref_slice %arg3[%add3A, %dma_wait3A_52, %dma_wait3A_53] : memref<32x80x128xi32, #tpu.memory_space<hbm>> -> memref<1x80x128xi32, #tpu.memory_space<hbm>>
      %dma_wait3A_55 = tpu.memref_squeeze %dma_wait3A_54 : memref<1x80x128xi32, #tpu.memory_space<hbm>> -> memref<80x128xi32, #tpu.memory_space<hbm>>
      tpu.wait_dma2 semaphore(%run_scoped3A : memref<!tpu.dma_semaphore, #tpu.memory_space<semaphore_mem>>) src(%dma_wait3A_55 : memref<80x128xi32, #tpu.memory_space<hbm>>) dst(%arg5 : memref<80x128xi32, #tpu.memory_space<vmem>>)
      tpu.yield
    }) : () -> ()
    %barrier3A = arith.constant 0 : index
    tpu.barrier barrier_id(%barrier3A)
    %mul3A_5 = arith.constant 10240 : i32
    %mul3A_6 = arith.muli %add3A, %mul3A_5 : i32
    %dma_start3A = arith.constant 0 : i32
    %dma_start3A_7 = arith.constant 0 : i32
    %dma_start3A_8 = arith.constant 0 : i32
    %dma_start3A_9 = arith.constant 0 : i32
    %dma_start3A_10 = arith.constant 0 : i32
    %dma_start3A_11 = tpu.memref_slice %arg6[%dma_start3A_7, %dma_start3A_9, %dma_start3A_10] : memref<2x128x128xf32, #tpu.memory_space<vmem>> -> memref<1x128x128xf32, #tpu.memory_space<vmem>>
    %dma_start3A_12 = tpu.memref_squeeze %dma_start3A_11 : memref<1x128x128xf32, #tpu.memory_space<vmem>> -> memref<128x128xf32, #tpu.memory_space<vmem>>
    %dma_start3A_13 = arith.constant 0 : i32
    %dma_start3A_14 = tpu.memref_slice %arg5[%dma_start3A, %dma_start3A_13] : memref<80x128xi32, #tpu.memory_space<vmem>> -> memref<1x128xi32, #tpu.memory_space<vmem>>
    %dma_start3A_15 = tpu.memref_squeeze %dma_start3A_14 : memref<1x128xi32, #tpu.memory_space<vmem>> -> memref<128xi32, #tpu.memory_space<vmem>>
    %dma_start3A_16 = arith.constant 0 : i32
    %dma_start3A_17 = arith.constant 0 : i32
    %dma_start3A_18 = tpu.memref_slice %arg7[%dma_start3A_16, %dma_start3A_17] : memref<10240x128xf32, #tpu.memory_space<vmem_shared>> -> memref<10240x128xf32, #tpu.memory_space<vmem_shared>>
    %dma_start3A_19 = tpu.memref_slice %arg8[%dma_start3A_8] : memref<2x!tpu.dma_semaphore, #tpu.memory_space<semaphore_mem>> -> memref<1x!tpu.dma_semaphore, #tpu.memory_space<semaphore_mem>>
    %dma_start3A_20 = tpu.memref_squeeze %dma_start3A_19 : memref<1x!tpu.dma_semaphore, #tpu.memory_space<semaphore_mem>> -> memref<!tpu.dma_semaphore, #tpu.memory_space<semaphore_mem>>
    tpu.enqueue_indirect_dma source(%dma_start3A_18 : memref<10240x128xf32, #tpu.memory_space<vmem_shared>>) target(%dma_start3A_12 : memref<128x128xf32, #tpu.memory_space<vmem>>) offsets(%dma_start3A_15 : memref<128xi32, #tpu.memory_space<vmem>>) semaphore(%dma_start3A_20 : memref<!tpu.dma_semaphore, #tpu.memory_space<semaphore_mem>>)
    %dma_start3A_21 = arith.constant 1 : i32
    %dma_start3A_22 = arith.constant 1 : i32
    %dma_start3A_23 = arith.constant 1 : i32
    %dma_start3A_24 = arith.constant 0 : i32
    %dma_start3A_25 = arith.constant 0 : i32
    %dma_start3A_26 = tpu.memref_slice %arg6[%dma_start3A_22, %dma_start3A_24, %dma_start3A_25] : memref<2x128x128xf32, #tpu.memory_space<vmem>> -> memref<1x128x128xf32, #tpu.memory_space<vmem>>
    %dma_start3A_27 = tpu.memref_squeeze %dma_start3A_26 : memref<1x128x128xf32, #tpu.memory_space<vmem>> -> memref<128x128xf32, #tpu.memory_space<vmem>>
    %dma_start3A_28 = arith.constant 0 : i32
    %dma_start3A_29 = tpu.memref_slice %arg5[%dma_start3A_21, %dma_start3A_28] : memref<80x128xi32, #tpu.memory_space<vmem>> -> memref<1x128xi32, #tpu.memory_space<vmem>>
    %dma_start3A_30 = tpu.memref_squeeze %dma_start3A_29 : memref<1x128xi32, #tpu.memory_space<vmem>> -> memref<128xi32, #tpu.memory_space<vmem>>
    %dma_start3A_31 = arith.constant 0 : i32
    %dma_start3A_32 = arith.constant 0 : i32
    %dma_start3A_33 = tpu.memref_slice %arg7[%dma_start3A_31, %dma_start3A_32] : memref<10240x128xf32, #tpu.memory_space<vmem_shared>> -> memref<10240x128xf32, #tpu.memory_space<vmem_shared>>
    %dma_start3A_34 = tpu.memref_slice %arg8[%dma_start3A_23] : memref<2x!tpu.dma_semaphore, #tpu.memory_space<semaphore_mem>> -> memref<1x!tpu.dma_semaphore, #tpu.memory_space<semaphore_mem>>
    %dma_start3A_35 = tpu.memref_squeeze %dma_start3A_34 : memref<1x!tpu.dma_semaphore, #tpu.memory_space<semaphore_mem>> -> memref<!tpu.dma_semaphore, #tpu.memory_space<semaphore_mem>>
    tpu.enqueue_indirect_dma source(%dma_start3A_33 : memref<10240x128xf32, #tpu.memory_space<vmem_shared>>) target(%dma_start3A_27 : memref<128x128xf32, #tpu.memory_space<vmem>>) offsets(%dma_start3A_30 : memref<128xi32, #tpu.memory_space<vmem>>) semaphore(%dma_start3A_35 : memref<!tpu.dma_semaphore, #tpu.memory_space<semaphore_mem>>)
    %scan3A = arith.constant 0 : i32
    %scan3A_36 = arith.constant 0 : i32
    %scan3A_37 = arith.constant 40 : i32
    %scan3A_38 = arith.addi %scan3A_36, %scan3A_37 : i32
    %scan3A_39 = arith.constant 1 : i32
    scf.for %scan3A_41 = %scan3A_36 to %scan3A_38 step %scan3A_39  : i32 {
      %mul3A_42 = arith.constant 2 : i32
      %mul3A_43 = arith.muli %mul3A_42, %scan3A_41 : i32
      %add3A_44 = arith.constant 0 : i32
      %add3A_45 = arith.addi %mul3A_43, %add3A_44 : i32
      %dma_wait3A = arith.constant 0 : i32
      %dma_wait3A_46 = arith.constant 0 : i32
      %dma_wait3A_47 = arith.constant 0 : i32
      %dma_wait3A_48 = arith.constant 0 : i32
      %dma_wait3A_49 = tpu.memref_slice %arg6[%dma_wait3A, %dma_wait3A_47, %dma_wait3A_48] : memref<2x128x128xf32, #tpu.memory_space<vmem>> -> memref<1x128x128xf32, #tpu.memory_space<vmem>>
      %dma_wait3A_50 = tpu.memref_squeeze %dma_wait3A_49 : memref<1x128x128xf32, #tpu.memory_space<vmem>> -> memref<128x128xf32, #tpu.memory_space<vmem>>
      %dma_wait3A_51 = arith.constant 0 : i32
      %dma_wait3A_52 = tpu.memref_slice %arg5[%add3A_45, %dma_wait3A_51] : memref<80x128xi32, #tpu.memory_space<vmem>> -> memref<1x128xi32, #tpu.memory_space<vmem>>
      %dma_wait3A_53 = tpu.memref_squeeze %dma_wait3A_52 : memref<1x128xi32, #tpu.memory_space<vmem>> -> memref<128xi32, #tpu.memory_space<vmem>>
      %dma_wait3A_54 = arith.constant 0 : i32
      %dma_wait3A_55 = arith.constant 0 : i32
      %dma_wait3A_56 = tpu.memref_slice %arg7[%dma_wait3A_54, %dma_wait3A_55] : memref<10240x128xf32, #tpu.memory_space<vmem_shared>> -> memref<10240x128xf32, #tpu.memory_space<vmem_shared>>
      %dma_wait3A_57 = tpu.memref_slice %arg8[%dma_wait3A_46] : memref<2x!tpu.dma_semaphore, #tpu.memory_space<semaphore_mem>> -> memref<1x!tpu.dma_semaphore, #tpu.memory_space<semaphore_mem>>
      %dma_wait3A_58 = tpu.memref_squeeze %dma_wait3A_57 : memref<1x!tpu.dma_semaphore, #tpu.memory_space<semaphore_mem>> -> memref<!tpu.dma_semaphore, #tpu.memory_space<semaphore_mem>>
      tpu.wait_indirect_dma semaphore(%dma_wait3A_58 : memref<!tpu.dma_semaphore, #tpu.memory_space<semaphore_mem>>) src(%dma_wait3A_56 : memref<10240x128xf32, #tpu.memory_space<vmem_shared>>) dst(%dma_wait3A_50 : memref<128x128xf32, #tpu.memory_space<vmem>>)
      %mul3A_59 = arith.constant 128 : i32
      %mul3A_60 = arith.muli %add3A_45, %mul3A_59 : i32
      %add3A_61 = arith.addi %mul3A_6, %mul3A_60 : i32
      %run_scoped3A = arith.constant 0 : i32
      "tpu.region"() ({
        %run_scoped3A_93 = tpu.sem_alloc : memref<!tpu.dma_semaphore, #tpu.memory_space<semaphore_mem>>
        %dma_start3A_94 = arith.constant 0 : i32
        %dma_start3A_95 = arith.constant 0 : i32
        %dma_start3A_96 = tpu.memref_slice %arg6[%run_scoped3A, %dma_start3A_94, %dma_start3A_95] : memref<2x128x128xf32, #tpu.memory_space<vmem>> -> memref<1x128x128xf32, #tpu.memory_space<vmem>>
        %dma_start3A_97 = tpu.memref_squeeze %dma_start3A_96 : memref<1x128x128xf32, #tpu.memory_space<vmem>> -> memref<128x128xf32, #tpu.memory_space<vmem>>
        %dma_start3A_98 = arith.constant 0 : i32
        %dma_start3A_99 = tpu.memref_slice %arg4[%add3A_61, %dma_start3A_98] : memref<327680x128xf32, #tpu.memory_space<hbm>> -> memref<128x128xf32, #tpu.memory_space<hbm>>
        %dma_start3A_100 = arith.constant 0 : i32
        %dma_start3A_101 = tpu.memref_slice %arg4[%add3A_61, %dma_start3A_100] : memref<327680x128xf32, #tpu.memory_space<hbm>> -> memref<128x128xf32, #tpu.memory_space<hbm>>
        %dma_start3A_102 = arith.constant 0 : i32
        %dma_start3A_103 = arith.constant 0 : i32
        %dma_start3A_104 = tpu.memref_slice %arg6[%run_scoped3A, %dma_start3A_102, %dma_start3A_103] : memref<2x128x128xf32, #tpu.memory_space<vmem>> -> memref<1x128x128xf32, #tpu.memory_space<vmem>>
        %dma_start3A_105 = tpu.memref_squeeze %dma_start3A_104 : memref<1x128x128xf32, #tpu.memory_space<vmem>> -> memref<128x128xf32, #tpu.memory_space<vmem>>
        tpu.enqueue_dma source(%dma_start3A_105 : memref<128x128xf32, #tpu.memory_space<vmem>>) target(%dma_start3A_101 : memref<128x128xf32, #tpu.memory_space<hbm>>) target_semaphore(%run_scoped3A_93 : memref<!tpu.dma_semaphore, #tpu.memory_space<semaphore_mem>>)
        %dma_wait3A_106 = arith.constant 0 : i32
        %dma_wait3A_107 = arith.constant 0 : i32
        %dma_wait3A_108 = tpu.memref_slice %arg6[%run_scoped3A, %dma_wait3A_106, %dma_wait3A_107] : memref<2x128x128xf32, #tpu.memory_space<vmem>> -> memref<1x128x128xf32, #tpu.memory_space<vmem>>
        %dma_wait3A_109 = tpu.memref_squeeze %dma_wait3A_108 : memref<1x128x128xf32, #tpu.memory_space<vmem>> -> memref<128x128xf32, #tpu.memory_space<vmem>>
        %dma_wait3A_110 = arith.constant 0 : i32
        %dma_wait3A_111 = tpu.memref_slice %arg4[%add3A_61, %dma_wait3A_110] : memref<327680x128xf32, #tpu.memory_space<hbm>> -> memref<128x128xf32, #tpu.memory_space<hbm>>
        %dma_wait3A_112 = arith.constant 0 : i32
        %dma_wait3A_113 = tpu.memref_slice %arg4[%add3A_61, %dma_wait3A_112] : memref<327680x128xf32, #tpu.memory_space<hbm>> -> memref<128x128xf32, #tpu.memory_space<hbm>>
        %dma_wait3A_114 = arith.constant 0 : i32
        %dma_wait3A_115 = arith.constant 0 : i32
        %dma_wait3A_116 = tpu.memref_slice %arg6[%run_scoped3A, %dma_wait3A_114, %dma_wait3A_115] : memref<2x128x128xf32, #tpu.memory_space<vmem>> -> memref<1x128x128xf32, #tpu.memory_space<vmem>>
        %dma_wait3A_117 = tpu.memref_squeeze %dma_wait3A_116 : memref<1x128x128xf32, #tpu.memory_space<vmem>> -> memref<128x128xf32, #tpu.memory_space<vmem>>
        tpu.wait_dma2 semaphore(%run_scoped3A_93 : memref<!tpu.dma_semaphore, #tpu.memory_space<semaphore_mem>>) src(%dma_wait3A_117 : memref<128x128xf32, #tpu.memory_space<vmem>>) dst(%dma_wait3A_113 : memref<128x128xf32, #tpu.memory_space<hbm>>)
        tpu.yield
      }) : () -> ()
      %add3A_62 = arith.constant 2 : i32
      %add3A_63 = arith.addi %add3A_45, %add3A_62 : i32
      %lt3A = arith.constant 80 : i32
      %lt3A_64 = arith.cmpi slt, %add3A_63, %lt3A : i32
      %convert_element_type3A = arith.extui %lt3A_64 : i1 to i32
      %cond3A = arith.constant 0 : i32
      %cond3A_65 = arith.cmpi ne, %convert_element_type3A, %cond3A : i32
      scf.if %cond3A_65 {
        %add3A_93 = arith.constant 2 : i32
        %add3A_94 = arith.addi %add3A_45, %add3A_93 : i32
        %dma_start3A_95 = arith.constant 0 : i32
        %dma_start3A_96 = arith.constant 0 : i32
        %dma_start3A_97 = arith.constant 0 : i32
        %dma_start3A_98 = arith.constant 0 : i32
        %dma_start3A_99 = tpu.memref_slice %arg6[%dma_start3A_95, %dma_start3A_97, %dma_start3A_98] : memref<2x128x128xf32, #tpu.memory_space<vmem>> -> memref<1x128x128xf32, #tpu.memory_space<vmem>>
        %dma_start3A_100 = tpu.memref_squeeze %dma_start3A_99 : memref<1x128x128xf32, #tpu.memory_space<vmem>> -> memref<128x128xf32, #tpu.memory_space<vmem>>
        %dma_start3A_101 = arith.constant 0 : i32
        %dma_start3A_102 = tpu.memref_slice %arg5[%add3A_94, %dma_start3A_101] : memref<80x128xi32, #tpu.memory_space<vmem>> -> memref<1x128xi32, #tpu.memory_space<vmem>>
        %dma_start3A_103 = tpu.memref_squeeze %dma_start3A_102 : memref<1x128xi32, #tpu.memory_space<vmem>> -> memref<128xi32, #tpu.memory_space<vmem>>
        %dma_start3A_104 = arith.constant 0 : i32
        %dma_start3A_105 = arith.constant 0 : i32
        %dma_start3A_106 = tpu.memref_slice %arg7[%dma_start3A_104, %dma_start3A_105] : memref<10240x128xf32, #tpu.memory_space<vmem_shared>> -> memref<10240x128xf32, #tpu.memory_space<vmem_shared>>
        %dma_start3A_107 = tpu.memref_slice %arg8[%dma_start3A_96] : memref<2x!tpu.dma_semaphore, #tpu.memory_space<semaphore_mem>> -> memref<1x!tpu.dma_semaphore, #tpu.memory_space<semaphore_mem>>
        %dma_start3A_108 = tpu.memref_squeeze %dma_start3A_107 : memref<1x!tpu.dma_semaphore, #tpu.memory_space<semaphore_mem>> -> memref<!tpu.dma_semaphore, #tpu.memory_space<semaphore_mem>>
        tpu.enqueue_indirect_dma source(%dma_start3A_106 : memref<10240x128xf32, #tpu.memory_space<vmem_shared>>) target(%dma_start3A_100 : memref<128x128xf32, #tpu.memory_space<vmem>>) offsets(%dma_start3A_103 : memref<128xi32, #tpu.memory_space<vmem>>) semaphore(%dma_start3A_108 : memref<!tpu.dma_semaphore, #tpu.memory_space<semaphore_mem>>)
      } else {
      }
      %add3A_66 = arith.constant 1 : i32
      %add3A_67 = arith.addi %mul3A_43, %add3A_66 : i32
      %dma_wait3A_68 = arith.constant 1 : i32
      %dma_wait3A_69 = arith.constant 1 : i32
      %dma_wait3A_70 = arith.constant 0 : i32
      %dma_wait3A_71 = arith.constant 0 : i32
      %dma_wait3A_72 = tpu.memref_slice %arg6[%dma_wait3A_68, %dma_wait3A_70, %dma_wait3A_71] : memref<2x128x128xf32, #tpu.memory_space<vmem>> -> memref<1x128x128xf32, #tpu.memory_space<vmem>>
      %dma_wait3A_73 = tpu.memref_squeeze %dma_wait3A_72 : memref<1x128x128xf32, #tpu.memory_space<vmem>> -> memref<128x128xf32, #tpu.memory_space<vmem>>
      %dma_wait3A_74 = arith.constant 0 : i32
      %dma_wait3A_75 = tpu.memref_slice %arg5[%add3A_67, %dma_wait3A_74] : memref<80x128xi32, #tpu.memory_space<vmem>> -> memref<1x128xi32, #tpu.memory_space<vmem>>
      %dma_wait3A_76 = tpu.memref_squeeze %dma_wait3A_75 : memref<1x128xi32, #tpu.memory_space<vmem>> -> memref<128xi32, #tpu.memory_space<vmem>>
      %dma_wait3A_77 = arith.constant 0 : i32
      %dma_wait3A_78 = arith.constant 0 : i32
      %dma_wait3A_79 = tpu.memref_slice %arg7[%dma_wait3A_77, %dma_wait3A_78] : memref<10240x128xf32, #tpu.memory_space<vmem_shared>> -> memref<10240x128xf32, #tpu.memory_space<vmem_shared>>
      %dma_wait3A_80 = tpu.memref_slice %arg8[%dma_wait3A_69] : memref<2x!tpu.dma_semaphore, #tpu.memory_space<semaphore_mem>> -> memref<1x!tpu.dma_semaphore, #tpu.memory_space<semaphore_mem>>
      %dma_wait3A_81 = tpu.memref_squeeze %dma_wait3A_80 : memref<1x!tpu.dma_semaphore, #tpu.memory_space<semaphore_mem>> -> memref<!tpu.dma_semaphore, #tpu.memory_space<semaphore_mem>>
      tpu.wait_indirect_dma semaphore(%dma_wait3A_81 : memref<!tpu.dma_semaphore, #tpu.memory_space<semaphore_mem>>) src(%dma_wait3A_79 : memref<10240x128xf32, #tpu.memory_space<vmem_shared>>) dst(%dma_wait3A_73 : memref<128x128xf32, #tpu.memory_space<vmem>>)
      %mul3A_82 = arith.constant 128 : i32
      %mul3A_83 = arith.muli %add3A_67, %mul3A_82 : i32
      %add3A_84 = arith.addi %mul3A_6, %mul3A_83 : i32
      %run_scoped3A_85 = arith.constant 1 : i32
      "tpu.region"() ({
        %run_scoped3A_93 = tpu.sem_alloc : memref<!tpu.dma_semaphore, #tpu.memory_space<semaphore_mem>>
        %dma_start3A_94 = arith.constant 0 : i32
        %dma_start3A_95 = arith.constant 0 : i32
        %dma_start3A_96 = tpu.memref_slice %arg6[%run_scoped3A_85, %dma_start3A_94, %dma_start3A_95] : memref<2x128x128xf32, #tpu.memory_space<vmem>> -> memref<1x128x128xf32, #tpu.memory_space<vmem>>
        %dma_start3A_97 = tpu.memref_squeeze %dma_start3A_96 : memref<1x128x128xf32, #tpu.memory_space<vmem>> -> memref<128x128xf32, #tpu.memory_space<vmem>>
        %dma_start3A_98 = arith.constant 0 : i32
        %dma_start3A_99 = tpu.memref_slice %arg4[%add3A_84, %dma_start3A_98] : memref<327680x128xf32, #tpu.memory_space<hbm>> -> memref<128x128xf32, #tpu.memory_space<hbm>>
        %dma_start3A_100 = arith.constant 0 : i32
        %dma_start3A_101 = tpu.memref_slice %arg4[%add3A_84, %dma_start3A_100] : memref<327680x128xf32, #tpu.memory_space<hbm>> -> memref<128x128xf32, #tpu.memory_space<hbm>>
        %dma_start3A_102 = arith.constant 0 : i32
        %dma_start3A_103 = arith.constant 0 : i32
        %dma_start3A_104 = tpu.memref_slice %arg6[%run_scoped3A_85, %dma_start3A_102, %dma_start3A_103] : memref<2x128x128xf32, #tpu.memory_space<vmem>> -> memref<1x128x128xf32, #tpu.memory_space<vmem>>
        %dma_start3A_105 = tpu.memref_squeeze %dma_start3A_104 : memref<1x128x128xf32, #tpu.memory_space<vmem>> -> memref<128x128xf32, #tpu.memory_space<vmem>>
        tpu.enqueue_dma source(%dma_start3A_105 : memref<128x128xf32, #tpu.memory_space<vmem>>) target(%dma_start3A_101 : memref<128x128xf32, #tpu.memory_space<hbm>>) target_semaphore(%run_scoped3A_93 : memref<!tpu.dma_semaphore, #tpu.memory_space<semaphore_mem>>)
        %dma_wait3A_106 = arith.constant 0 : i32
        %dma_wait3A_107 = arith.constant 0 : i32
        %dma_wait3A_108 = tpu.memref_slice %arg6[%run_scoped3A_85, %dma_wait3A_106, %dma_wait3A_107] : memref<2x128x128xf32, #tpu.memory_space<vmem>> -> memref<1x128x128xf32, #tpu.memory_space<vmem>>
        %dma_wait3A_109 = tpu.memref_squeeze %dma_wait3A_108 : memref<1x128x128xf32, #tpu.memory_space<vmem>> -> memref<128x128xf32, #tpu.memory_space<vmem>>
        %dma_wait3A_110 = arith.constant 0 : i32
        %dma_wait3A_111 = tpu.memref_slice %arg4[%add3A_84, %dma_wait3A_110] : memref<327680x128xf32, #tpu.memory_space<hbm>> -> memref<128x128xf32, #tpu.memory_space<hbm>>
        %dma_wait3A_112 = arith.constant 0 : i32
        %dma_wait3A_113 = tpu.memref_slice %arg4[%add3A_84, %dma_wait3A_112] : memref<327680x128xf32, #tpu.memory_space<hbm>> -> memref<128x128xf32, #tpu.memory_space<hbm>>
        %dma_wait3A_114 = arith.constant 0 : i32
        %dma_wait3A_115 = arith.constant 0 : i32
        %dma_wait3A_116 = tpu.memref_slice %arg6[%run_scoped3A_85, %dma_wait3A_114, %dma_wait3A_115] : memref<2x128x128xf32, #tpu.memory_space<vmem>> -> memref<1x128x128xf32, #tpu.memory_space<vmem>>
        %dma_wait3A_117 = tpu.memref_squeeze %dma_wait3A_116 : memref<1x128x128xf32, #tpu.memory_space<vmem>> -> memref<128x128xf32, #tpu.memory_space<vmem>>
        tpu.wait_dma2 semaphore(%run_scoped3A_93 : memref<!tpu.dma_semaphore, #tpu.memory_space<semaphore_mem>>) src(%dma_wait3A_117 : memref<128x128xf32, #tpu.memory_space<vmem>>) dst(%dma_wait3A_113 : memref<128x128xf32, #tpu.memory_space<hbm>>)
        tpu.yield
      }) : () -> ()
      %add3A_86 = arith.constant 2 : i32
      %add3A_87 = arith.addi %add3A_67, %add3A_86 : i32
      %lt3A_88 = arith.constant 80 : i32
      %lt3A_89 = arith.cmpi slt, %add3A_87, %lt3A_88 : i32
      %convert_element_type3A_90 = arith.extui %lt3A_89 : i1 to i32
      %cond3A_91 = arith.constant 0 : i32
      %cond3A_92 = arith.cmpi ne, %convert_element_type3A_90, %cond3A_91 : i32
      scf.if %cond3A_92 {
        %add3A_93 = arith.constant 2 : i32
        %add3A_94 = arith.addi %add3A_67, %add3A_93 : i32
        %dma_start3A_95 = arith.constant 1 : i32
        %dma_start3A_96 = arith.constant 1 : i32
        %dma_start3A_97 = arith.constant 0 : i32
        %dma_start3A_98 = arith.constant 0 : i32
        %dma_start3A_99 = tpu.memref_slice %arg6[%dma_start3A_95, %dma_start3A_97, %dma_start3A_98] : memref<2x128x128xf32, #tpu.memory_space<vmem>> -> memref<1x128x128xf32, #tpu.memory_space<vmem>>
        %dma_start3A_100 = tpu.memref_squeeze %dma_start3A_99 : memref<1x128x128xf32, #tpu.memory_space<vmem>> -> memref<128x128xf32, #tpu.memory_space<vmem>>
        %dma_start3A_101 = arith.constant 0 : i32
        %dma_start3A_102 = tpu.memref_slice %arg5[%add3A_94, %dma_start3A_101] : memref<80x128xi32, #tpu.memory_space<vmem>> -> memref<1x128xi32, #tpu.memory_space<vmem>>
        %dma_start3A_103 = tpu.memref_squeeze %dma_start3A_102 : memref<1x128xi32, #tpu.memory_space<vmem>> -> memref<128xi32, #tpu.memory_space<vmem>>
        %dma_start3A_104 = arith.constant 0 : i32
        %dma_start3A_105 = arith.constant 0 : i32
        %dma_start3A_106 = tpu.memref_slice %arg7[%dma_start3A_104, %dma_start3A_105] : memref<10240x128xf32, #tpu.memory_space<vmem_shared>> -> memref<10240x128xf32, #tpu.memory_space<vmem_shared>>
        %dma_start3A_107 = tpu.memref_slice %arg8[%dma_start3A_96] : memref<2x!tpu.dma_semaphore, #tpu.memory_space<semaphore_mem>> -> memref<1x!tpu.dma_semaphore, #tpu.memory_space<semaphore_mem>>
        %dma_start3A_108 = tpu.memref_squeeze %dma_start3A_107 : memref<1x!tpu.dma_semaphore, #tpu.memory_space<semaphore_mem>> -> memref<!tpu.dma_semaphore, #tpu.memory_space<semaphore_mem>>
        tpu.enqueue_indirect_dma source(%dma_start3A_106 : memref<10240x128xf32, #tpu.memory_space<vmem_shared>>) target(%dma_start3A_100 : memref<128x128xf32, #tpu.memory_space<vmem>>) offsets(%dma_start3A_103 : memref<128xi32, #tpu.memory_space<vmem>>) semaphore(%dma_start3A_108 : memref<!tpu.dma_semaphore, #tpu.memory_space<semaphore_mem>>)
      } else {
      }
    }
    %scan3A_40 = arith.constant 40 : i32
    return
  }
}

#map = affine_map<(d0, d1) -> (0, 0)>
#map1 = affine_map<(d0, d1) -> (0, 0, 0)>
module attributes {stable_mosaic.version = 14 : i64} {
  func.func @k(%arg0: i32, %arg1: i32, %arg2: memref<327680x128xf32, #tpu.memory_space<hbm>>, %arg3: memref<32x80x128xi32, #tpu.memory_space<hbm>>, %arg4: memref<10240x128xf32, #tpu.memory_space<hbm>>, %arg5: memref<2560x128xi32, #tpu.memory_space<hbm>>, %arg6: memref<2x10240x128xf32, #tpu.memory_space<hbm>>, %arg7: memref<327680x128xf32, #tpu.memory_space<hbm>>, %arg8: memref<80x128xi32, #tpu.memory_space<vmem>>, %arg9: memref<2x128x128xf32, #tpu.memory_space<vmem>>, %arg10: memref<2x128xi32, #tpu.memory_space<vmem>>, %arg11: memref<10240x128xf32, #tpu.memory_space<vmem_shared>>, %arg12: memref<2x!tpu.dma_semaphore, #tpu.memory_space<semaphore_mem>>, %arg13: memref<2x!tpu.dma_semaphore, #tpu.memory_space<semaphore_mem>>, %arg14: memref<2x!tpu.dma_semaphore, #tpu.memory_space<semaphore_mem>>) attributes {dimension_semantics = [#tpu.dimension_semantics<core_parallel>, #tpu.dimension_semantics<subcore_parallel>], iteration_bounds = array<i64: 2, 16>, scalar_prefetch = 0 : i64, scratch_operands = 7 : i64, tpu.core_type = #tpu.core_type<sc_vector_subcore>, window_params = [{transform_indices = #map}, {transform_indices = #map1}, {transform_indices = #map}, {transform_indices = #map}, {transform_indices = #map1}, {transform_indices = #map}]} {
    %mul3A = arith.constant 2 : i32
    %mul3A_0 = arith.muli %arg1, %mul3A : i32
    %add3A = arith.addi %mul3A_0, %arg0 : i32
    %mul3A_1 = arith.constant 640 : i32
    %mul3A_2 = arith.muli %arg1, %mul3A_1 : i32
    %mul3A_3 = arith.constant 640 : i32
    %mul3A_4 = arith.muli %arg1, %mul3A_3 : i32
    "tpu.region"() ({
      %run_scoped3A = tpu.sem_alloc : memref<!tpu.dma_semaphore, #tpu.memory_space<semaphore_mem>>
      %dma_start3A_155 = arith.constant 0 : i32
      %dma_start3A_156 = tpu.memref_slice %arg11[%mul3A_4, %dma_start3A_155] : memref<10240x128xf32, #tpu.memory_space<vmem_shared>> -> memref<640x128xf32, #tpu.memory_space<vmem_shared>>
      %dma_start3A_157 = arith.constant 0 : i32
      %dma_start3A_158 = tpu.memref_slice %arg4[%mul3A_2, %dma_start3A_157] : memref<10240x128xf32, #tpu.memory_space<hbm>> -> memref<640x128xf32, #tpu.memory_space<hbm>>
      tpu.enqueue_dma source(%dma_start3A_158 : memref<640x128xf32, #tpu.memory_space<hbm>>) target(%dma_start3A_156 : memref<640x128xf32, #tpu.memory_space<vmem_shared>>) target_semaphore(%run_scoped3A : memref<!tpu.dma_semaphore, #tpu.memory_space<semaphore_mem>>)
      %dma_wait3A_159 = arith.constant 0 : i32
      %dma_wait3A_160 = tpu.memref_slice %arg11[%mul3A_4, %dma_wait3A_159] : memref<10240x128xf32, #tpu.memory_space<vmem_shared>> -> memref<640x128xf32, #tpu.memory_space<vmem_shared>>
      %dma_wait3A_161 = arith.constant 0 : i32
      %dma_wait3A_162 = tpu.memref_slice %arg4[%mul3A_2, %dma_wait3A_161] : memref<10240x128xf32, #tpu.memory_space<hbm>> -> memref<640x128xf32, #tpu.memory_space<hbm>>
      tpu.wait_dma2 semaphore(%run_scoped3A : memref<!tpu.dma_semaphore, #tpu.memory_space<semaphore_mem>>) src(%dma_wait3A_162 : memref<640x128xf32, #tpu.memory_space<hbm>>) dst(%dma_wait3A_160 : memref<640x128xf32, #tpu.memory_space<vmem_shared>>)
      tpu.yield
    }) : () -> ()
    "tpu.region"() ({
      %run_scoped3A = tpu.sem_alloc : memref<!tpu.dma_semaphore, #tpu.memory_space<semaphore_mem>>
      %dma_start3A_155 = arith.constant 0 : i32
      %dma_start3A_156 = arith.constant 0 : i32
      %dma_start3A_157 = tpu.memref_slice %arg3[%add3A, %dma_start3A_155, %dma_start3A_156] : memref<32x80x128xi32, #tpu.memory_space<hbm>> -> memref<1x80x128xi32, #tpu.memory_space<hbm>>
      %dma_start3A_158 = tpu.memref_squeeze %dma_start3A_157 : memref<1x80x128xi32, #tpu.memory_space<hbm>> -> memref<80x128xi32, #tpu.memory_space<hbm>>
      %dma_start3A_159 = arith.constant 0 : i32
      %dma_start3A_160 = arith.constant 0 : i32
      %dma_start3A_161 = tpu.memref_slice %arg3[%add3A, %dma_start3A_159, %dma_start3A_160] : memref<32x80x128xi32, #tpu.memory_space<hbm>> -> memref<1x80x128xi32, #tpu.memory_space<hbm>>
      %dma_start3A_162 = tpu.memref_squeeze %dma_start3A_161 : memref<1x80x128xi32, #tpu.memory_space<hbm>> -> memref<80x128xi32, #tpu.memory_space<hbm>>
      tpu.enqueue_dma source(%dma_start3A_162 : memref<80x128xi32, #tpu.memory_space<hbm>>) target(%arg8 : memref<80x128xi32, #tpu.memory_space<vmem>>) target_semaphore(%run_scoped3A : memref<!tpu.dma_semaphore, #tpu.memory_space<semaphore_mem>>)
      %dma_wait3A_163 = arith.constant 0 : i32
      %dma_wait3A_164 = arith.constant 0 : i32
      %dma_wait3A_165 = tpu.memref_slice %arg3[%add3A, %dma_wait3A_163, %dma_wait3A_164] : memref<32x80x128xi32, #tpu.memory_space<hbm>> -> memref<1x80x128xi32, #tpu.memory_space<hbm>>
      %dma_wait3A_166 = tpu.memref_squeeze %dma_wait3A_165 : memref<1x80x128xi32, #tpu.memory_space<hbm>> -> memref<80x128xi32, #tpu.memory_space<hbm>>
      %dma_wait3A_167 = arith.constant 0 : i32
      %dma_wait3A_168 = arith.constant 0 : i32
      %dma_wait3A_169 = tpu.memref_slice %arg3[%add3A, %dma_wait3A_167, %dma_wait3A_168] : memref<32x80x128xi32, #tpu.memory_space<hbm>> -> memref<1x80x128xi32, #tpu.memory_space<hbm>>
      %dma_wait3A_170 = tpu.memref_squeeze %dma_wait3A_169 : memref<1x80x128xi32, #tpu.memory_space<hbm>> -> memref<80x128xi32, #tpu.memory_space<hbm>>
      tpu.wait_dma2 semaphore(%run_scoped3A : memref<!tpu.dma_semaphore, #tpu.memory_space<semaphore_mem>>) src(%dma_wait3A_170 : memref<80x128xi32, #tpu.memory_space<hbm>>) dst(%arg8 : memref<80x128xi32, #tpu.memory_space<vmem>>)
      tpu.yield
    }) : () -> ()
    %barrier3A = arith.constant 0 : index
    tpu.barrier barrier_id(%barrier3A)
    %mul3A_5 = arith.constant 10240 : i32
    %mul3A_6 = arith.muli %add3A, %mul3A_5 : i32
    %add3A_7 = arith.constant 0 : i32
    %add3A_8 = arith.addi %mul3A_6, %add3A_7 : i32
    %dma_start3A = arith.constant 0 : i32
    %dma_start3A_9 = arith.constant 0 : i32
    %dma_start3A_10 = arith.constant 0 : i32
    %dma_start3A_11 = arith.constant 0 : i32
    %dma_start3A_12 = tpu.memref_slice %arg9[%dma_start3A, %dma_start3A_10, %dma_start3A_11] : memref<2x128x128xf32, #tpu.memory_space<vmem>> -> memref<1x128x128xf32, #tpu.memory_space<vmem>>
    %dma_start3A_13 = tpu.memref_squeeze %dma_start3A_12 : memref<1x128x128xf32, #tpu.memory_space<vmem>> -> memref<128x128xf32, #tpu.memory_space<vmem>>
    %dma_start3A_14 = arith.constant 0 : i32
    %dma_start3A_15 = tpu.memref_slice %arg2[%add3A_8, %dma_start3A_14] : memref<327680x128xf32, #tpu.memory_space<hbm>> -> memref<128x128xf32, #tpu.memory_space<hbm>>
    %dma_start3A_16 = tpu.memref_slice %arg12[%dma_start3A_9] : memref<2x!tpu.dma_semaphore, #tpu.memory_space<semaphore_mem>> -> memref<1x!tpu.dma_semaphore, #tpu.memory_space<semaphore_mem>>
    %dma_start3A_17 = tpu.memref_squeeze %dma_start3A_16 : memref<1x!tpu.dma_semaphore, #tpu.memory_space<semaphore_mem>> -> memref<!tpu.dma_semaphore, #tpu.memory_space<semaphore_mem>>
    %dma_start3A_18 = arith.constant 0 : i32
    %dma_start3A_19 = arith.constant 0 : i32
    %dma_start3A_20 = tpu.memref_slice %arg9[%dma_start3A, %dma_start3A_18, %dma_start3A_19] : memref<2x128x128xf32, #tpu.memory_space<vmem>> -> memref<1x128x128xf32, #tpu.memory_space<vmem>>
    %dma_start3A_21 = tpu.memref_squeeze %dma_start3A_20 : memref<1x128x128xf32, #tpu.memory_space<vmem>> -> memref<128x128xf32, #tpu.memory_space<vmem>>
    %dma_start3A_22 = arith.constant 0 : i32
    %dma_start3A_23 = tpu.memref_slice %arg2[%add3A_8, %dma_start3A_22] : memref<327680x128xf32, #tpu.memory_space<hbm>> -> memref<128x128xf32, #tpu.memory_space<hbm>>
    tpu.enqueue_dma source(%dma_start3A_23 : memref<128x128xf32, #tpu.memory_space<hbm>>) target(%dma_start3A_21 : memref<128x128xf32, #tpu.memory_space<vmem>>) target_semaphore(%dma_start3A_17 : memref<!tpu.dma_semaphore, #tpu.memory_space<semaphore_mem>>)
    %add3A_24 = arith.constant 128 : i32
    %add3A_25 = arith.addi %mul3A_6, %add3A_24 : i32
    %dma_start3A_26 = arith.constant 1 : i32
    %dma_start3A_27 = arith.constant 1 : i32
    %dma_start3A_28 = arith.constant 0 : i32
    %dma_start3A_29 = arith.constant 0 : i32
    %dma_start3A_30 = tpu.memref_slice %arg9[%dma_start3A_26, %dma_start3A_28, %dma_start3A_29] : memref<2x128x128xf32, #tpu.memory_space<vmem>> -> memref<1x128x128xf32, #tpu.memory_space<vmem>>
    %dma_start3A_31 = tpu.memref_squeeze %dma_start3A_30 : memref<1x128x128xf32, #tpu.memory_space<vmem>> -> memref<128x128xf32, #tpu.memory_space<vmem>>
    %dma_start3A_32 = arith.constant 0 : i32
    %dma_start3A_33 = tpu.memref_slice %arg2[%add3A_25, %dma_start3A_32] : memref<327680x128xf32, #tpu.memory_space<hbm>> -> memref<128x128xf32, #tpu.memory_space<hbm>>
    %dma_start3A_34 = tpu.memref_slice %arg12[%dma_start3A_27] : memref<2x!tpu.dma_semaphore, #tpu.memory_space<semaphore_mem>> -> memref<1x!tpu.dma_semaphore, #tpu.memory_space<semaphore_mem>>
    %dma_start3A_35 = tpu.memref_squeeze %dma_start3A_34 : memref<1x!tpu.dma_semaphore, #tpu.memory_space<semaphore_mem>> -> memref<!tpu.dma_semaphore, #tpu.memory_space<semaphore_mem>>
    %dma_start3A_36 = arith.constant 0 : i32
    %dma_start3A_37 = arith.constant 0 : i32
    %dma_start3A_38 = tpu.memref_slice %arg9[%dma_start3A_26, %dma_start3A_36, %dma_start3A_37] : memref<2x128x128xf32, #tpu.memory_space<vmem>> -> memref<1x128x128xf32, #tpu.memory_space<vmem>>
    %dma_start3A_39 = tpu.memref_squeeze %dma_start3A_38 : memref<1x128x128xf32, #tpu.memory_space<vmem>> -> memref<128x128xf32, #tpu.memory_space<vmem>>
    %dma_start3A_40 = arith.constant 0 : i32
    %dma_start3A_41 = tpu.memref_slice %arg2[%add3A_25, %dma_start3A_40] : memref<327680x128xf32, #tpu.memory_space<hbm>> -> memref<128x128xf32, #tpu.memory_space<hbm>>
    tpu.enqueue_dma source(%dma_start3A_41 : memref<128x128xf32, #tpu.memory_space<hbm>>) target(%dma_start3A_39 : memref<128x128xf32, #tpu.memory_space<vmem>>) target_semaphore(%dma_start3A_35 : memref<!tpu.dma_semaphore, #tpu.memory_space<semaphore_mem>>)
    %scan3A = arith.constant 0 : i32
    %scan3A_42 = arith.constant 0 : i32
    %scan3A_43 = arith.constant 40 : i32
    %scan3A_44 = arith.addi %scan3A_42, %scan3A_43 : i32
    %scan3A_45 = arith.constant 1 : i32
    scf.for %scan3A_155 = %scan3A_42 to %scan3A_44 step %scan3A_45  : i32 {
      %mul3A_156 = arith.constant 2 : i32
      %mul3A_157 = arith.muli %mul3A_156, %scan3A_155 : i32
      %mul3A_158 = arith.constant 128 : i32
      %mul3A_159 = arith.muli %mul3A_157, %mul3A_158 : i32
      %add3A_160 = arith.addi %mul3A_6, %mul3A_159 : i32
      %dma_wait3A_161 = arith.constant 0 : i32
      %dma_wait3A_162 = arith.constant 0 : i32
      %dma_wait3A_163 = arith.constant 0 : i32
      %dma_wait3A_164 = arith.constant 0 : i32
      %dma_wait3A_165 = tpu.memref_slice %arg9[%dma_wait3A_161, %dma_wait3A_163, %dma_wait3A_164] : memref<2x128x128xf32, #tpu.memory_space<vmem>> -> memref<1x128x128xf32, #tpu.memory_space<vmem>>
      %dma_wait3A_166 = tpu.memref_squeeze %dma_wait3A_165 : memref<1x128x128xf32, #tpu.memory_space<vmem>> -> memref<128x128xf32, #tpu.memory_space<vmem>>
      %dma_wait3A_167 = arith.constant 0 : i32
      %dma_wait3A_168 = tpu.memref_slice %arg2[%add3A_160, %dma_wait3A_167] : memref<327680x128xf32, #tpu.memory_space<hbm>> -> memref<128x128xf32, #tpu.memory_space<hbm>>
      %dma_wait3A_169 = tpu.memref_slice %arg12[%dma_wait3A_162] : memref<2x!tpu.dma_semaphore, #tpu.memory_space<semaphore_mem>> -> memref<1x!tpu.dma_semaphore, #tpu.memory_space<semaphore_mem>>
      %dma_wait3A_170 = tpu.memref_squeeze %dma_wait3A_169 : memref<1x!tpu.dma_semaphore, #tpu.memory_space<semaphore_mem>> -> memref<!tpu.dma_semaphore, #tpu.memory_space<semaphore_mem>>
      %dma_wait3A_171 = arith.constant 0 : i32
      %dma_wait3A_172 = arith.constant 0 : i32
      %dma_wait3A_173 = tpu.memref_slice %arg9[%dma_wait3A_161, %dma_wait3A_171, %dma_wait3A_172] : memref<2x128x128xf32, #tpu.memory_space<vmem>> -> memref<1x128x128xf32, #tpu.memory_space<vmem>>
      %dma_wait3A_174 = tpu.memref_squeeze %dma_wait3A_173 : memref<1x128x128xf32, #tpu.memory_space<vmem>> -> memref<128x128xf32, #tpu.memory_space<vmem>>
      %dma_wait3A_175 = arith.constant 0 : i32
      %dma_wait3A_176 = tpu.memref_slice %arg2[%add3A_160, %dma_wait3A_175] : memref<327680x128xf32, #tpu.memory_space<hbm>> -> memref<128x128xf32, #tpu.memory_space<hbm>>
      tpu.wait_dma2 semaphore(%dma_wait3A_170 : memref<!tpu.dma_semaphore, #tpu.memory_space<semaphore_mem>>) src(%dma_wait3A_176 : memref<128x128xf32, #tpu.memory_space<hbm>>) dst(%dma_wait3A_174 : memref<128x128xf32, #tpu.memory_space<vmem>>)
      %dma_start3A_177 = arith.constant 0 : i32
      %dma_start3A_178 = arith.constant 0 : i32
      %dma_start3A_179 = arith.constant 0 : i32
      %dma_start3A_180 = arith.constant 0 : i32
      %dma_start3A_181 = tpu.memref_slice %arg9[%dma_start3A_177, %dma_start3A_179, %dma_start3A_180] : memref<2x128x128xf32, #tpu.memory_space<vmem>> -> memref<1x128x128xf32, #tpu.memory_space<vmem>>
      %dma_start3A_182 = tpu.memref_squeeze %dma_start3A_181 : memref<1x128x128xf32, #tpu.memory_space<vmem>> -> memref<128x128xf32, #tpu.memory_space<vmem>>
      %dma_start3A_183 = arith.constant 0 : i32
      %dma_start3A_184 = tpu.memref_slice %arg8[%mul3A_157, %dma_start3A_183] : memref<80x128xi32, #tpu.memory_space<vmem>> -> memref<1x128xi32, #tpu.memory_space<vmem>>
      %dma_start3A_185 = tpu.memref_squeeze %dma_start3A_184 : memref<1x128xi32, #tpu.memory_space<vmem>> -> memref<128xi32, #tpu.memory_space<vmem>>
      %dma_start3A_186 = arith.constant 0 : i32
      %dma_start3A_187 = arith.constant 0 : i32
      %dma_start3A_188 = tpu.memref_slice %arg11[%dma_start3A_186, %dma_start3A_187] : memref<10240x128xf32, #tpu.memory_space<vmem_shared>> -> memref<10240x128xf32, #tpu.memory_space<vmem_shared>>
      %dma_start3A_189 = tpu.memref_slice %arg13[%dma_start3A_178] : memref<2x!tpu.dma_semaphore, #tpu.memory_space<semaphore_mem>> -> memref<1x!tpu.dma_semaphore, #tpu.memory_space<semaphore_mem>>
      %dma_start3A_190 = tpu.memref_squeeze %dma_start3A_189 : memref<1x!tpu.dma_semaphore, #tpu.memory_space<semaphore_mem>> -> memref<!tpu.dma_semaphore, #tpu.memory_space<semaphore_mem>>
      tpu.enqueue_indirect_dma source(%dma_start3A_182 : memref<128x128xf32, #tpu.memory_space<vmem>>) target(%dma_start3A_188 : memref<10240x128xf32, #tpu.memory_space<vmem_shared>>) offsets(%dma_start3A_185 : memref<128xi32, #tpu.memory_space<vmem>>) semaphore(%dma_start3A_190 : memref<!tpu.dma_semaphore, #tpu.memory_space<semaphore_mem>>) {add = true}
      %add3A_191 = arith.constant 1 : i32
      %add3A_192 = arith.addi %mul3A_157, %add3A_191 : i32
      %mul3A_193 = arith.constant 128 : i32
      %mul3A_194 = arith.muli %add3A_192, %mul3A_193 : i32
      %add3A_195 = arith.addi %mul3A_6, %mul3A_194 : i32
      %dma_wait3A_196 = arith.constant 1 : i32
      %dma_wait3A_197 = arith.constant 1 : i32
      %dma_wait3A_198 = arith.constant 0 : i32
      %dma_wait3A_199 = arith.constant 0 : i32
      %dma_wait3A_200 = tpu.memref_slice %arg9[%dma_wait3A_196, %dma_wait3A_198, %dma_wait3A_199] : memref<2x128x128xf32, #tpu.memory_space<vmem>> -> memref<1x128x128xf32, #tpu.memory_space<vmem>>
      %dma_wait3A_201 = tpu.memref_squeeze %dma_wait3A_200 : memref<1x128x128xf32, #tpu.memory_space<vmem>> -> memref<128x128xf32, #tpu.memory_space<vmem>>
      %dma_wait3A_202 = arith.constant 0 : i32
      %dma_wait3A_203 = tpu.memref_slice %arg2[%add3A_195, %dma_wait3A_202] : memref<327680x128xf32, #tpu.memory_space<hbm>> -> memref<128x128xf32, #tpu.memory_space<hbm>>
      %dma_wait3A_204 = tpu.memref_slice %arg12[%dma_wait3A_197] : memref<2x!tpu.dma_semaphore, #tpu.memory_space<semaphore_mem>> -> memref<1x!tpu.dma_semaphore, #tpu.memory_space<semaphore_mem>>
      %dma_wait3A_205 = tpu.memref_squeeze %dma_wait3A_204 : memref<1x!tpu.dma_semaphore, #tpu.memory_space<semaphore_mem>> -> memref<!tpu.dma_semaphore, #tpu.memory_space<semaphore_mem>>
      %dma_wait3A_206 = arith.constant 0 : i32
      %dma_wait3A_207 = arith.constant 0 : i32
      %dma_wait3A_208 = tpu.memref_slice %arg9[%dma_wait3A_196, %dma_wait3A_206, %dma_wait3A_207] : memref<2x128x128xf32, #tpu.memory_space<vmem>> -> memref<1x128x128xf32, #tpu.memory_space<vmem>>
      %dma_wait3A_209 = tpu.memref_squeeze %dma_wait3A_208 : memref<1x128x128xf32, #tpu.memory_space<vmem>> -> memref<128x128xf32, #tpu.memory_space<vmem>>
      %dma_wait3A_210 = arith.constant 0 : i32
      %dma_wait3A_211 = tpu.memref_slice %arg2[%add3A_195, %dma_wait3A_210] : memref<327680x128xf32, #tpu.memory_space<hbm>> -> memref<128x128xf32, #tpu.memory_space<hbm>>
      tpu.wait_dma2 semaphore(%dma_wait3A_205 : memref<!tpu.dma_semaphore, #tpu.memory_space<semaphore_mem>>) src(%dma_wait3A_211 : memref<128x128xf32, #tpu.memory_space<hbm>>) dst(%dma_wait3A_209 : memref<128x128xf32, #tpu.memory_space<vmem>>)
      %add3A_212 = arith.constant 1 : i32
      %add3A_213 = arith.addi %mul3A_157, %add3A_212 : i32
      %dma_start3A_214 = arith.constant 1 : i32
      %dma_start3A_215 = arith.constant 1 : i32
      %dma_start3A_216 = arith.constant 0 : i32
      %dma_start3A_217 = arith.constant 0 : i32
      %dma_start3A_218 = tpu.memref_slice %arg9[%dma_start3A_214, %dma_start3A_216, %dma_start3A_217] : memref<2x128x128xf32, #tpu.memory_space<vmem>> -> memref<1x128x128xf32, #tpu.memory_space<vmem>>
      %dma_start3A_219 = tpu.memref_squeeze %dma_start3A_218 : memref<1x128x128xf32, #tpu.memory_space<vmem>> -> memref<128x128xf32, #tpu.memory_space<vmem>>
      %dma_start3A_220 = arith.constant 0 : i32
      %dma_start3A_221 = tpu.memref_slice %arg8[%add3A_213, %dma_start3A_220] : memref<80x128xi32, #tpu.memory_space<vmem>> -> memref<1x128xi32, #tpu.memory_space<vmem>>
      %dma_start3A_222 = tpu.memref_squeeze %dma_start3A_221 : memref<1x128xi32, #tpu.memory_space<vmem>> -> memref<128xi32, #tpu.memory_space<vmem>>
      %dma_start3A_223 = arith.constant 0 : i32
      %dma_start3A_224 = arith.constant 0 : i32
      %dma_start3A_225 = tpu.memref_slice %arg11[%dma_start3A_223, %dma_start3A_224] : memref<10240x128xf32, #tpu.memory_space<vmem_shared>> -> memref<10240x128xf32, #tpu.memory_space<vmem_shared>>
      %dma_start3A_226 = tpu.memref_slice %arg13[%dma_start3A_215] : memref<2x!tpu.dma_semaphore, #tpu.memory_space<semaphore_mem>> -> memref<1x!tpu.dma_semaphore, #tpu.memory_space<semaphore_mem>>
      %dma_start3A_227 = tpu.memref_squeeze %dma_start3A_226 : memref<1x!tpu.dma_semaphore, #tpu.memory_space<semaphore_mem>> -> memref<!tpu.dma_semaphore, #tpu.memory_space<semaphore_mem>>
      tpu.enqueue_indirect_dma source(%dma_start3A_219 : memref<128x128xf32, #tpu.memory_space<vmem>>) target(%dma_start3A_225 : memref<10240x128xf32, #tpu.memory_space<vmem_shared>>) offsets(%dma_start3A_222 : memref<128xi32, #tpu.memory_space<vmem>>) semaphore(%dma_start3A_227 : memref<!tpu.dma_semaphore, #tpu.memory_space<semaphore_mem>>) {add = true}
      %add3A_228 = arith.constant 2 : i32
      %add3A_229 = arith.addi %mul3A_157, %add3A_228 : i32
      %lt3A = arith.constant 80 : i32
      %lt3A_230 = arith.cmpi slt, %add3A_229, %lt3A : i32
      %convert_element_type3A = arith.extui %lt3A_230 : i1 to i32
      %cond3A = arith.constant 0 : i32
      %cond3A_231 = arith.cmpi ne, %convert_element_type3A, %cond3A : i32
      scf.if %cond3A_231 {
        %dma_wait3A_232 = arith.constant 0 : i32
        %dma_wait3A_233 = arith.constant 0 : i32
        %dma_wait3A_234 = arith.constant 0 : i32
        %dma_wait3A_235 = arith.constant 0 : i32
        %dma_wait3A_236 = tpu.memref_slice %arg9[%dma_wait3A_232, %dma_wait3A_234, %dma_wait3A_235] : memref<2x128x128xf32, #tpu.memory_space<vmem>> -> memref<1x128x128xf32, #tpu.memory_space<vmem>>
        %dma_wait3A_237 = tpu.memref_squeeze %dma_wait3A_236 : memref<1x128x128xf32, #tpu.memory_space<vmem>> -> memref<128x128xf32, #tpu.memory_space<vmem>>
        %dma_wait3A_238 = arith.constant 0 : i32
        %dma_wait3A_239 = tpu.memref_slice %arg8[%mul3A_157, %dma_wait3A_238] : memref<80x128xi32, #tpu.memory_space<vmem>> -> memref<1x128xi32, #tpu.memory_space<vmem>>
        %dma_wait3A_240 = tpu.memref_squeeze %dma_wait3A_239 : memref<1x128xi32, #tpu.memory_space<vmem>> -> memref<128xi32, #tpu.memory_space<vmem>>
        %dma_wait3A_241 = arith.constant 0 : i32
        %dma_wait3A_242 = arith.constant 0 : i32
        %dma_wait3A_243 = tpu.memref_slice %arg11[%dma_wait3A_241, %dma_wait3A_242] : memref<10240x128xf32, #tpu.memory_space<vmem_shared>> -> memref<10240x128xf32, #tpu.memory_space<vmem_shared>>
        %dma_wait3A_244 = tpu.memref_slice %arg13[%dma_wait3A_233] : memref<2x!tpu.dma_semaphore, #tpu.memory_space<semaphore_mem>> -> memref<1x!tpu.dma_semaphore, #tpu.memory_space<semaphore_mem>>
        %dma_wait3A_245 = tpu.memref_squeeze %dma_wait3A_244 : memref<1x!tpu.dma_semaphore, #tpu.memory_space<semaphore_mem>> -> memref<!tpu.dma_semaphore, #tpu.memory_space<semaphore_mem>>
        tpu.wait_indirect_dma semaphore(%dma_wait3A_245 : memref<!tpu.dma_semaphore, #tpu.memory_space<semaphore_mem>>) src(%dma_wait3A_237 : memref<128x128xf32, #tpu.memory_space<vmem>>) dst(%dma_wait3A_243 : memref<10240x128xf32, #tpu.memory_space<vmem_shared>>)
        %add3A_246 = arith.constant 2 : i32
        %add3A_247 = arith.addi %mul3A_157, %add3A_246 : i32
        %mul3A_248 = arith.constant 128 : i32
        %mul3A_249 = arith.muli %add3A_247, %mul3A_248 : i32
        %add3A_250 = arith.addi %mul3A_6, %mul3A_249 : i32
        %dma_start3A_251 = arith.constant 0 : i32
        %dma_start3A_252 = arith.constant 0 : i32
        %dma_start3A_253 = arith.constant 0 : i32
        %dma_start3A_254 = arith.constant 0 : i32
        %dma_start3A_255 = tpu.memref_slice %arg9[%dma_start3A_251, %dma_start3A_253, %dma_start3A_254] : memref<2x128x128xf32, #tpu.memory_space<vmem>> -> memref<1x128x128xf32, #tpu.memory_space<vmem>>
        %dma_start3A_256 = tpu.memref_squeeze %dma_start3A_255 : memref<1x128x128xf32, #tpu.memory_space<vmem>> -> memref<128x128xf32, #tpu.memory_space<vmem>>
        %dma_start3A_257 = arith.constant 0 : i32
        %dma_start3A_258 = tpu.memref_slice %arg2[%add3A_250, %dma_start3A_257] : memref<327680x128xf32, #tpu.memory_space<hbm>> -> memref<128x128xf32, #tpu.memory_space<hbm>>
        %dma_start3A_259 = tpu.memref_slice %arg12[%dma_start3A_252] : memref<2x!tpu.dma_semaphore, #tpu.memory_space<semaphore_mem>> -> memref<1x!tpu.dma_semaphore, #tpu.memory_space<semaphore_mem>>
        %dma_start3A_260 = tpu.memref_squeeze %dma_start3A_259 : memref<1x!tpu.dma_semaphore, #tpu.memory_space<semaphore_mem>> -> memref<!tpu.dma_semaphore, #tpu.memory_space<semaphore_mem>>
        %dma_start3A_261 = arith.constant 0 : i32
        %dma_start3A_262 = arith.constant 0 : i32
        %dma_start3A_263 = tpu.memref_slice %arg9[%dma_start3A_251, %dma_start3A_261, %dma_start3A_262] : memref<2x128x128xf32, #tpu.memory_space<vmem>> -> memref<1x128x128xf32, #tpu.memory_space<vmem>>
        %dma_start3A_264 = tpu.memref_squeeze %dma_start3A_263 : memref<1x128x128xf32, #tpu.memory_space<vmem>> -> memref<128x128xf32, #tpu.memory_space<vmem>>
        %dma_start3A_265 = arith.constant 0 : i32
        %dma_start3A_266 = tpu.memref_slice %arg2[%add3A_250, %dma_start3A_265] : memref<327680x128xf32, #tpu.memory_space<hbm>> -> memref<128x128xf32, #tpu.memory_space<hbm>>
        tpu.enqueue_dma source(%dma_start3A_266 : memref<128x128xf32, #tpu.memory_space<hbm>>) target(%dma_start3A_264 : memref<128x128xf32, #tpu.memory_space<vmem>>) target_semaphore(%dma_start3A_260 : memref<!tpu.dma_semaphore, #tpu.memory_space<semaphore_mem>>)
        %add3A_267 = arith.constant 1 : i32
        %add3A_268 = arith.addi %mul3A_157, %add3A_267 : i32
        %dma_wait3A_269 = arith.constant 1 : i32
        %dma_wait3A_270 = arith.constant 1 : i32
        %dma_wait3A_271 = arith.constant 0 : i32
        %dma_wait3A_272 = arith.constant 0 : i32
        %dma_wait3A_273 = tpu.memref_slice %arg9[%dma_wait3A_269, %dma_wait3A_271, %dma_wait3A_272] : memref<2x128x128xf32, #tpu.memory_space<vmem>> -> memref<1x128x128xf32, #tpu.memory_space<vmem>>
        %dma_wait3A_274 = tpu.memref_squeeze %dma_wait3A_273 : memref<1x128x128xf32, #tpu.memory_space<vmem>> -> memref<128x128xf32, #tpu.memory_space<vmem>>
        %dma_wait3A_275 = arith.constant 0 : i32
        %dma_wait3A_276 = tpu.memref_slice %arg8[%add3A_268, %dma_wait3A_275] : memref<80x128xi32, #tpu.memory_space<vmem>> -> memref<1x128xi32, #tpu.memory_space<vmem>>
        %dma_wait3A_277 = tpu.memref_squeeze %dma_wait3A_276 : memref<1x128xi32, #tpu.memory_space<vmem>> -> memref<128xi32, #tpu.memory_space<vmem>>
        %dma_wait3A_278 = arith.constant 0 : i32
        %dma_wait3A_279 = arith.constant 0 : i32
        %dma_wait3A_280 = tpu.memref_slice %arg11[%dma_wait3A_278, %dma_wait3A_279] : memref<10240x128xf32, #tpu.memory_space<vmem_shared>> -> memref<10240x128xf32, #tpu.memory_space<vmem_shared>>
        %dma_wait3A_281 = tpu.memref_slice %arg13[%dma_wait3A_270] : memref<2x!tpu.dma_semaphore, #tpu.memory_space<semaphore_mem>> -> memref<1x!tpu.dma_semaphore, #tpu.memory_space<semaphore_mem>>
        %dma_wait3A_282 = tpu.memref_squeeze %dma_wait3A_281 : memref<1x!tpu.dma_semaphore, #tpu.memory_space<semaphore_mem>> -> memref<!tpu.dma_semaphore, #tpu.memory_space<semaphore_mem>>
        tpu.wait_indirect_dma semaphore(%dma_wait3A_282 : memref<!tpu.dma_semaphore, #tpu.memory_space<semaphore_mem>>) src(%dma_wait3A_274 : memref<128x128xf32, #tpu.memory_space<vmem>>) dst(%dma_wait3A_280 : memref<10240x128xf32, #tpu.memory_space<vmem_shared>>)
        %add3A_283 = arith.constant 3 : i32
        %add3A_284 = arith.addi %mul3A_157, %add3A_283 : i32
        %mul3A_285 = arith.constant 128 : i32
        %mul3A_286 = arith.muli %add3A_284, %mul3A_285 : i32
        %add3A_287 = arith.addi %mul3A_6, %mul3A_286 : i32
        %dma_start3A_288 = arith.constant 1 : i32
        %dma_start3A_289 = arith.constant 1 : i32
        %dma_start3A_290 = arith.constant 0 : i32
        %dma_start3A_291 = arith.constant 0 : i32
        %dma_start3A_292 = tpu.memref_slice %arg9[%dma_start3A_288, %dma_start3A_290, %dma_start3A_291] : memref<2x128x128xf32, #tpu.memory_space<vmem>> -> memref<1x128x128xf32, #tpu.memory_space<vmem>>
        %dma_start3A_293 = tpu.memref_squeeze %dma_start3A_292 : memref<1x128x128xf32, #tpu.memory_space<vmem>> -> memref<128x128xf32, #tpu.memory_space<vmem>>
        %dma_start3A_294 = arith.constant 0 : i32
        %dma_start3A_295 = tpu.memref_slice %arg2[%add3A_287, %dma_start3A_294] : memref<327680x128xf32, #tpu.memory_space<hbm>> -> memref<128x128xf32, #tpu.memory_space<hbm>>
        %dma_start3A_296 = tpu.memref_slice %arg12[%dma_start3A_289] : memref<2x!tpu.dma_semaphore, #tpu.memory_space<semaphore_mem>> -> memref<1x!tpu.dma_semaphore, #tpu.memory_space<semaphore_mem>>
        %dma_start3A_297 = tpu.memref_squeeze %dma_start3A_296 : memref<1x!tpu.dma_semaphore, #tpu.memory_space<semaphore_mem>> -> memref<!tpu.dma_semaphore, #tpu.memory_space<semaphore_mem>>
        %dma_start3A_298 = arith.constant 0 : i32
        %dma_start3A_299 = arith.constant 0 : i32
        %dma_start3A_300 = tpu.memref_slice %arg9[%dma_start3A_288, %dma_start3A_298, %dma_start3A_299] : memref<2x128x128xf32, #tpu.memory_space<vmem>> -> memref<1x128x128xf32, #tpu.memory_space<vmem>>
        %dma_start3A_301 = tpu.memref_squeeze %dma_start3A_300 : memref<1x128x128xf32, #tpu.memory_space<vmem>> -> memref<128x128xf32, #tpu.memory_space<vmem>>
        %dma_start3A_302 = arith.constant 0 : i32
        %dma_start3A_303 = tpu.memref_slice %arg2[%add3A_287, %dma_start3A_302] : memref<327680x128xf32, #tpu.memory_space<hbm>> -> memref<128x128xf32, #tpu.memory_space<hbm>>
        tpu.enqueue_dma source(%dma_start3A_303 : memref<128x128xf32, #tpu.memory_space<hbm>>) target(%dma_start3A_301 : memref<128x128xf32, #tpu.memory_space<vmem>>) target_semaphore(%dma_start3A_297 : memref<!tpu.dma_semaphore, #tpu.memory_space<semaphore_mem>>)
      } else {
      }
    }
    %scan3A_46 = arith.constant 40 : i32
    %dma_wait3A = arith.constant 0 : i32
    %dma_wait3A_47 = arith.constant 78 : i32
    %dma_wait3A_48 = arith.constant 0 : i32
    %dma_wait3A_49 = arith.constant 0 : i32
    %dma_wait3A_50 = arith.constant 0 : i32
    %dma_wait3A_51 = tpu.memref_slice %arg9[%dma_wait3A, %dma_wait3A_49, %dma_wait3A_50] : memref<2x128x128xf32, #tpu.memory_space<vmem>> -> memref<1x128x128xf32, #tpu.memory_space<vmem>>
    %dma_wait3A_52 = tpu.memref_squeeze %dma_wait3A_51 : memref<1x128x128xf32, #tpu.memory_space<vmem>> -> memref<128x128xf32, #tpu.memory_space<vmem>>
    %dma_wait3A_53 = arith.constant 0 : i32
    %dma_wait3A_54 = tpu.memref_slice %arg8[%dma_wait3A_47, %dma_wait3A_53] : memref<80x128xi32, #tpu.memory_space<vmem>> -> memref<1x128xi32, #tpu.memory_space<vmem>>
    %dma_wait3A_55 = tpu.memref_squeeze %dma_wait3A_54 : memref<1x128xi32, #tpu.memory_space<vmem>> -> memref<128xi32, #tpu.memory_space<vmem>>
    %dma_wait3A_56 = arith.constant 0 : i32
    %dma_wait3A_57 = arith.constant 0 : i32
    %dma_wait3A_58 = tpu.memref_slice %arg11[%dma_wait3A_56, %dma_wait3A_57] : memref<10240x128xf32, #tpu.memory_space<vmem_shared>> -> memref<10240x128xf32, #tpu.memory_space<vmem_shared>>
    %dma_wait3A_59 = tpu.memref_slice %arg13[%dma_wait3A_48] : memref<2x!tpu.dma_semaphore, #tpu.memory_space<semaphore_mem>> -> memref<1x!tpu.dma_semaphore, #tpu.memory_space<semaphore_mem>>
    %dma_wait3A_60 = tpu.memref_squeeze %dma_wait3A_59 : memref<1x!tpu.dma_semaphore, #tpu.memory_space<semaphore_mem>> -> memref<!tpu.dma_semaphore, #tpu.memory_space<semaphore_mem>>
    tpu.wait_indirect_dma semaphore(%dma_wait3A_60 : memref<!tpu.dma_semaphore, #tpu.memory_space<semaphore_mem>>) src(%dma_wait3A_52 : memref<128x128xf32, #tpu.memory_space<vmem>>) dst(%dma_wait3A_58 : memref<10240x128xf32, #tpu.memory_space<vmem_shared>>)
    %dma_wait3A_61 = arith.constant 1 : i32
    %dma_wait3A_62 = arith.constant 79 : i32
    %dma_wait3A_63 = arith.constant 1 : i32
    %dma_wait3A_64 = arith.constant 0 : i32
    %dma_wait3A_65 = arith.constant 0 : i32
    %dma_wait3A_66 = tpu.memref_slice %arg9[%dma_wait3A_61, %dma_wait3A_64, %dma_wait3A_65] : memref<2x128x128xf32, #tpu.memory_space<vmem>> -> memref<1x128x128xf32, #tpu.memory_space<vmem>>
    %dma_wait3A_67 = tpu.memref_squeeze %dma_wait3A_66 : memref<1x128x128xf32, #tpu.memory_space<vmem>> -> memref<128x128xf32, #tpu.memory_space<vmem>>
    %dma_wait3A_68 = arith.constant 0 : i32
    %dma_wait3A_69 = tpu.memref_slice %arg8[%dma_wait3A_62, %dma_wait3A_68] : memref<80x128xi32, #tpu.memory_space<vmem>> -> memref<1x128xi32, #tpu.memory_space<vmem>>
    %dma_wait3A_70 = tpu.memref_squeeze %dma_wait3A_69 : memref<1x128xi32, #tpu.memory_space<vmem>> -> memref<128xi32, #tpu.memory_space<vmem>>
    %dma_wait3A_71 = arith.constant 0 : i32
    %dma_wait3A_72 = arith.constant 0 : i32
    %dma_wait3A_73 = tpu.memref_slice %arg11[%dma_wait3A_71, %dma_wait3A_72] : memref<10240x128xf32, #tpu.memory_space<vmem_shared>> -> memref<10240x128xf32, #tpu.memory_space<vmem_shared>>
    %dma_wait3A_74 = tpu.memref_slice %arg13[%dma_wait3A_63] : memref<2x!tpu.dma_semaphore, #tpu.memory_space<semaphore_mem>> -> memref<1x!tpu.dma_semaphore, #tpu.memory_space<semaphore_mem>>
    %dma_wait3A_75 = tpu.memref_squeeze %dma_wait3A_74 : memref<1x!tpu.dma_semaphore, #tpu.memory_space<semaphore_mem>> -> memref<!tpu.dma_semaphore, #tpu.memory_space<semaphore_mem>>
    tpu.wait_indirect_dma semaphore(%dma_wait3A_75 : memref<!tpu.dma_semaphore, #tpu.memory_space<semaphore_mem>>) src(%dma_wait3A_67 : memref<128x128xf32, #tpu.memory_space<vmem>>) dst(%dma_wait3A_73 : memref<10240x128xf32, #tpu.memory_space<vmem_shared>>)
    %barrier3A_76 = arith.constant 0 : index
    tpu.barrier barrier_id(%barrier3A_76)
    %mul3A_77 = arith.constant 640 : i32
    %mul3A_78 = arith.muli %arg1, %mul3A_77 : i32
    %mul3A_79 = arith.constant 640 : i32
    %mul3A_80 = arith.muli %arg1, %mul3A_79 : i32
    "tpu.region"() ({
      %run_scoped3A = tpu.sem_alloc : memref<!tpu.dma_semaphore, #tpu.memory_space<semaphore_mem>>
      %dma_start3A_155 = arith.constant 0 : i32
      %dma_start3A_156 = tpu.memref_slice %arg6[%arg0, %mul3A_80, %dma_start3A_155] : memref<2x10240x128xf32, #tpu.memory_space<hbm>> -> memref<1x640x128xf32, #tpu.memory_space<hbm>>
      %dma_start3A_157 = tpu.memref_squeeze %dma_start3A_156 : memref<1x640x128xf32, #tpu.memory_space<hbm>> -> memref<640x128xf32, #tpu.memory_space<hbm>>
      %dma_start3A_158 = arith.constant 0 : i32
      %dma_start3A_159 = tpu.memref_slice %arg11[%mul3A_78, %dma_start3A_158] : memref<10240x128xf32, #tpu.memory_space<vmem_shared>> -> memref<640x128xf32, #tpu.memory_space<vmem_shared>>
      tpu.enqueue_dma source(%dma_start3A_159 : memref<640x128xf32, #tpu.memory_space<vmem_shared>>) target(%dma_start3A_157 : memref<640x128xf32, #tpu.memory_space<hbm>>) target_semaphore(%run_scoped3A : memref<!tpu.dma_semaphore, #tpu.memory_space<semaphore_mem>>)
      %dma_wait3A_160 = arith.constant 0 : i32
      %dma_wait3A_161 = tpu.memref_slice %arg6[%arg0, %mul3A_80, %dma_wait3A_160] : memref<2x10240x128xf32, #tpu.memory_space<hbm>> -> memref<1x640x128xf32, #tpu.memory_space<hbm>>
      %dma_wait3A_162 = tpu.memref_squeeze %dma_wait3A_161 : memref<1x640x128xf32, #tpu.memory_space<hbm>> -> memref<640x128xf32, #tpu.memory_space<hbm>>
      %dma_wait3A_163 = arith.constant 0 : i32
      %dma_wait3A_164 = tpu.memref_slice %arg11[%mul3A_78, %dma_wait3A_163] : memref<10240x128xf32, #tpu.memory_space<vmem_shared>> -> memref<640x128xf32, #tpu.memory_space<vmem_shared>>
      tpu.wait_dma2 semaphore(%run_scoped3A : memref<!tpu.dma_semaphore, #tpu.memory_space<semaphore_mem>>) src(%dma_wait3A_164 : memref<640x128xf32, #tpu.memory_space<vmem_shared>>) dst(%dma_wait3A_162 : memref<640x128xf32, #tpu.memory_space<hbm>>)
      tpu.yield
    }) : () -> ()
    %eq3A = arith.constant 0 : i32
    %eq3A_81 = arith.cmpi eq, %arg0, %eq3A : i32
    %mul3A_82 = arith.constant 120 : i32
    %mul3A_83 = arith.muli %arg1, %mul3A_82 : i32
    %mul3A_84 = arith.constant 40 : i32
    %mul3A_85 = arith.muli %arg1, %mul3A_84 : i32
    %add3A_86 = arith.constant 1920 : i32
    %add3A_87 = arith.addi %add3A_86, %mul3A_85 : i32
    %select_n3A = arith.select %eq3A_81, %mul3A_83, %add3A_87 : i32
    %eq3A_88 = arith.constant 0 : i32
    %eq3A_89 = arith.cmpi eq, %arg0, %eq3A_88 : i32
    %jit3A = arith.constant 120 : i32
    %jit3A_90 = arith.constant 40 : i32
    %select_n3A_91 = arith.select %eq3A_89, %jit3A, %jit3A_90 : i32
    %add3A_92 = arith.constant 0 : i32
    %add3A_93 = arith.addi %select_n3A, %add3A_92 : i32
    %dma_start3A_94 = arith.constant 0 : i32
    %dma_start3A_95 = arith.constant 0 : i32
    %dma_start3A_96 = arith.constant 0 : i32
    %dma_start3A_97 = tpu.memref_slice %arg10[%dma_start3A_94, %dma_start3A_96] : memref<2x128xi32, #tpu.memory_space<vmem>> -> memref<1x128xi32, #tpu.memory_space<vmem>>
    %dma_start3A_98 = tpu.memref_squeeze %dma_start3A_97 : memref<1x128xi32, #tpu.memory_space<vmem>> -> memref<128xi32, #tpu.memory_space<vmem>>
    %dma_start3A_99 = arith.constant 0 : i32
    %dma_start3A_100 = tpu.memref_slice %arg5[%add3A_93, %dma_start3A_99] : memref<2560x128xi32, #tpu.memory_space<hbm>> -> memref<1x128xi32, #tpu.memory_space<hbm>>
    %dma_start3A_101 = tpu.memref_squeeze %dma_start3A_100 : memref<1x128xi32, #tpu.memory_space<hbm>> -> memref<128xi32, #tpu.memory_space<hbm>>
    %dma_start3A_102 = tpu.memref_slice %arg14[%dma_start3A_95] : memref<2x!tpu.dma_semaphore, #tpu.memory_space<semaphore_mem>> -> memref<1x!tpu.dma_semaphore, #tpu.memory_space<semaphore_mem>>
    %dma_start3A_103 = tpu.memref_squeeze %dma_start3A_102 : memref<1x!tpu.dma_semaphore, #tpu.memory_space<semaphore_mem>> -> memref<!tpu.dma_semaphore, #tpu.memory_space<semaphore_mem>>
    %dma_start3A_104 = arith.constant 0 : i32
    %dma_start3A_105 = tpu.memref_slice %arg10[%dma_start3A_94, %dma_start3A_104] : memref<2x128xi32, #tpu.memory_space<vmem>> -> memref<1x128xi32, #tpu.memory_space<vmem>>
    %dma_start3A_106 = tpu.memref_squeeze %dma_start3A_105 : memref<1x128xi32, #tpu.memory_space<vmem>> -> memref<128xi32, #tpu.memory_space<vmem>>
    %dma_start3A_107 = arith.constant 0 : i32
    %dma_start3A_108 = tpu.memref_slice %arg5[%add3A_93, %dma_start3A_107] : memref<2560x128xi32, #tpu.memory_space<hbm>> -> memref<1x128xi32, #tpu.memory_space<hbm>>
    %dma_start3A_109 = tpu.memref_squeeze %dma_start3A_108 : memref<1x128xi32, #tpu.memory_space<hbm>> -> memref<128xi32, #tpu.memory_space<hbm>>
    tpu.enqueue_dma source(%dma_start3A_109 : memref<128xi32, #tpu.memory_space<hbm>>) target(%dma_start3A_106 : memref<128xi32, #tpu.memory_space<vmem>>) target_semaphore(%dma_start3A_103 : memref<!tpu.dma_semaphore, #tpu.memory_space<semaphore_mem>>)
    %add3A_110 = arith.constant 1 : i32
    %add3A_111 = arith.addi %select_n3A, %add3A_110 : i32
    %dma_start3A_112 = arith.constant 1 : i32
    %dma_start3A_113 = arith.constant 1 : i32
    %dma_start3A_114 = arith.constant 0 : i32
    %dma_start3A_115 = tpu.memref_slice %arg10[%dma_start3A_112, %dma_start3A_114] : memref<2x128xi32, #tpu.memory_space<vmem>> -> memref<1x128xi32, #tpu.memory_space<vmem>>
    %dma_start3A_116 = tpu.memref_squeeze %dma_start3A_115 : memref<1x128xi32, #tpu.memory_space<vmem>> -> memref<128xi32, #tpu.memory_space<vmem>>
    %dma_start3A_117 = arith.constant 0 : i32
    %dma_start3A_118 = tpu.memref_slice %arg5[%add3A_111, %dma_start3A_117] : memref<2560x128xi32, #tpu.memory_space<hbm>> -> memref<1x128xi32, #tpu.memory_space<hbm>>
    %dma_start3A_119 = tpu.memref_squeeze %dma_start3A_118 : memref<1x128xi32, #tpu.memory_space<hbm>> -> memref<128xi32, #tpu.memory_space<hbm>>
    %dma_start3A_120 = tpu.memref_slice %arg14[%dma_start3A_113] : memref<2x!tpu.dma_semaphore, #tpu.memory_space<semaphore_mem>> -> memref<1x!tpu.dma_semaphore, #tpu.memory_space<semaphore_mem>>
    %dma_start3A_121 = tpu.memref_squeeze %dma_start3A_120 : memref<1x!tpu.dma_semaphore, #tpu.memory_space<semaphore_mem>> -> memref<!tpu.dma_semaphore, #tpu.memory_space<semaphore_mem>>
    %dma_start3A_122 = arith.constant 0 : i32
    %dma_start3A_123 = tpu.memref_slice %arg10[%dma_start3A_112, %dma_start3A_122] : memref<2x128xi32, #tpu.memory_space<vmem>> -> memref<1x128xi32, #tpu.memory_space<vmem>>
    %dma_start3A_124 = tpu.memref_squeeze %dma_start3A_123 : memref<1x128xi32, #tpu.memory_space<vmem>> -> memref<128xi32, #tpu.memory_space<vmem>>
    %dma_start3A_125 = arith.constant 0 : i32
    %dma_start3A_126 = tpu.memref_slice %arg5[%add3A_111, %dma_start3A_125] : memref<2560x128xi32, #tpu.memory_space<hbm>> -> memref<1x128xi32, #tpu.memory_space<hbm>>
    %dma_start3A_127 = tpu.memref_squeeze %dma_start3A_126 : memref<1x128xi32, #tpu.memory_space<hbm>> -> memref<128xi32, #tpu.memory_space<hbm>>
    tpu.enqueue_dma source(%dma_start3A_127 : memref<128xi32, #tpu.memory_space<hbm>>) target(%dma_start3A_124 : memref<128xi32, #tpu.memory_space<vmem>>) target_semaphore(%dma_start3A_121 : memref<!tpu.dma_semaphore, #tpu.memory_space<semaphore_mem>>)
    %jit3A_128 = arith.constant 2 : i32
    %div3A = arith.divsi %select_n3A_91, %jit3A_128 : i32
    %sign3A = arith.constant 0 : i32
    %sign3A_129 = arith.cmpi sgt, %select_n3A_91, %sign3A : i32
    %sign3A_130 = arith.extui %sign3A_129 : i1 to i32
    %sign3A_131 = arith.constant 0 : i32
    %sign3A_132 = arith.cmpi slt, %select_n3A_91, %sign3A_131 : i32
    %sign3A_133 = arith.extui %sign3A_132 : i1 to i32
    %sign3A_134 = arith.subi %sign3A_130, %sign3A_133 : i32
    %sign3A_135 = arith.constant 0 : i32
    %sign3A_136 = arith.cmpi sgt, %jit3A_128, %sign3A_135 : i32
    %sign3A_137 = arith.extui %sign3A_136 : i1 to i32
    %sign3A_138 = arith.constant 0 : i32
    %sign3A_139 = arith.cmpi slt, %jit3A_128, %sign3A_138 : i32
    %sign3A_140 = arith.extui %sign3A_139 : i1 to i32
    %sign3A_141 = arith.subi %sign3A_137, %sign3A_140 : i32
    %ne3A = arith.cmpi ne, %sign3A_134, %sign3A_141 : i32
    %rem3A = arith.remsi %select_n3A_91, %jit3A_128 : i32
    %ne3A_142 = arith.constant 0 : i32
    %ne3A_143 = arith.cmpi ne, %rem3A, %ne3A_142 : i32
    %and3A = arith.andi %ne3A, %ne3A_143 : i1
    %sub3A = arith.constant 1 : i32
    %sub3A_144 = arith.subi %div3A, %sub3A : i32
    %select_n3A_145 = arith.select %and3A, %sub3A_144, %div3A : i32
    %while3A = arith.constant 0 : i32
    %while3A_146 = arith.constant 0 : i32
    %while3A_147 = arith.subi %select_n3A_145, %while3A_146 : i32
    %while3A_148 = arith.addi %while3A_146, %while3A_147 : i32
    %while3A_149 = arith.constant 1 : i32
    %while3A_150 = arith.divsi %while3A_147, %while3A_149 : i32
    %while3A_151 = arith.muli %while3A_150, %while3A_149 : i32
    %while3A_152 = arith.addi %while3A_146, %while3A_151 : i32
    %while3A_153 = arith.constant 1 : i32
    scf.for %while3A_155 = %while3A_146 to %while3A_152 step %while3A_153  : i32 {
      %mul3A_156 = arith.constant 2 : i32
      %mul3A_157 = arith.muli %mul3A_156, %while3A_155 : i32
      %add3A_158 = arith.addi %select_n3A, %mul3A_157 : i32
      %dma_wait3A_159 = arith.constant 0 : i32
      %dma_wait3A_160 = arith.constant 0 : i32
      %dma_wait3A_161 = arith.constant 0 : i32
      %dma_wait3A_162 = tpu.memref_slice %arg10[%dma_wait3A_159, %dma_wait3A_161] : memref<2x128xi32, #tpu.memory_space<vmem>> -> memref<1x128xi32, #tpu.memory_space<vmem>>
      %dma_wait3A_163 = tpu.memref_squeeze %dma_wait3A_162 : memref<1x128xi32, #tpu.memory_space<vmem>> -> memref<128xi32, #tpu.memory_space<vmem>>
      %dma_wait3A_164 = arith.constant 0 : i32
      %dma_wait3A_165 = tpu.memref_slice %arg5[%add3A_158, %dma_wait3A_164] : memref<2560x128xi32, #tpu.memory_space<hbm>> -> memref<1x128xi32, #tpu.memory_space<hbm>>
      %dma_wait3A_166 = tpu.memref_squeeze %dma_wait3A_165 : memref<1x128xi32, #tpu.memory_space<hbm>> -> memref<128xi32, #tpu.memory_space<hbm>>
      %dma_wait3A_167 = tpu.memref_slice %arg14[%dma_wait3A_160] : memref<2x!tpu.dma_semaphore, #tpu.memory_space<semaphore_mem>> -> memref<1x!tpu.dma_semaphore, #tpu.memory_space<semaphore_mem>>
      %dma_wait3A_168 = tpu.memref_squeeze %dma_wait3A_167 : memref<1x!tpu.dma_semaphore, #tpu.memory_space<semaphore_mem>> -> memref<!tpu.dma_semaphore, #tpu.memory_space<semaphore_mem>>
      %dma_wait3A_169 = arith.constant 0 : i32
      %dma_wait3A_170 = tpu.memref_slice %arg10[%dma_wait3A_159, %dma_wait3A_169] : memref<2x128xi32, #tpu.memory_space<vmem>> -> memref<1x128xi32, #tpu.memory_space<vmem>>
      %dma_wait3A_171 = tpu.memref_squeeze %dma_wait3A_170 : memref<1x128xi32, #tpu.memory_space<vmem>> -> memref<128xi32, #tpu.memory_space<vmem>>
      %dma_wait3A_172 = arith.constant 0 : i32
      %dma_wait3A_173 = tpu.memref_slice %arg5[%add3A_158, %dma_wait3A_172] : memref<2560x128xi32, #tpu.memory_space<hbm>> -> memref<1x128xi32, #tpu.memory_space<hbm>>
      %dma_wait3A_174 = tpu.memref_squeeze %dma_wait3A_173 : memref<1x128xi32, #tpu.memory_space<hbm>> -> memref<128xi32, #tpu.memory_space<hbm>>
      tpu.wait_dma2 semaphore(%dma_wait3A_168 : memref<!tpu.dma_semaphore, #tpu.memory_space<semaphore_mem>>) src(%dma_wait3A_174 : memref<128xi32, #tpu.memory_space<hbm>>) dst(%dma_wait3A_171 : memref<128xi32, #tpu.memory_space<vmem>>)
      %dma_start3A_175 = arith.constant 0 : i32
      %dma_start3A_176 = arith.constant 0 : i32
      %dma_start3A_177 = arith.constant 0 : i32
      %dma_start3A_178 = arith.constant 0 : i32
      %dma_start3A_179 = arith.constant 0 : i32
      %dma_start3A_180 = tpu.memref_slice %arg9[%dma_start3A_176, %dma_start3A_178, %dma_start3A_179] : memref<2x128x128xf32, #tpu.memory_space<vmem>> -> memref<1x128x128xf32, #tpu.memory_space<vmem>>
      %dma_start3A_181 = tpu.memref_squeeze %dma_start3A_180 : memref<1x128x128xf32, #tpu.memory_space<vmem>> -> memref<128x128xf32, #tpu.memory_space<vmem>>
      %dma_start3A_182 = arith.constant 0 : i32
      %dma_start3A_183 = tpu.memref_slice %arg10[%dma_start3A_175, %dma_start3A_182] : memref<2x128xi32, #tpu.memory_space<vmem>> -> memref<1x128xi32, #tpu.memory_space<vmem>>
      %dma_start3A_184 = tpu.memref_squeeze %dma_start3A_183 : memref<1x128xi32, #tpu.memory_space<vmem>> -> memref<128xi32, #tpu.memory_space<vmem>>
      %dma_start3A_185 = arith.constant 0 : i32
      %dma_start3A_186 = arith.constant 0 : i32
      %dma_start3A_187 = tpu.memref_slice %arg2[%dma_start3A_185, %dma_start3A_186] : memref<327680x128xf32, #tpu.memory_space<hbm>> -> memref<327680x128xf32, #tpu.memory_space<hbm>>
      %dma_start3A_188 = tpu.memref_slice %arg12[%dma_start3A_177] : memref<2x!tpu.dma_semaphore, #tpu.memory_space<semaphore_mem>> -> memref<1x!tpu.dma_semaphore, #tpu.memory_space<semaphore_mem>>
      %dma_start3A_189 = tpu.memref_squeeze %dma_start3A_188 : memref<1x!tpu.dma_semaphore, #tpu.memory_space<semaphore_mem>> -> memref<!tpu.dma_semaphore, #tpu.memory_space<semaphore_mem>>
      tpu.enqueue_indirect_dma source(%dma_start3A_187 : memref<327680x128xf32, #tpu.memory_space<hbm>>) target(%dma_start3A_181 : memref<128x128xf32, #tpu.memory_space<vmem>>) offsets(%dma_start3A_184 : memref<128xi32, #tpu.memory_space<vmem>>) semaphore(%dma_start3A_189 : memref<!tpu.dma_semaphore, #tpu.memory_space<semaphore_mem>>)
      %add3A_190 = arith.constant 1 : i32
      %add3A_191 = arith.addi %mul3A_157, %add3A_190 : i32
      %add3A_192 = arith.addi %select_n3A, %add3A_191 : i32
      %dma_wait3A_193 = arith.constant 1 : i32
      %dma_wait3A_194 = arith.constant 1 : i32
      %dma_wait3A_195 = arith.constant 0 : i32
      %dma_wait3A_196 = tpu.memref_slice %arg10[%dma_wait3A_193, %dma_wait3A_195] : memref<2x128xi32, #tpu.memory_space<vmem>> -> memref<1x128xi32, #tpu.memory_space<vmem>>
      %dma_wait3A_197 = tpu.memref_squeeze %dma_wait3A_196 : memref<1x128xi32, #tpu.memory_space<vmem>> -> memref<128xi32, #tpu.memory_space<vmem>>
      %dma_wait3A_198 = arith.constant 0 : i32
      %dma_wait3A_199 = tpu.memref_slice %arg5[%add3A_192, %dma_wait3A_198] : memref<2560x128xi32, #tpu.memory_space<hbm>> -> memref<1x128xi32, #tpu.memory_space<hbm>>
      %dma_wait3A_200 = tpu.memref_squeeze %dma_wait3A_199 : memref<1x128xi32, #tpu.memory_space<hbm>> -> memref<128xi32, #tpu.memory_space<hbm>>
      %dma_wait3A_201 = tpu.memref_slice %arg14[%dma_wait3A_194] : memref<2x!tpu.dma_semaphore, #tpu.memory_space<semaphore_mem>> -> memref<1x!tpu.dma_semaphore, #tpu.memory_space<semaphore_mem>>
      %dma_wait3A_202 = tpu.memref_squeeze %dma_wait3A_201 : memref<1x!tpu.dma_semaphore, #tpu.memory_space<semaphore_mem>> -> memref<!tpu.dma_semaphore, #tpu.memory_space<semaphore_mem>>
      %dma_wait3A_203 = arith.constant 0 : i32
      %dma_wait3A_204 = tpu.memref_slice %arg10[%dma_wait3A_193, %dma_wait3A_203] : memref<2x128xi32, #tpu.memory_space<vmem>> -> memref<1x128xi32, #tpu.memory_space<vmem>>
      %dma_wait3A_205 = tpu.memref_squeeze %dma_wait3A_204 : memref<1x128xi32, #tpu.memory_space<vmem>> -> memref<128xi32, #tpu.memory_space<vmem>>
      %dma_wait3A_206 = arith.constant 0 : i32
      %dma_wait3A_207 = tpu.memref_slice %arg5[%add3A_192, %dma_wait3A_206] : memref<2560x128xi32, #tpu.memory_space<hbm>> -> memref<1x128xi32, #tpu.memory_space<hbm>>
      %dma_wait3A_208 = tpu.memref_squeeze %dma_wait3A_207 : memref<1x128xi32, #tpu.memory_space<hbm>> -> memref<128xi32, #tpu.memory_space<hbm>>
      tpu.wait_dma2 semaphore(%dma_wait3A_202 : memref<!tpu.dma_semaphore, #tpu.memory_space<semaphore_mem>>) src(%dma_wait3A_208 : memref<128xi32, #tpu.memory_space<hbm>>) dst(%dma_wait3A_205 : memref<128xi32, #tpu.memory_space<vmem>>)
      %add3A_209 = arith.constant 1 : i32
      %add3A_210 = arith.addi %mul3A_157, %add3A_209 : i32
      %dma_start3A_211 = arith.constant 1 : i32
      %dma_start3A_212 = arith.constant 1 : i32
      %dma_start3A_213 = arith.constant 1 : i32
      %dma_start3A_214 = arith.constant 0 : i32
      %dma_start3A_215 = arith.constant 0 : i32
      %dma_start3A_216 = tpu.memref_slice %arg9[%dma_start3A_212, %dma_start3A_214, %dma_start3A_215] : memref<2x128x128xf32, #tpu.memory_space<vmem>> -> memref<1x128x128xf32, #tpu.memory_space<vmem>>
      %dma_start3A_217 = tpu.memref_squeeze %dma_start3A_216 : memref<1x128x128xf32, #tpu.memory_space<vmem>> -> memref<128x128xf32, #tpu.memory_space<vmem>>
      %dma_start3A_218 = arith.constant 0 : i32
      %dma_start3A_219 = tpu.memref_slice %arg10[%dma_start3A_211, %dma_start3A_218] : memref<2x128xi32, #tpu.memory_space<vmem>> -> memref<1x128xi32, #tpu.memory_space<vmem>>
      %dma_start3A_220 = tpu.memref_squeeze %dma_start3A_219 : memref<1x128xi32, #tpu.memory_space<vmem>> -> memref<128xi32, #tpu.memory_space<vmem>>
      %dma_start3A_221 = arith.constant 0 : i32
      %dma_start3A_222 = arith.constant 0 : i32
      %dma_start3A_223 = tpu.memref_slice %arg2[%dma_start3A_221, %dma_start3A_222] : memref<327680x128xf32, #tpu.memory_space<hbm>> -> memref<327680x128xf32, #tpu.memory_space<hbm>>
      %dma_start3A_224 = tpu.memref_slice %arg12[%dma_start3A_213] : memref<2x!tpu.dma_semaphore, #tpu.memory_space<semaphore_mem>> -> memref<1x!tpu.dma_semaphore, #tpu.memory_space<semaphore_mem>>
      %dma_start3A_225 = tpu.memref_squeeze %dma_start3A_224 : memref<1x!tpu.dma_semaphore, #tpu.memory_space<semaphore_mem>> -> memref<!tpu.dma_semaphore, #tpu.memory_space<semaphore_mem>>
      tpu.enqueue_indirect_dma source(%dma_start3A_223 : memref<327680x128xf32, #tpu.memory_space<hbm>>) target(%dma_start3A_217 : memref<128x128xf32, #tpu.memory_space<vmem>>) offsets(%dma_start3A_220 : memref<128xi32, #tpu.memory_space<vmem>>) semaphore(%dma_start3A_225 : memref<!tpu.dma_semaphore, #tpu.memory_space<semaphore_mem>>)
      %add3A_226 = arith.constant 0 : i32
      %add3A_227 = arith.addi %mul3A_157, %add3A_226 : i32
      %dma_wait3A_228 = arith.constant 0 : i32
      %dma_wait3A_229 = arith.constant 0 : i32
      %dma_wait3A_230 = arith.constant 0 : i32
      %dma_wait3A_231 = arith.constant 0 : i32
      %dma_wait3A_232 = arith.constant 0 : i32
      %dma_wait3A_233 = tpu.memref_slice %arg9[%dma_wait3A_229, %dma_wait3A_231, %dma_wait3A_232] : memref<2x128x128xf32, #tpu.memory_space<vmem>> -> memref<1x128x128xf32, #tpu.memory_space<vmem>>
      %dma_wait3A_234 = tpu.memref_squeeze %dma_wait3A_233 : memref<1x128x128xf32, #tpu.memory_space<vmem>> -> memref<128x128xf32, #tpu.memory_space<vmem>>
      %dma_wait3A_235 = arith.constant 0 : i32
      %dma_wait3A_236 = tpu.memref_slice %arg10[%dma_wait3A_228, %dma_wait3A_235] : memref<2x128xi32, #tpu.memory_space<vmem>> -> memref<1x128xi32, #tpu.memory_space<vmem>>
      %dma_wait3A_237 = tpu.memref_squeeze %dma_wait3A_236 : memref<1x128xi32, #tpu.memory_space<vmem>> -> memref<128xi32, #tpu.memory_space<vmem>>
      %dma_wait3A_238 = arith.constant 0 : i32
      %dma_wait3A_239 = arith.constant 0 : i32
      %dma_wait3A_240 = tpu.memref_slice %arg2[%dma_wait3A_238, %dma_wait3A_239] : memref<327680x128xf32, #tpu.memory_space<hbm>> -> memref<327680x128xf32, #tpu.memory_space<hbm>>
      %dma_wait3A_241 = tpu.memref_slice %arg12[%dma_wait3A_230] : memref<2x!tpu.dma_semaphore, #tpu.memory_space<semaphore_mem>> -> memref<1x!tpu.dma_semaphore, #tpu.memory_space<semaphore_mem>>
      %dma_wait3A_242 = tpu.memref_squeeze %dma_wait3A_241 : memref<1x!tpu.dma_semaphore, #tpu.memory_space<semaphore_mem>> -> memref<!tpu.dma_semaphore, #tpu.memory_space<semaphore_mem>>
      tpu.wait_indirect_dma semaphore(%dma_wait3A_242 : memref<!tpu.dma_semaphore, #tpu.memory_space<semaphore_mem>>) src(%dma_wait3A_240 : memref<327680x128xf32, #tpu.memory_space<hbm>>) dst(%dma_wait3A_234 : memref<128x128xf32, #tpu.memory_space<vmem>>)
      %add3A_243 = arith.addi %select_n3A, %add3A_227 : i32
      %mul3A_244 = arith.constant 128 : i32
      %mul3A_245 = arith.muli %add3A_243, %mul3A_244 : i32
      %run_scoped3A = arith.constant 0 : i32
      "tpu.region"() ({
        %run_scoped3A_276 = tpu.sem_alloc : memref<!tpu.dma_semaphore, #tpu.memory_space<semaphore_mem>>
        %dma_start3A_277 = arith.constant 0 : i32
        %dma_start3A_278 = arith.constant 0 : i32
        %dma_start3A_279 = tpu.memref_slice %arg9[%run_scoped3A, %dma_start3A_277, %dma_start3A_278] : memref<2x128x128xf32, #tpu.memory_space<vmem>> -> memref<1x128x128xf32, #tpu.memory_space<vmem>>
        %dma_start3A_280 = tpu.memref_squeeze %dma_start3A_279 : memref<1x128x128xf32, #tpu.memory_space<vmem>> -> memref<128x128xf32, #tpu.memory_space<vmem>>
        %dma_start3A_281 = arith.constant 0 : i32
        %dma_start3A_282 = tpu.memref_slice %arg7[%mul3A_245, %dma_start3A_281] : memref<327680x128xf32, #tpu.memory_space<hbm>> -> memref<128x128xf32, #tpu.memory_space<hbm>>
        %dma_start3A_283 = arith.constant 0 : i32
        %dma_start3A_284 = tpu.memref_slice %arg7[%mul3A_245, %dma_start3A_283] : memref<327680x128xf32, #tpu.memory_space<hbm>> -> memref<128x128xf32, #tpu.memory_space<hbm>>
        %dma_start3A_285 = arith.constant 0 : i32
        %dma_start3A_286 = arith.constant 0 : i32
        %dma_start3A_287 = tpu.memref_slice %arg9[%run_scoped3A, %dma_start3A_285, %dma_start3A_286] : memref<2x128x128xf32, #tpu.memory_space<vmem>> -> memref<1x128x128xf32, #tpu.memory_space<vmem>>
        %dma_start3A_288 = tpu.memref_squeeze %dma_start3A_287 : memref<1x128x128xf32, #tpu.memory_space<vmem>> -> memref<128x128xf32, #tpu.memory_space<vmem>>
        tpu.enqueue_dma source(%dma_start3A_288 : memref<128x128xf32, #tpu.memory_space<vmem>>) target(%dma_start3A_284 : memref<128x128xf32, #tpu.memory_space<hbm>>) target_semaphore(%run_scoped3A_276 : memref<!tpu.dma_semaphore, #tpu.memory_space<semaphore_mem>>)
        %dma_wait3A_289 = arith.constant 0 : i32
        %dma_wait3A_290 = arith.constant 0 : i32
        %dma_wait3A_291 = tpu.memref_slice %arg9[%run_scoped3A, %dma_wait3A_289, %dma_wait3A_290] : memref<2x128x128xf32, #tpu.memory_space<vmem>> -> memref<1x128x128xf32, #tpu.memory_space<vmem>>
        %dma_wait3A_292 = tpu.memref_squeeze %dma_wait3A_291 : memref<1x128x128xf32, #tpu.memory_space<vmem>> -> memref<128x128xf32, #tpu.memory_space<vmem>>
        %dma_wait3A_293 = arith.constant 0 : i32
        %dma_wait3A_294 = tpu.memref_slice %arg7[%mul3A_245, %dma_wait3A_293] : memref<327680x128xf32, #tpu.memory_space<hbm>> -> memref<128x128xf32, #tpu.memory_space<hbm>>
        %dma_wait3A_295 = arith.constant 0 : i32
        %dma_wait3A_296 = tpu.memref_slice %arg7[%mul3A_245, %dma_wait3A_295] : memref<327680x128xf32, #tpu.memory_space<hbm>> -> memref<128x128xf32, #tpu.memory_space<hbm>>
        %dma_wait3A_297 = arith.constant 0 : i32
        %dma_wait3A_298 = arith.constant 0 : i32
        %dma_wait3A_299 = tpu.memref_slice %arg9[%run_scoped3A, %dma_wait3A_297, %dma_wait3A_298] : memref<2x128x128xf32, #tpu.memory_space<vmem>> -> memref<1x128x128xf32, #tpu.memory_space<vmem>>
        %dma_wait3A_300 = tpu.memref_squeeze %dma_wait3A_299 : memref<1x128x128xf32, #tpu.memory_space<vmem>> -> memref<128x128xf32, #tpu.memory_space<vmem>>
        tpu.wait_dma2 semaphore(%run_scoped3A_276 : memref<!tpu.dma_semaphore, #tpu.memory_space<semaphore_mem>>) src(%dma_wait3A_300 : memref<128x128xf32, #tpu.memory_space<vmem>>) dst(%dma_wait3A_296 : memref<128x128xf32, #tpu.memory_space<hbm>>)
        tpu.yield
      }) : () -> ()
      %add3A_246 = arith.constant 2 : i32
      %add3A_247 = arith.addi %add3A_227, %add3A_246 : i32
      %lt3A = arith.cmpi slt, %add3A_247, %select_n3A_91 : i32
      %convert_element_type3A = arith.extui %lt3A : i1 to i32
      %cond3A = arith.constant 0 : i32
      %cond3A_248 = arith.cmpi ne, %convert_element_type3A, %cond3A : i32
      scf.if %cond3A_248 {
        %add3A_276 = arith.constant 2 : i32
        %add3A_277 = arith.addi %add3A_227, %add3A_276 : i32
        %add3A_278 = arith.addi %select_n3A, %add3A_277 : i32
        %dma_start3A_279 = arith.constant 0 : i32
        %dma_start3A_280 = arith.constant 0 : i32
        %dma_start3A_281 = arith.constant 0 : i32
        %dma_start3A_282 = tpu.memref_slice %arg10[%dma_start3A_279, %dma_start3A_281] : memref<2x128xi32, #tpu.memory_space<vmem>> -> memref<1x128xi32, #tpu.memory_space<vmem>>
        %dma_start3A_283 = tpu.memref_squeeze %dma_start3A_282 : memref<1x128xi32, #tpu.memory_space<vmem>> -> memref<128xi32, #tpu.memory_space<vmem>>
        %dma_start3A_284 = arith.constant 0 : i32
        %dma_start3A_285 = tpu.memref_slice %arg5[%add3A_278, %dma_start3A_284] : memref<2560x128xi32, #tpu.memory_space<hbm>> -> memref<1x128xi32, #tpu.memory_space<hbm>>
        %dma_start3A_286 = tpu.memref_squeeze %dma_start3A_285 : memref<1x128xi32, #tpu.memory_space<hbm>> -> memref<128xi32, #tpu.memory_space<hbm>>
        %dma_start3A_287 = tpu.memref_slice %arg14[%dma_start3A_280] : memref<2x!tpu.dma_semaphore, #tpu.memory_space<semaphore_mem>> -> memref<1x!tpu.dma_semaphore, #tpu.memory_space<semaphore_mem>>
        %dma_start3A_288 = tpu.memref_squeeze %dma_start3A_287 : memref<1x!tpu.dma_semaphore, #tpu.memory_space<semaphore_mem>> -> memref<!tpu.dma_semaphore, #tpu.memory_space<semaphore_mem>>
        %dma_start3A_289 = arith.constant 0 : i32
        %dma_start3A_290 = tpu.memref_slice %arg10[%dma_start3A_279, %dma_start3A_289] : memref<2x128xi32, #tpu.memory_space<vmem>> -> memref<1x128xi32, #tpu.memory_space<vmem>>
        %dma_start3A_291 = tpu.memref_squeeze %dma_start3A_290 : memref<1x128xi32, #tpu.memory_space<vmem>> -> memref<128xi32, #tpu.memory_space<vmem>>
        %dma_start3A_292 = arith.constant 0 : i32
        %dma_start3A_293 = tpu.memref_slice %arg5[%add3A_278, %dma_start3A_292] : memref<2560x128xi32, #tpu.memory_space<hbm>> -> memref<1x128xi32, #tpu.memory_space<hbm>>
        %dma_start3A_294 = tpu.memref_squeeze %dma_start3A_293 : memref<1x128xi32, #tpu.memory_space<hbm>> -> memref<128xi32, #tpu.memory_space<hbm>>
        tpu.enqueue_dma source(%dma_start3A_294 : memref<128xi32, #tpu.memory_space<hbm>>) target(%dma_start3A_291 : memref<128xi32, #tpu.memory_space<vmem>>) target_semaphore(%dma_start3A_288 : memref<!tpu.dma_semaphore, #tpu.memory_space<semaphore_mem>>)
      } else {
      }
      %add3A_249 = arith.constant 1 : i32
      %add3A_250 = arith.addi %mul3A_157, %add3A_249 : i32
      %dma_wait3A_251 = arith.constant 1 : i32
      %dma_wait3A_252 = arith.constant 1 : i32
      %dma_wait3A_253 = arith.constant 1 : i32
      %dma_wait3A_254 = arith.constant 0 : i32
      %dma_wait3A_255 = arith.constant 0 : i32
      %dma_wait3A_256 = tpu.memref_slice %arg9[%dma_wait3A_252, %dma_wait3A_254, %dma_wait3A_255] : memref<2x128x128xf32, #tpu.memory_space<vmem>> -> memref<1x128x128xf32, #tpu.memory_space<vmem>>
      %dma_wait3A_257 = tpu.memref_squeeze %dma_wait3A_256 : memref<1x128x128xf32, #tpu.memory_space<vmem>> -> memref<128x128xf32, #tpu.memory_space<vmem>>
      %dma_wait3A_258 = arith.constant 0 : i32
      %dma_wait3A_259 = tpu.memref_slice %arg10[%dma_wait3A_251, %dma_wait3A_258] : memref<2x128xi32, #tpu.memory_space<vmem>> -> memref<1x128xi32, #tpu.memory_space<vmem>>
      %dma_wait3A_260 = tpu.memref_squeeze %dma_wait3A_259 : memref<1x128xi32, #tpu.memory_space<vmem>> -> memref<128xi32, #tpu.memory_space<vmem>>
      %dma_wait3A_261 = arith.constant 0 : i32
      %dma_wait3A_262 = arith.constant 0 : i32
      %dma_wait3A_263 = tpu.memref_slice %arg2[%dma_wait3A_261, %dma_wait3A_262] : memref<327680x128xf32, #tpu.memory_space<hbm>> -> memref<327680x128xf32, #tpu.memory_space<hbm>>
      %dma_wait3A_264 = tpu.memref_slice %arg12[%dma_wait3A_253] : memref<2x!tpu.dma_semaphore, #tpu.memory_space<semaphore_mem>> -> memref<1x!tpu.dma_semaphore, #tpu.memory_space<semaphore_mem>>
      %dma_wait3A_265 = tpu.memref_squeeze %dma_wait3A_264 : memref<1x!tpu.dma_semaphore, #tpu.memory_space<semaphore_mem>> -> memref<!tpu.dma_semaphore, #tpu.memory_space<semaphore_mem>>
      tpu.wait_indirect_dma semaphore(%dma_wait3A_265 : memref<!tpu.dma_semaphore, #tpu.memory_space<semaphore_mem>>) src(%dma_wait3A_263 : memref<327680x128xf32, #tpu.memory_space<hbm>>) dst(%dma_wait3A_257 : memref<128x128xf32, #tpu.memory_space<vmem>>)
      %add3A_266 = arith.addi %select_n3A, %add3A_250 : i32
      %mul3A_267 = arith.constant 128 : i32
      %mul3A_268 = arith.muli %add3A_266, %mul3A_267 : i32
      %run_scoped3A_269 = arith.constant 1 : i32
      "tpu.region"() ({
        %run_scoped3A_276 = tpu.sem_alloc : memref<!tpu.dma_semaphore, #tpu.memory_space<semaphore_mem>>
        %dma_start3A_277 = arith.constant 0 : i32
        %dma_start3A_278 = arith.constant 0 : i32
        %dma_start3A_279 = tpu.memref_slice %arg9[%run_scoped3A_269, %dma_start3A_277, %dma_start3A_278] : memref<2x128x128xf32, #tpu.memory_space<vmem>> -> memref<1x128x128xf32, #tpu.memory_space<vmem>>
        %dma_start3A_280 = tpu.memref_squeeze %dma_start3A_279 : memref<1x128x128xf32, #tpu.memory_space<vmem>> -> memref<128x128xf32, #tpu.memory_space<vmem>>
        %dma_start3A_281 = arith.constant 0 : i32
        %dma_start3A_282 = tpu.memref_slice %arg7[%mul3A_268, %dma_start3A_281] : memref<327680x128xf32, #tpu.memory_space<hbm>> -> memref<128x128xf32, #tpu.memory_space<hbm>>
        %dma_start3A_283 = arith.constant 0 : i32
        %dma_start3A_284 = tpu.memref_slice %arg7[%mul3A_268, %dma_start3A_283] : memref<327680x128xf32, #tpu.memory_space<hbm>> -> memref<128x128xf32, #tpu.memory_space<hbm>>
        %dma_start3A_285 = arith.constant 0 : i32
        %dma_start3A_286 = arith.constant 0 : i32
        %dma_start3A_287 = tpu.memref_slice %arg9[%run_scoped3A_269, %dma_start3A_285, %dma_start3A_286] : memref<2x128x128xf32, #tpu.memory_space<vmem>> -> memref<1x128x128xf32, #tpu.memory_space<vmem>>
        %dma_start3A_288 = tpu.memref_squeeze %dma_start3A_287 : memref<1x128x128xf32, #tpu.memory_space<vmem>> -> memref<128x128xf32, #tpu.memory_space<vmem>>
        tpu.enqueue_dma source(%dma_start3A_288 : memref<128x128xf32, #tpu.memory_space<vmem>>) target(%dma_start3A_284 : memref<128x128xf32, #tpu.memory_space<hbm>>) target_semaphore(%run_scoped3A_276 : memref<!tpu.dma_semaphore, #tpu.memory_space<semaphore_mem>>)
        %dma_wait3A_289 = arith.constant 0 : i32
        %dma_wait3A_290 = arith.constant 0 : i32
        %dma_wait3A_291 = tpu.memref_slice %arg9[%run_scoped3A_269, %dma_wait3A_289, %dma_wait3A_290] : memref<2x128x128xf32, #tpu.memory_space<vmem>> -> memref<1x128x128xf32, #tpu.memory_space<vmem>>
        %dma_wait3A_292 = tpu.memref_squeeze %dma_wait3A_291 : memref<1x128x128xf32, #tpu.memory_space<vmem>> -> memref<128x128xf32, #tpu.memory_space<vmem>>
        %dma_wait3A_293 = arith.constant 0 : i32
        %dma_wait3A_294 = tpu.memref_slice %arg7[%mul3A_268, %dma_wait3A_293] : memref<327680x128xf32, #tpu.memory_space<hbm>> -> memref<128x128xf32, #tpu.memory_space<hbm>>
        %dma_wait3A_295 = arith.constant 0 : i32
        %dma_wait3A_296 = tpu.memref_slice %arg7[%mul3A_268, %dma_wait3A_295] : memref<327680x128xf32, #tpu.memory_space<hbm>> -> memref<128x128xf32, #tpu.memory_space<hbm>>
        %dma_wait3A_297 = arith.constant 0 : i32
        %dma_wait3A_298 = arith.constant 0 : i32
        %dma_wait3A_299 = tpu.memref_slice %arg9[%run_scoped3A_269, %dma_wait3A_297, %dma_wait3A_298] : memref<2x128x128xf32, #tpu.memory_space<vmem>> -> memref<1x128x128xf32, #tpu.memory_space<vmem>>
        %dma_wait3A_300 = tpu.memref_squeeze %dma_wait3A_299 : memref<1x128x128xf32, #tpu.memory_space<vmem>> -> memref<128x128xf32, #tpu.memory_space<vmem>>
        tpu.wait_dma2 semaphore(%run_scoped3A_276 : memref<!tpu.dma_semaphore, #tpu.memory_space<semaphore_mem>>) src(%dma_wait3A_300 : memref<128x128xf32, #tpu.memory_space<vmem>>) dst(%dma_wait3A_296 : memref<128x128xf32, #tpu.memory_space<hbm>>)
        tpu.yield
      }) : () -> ()
      %add3A_270 = arith.constant 2 : i32
      %add3A_271 = arith.addi %add3A_250, %add3A_270 : i32
      %lt3A_272 = arith.cmpi slt, %add3A_271, %select_n3A_91 : i32
      %convert_element_type3A_273 = arith.extui %lt3A_272 : i1 to i32
      %cond3A_274 = arith.constant 0 : i32
      %cond3A_275 = arith.cmpi ne, %convert_element_type3A_273, %cond3A_274 : i32
      scf.if %cond3A_275 {
        %add3A_276 = arith.constant 2 : i32
        %add3A_277 = arith.addi %add3A_250, %add3A_276 : i32
        %add3A_278 = arith.addi %select_n3A, %add3A_277 : i32
        %dma_start3A_279 = arith.constant 1 : i32
        %dma_start3A_280 = arith.constant 1 : i32
        %dma_start3A_281 = arith.constant 0 : i32
        %dma_start3A_282 = tpu.memref_slice %arg10[%dma_start3A_279, %dma_start3A_281] : memref<2x128xi32, #tpu.memory_space<vmem>> -> memref<1x128xi32, #tpu.memory_space<vmem>>
        %dma_start3A_283 = tpu.memref_squeeze %dma_start3A_282 : memref<1x128xi32, #tpu.memory_space<vmem>> -> memref<128xi32, #tpu.memory_space<vmem>>
        %dma_start3A_284 = arith.constant 0 : i32
        %dma_start3A_285 = tpu.memref_slice %arg5[%add3A_278, %dma_start3A_284] : memref<2560x128xi32, #tpu.memory_space<hbm>> -> memref<1x128xi32, #tpu.memory_space<hbm>>
        %dma_start3A_286 = tpu.memref_squeeze %dma_start3A_285 : memref<1x128xi32, #tpu.memory_space<hbm>> -> memref<128xi32, #tpu.memory_space<hbm>>
        %dma_start3A_287 = tpu.memref_slice %arg14[%dma_start3A_280] : memref<2x!tpu.dma_semaphore, #tpu.memory_space<semaphore_mem>> -> memref<1x!tpu.dma_semaphore, #tpu.memory_space<semaphore_mem>>
        %dma_start3A_288 = tpu.memref_squeeze %dma_start3A_287 : memref<1x!tpu.dma_semaphore, #tpu.memory_space<semaphore_mem>> -> memref<!tpu.dma_semaphore, #tpu.memory_space<semaphore_mem>>
        %dma_start3A_289 = arith.constant 0 : i32
        %dma_start3A_290 = tpu.memref_slice %arg10[%dma_start3A_279, %dma_start3A_289] : memref<2x128xi32, #tpu.memory_space<vmem>> -> memref<1x128xi32, #tpu.memory_space<vmem>>
        %dma_start3A_291 = tpu.memref_squeeze %dma_start3A_290 : memref<1x128xi32, #tpu.memory_space<vmem>> -> memref<128xi32, #tpu.memory_space<vmem>>
        %dma_start3A_292 = arith.constant 0 : i32
        %dma_start3A_293 = tpu.memref_slice %arg5[%add3A_278, %dma_start3A_292] : memref<2560x128xi32, #tpu.memory_space<hbm>> -> memref<1x128xi32, #tpu.memory_space<hbm>>
        %dma_start3A_294 = tpu.memref_squeeze %dma_start3A_293 : memref<1x128xi32, #tpu.memory_space<hbm>> -> memref<128xi32, #tpu.memory_space<hbm>>
        tpu.enqueue_dma source(%dma_start3A_294 : memref<128xi32, #tpu.memory_space<hbm>>) target(%dma_start3A_291 : memref<128xi32, #tpu.memory_space<vmem>>) target_semaphore(%dma_start3A_288 : memref<!tpu.dma_semaphore, #tpu.memory_space<semaphore_mem>>)
      } else {
      }
    }
    %while3A_154 = arith.constant 1 : i32
    scf.for %while3A_155 = %while3A_152 to %while3A_148 step %while3A_154  : i32 {
      %mul3A_156 = arith.constant 2 : i32
      %mul3A_157 = arith.muli %mul3A_156, %while3A_155 : i32
      %add3A_158 = arith.addi %select_n3A, %mul3A_157 : i32
      %dma_wait3A_159 = arith.constant 0 : i32
      %dma_wait3A_160 = arith.constant 0 : i32
      %dma_wait3A_161 = arith.constant 0 : i32
      %dma_wait3A_162 = tpu.memref_slice %arg10[%dma_wait3A_159, %dma_wait3A_161] : memref<2x128xi32, #tpu.memory_space<vmem>> -> memref<1x128xi32, #tpu.memory_space<vmem>>
      %dma_wait3A_163 = tpu.memref_squeeze %dma_wait3A_162 : memref<1x128xi32, #tpu.memory_space<vmem>> -> memref<128xi32, #tpu.memory_space<vmem>>
      %dma_wait3A_164 = arith.constant 0 : i32
      %dma_wait3A_165 = tpu.memref_slice %arg5[%add3A_158, %dma_wait3A_164] : memref<2560x128xi32, #tpu.memory_space<hbm>> -> memref<1x128xi32, #tpu.memory_space<hbm>>
      %dma_wait3A_166 = tpu.memref_squeeze %dma_wait3A_165 : memref<1x128xi32, #tpu.memory_space<hbm>> -> memref<128xi32, #tpu.memory_space<hbm>>
      %dma_wait3A_167 = tpu.memref_slice %arg14[%dma_wait3A_160] : memref<2x!tpu.dma_semaphore, #tpu.memory_space<semaphore_mem>> -> memref<1x!tpu.dma_semaphore, #tpu.memory_space<semaphore_mem>>
      %dma_wait3A_168 = tpu.memref_squeeze %dma_wait3A_167 : memref<1x!tpu.dma_semaphore, #tpu.memory_space<semaphore_mem>> -> memref<!tpu.dma_semaphore, #tpu.memory_space<semaphore_mem>>
      %dma_wait3A_169 = arith.constant 0 : i32
      %dma_wait3A_170 = tpu.memref_slice %arg10[%dma_wait3A_159, %dma_wait3A_169] : memref<2x128xi32, #tpu.memory_space<vmem>> -> memref<1x128xi32, #tpu.memory_space<vmem>>
      %dma_wait3A_171 = tpu.memref_squeeze %dma_wait3A_170 : memref<1x128xi32, #tpu.memory_space<vmem>> -> memref<128xi32, #tpu.memory_space<vmem>>
      %dma_wait3A_172 = arith.constant 0 : i32
      %dma_wait3A_173 = tpu.memref_slice %arg5[%add3A_158, %dma_wait3A_172] : memref<2560x128xi32, #tpu.memory_space<hbm>> -> memref<1x128xi32, #tpu.memory_space<hbm>>
      %dma_wait3A_174 = tpu.memref_squeeze %dma_wait3A_173 : memref<1x128xi32, #tpu.memory_space<hbm>> -> memref<128xi32, #tpu.memory_space<hbm>>
      tpu.wait_dma2 semaphore(%dma_wait3A_168 : memref<!tpu.dma_semaphore, #tpu.memory_space<semaphore_mem>>) src(%dma_wait3A_174 : memref<128xi32, #tpu.memory_space<hbm>>) dst(%dma_wait3A_171 : memref<128xi32, #tpu.memory_space<vmem>>)
      %dma_start3A_175 = arith.constant 0 : i32
      %dma_start3A_176 = arith.constant 0 : i32
      %dma_start3A_177 = arith.constant 0 : i32
      %dma_start3A_178 = arith.constant 0 : i32
      %dma_start3A_179 = arith.constant 0 : i32
      %dma_start3A_180 = tpu.memref_slice %arg9[%dma_start3A_176, %dma_start3A_178, %dma_start3A_179] : memref<2x128x128xf32, #tpu.memory_space<vmem>> -> memref<1x128x128xf32, #tpu.memory_space<vmem>>
      %dma_start3A_181 = tpu.memref_squeeze %dma_start3A_180 : memref<1x128x128xf32, #tpu.memory_space<vmem>> -> memref<128x128xf32, #tpu.memory_space<vmem>>
      %dma_start3A_182 = arith.constant 0 : i32
      %dma_start3A_183 = tpu.memref_slice %arg10[%dma_start3A_175, %dma_start3A_182] : memref<2x128xi32, #tpu.memory_space<vmem>> -> memref<1x128xi32, #tpu.memory_space<vmem>>
      %dma_start3A_184 = tpu.memref_squeeze %dma_start3A_183 : memref<1x128xi32, #tpu.memory_space<vmem>> -> memref<128xi32, #tpu.memory_space<vmem>>
      %dma_start3A_185 = arith.constant 0 : i32
      %dma_start3A_186 = arith.constant 0 : i32
      %dma_start3A_187 = tpu.memref_slice %arg2[%dma_start3A_185, %dma_start3A_186] : memref<327680x128xf32, #tpu.memory_space<hbm>> -> memref<327680x128xf32, #tpu.memory_space<hbm>>
      %dma_start3A_188 = tpu.memref_slice %arg12[%dma_start3A_177] : memref<2x!tpu.dma_semaphore, #tpu.memory_space<semaphore_mem>> -> memref<1x!tpu.dma_semaphore, #tpu.memory_space<semaphore_mem>>
      %dma_start3A_189 = tpu.memref_squeeze %dma_start3A_188 : memref<1x!tpu.dma_semaphore, #tpu.memory_space<semaphore_mem>> -> memref<!tpu.dma_semaphore, #tpu.memory_space<semaphore_mem>>
      tpu.enqueue_indirect_dma source(%dma_start3A_187 : memref<327680x128xf32, #tpu.memory_space<hbm>>) target(%dma_start3A_181 : memref<128x128xf32, #tpu.memory_space<vmem>>) offsets(%dma_start3A_184 : memref<128xi32, #tpu.memory_space<vmem>>) semaphore(%dma_start3A_189 : memref<!tpu.dma_semaphore, #tpu.memory_space<semaphore_mem>>)
      %add3A_190 = arith.constant 1 : i32
      %add3A_191 = arith.addi %mul3A_157, %add3A_190 : i32
      %add3A_192 = arith.addi %select_n3A, %add3A_191 : i32
      %dma_wait3A_193 = arith.constant 1 : i32
      %dma_wait3A_194 = arith.constant 1 : i32
      %dma_wait3A_195 = arith.constant 0 : i32
      %dma_wait3A_196 = tpu.memref_slice %arg10[%dma_wait3A_193, %dma_wait3A_195] : memref<2x128xi32, #tpu.memory_space<vmem>> -> memref<1x128xi32, #tpu.memory_space<vmem>>
      %dma_wait3A_197 = tpu.memref_squeeze %dma_wait3A_196 : memref<1x128xi32, #tpu.memory_space<vmem>> -> memref<128xi32, #tpu.memory_space<vmem>>
      %dma_wait3A_198 = arith.constant 0 : i32
      %dma_wait3A_199 = tpu.memref_slice %arg5[%add3A_192, %dma_wait3A_198] : memref<2560x128xi32, #tpu.memory_space<hbm>> -> memref<1x128xi32, #tpu.memory_space<hbm>>
      %dma_wait3A_200 = tpu.memref_squeeze %dma_wait3A_199 : memref<1x128xi32, #tpu.memory_space<hbm>> -> memref<128xi32, #tpu.memory_space<hbm>>
      %dma_wait3A_201 = tpu.memref_slice %arg14[%dma_wait3A_194] : memref<2x!tpu.dma_semaphore, #tpu.memory_space<semaphore_mem>> -> memref<1x!tpu.dma_semaphore, #tpu.memory_space<semaphore_mem>>
      %dma_wait3A_202 = tpu.memref_squeeze %dma_wait3A_201 : memref<1x!tpu.dma_semaphore, #tpu.memory_space<semaphore_mem>> -> memref<!tpu.dma_semaphore, #tpu.memory_space<semaphore_mem>>
      %dma_wait3A_203 = arith.constant 0 : i32
      %dma_wait3A_204 = tpu.memref_slice %arg10[%dma_wait3A_193, %dma_wait3A_203] : memref<2x128xi32, #tpu.memory_space<vmem>> -> memref<1x128xi32, #tpu.memory_space<vmem>>
      %dma_wait3A_205 = tpu.memref_squeeze %dma_wait3A_204 : memref<1x128xi32, #tpu.memory_space<vmem>> -> memref<128xi32, #tpu.memory_space<vmem>>
      %dma_wait3A_206 = arith.constant 0 : i32
      %dma_wait3A_207 = tpu.memref_slice %arg5[%add3A_192, %dma_wait3A_206] : memref<2560x128xi32, #tpu.memory_space<hbm>> -> memref<1x128xi32, #tpu.memory_space<hbm>>
      %dma_wait3A_208 = tpu.memref_squeeze %dma_wait3A_207 : memref<1x128xi32, #tpu.memory_space<hbm>> -> memref<128xi32, #tpu.memory_space<hbm>>
      tpu.wait_dma2 semaphore(%dma_wait3A_202 : memref<!tpu.dma_semaphore, #tpu.memory_space<semaphore_mem>>) src(%dma_wait3A_208 : memref<128xi32, #tpu.memory_space<hbm>>) dst(%dma_wait3A_205 : memref<128xi32, #tpu.memory_space<vmem>>)
      %add3A_209 = arith.constant 1 : i32
      %add3A_210 = arith.addi %mul3A_157, %add3A_209 : i32
      %dma_start3A_211 = arith.constant 1 : i32
      %dma_start3A_212 = arith.constant 1 : i32
      %dma_start3A_213 = arith.constant 1 : i32
      %dma_start3A_214 = arith.constant 0 : i32
      %dma_start3A_215 = arith.constant 0 : i32
      %dma_start3A_216 = tpu.memref_slice %arg9[%dma_start3A_212, %dma_start3A_214, %dma_start3A_215] : memref<2x128x128xf32, #tpu.memory_space<vmem>> -> memref<1x128x128xf32, #tpu.memory_space<vmem>>
      %dma_start3A_217 = tpu.memref_squeeze %dma_start3A_216 : memref<1x128x128xf32, #tpu.memory_space<vmem>> -> memref<128x128xf32, #tpu.memory_space<vmem>>
      %dma_start3A_218 = arith.constant 0 : i32
      %dma_start3A_219 = tpu.memref_slice %arg10[%dma_start3A_211, %dma_start3A_218] : memref<2x128xi32, #tpu.memory_space<vmem>> -> memref<1x128xi32, #tpu.memory_space<vmem>>
      %dma_start3A_220 = tpu.memref_squeeze %dma_start3A_219 : memref<1x128xi32, #tpu.memory_space<vmem>> -> memref<128xi32, #tpu.memory_space<vmem>>
      %dma_start3A_221 = arith.constant 0 : i32
      %dma_start3A_222 = arith.constant 0 : i32
      %dma_start3A_223 = tpu.memref_slice %arg2[%dma_start3A_221, %dma_start3A_222] : memref<327680x128xf32, #tpu.memory_space<hbm>> -> memref<327680x128xf32, #tpu.memory_space<hbm>>
      %dma_start3A_224 = tpu.memref_slice %arg12[%dma_start3A_213] : memref<2x!tpu.dma_semaphore, #tpu.memory_space<semaphore_mem>> -> memref<1x!tpu.dma_semaphore, #tpu.memory_space<semaphore_mem>>
      %dma_start3A_225 = tpu.memref_squeeze %dma_start3A_224 : memref<1x!tpu.dma_semaphore, #tpu.memory_space<semaphore_mem>> -> memref<!tpu.dma_semaphore, #tpu.memory_space<semaphore_mem>>
      tpu.enqueue_indirect_dma source(%dma_start3A_223 : memref<327680x128xf32, #tpu.memory_space<hbm>>) target(%dma_start3A_217 : memref<128x128xf32, #tpu.memory_space<vmem>>) offsets(%dma_start3A_220 : memref<128xi32, #tpu.memory_space<vmem>>) semaphore(%dma_start3A_225 : memref<!tpu.dma_semaphore, #tpu.memory_space<semaphore_mem>>)
      %add3A_226 = arith.constant 0 : i32
      %add3A_227 = arith.addi %mul3A_157, %add3A_226 : i32
      %dma_wait3A_228 = arith.constant 0 : i32
      %dma_wait3A_229 = arith.constant 0 : i32
      %dma_wait3A_230 = arith.constant 0 : i32
      %dma_wait3A_231 = arith.constant 0 : i32
      %dma_wait3A_232 = arith.constant 0 : i32
      %dma_wait3A_233 = tpu.memref_slice %arg9[%dma_wait3A_229, %dma_wait3A_231, %dma_wait3A_232] : memref<2x128x128xf32, #tpu.memory_space<vmem>> -> memref<1x128x128xf32, #tpu.memory_space<vmem>>
      %dma_wait3A_234 = tpu.memref_squeeze %dma_wait3A_233 : memref<1x128x128xf32, #tpu.memory_space<vmem>> -> memref<128x128xf32, #tpu.memory_space<vmem>>
      %dma_wait3A_235 = arith.constant 0 : i32
      %dma_wait3A_236 = tpu.memref_slice %arg10[%dma_wait3A_228, %dma_wait3A_235] : memref<2x128xi32, #tpu.memory_space<vmem>> -> memref<1x128xi32, #tpu.memory_space<vmem>>
      %dma_wait3A_237 = tpu.memref_squeeze %dma_wait3A_236 : memref<1x128xi32, #tpu.memory_space<vmem>> -> memref<128xi32, #tpu.memory_space<vmem>>
      %dma_wait3A_238 = arith.constant 0 : i32
      %dma_wait3A_239 = arith.constant 0 : i32
      %dma_wait3A_240 = tpu.memref_slice %arg2[%dma_wait3A_238, %dma_wait3A_239] : memref<327680x128xf32, #tpu.memory_space<hbm>> -> memref<327680x128xf32, #tpu.memory_space<hbm>>
      %dma_wait3A_241 = tpu.memref_slice %arg12[%dma_wait3A_230] : memref<2x!tpu.dma_semaphore, #tpu.memory_space<semaphore_mem>> -> memref<1x!tpu.dma_semaphore, #tpu.memory_space<semaphore_mem>>
      %dma_wait3A_242 = tpu.memref_squeeze %dma_wait3A_241 : memref<1x!tpu.dma_semaphore, #tpu.memory_space<semaphore_mem>> -> memref<!tpu.dma_semaphore, #tpu.memory_space<semaphore_mem>>
      tpu.wait_indirect_dma semaphore(%dma_wait3A_242 : memref<!tpu.dma_semaphore, #tpu.memory_space<semaphore_mem>>) src(%dma_wait3A_240 : memref<327680x128xf32, #tpu.memory_space<hbm>>) dst(%dma_wait3A_234 : memref<128x128xf32, #tpu.memory_space<vmem>>)
      %add3A_243 = arith.addi %select_n3A, %add3A_227 : i32
      %mul3A_244 = arith.constant 128 : i32
      %mul3A_245 = arith.muli %add3A_243, %mul3A_244 : i32
      %run_scoped3A = arith.constant 0 : i32
      "tpu.region"() ({
        %run_scoped3A_276 = tpu.sem_alloc : memref<!tpu.dma_semaphore, #tpu.memory_space<semaphore_mem>>
        %dma_start3A_277 = arith.constant 0 : i32
        %dma_start3A_278 = arith.constant 0 : i32
        %dma_start3A_279 = tpu.memref_slice %arg9[%run_scoped3A, %dma_start3A_277, %dma_start3A_278] : memref<2x128x128xf32, #tpu.memory_space<vmem>> -> memref<1x128x128xf32, #tpu.memory_space<vmem>>
        %dma_start3A_280 = tpu.memref_squeeze %dma_start3A_279 : memref<1x128x128xf32, #tpu.memory_space<vmem>> -> memref<128x128xf32, #tpu.memory_space<vmem>>
        %dma_start3A_281 = arith.constant 0 : i32
        %dma_start3A_282 = tpu.memref_slice %arg7[%mul3A_245, %dma_start3A_281] : memref<327680x128xf32, #tpu.memory_space<hbm>> -> memref<128x128xf32, #tpu.memory_space<hbm>>
        %dma_start3A_283 = arith.constant 0 : i32
        %dma_start3A_284 = tpu.memref_slice %arg7[%mul3A_245, %dma_start3A_283] : memref<327680x128xf32, #tpu.memory_space<hbm>> -> memref<128x128xf32, #tpu.memory_space<hbm>>
        %dma_start3A_285 = arith.constant 0 : i32
        %dma_start3A_286 = arith.constant 0 : i32
        %dma_start3A_287 = tpu.memref_slice %arg9[%run_scoped3A, %dma_start3A_285, %dma_start3A_286] : memref<2x128x128xf32, #tpu.memory_space<vmem>> -> memref<1x128x128xf32, #tpu.memory_space<vmem>>
        %dma_start3A_288 = tpu.memref_squeeze %dma_start3A_287 : memref<1x128x128xf32, #tpu.memory_space<vmem>> -> memref<128x128xf32, #tpu.memory_space<vmem>>
        tpu.enqueue_dma source(%dma_start3A_288 : memref<128x128xf32, #tpu.memory_space<vmem>>) target(%dma_start3A_284 : memref<128x128xf32, #tpu.memory_space<hbm>>) target_semaphore(%run_scoped3A_276 : memref<!tpu.dma_semaphore, #tpu.memory_space<semaphore_mem>>)
        %dma_wait3A_289 = arith.constant 0 : i32
        %dma_wait3A_290 = arith.constant 0 : i32
        %dma_wait3A_291 = tpu.memref_slice %arg9[%run_scoped3A, %dma_wait3A_289, %dma_wait3A_290] : memref<2x128x128xf32, #tpu.memory_space<vmem>> -> memref<1x128x128xf32, #tpu.memory_space<vmem>>
        %dma_wait3A_292 = tpu.memref_squeeze %dma_wait3A_291 : memref<1x128x128xf32, #tpu.memory_space<vmem>> -> memref<128x128xf32, #tpu.memory_space<vmem>>
        %dma_wait3A_293 = arith.constant 0 : i32
        %dma_wait3A_294 = tpu.memref_slice %arg7[%mul3A_245, %dma_wait3A_293] : memref<327680x128xf32, #tpu.memory_space<hbm>> -> memref<128x128xf32, #tpu.memory_space<hbm>>
        %dma_wait3A_295 = arith.constant 0 : i32
        %dma_wait3A_296 = tpu.memref_slice %arg7[%mul3A_245, %dma_wait3A_295] : memref<327680x128xf32, #tpu.memory_space<hbm>> -> memref<128x128xf32, #tpu.memory_space<hbm>>
        %dma_wait3A_297 = arith.constant 0 : i32
        %dma_wait3A_298 = arith.constant 0 : i32
        %dma_wait3A_299 = tpu.memref_slice %arg9[%run_scoped3A, %dma_wait3A_297, %dma_wait3A_298] : memref<2x128x128xf32, #tpu.memory_space<vmem>> -> memref<1x128x128xf32, #tpu.memory_space<vmem>>
        %dma_wait3A_300 = tpu.memref_squeeze %dma_wait3A_299 : memref<1x128x128xf32, #tpu.memory_space<vmem>> -> memref<128x128xf32, #tpu.memory_space<vmem>>
        tpu.wait_dma2 semaphore(%run_scoped3A_276 : memref<!tpu.dma_semaphore, #tpu.memory_space<semaphore_mem>>) src(%dma_wait3A_300 : memref<128x128xf32, #tpu.memory_space<vmem>>) dst(%dma_wait3A_296 : memref<128x128xf32, #tpu.memory_space<hbm>>)
        tpu.yield
      }) : () -> ()
      %add3A_246 = arith.constant 2 : i32
      %add3A_247 = arith.addi %add3A_227, %add3A_246 : i32
      %lt3A = arith.cmpi slt, %add3A_247, %select_n3A_91 : i32
      %convert_element_type3A = arith.extui %lt3A : i1 to i32
      %cond3A = arith.constant 0 : i32
      %cond3A_248 = arith.cmpi ne, %convert_element_type3A, %cond3A : i32
      scf.if %cond3A_248 {
        %add3A_276 = arith.constant 2 : i32
        %add3A_277 = arith.addi %add3A_227, %add3A_276 : i32
        %add3A_278 = arith.addi %select_n3A, %add3A_277 : i32
        %dma_start3A_279 = arith.constant 0 : i32
        %dma_start3A_280 = arith.constant 0 : i32
        %dma_start3A_281 = arith.constant 0 : i32
        %dma_start3A_282 = tpu.memref_slice %arg10[%dma_start3A_279, %dma_start3A_281] : memref<2x128xi32, #tpu.memory_space<vmem>> -> memref<1x128xi32, #tpu.memory_space<vmem>>
        %dma_start3A_283 = tpu.memref_squeeze %dma_start3A_282 : memref<1x128xi32, #tpu.memory_space<vmem>> -> memref<128xi32, #tpu.memory_space<vmem>>
        %dma_start3A_284 = arith.constant 0 : i32
        %dma_start3A_285 = tpu.memref_slice %arg5[%add3A_278, %dma_start3A_284] : memref<2560x128xi32, #tpu.memory_space<hbm>> -> memref<1x128xi32, #tpu.memory_space<hbm>>
        %dma_start3A_286 = tpu.memref_squeeze %dma_start3A_285 : memref<1x128xi32, #tpu.memory_space<hbm>> -> memref<128xi32, #tpu.memory_space<hbm>>
        %dma_start3A_287 = tpu.memref_slice %arg14[%dma_start3A_280] : memref<2x!tpu.dma_semaphore, #tpu.memory_space<semaphore_mem>> -> memref<1x!tpu.dma_semaphore, #tpu.memory_space<semaphore_mem>>
        %dma_start3A_288 = tpu.memref_squeeze %dma_start3A_287 : memref<1x!tpu.dma_semaphore, #tpu.memory_space<semaphore_mem>> -> memref<!tpu.dma_semaphore, #tpu.memory_space<semaphore_mem>>
        %dma_start3A_289 = arith.constant 0 : i32
        %dma_start3A_290 = tpu.memref_slice %arg10[%dma_start3A_279, %dma_start3A_289] : memref<2x128xi32, #tpu.memory_space<vmem>> -> memref<1x128xi32, #tpu.memory_space<vmem>>
        %dma_start3A_291 = tpu.memref_squeeze %dma_start3A_290 : memref<1x128xi32, #tpu.memory_space<vmem>> -> memref<128xi32, #tpu.memory_space<vmem>>
        %dma_start3A_292 = arith.constant 0 : i32
        %dma_start3A_293 = tpu.memref_slice %arg5[%add3A_278, %dma_start3A_292] : memref<2560x128xi32, #tpu.memory_space<hbm>> -> memref<1x128xi32, #tpu.memory_space<hbm>>
        %dma_start3A_294 = tpu.memref_squeeze %dma_start3A_293 : memref<1x128xi32, #tpu.memory_space<hbm>> -> memref<128xi32, #tpu.memory_space<hbm>>
        tpu.enqueue_dma source(%dma_start3A_294 : memref<128xi32, #tpu.memory_space<hbm>>) target(%dma_start3A_291 : memref<128xi32, #tpu.memory_space<vmem>>) target_semaphore(%dma_start3A_288 : memref<!tpu.dma_semaphore, #tpu.memory_space<semaphore_mem>>)
      } else {
      }
      %add3A_249 = arith.constant 1 : i32
      %add3A_250 = arith.addi %mul3A_157, %add3A_249 : i32
      %dma_wait3A_251 = arith.constant 1 : i32
      %dma_wait3A_252 = arith.constant 1 : i32
      %dma_wait3A_253 = arith.constant 1 : i32
      %dma_wait3A_254 = arith.constant 0 : i32
      %dma_wait3A_255 = arith.constant 0 : i32
      %dma_wait3A_256 = tpu.memref_slice %arg9[%dma_wait3A_252, %dma_wait3A_254, %dma_wait3A_255] : memref<2x128x128xf32, #tpu.memory_space<vmem>> -> memref<1x128x128xf32, #tpu.memory_space<vmem>>
      %dma_wait3A_257 = tpu.memref_squeeze %dma_wait3A_256 : memref<1x128x128xf32, #tpu.memory_space<vmem>> -> memref<128x128xf32, #tpu.memory_space<vmem>>
      %dma_wait3A_258 = arith.constant 0 : i32
      %dma_wait3A_259 = tpu.memref_slice %arg10[%dma_wait3A_251, %dma_wait3A_258] : memref<2x128xi32, #tpu.memory_space<vmem>> -> memref<1x128xi32, #tpu.memory_space<vmem>>
      %dma_wait3A_260 = tpu.memref_squeeze %dma_wait3A_259 : memref<1x128xi32, #tpu.memory_space<vmem>> -> memref<128xi32, #tpu.memory_space<vmem>>
      %dma_wait3A_261 = arith.constant 0 : i32
      %dma_wait3A_262 = arith.constant 0 : i32
      %dma_wait3A_263 = tpu.memref_slice %arg2[%dma_wait3A_261, %dma_wait3A_262] : memref<327680x128xf32, #tpu.memory_space<hbm>> -> memref<327680x128xf32, #tpu.memory_space<hbm>>
      %dma_wait3A_264 = tpu.memref_slice %arg12[%dma_wait3A_253] : memref<2x!tpu.dma_semaphore, #tpu.memory_space<semaphore_mem>> -> memref<1x!tpu.dma_semaphore, #tpu.memory_space<semaphore_mem>>
      %dma_wait3A_265 = tpu.memref_squeeze %dma_wait3A_264 : memref<1x!tpu.dma_semaphore, #tpu.memory_space<semaphore_mem>> -> memref<!tpu.dma_semaphore, #tpu.memory_space<semaphore_mem>>
      tpu.wait_indirect_dma semaphore(%dma_wait3A_265 : memref<!tpu.dma_semaphore, #tpu.memory_space<semaphore_mem>>) src(%dma_wait3A_263 : memref<327680x128xf32, #tpu.memory_space<hbm>>) dst(%dma_wait3A_257 : memref<128x128xf32, #tpu.memory_space<vmem>>)
      %add3A_266 = arith.addi %select_n3A, %add3A_250 : i32
      %mul3A_267 = arith.constant 128 : i32
      %mul3A_268 = arith.muli %add3A_266, %mul3A_267 : i32
      %run_scoped3A_269 = arith.constant 1 : i32
      "tpu.region"() ({
        %run_scoped3A_276 = tpu.sem_alloc : memref<!tpu.dma_semaphore, #tpu.memory_space<semaphore_mem>>
        %dma_start3A_277 = arith.constant 0 : i32
        %dma_start3A_278 = arith.constant 0 : i32
        %dma_start3A_279 = tpu.memref_slice %arg9[%run_scoped3A_269, %dma_start3A_277, %dma_start3A_278] : memref<2x128x128xf32, #tpu.memory_space<vmem>> -> memref<1x128x128xf32, #tpu.memory_space<vmem>>
        %dma_start3A_280 = tpu.memref_squeeze %dma_start3A_279 : memref<1x128x128xf32, #tpu.memory_space<vmem>> -> memref<128x128xf32, #tpu.memory_space<vmem>>
        %dma_start3A_281 = arith.constant 0 : i32
        %dma_start3A_282 = tpu.memref_slice %arg7[%mul3A_268, %dma_start3A_281] : memref<327680x128xf32, #tpu.memory_space<hbm>> -> memref<128x128xf32, #tpu.memory_space<hbm>>
        %dma_start3A_283 = arith.constant 0 : i32
        %dma_start3A_284 = tpu.memref_slice %arg7[%mul3A_268, %dma_start3A_283] : memref<327680x128xf32, #tpu.memory_space<hbm>> -> memref<128x128xf32, #tpu.memory_space<hbm>>
        %dma_start3A_285 = arith.constant 0 : i32
        %dma_start3A_286 = arith.constant 0 : i32
        %dma_start3A_287 = tpu.memref_slice %arg9[%run_scoped3A_269, %dma_start3A_285, %dma_start3A_286] : memref<2x128x128xf32, #tpu.memory_space<vmem>> -> memref<1x128x128xf32, #tpu.memory_space<vmem>>
        %dma_start3A_288 = tpu.memref_squeeze %dma_start3A_287 : memref<1x128x128xf32, #tpu.memory_space<vmem>> -> memref<128x128xf32, #tpu.memory_space<vmem>>
        tpu.enqueue_dma source(%dma_start3A_288 : memref<128x128xf32, #tpu.memory_space<vmem>>) target(%dma_start3A_284 : memref<128x128xf32, #tpu.memory_space<hbm>>) target_semaphore(%run_scoped3A_276 : memref<!tpu.dma_semaphore, #tpu.memory_space<semaphore_mem>>)
        %dma_wait3A_289 = arith.constant 0 : i32
        %dma_wait3A_290 = arith.constant 0 : i32
        %dma_wait3A_291 = tpu.memref_slice %arg9[%run_scoped3A_269, %dma_wait3A_289, %dma_wait3A_290] : memref<2x128x128xf32, #tpu.memory_space<vmem>> -> memref<1x128x128xf32, #tpu.memory_space<vmem>>
        %dma_wait3A_292 = tpu.memref_squeeze %dma_wait3A_291 : memref<1x128x128xf32, #tpu.memory_space<vmem>> -> memref<128x128xf32, #tpu.memory_space<vmem>>
        %dma_wait3A_293 = arith.constant 0 : i32
        %dma_wait3A_294 = tpu.memref_slice %arg7[%mul3A_268, %dma_wait3A_293] : memref<327680x128xf32, #tpu.memory_space<hbm>> -> memref<128x128xf32, #tpu.memory_space<hbm>>
        %dma_wait3A_295 = arith.constant 0 : i32
        %dma_wait3A_296 = tpu.memref_slice %arg7[%mul3A_268, %dma_wait3A_295] : memref<327680x128xf32, #tpu.memory_space<hbm>> -> memref<128x128xf32, #tpu.memory_space<hbm>>
        %dma_wait3A_297 = arith.constant 0 : i32
        %dma_wait3A_298 = arith.constant 0 : i32
        %dma_wait3A_299 = tpu.memref_slice %arg9[%run_scoped3A_269, %dma_wait3A_297, %dma_wait3A_298] : memref<2x128x128xf32, #tpu.memory_space<vmem>> -> memref<1x128x128xf32, #tpu.memory_space<vmem>>
        %dma_wait3A_300 = tpu.memref_squeeze %dma_wait3A_299 : memref<1x128x128xf32, #tpu.memory_space<vmem>> -> memref<128x128xf32, #tpu.memory_space<vmem>>
        tpu.wait_dma2 semaphore(%run_scoped3A_276 : memref<!tpu.dma_semaphore, #tpu.memory_space<semaphore_mem>>) src(%dma_wait3A_300 : memref<128x128xf32, #tpu.memory_space<vmem>>) dst(%dma_wait3A_296 : memref<128x128xf32, #tpu.memory_space<hbm>>)
        tpu.yield
      }) : () -> ()
      %add3A_270 = arith.constant 2 : i32
      %add3A_271 = arith.addi %add3A_250, %add3A_270 : i32
      %lt3A_272 = arith.cmpi slt, %add3A_271, %select_n3A_91 : i32
      %convert_element_type3A_273 = arith.extui %lt3A_272 : i1 to i32
      %cond3A_274 = arith.constant 0 : i32
      %cond3A_275 = arith.cmpi ne, %convert_element_type3A_273, %cond3A_274 : i32
      scf.if %cond3A_275 {
        %add3A_276 = arith.constant 2 : i32
        %add3A_277 = arith.addi %add3A_250, %add3A_276 : i32
        %add3A_278 = arith.addi %select_n3A, %add3A_277 : i32
        %dma_start3A_279 = arith.constant 1 : i32
        %dma_start3A_280 = arith.constant 1 : i32
        %dma_start3A_281 = arith.constant 0 : i32
        %dma_start3A_282 = tpu.memref_slice %arg10[%dma_start3A_279, %dma_start3A_281] : memref<2x128xi32, #tpu.memory_space<vmem>> -> memref<1x128xi32, #tpu.memory_space<vmem>>
        %dma_start3A_283 = tpu.memref_squeeze %dma_start3A_282 : memref<1x128xi32, #tpu.memory_space<vmem>> -> memref<128xi32, #tpu.memory_space<vmem>>
        %dma_start3A_284 = arith.constant 0 : i32
        %dma_start3A_285 = tpu.memref_slice %arg5[%add3A_278, %dma_start3A_284] : memref<2560x128xi32, #tpu.memory_space<hbm>> -> memref<1x128xi32, #tpu.memory_space<hbm>>
        %dma_start3A_286 = tpu.memref_squeeze %dma_start3A_285 : memref<1x128xi32, #tpu.memory_space<hbm>> -> memref<128xi32, #tpu.memory_space<hbm>>
        %dma_start3A_287 = tpu.memref_slice %arg14[%dma_start3A_280] : memref<2x!tpu.dma_semaphore, #tpu.memory_space<semaphore_mem>> -> memref<1x!tpu.dma_semaphore, #tpu.memory_space<semaphore_mem>>
        %dma_start3A_288 = tpu.memref_squeeze %dma_start3A_287 : memref<1x!tpu.dma_semaphore, #tpu.memory_space<semaphore_mem>> -> memref<!tpu.dma_semaphore, #tpu.memory_space<semaphore_mem>>
        %dma_start3A_289 = arith.constant 0 : i32
        %dma_start3A_290 = tpu.memref_slice %arg10[%dma_start3A_279, %dma_start3A_289] : memref<2x128xi32, #tpu.memory_space<vmem>> -> memref<1x128xi32, #tpu.memory_space<vmem>>
        %dma_start3A_291 = tpu.memref_squeeze %dma_start3A_290 : memref<1x128xi32, #tpu.memory_space<vmem>> -> memref<128xi32, #tpu.memory_space<vmem>>
        %dma_start3A_292 = arith.constant 0 : i32
        %dma_start3A_293 = tpu.memref_slice %arg5[%add3A_278, %dma_start3A_292] : memref<2560x128xi32, #tpu.memory_space<hbm>> -> memref<1x128xi32, #tpu.memory_space<hbm>>
        %dma_start3A_294 = tpu.memref_squeeze %dma_start3A_293 : memref<1x128xi32, #tpu.memory_space<hbm>> -> memref<128xi32, #tpu.memory_space<hbm>>
        tpu.enqueue_dma source(%dma_start3A_294 : memref<128xi32, #tpu.memory_space<hbm>>) target(%dma_start3A_291 : memref<128xi32, #tpu.memory_space<vmem>>) target_semaphore(%dma_start3A_288 : memref<!tpu.dma_semaphore, #tpu.memory_space<semaphore_mem>>)
      } else {
      }
    }
    return
  }
}

#map = affine_map<(d0, d1) -> (0, 0)>
#map1 = affine_map<(d0, d1) -> (0, 0, 0)>
module attributes {stable_mosaic.version = 14 : i64} {
  func.func @k(%arg0: i32, %arg1: i32, %arg2: memref<327680x128xf32, #tpu.memory_space<hbm>>, %arg3: memref<32x80x128xi32, #tpu.memory_space<hbm>>, %arg4: memref<10240x128xf32, #tpu.memory_space<hbm>>, %arg5: memref<2560x128xi32, #tpu.memory_space<hbm>>, %arg6: memref<2x10240x128xf32, #tpu.memory_space<hbm>>, %arg7: memref<327680x128xf32, #tpu.memory_space<hbm>>, %arg8: memref<80x128xi32, #tpu.memory_space<vmem>>, %arg9: memref<2x128x128xf32, #tpu.memory_space<vmem>>, %arg10: memref<2x128xi32, #tpu.memory_space<vmem>>, %arg11: memref<10240x128xf32, #tpu.memory_space<vmem_shared>>, %arg12: memref<2x!tpu.dma_semaphore, #tpu.memory_space<semaphore_mem>>, %arg13: memref<2x!tpu.dma_semaphore, #tpu.memory_space<semaphore_mem>>, %arg14: memref<2x!tpu.dma_semaphore, #tpu.memory_space<semaphore_mem>>) attributes {dimension_semantics = [#tpu.dimension_semantics<core_parallel>, #tpu.dimension_semantics<subcore_parallel>], iteration_bounds = array<i64: 2, 16>, scalar_prefetch = 0 : i64, scratch_operands = 7 : i64, tpu.core_type = #tpu.core_type<sc_vector_subcore>, window_params = [{transform_indices = #map}, {transform_indices = #map1}, {transform_indices = #map}, {transform_indices = #map}, {transform_indices = #map1}, {transform_indices = #map}]} {
    %mul3A = arith.constant 2 : i32
    %mul3A_0 = arith.muli %arg1, %mul3A : i32
    %add3A = arith.addi %mul3A_0, %arg0 : i32
    %mul3A_1 = arith.constant 640 : i32
    %mul3A_2 = arith.muli %arg1, %mul3A_1 : i32
    %mul3A_3 = arith.constant 640 : i32
    %mul3A_4 = arith.muli %arg1, %mul3A_3 : i32
    "tpu.region"() ({
      %run_scoped3A = tpu.sem_alloc : memref<!tpu.dma_semaphore, #tpu.memory_space<semaphore_mem>>
      %dma_start3A_155 = arith.constant 0 : i32
      %dma_start3A_156 = tpu.memref_slice %arg11[%mul3A_4, %dma_start3A_155] : memref<10240x128xf32, #tpu.memory_space<vmem_shared>> -> memref<640x128xf32, #tpu.memory_space<vmem_shared>>
      %dma_start3A_157 = arith.constant 0 : i32
      %dma_start3A_158 = tpu.memref_slice %arg4[%mul3A_2, %dma_start3A_157] : memref<10240x128xf32, #tpu.memory_space<hbm>> -> memref<640x128xf32, #tpu.memory_space<hbm>>
      tpu.enqueue_dma source(%dma_start3A_158 : memref<640x128xf32, #tpu.memory_space<hbm>>) target(%dma_start3A_156 : memref<640x128xf32, #tpu.memory_space<vmem_shared>>) target_semaphore(%run_scoped3A : memref<!tpu.dma_semaphore, #tpu.memory_space<semaphore_mem>>)
      %dma_wait3A_159 = arith.constant 0 : i32
      %dma_wait3A_160 = tpu.memref_slice %arg11[%mul3A_4, %dma_wait3A_159] : memref<10240x128xf32, #tpu.memory_space<vmem_shared>> -> memref<640x128xf32, #tpu.memory_space<vmem_shared>>
      %dma_wait3A_161 = arith.constant 0 : i32
      %dma_wait3A_162 = tpu.memref_slice %arg4[%mul3A_2, %dma_wait3A_161] : memref<10240x128xf32, #tpu.memory_space<hbm>> -> memref<640x128xf32, #tpu.memory_space<hbm>>
      tpu.wait_dma2 semaphore(%run_scoped3A : memref<!tpu.dma_semaphore, #tpu.memory_space<semaphore_mem>>) src(%dma_wait3A_162 : memref<640x128xf32, #tpu.memory_space<hbm>>) dst(%dma_wait3A_160 : memref<640x128xf32, #tpu.memory_space<vmem_shared>>)
      tpu.yield
    }) : () -> ()
    "tpu.region"() ({
      %run_scoped3A = tpu.sem_alloc : memref<!tpu.dma_semaphore, #tpu.memory_space<semaphore_mem>>
      %dma_start3A_155 = arith.constant 0 : i32
      %dma_start3A_156 = arith.constant 0 : i32
      %dma_start3A_157 = tpu.memref_slice %arg3[%add3A, %dma_start3A_155, %dma_start3A_156] : memref<32x80x128xi32, #tpu.memory_space<hbm>> -> memref<1x80x128xi32, #tpu.memory_space<hbm>>
      %dma_start3A_158 = tpu.memref_squeeze %dma_start3A_157 : memref<1x80x128xi32, #tpu.memory_space<hbm>> -> memref<80x128xi32, #tpu.memory_space<hbm>>
      %dma_start3A_159 = arith.constant 0 : i32
      %dma_start3A_160 = arith.constant 0 : i32
      %dma_start3A_161 = tpu.memref_slice %arg3[%add3A, %dma_start3A_159, %dma_start3A_160] : memref<32x80x128xi32, #tpu.memory_space<hbm>> -> memref<1x80x128xi32, #tpu.memory_space<hbm>>
      %dma_start3A_162 = tpu.memref_squeeze %dma_start3A_161 : memref<1x80x128xi32, #tpu.memory_space<hbm>> -> memref<80x128xi32, #tpu.memory_space<hbm>>
      tpu.enqueue_dma source(%dma_start3A_162 : memref<80x128xi32, #tpu.memory_space<hbm>>) target(%arg8 : memref<80x128xi32, #tpu.memory_space<vmem>>) target_semaphore(%run_scoped3A : memref<!tpu.dma_semaphore, #tpu.memory_space<semaphore_mem>>)
      %dma_wait3A_163 = arith.constant 0 : i32
      %dma_wait3A_164 = arith.constant 0 : i32
      %dma_wait3A_165 = tpu.memref_slice %arg3[%add3A, %dma_wait3A_163, %dma_wait3A_164] : memref<32x80x128xi32, #tpu.memory_space<hbm>> -> memref<1x80x128xi32, #tpu.memory_space<hbm>>
      %dma_wait3A_166 = tpu.memref_squeeze %dma_wait3A_165 : memref<1x80x128xi32, #tpu.memory_space<hbm>> -> memref<80x128xi32, #tpu.memory_space<hbm>>
      %dma_wait3A_167 = arith.constant 0 : i32
      %dma_wait3A_168 = arith.constant 0 : i32
      %dma_wait3A_169 = tpu.memref_slice %arg3[%add3A, %dma_wait3A_167, %dma_wait3A_168] : memref<32x80x128xi32, #tpu.memory_space<hbm>> -> memref<1x80x128xi32, #tpu.memory_space<hbm>>
      %dma_wait3A_170 = tpu.memref_squeeze %dma_wait3A_169 : memref<1x80x128xi32, #tpu.memory_space<hbm>> -> memref<80x128xi32, #tpu.memory_space<hbm>>
      tpu.wait_dma2 semaphore(%run_scoped3A : memref<!tpu.dma_semaphore, #tpu.memory_space<semaphore_mem>>) src(%dma_wait3A_170 : memref<80x128xi32, #tpu.memory_space<hbm>>) dst(%arg8 : memref<80x128xi32, #tpu.memory_space<vmem>>)
      tpu.yield
    }) : () -> ()
    %barrier3A = arith.constant 0 : index
    tpu.barrier barrier_id(%barrier3A)
    %mul3A_5 = arith.constant 10240 : i32
    %mul3A_6 = arith.muli %add3A, %mul3A_5 : i32
    %add3A_7 = arith.constant 0 : i32
    %add3A_8 = arith.addi %mul3A_6, %add3A_7 : i32
    %dma_start3A = arith.constant 0 : i32
    %dma_start3A_9 = arith.constant 0 : i32
    %dma_start3A_10 = arith.constant 0 : i32
    %dma_start3A_11 = arith.constant 0 : i32
    %dma_start3A_12 = tpu.memref_slice %arg9[%dma_start3A, %dma_start3A_10, %dma_start3A_11] : memref<2x128x128xf32, #tpu.memory_space<vmem>> -> memref<1x128x128xf32, #tpu.memory_space<vmem>>
    %dma_start3A_13 = tpu.memref_squeeze %dma_start3A_12 : memref<1x128x128xf32, #tpu.memory_space<vmem>> -> memref<128x128xf32, #tpu.memory_space<vmem>>
    %dma_start3A_14 = arith.constant 0 : i32
    %dma_start3A_15 = tpu.memref_slice %arg2[%add3A_8, %dma_start3A_14] : memref<327680x128xf32, #tpu.memory_space<hbm>> -> memref<128x128xf32, #tpu.memory_space<hbm>>
    %dma_start3A_16 = tpu.memref_slice %arg12[%dma_start3A_9] : memref<2x!tpu.dma_semaphore, #tpu.memory_space<semaphore_mem>> -> memref<1x!tpu.dma_semaphore, #tpu.memory_space<semaphore_mem>>
    %dma_start3A_17 = tpu.memref_squeeze %dma_start3A_16 : memref<1x!tpu.dma_semaphore, #tpu.memory_space<semaphore_mem>> -> memref<!tpu.dma_semaphore, #tpu.memory_space<semaphore_mem>>
    %dma_start3A_18 = arith.constant 0 : i32
    %dma_start3A_19 = arith.constant 0 : i32
    %dma_start3A_20 = tpu.memref_slice %arg9[%dma_start3A, %dma_start3A_18, %dma_start3A_19] : memref<2x128x128xf32, #tpu.memory_space<vmem>> -> memref<1x128x128xf32, #tpu.memory_space<vmem>>
    %dma_start3A_21 = tpu.memref_squeeze %dma_start3A_20 : memref<1x128x128xf32, #tpu.memory_space<vmem>> -> memref<128x128xf32, #tpu.memory_space<vmem>>
    %dma_start3A_22 = arith.constant 0 : i32
    %dma_start3A_23 = tpu.memref_slice %arg2[%add3A_8, %dma_start3A_22] : memref<327680x128xf32, #tpu.memory_space<hbm>> -> memref<128x128xf32, #tpu.memory_space<hbm>>
    tpu.enqueue_dma source(%dma_start3A_23 : memref<128x128xf32, #tpu.memory_space<hbm>>) target(%dma_start3A_21 : memref<128x128xf32, #tpu.memory_space<vmem>>) target_semaphore(%dma_start3A_17 : memref<!tpu.dma_semaphore, #tpu.memory_space<semaphore_mem>>)
    %add3A_24 = arith.constant 128 : i32
    %add3A_25 = arith.addi %mul3A_6, %add3A_24 : i32
    %dma_start3A_26 = arith.constant 1 : i32
    %dma_start3A_27 = arith.constant 1 : i32
    %dma_start3A_28 = arith.constant 0 : i32
    %dma_start3A_29 = arith.constant 0 : i32
    %dma_start3A_30 = tpu.memref_slice %arg9[%dma_start3A_26, %dma_start3A_28, %dma_start3A_29] : memref<2x128x128xf32, #tpu.memory_space<vmem>> -> memref<1x128x128xf32, #tpu.memory_space<vmem>>
    %dma_start3A_31 = tpu.memref_squeeze %dma_start3A_30 : memref<1x128x128xf32, #tpu.memory_space<vmem>> -> memref<128x128xf32, #tpu.memory_space<vmem>>
    %dma_start3A_32 = arith.constant 0 : i32
    %dma_start3A_33 = tpu.memref_slice %arg2[%add3A_25, %dma_start3A_32] : memref<327680x128xf32, #tpu.memory_space<hbm>> -> memref<128x128xf32, #tpu.memory_space<hbm>>
    %dma_start3A_34 = tpu.memref_slice %arg12[%dma_start3A_27] : memref<2x!tpu.dma_semaphore, #tpu.memory_space<semaphore_mem>> -> memref<1x!tpu.dma_semaphore, #tpu.memory_space<semaphore_mem>>
    %dma_start3A_35 = tpu.memref_squeeze %dma_start3A_34 : memref<1x!tpu.dma_semaphore, #tpu.memory_space<semaphore_mem>> -> memref<!tpu.dma_semaphore, #tpu.memory_space<semaphore_mem>>
    %dma_start3A_36 = arith.constant 0 : i32
    %dma_start3A_37 = arith.constant 0 : i32
    %dma_start3A_38 = tpu.memref_slice %arg9[%dma_start3A_26, %dma_start3A_36, %dma_start3A_37] : memref<2x128x128xf32, #tpu.memory_space<vmem>> -> memref<1x128x128xf32, #tpu.memory_space<vmem>>
    %dma_start3A_39 = tpu.memref_squeeze %dma_start3A_38 : memref<1x128x128xf32, #tpu.memory_space<vmem>> -> memref<128x128xf32, #tpu.memory_space<vmem>>
    %dma_start3A_40 = arith.constant 0 : i32
    %dma_start3A_41 = tpu.memref_slice %arg2[%add3A_25, %dma_start3A_40] : memref<327680x128xf32, #tpu.memory_space<hbm>> -> memref<128x128xf32, #tpu.memory_space<hbm>>
    tpu.enqueue_dma source(%dma_start3A_41 : memref<128x128xf32, #tpu.memory_space<hbm>>) target(%dma_start3A_39 : memref<128x128xf32, #tpu.memory_space<vmem>>) target_semaphore(%dma_start3A_35 : memref<!tpu.dma_semaphore, #tpu.memory_space<semaphore_mem>>)
    %scan3A = arith.constant 0 : i32
    %scan3A_42 = arith.constant 0 : i32
    %scan3A_43 = arith.constant 40 : i32
    %scan3A_44 = arith.addi %scan3A_42, %scan3A_43 : i32
    %scan3A_45 = arith.constant 1 : i32
    scf.for %scan3A_155 = %scan3A_42 to %scan3A_44 step %scan3A_45  : i32 {
      %mul3A_156 = arith.constant 2 : i32
      %mul3A_157 = arith.muli %mul3A_156, %scan3A_155 : i32
      %mul3A_158 = arith.constant 128 : i32
      %mul3A_159 = arith.muli %mul3A_157, %mul3A_158 : i32
      %add3A_160 = arith.addi %mul3A_6, %mul3A_159 : i32
      %dma_wait3A_161 = arith.constant 0 : i32
      %dma_wait3A_162 = arith.constant 0 : i32
      %dma_wait3A_163 = arith.constant 0 : i32
      %dma_wait3A_164 = arith.constant 0 : i32
      %dma_wait3A_165 = tpu.memref_slice %arg9[%dma_wait3A_161, %dma_wait3A_163, %dma_wait3A_164] : memref<2x128x128xf32, #tpu.memory_space<vmem>> -> memref<1x128x128xf32, #tpu.memory_space<vmem>>
      %dma_wait3A_166 = tpu.memref_squeeze %dma_wait3A_165 : memref<1x128x128xf32, #tpu.memory_space<vmem>> -> memref<128x128xf32, #tpu.memory_space<vmem>>
      %dma_wait3A_167 = arith.constant 0 : i32
      %dma_wait3A_168 = tpu.memref_slice %arg2[%add3A_160, %dma_wait3A_167] : memref<327680x128xf32, #tpu.memory_space<hbm>> -> memref<128x128xf32, #tpu.memory_space<hbm>>
      %dma_wait3A_169 = tpu.memref_slice %arg12[%dma_wait3A_162] : memref<2x!tpu.dma_semaphore, #tpu.memory_space<semaphore_mem>> -> memref<1x!tpu.dma_semaphore, #tpu.memory_space<semaphore_mem>>
      %dma_wait3A_170 = tpu.memref_squeeze %dma_wait3A_169 : memref<1x!tpu.dma_semaphore, #tpu.memory_space<semaphore_mem>> -> memref<!tpu.dma_semaphore, #tpu.memory_space<semaphore_mem>>
      %dma_wait3A_171 = arith.constant 0 : i32
      %dma_wait3A_172 = arith.constant 0 : i32
      %dma_wait3A_173 = tpu.memref_slice %arg9[%dma_wait3A_161, %dma_wait3A_171, %dma_wait3A_172] : memref<2x128x128xf32, #tpu.memory_space<vmem>> -> memref<1x128x128xf32, #tpu.memory_space<vmem>>
      %dma_wait3A_174 = tpu.memref_squeeze %dma_wait3A_173 : memref<1x128x128xf32, #tpu.memory_space<vmem>> -> memref<128x128xf32, #tpu.memory_space<vmem>>
      %dma_wait3A_175 = arith.constant 0 : i32
      %dma_wait3A_176 = tpu.memref_slice %arg2[%add3A_160, %dma_wait3A_175] : memref<327680x128xf32, #tpu.memory_space<hbm>> -> memref<128x128xf32, #tpu.memory_space<hbm>>
      tpu.wait_dma2 semaphore(%dma_wait3A_170 : memref<!tpu.dma_semaphore, #tpu.memory_space<semaphore_mem>>) src(%dma_wait3A_176 : memref<128x128xf32, #tpu.memory_space<hbm>>) dst(%dma_wait3A_174 : memref<128x128xf32, #tpu.memory_space<vmem>>)
      %dma_start3A_177 = arith.constant 0 : i32
      %dma_start3A_178 = arith.constant 0 : i32
      %dma_start3A_179 = arith.constant 0 : i32
      %dma_start3A_180 = arith.constant 0 : i32
      %dma_start3A_181 = tpu.memref_slice %arg9[%dma_start3A_177, %dma_start3A_179, %dma_start3A_180] : memref<2x128x128xf32, #tpu.memory_space<vmem>> -> memref<1x128x128xf32, #tpu.memory_space<vmem>>
      %dma_start3A_182 = tpu.memref_squeeze %dma_start3A_181 : memref<1x128x128xf32, #tpu.memory_space<vmem>> -> memref<128x128xf32, #tpu.memory_space<vmem>>
      %dma_start3A_183 = arith.constant 0 : i32
      %dma_start3A_184 = tpu.memref_slice %arg8[%mul3A_157, %dma_start3A_183] : memref<80x128xi32, #tpu.memory_space<vmem>> -> memref<1x128xi32, #tpu.memory_space<vmem>>
      %dma_start3A_185 = tpu.memref_squeeze %dma_start3A_184 : memref<1x128xi32, #tpu.memory_space<vmem>> -> memref<128xi32, #tpu.memory_space<vmem>>
      %dma_start3A_186 = arith.constant 0 : i32
      %dma_start3A_187 = arith.constant 0 : i32
      %dma_start3A_188 = tpu.memref_slice %arg11[%dma_start3A_186, %dma_start3A_187] : memref<10240x128xf32, #tpu.memory_space<vmem_shared>> -> memref<10240x128xf32, #tpu.memory_space<vmem_shared>>
      %dma_start3A_189 = tpu.memref_slice %arg13[%dma_start3A_178] : memref<2x!tpu.dma_semaphore, #tpu.memory_space<semaphore_mem>> -> memref<1x!tpu.dma_semaphore, #tpu.memory_space<semaphore_mem>>
      %dma_start3A_190 = tpu.memref_squeeze %dma_start3A_189 : memref<1x!tpu.dma_semaphore, #tpu.memory_space<semaphore_mem>> -> memref<!tpu.dma_semaphore, #tpu.memory_space<semaphore_mem>>
      tpu.enqueue_indirect_dma source(%dma_start3A_182 : memref<128x128xf32, #tpu.memory_space<vmem>>) target(%dma_start3A_188 : memref<10240x128xf32, #tpu.memory_space<vmem_shared>>) offsets(%dma_start3A_185 : memref<128xi32, #tpu.memory_space<vmem>>) semaphore(%dma_start3A_190 : memref<!tpu.dma_semaphore, #tpu.memory_space<semaphore_mem>>) {add = true}
      %add3A_191 = arith.constant 1 : i32
      %add3A_192 = arith.addi %mul3A_157, %add3A_191 : i32
      %mul3A_193 = arith.constant 128 : i32
      %mul3A_194 = arith.muli %add3A_192, %mul3A_193 : i32
      %add3A_195 = arith.addi %mul3A_6, %mul3A_194 : i32
      %dma_wait3A_196 = arith.constant 1 : i32
      %dma_wait3A_197 = arith.constant 1 : i32
      %dma_wait3A_198 = arith.constant 0 : i32
      %dma_wait3A_199 = arith.constant 0 : i32
      %dma_wait3A_200 = tpu.memref_slice %arg9[%dma_wait3A_196, %dma_wait3A_198, %dma_wait3A_199] : memref<2x128x128xf32, #tpu.memory_space<vmem>> -> memref<1x128x128xf32, #tpu.memory_space<vmem>>
      %dma_wait3A_201 = tpu.memref_squeeze %dma_wait3A_200 : memref<1x128x128xf32, #tpu.memory_space<vmem>> -> memref<128x128xf32, #tpu.memory_space<vmem>>
      %dma_wait3A_202 = arith.constant 0 : i32
      %dma_wait3A_203 = tpu.memref_slice %arg2[%add3A_195, %dma_wait3A_202] : memref<327680x128xf32, #tpu.memory_space<hbm>> -> memref<128x128xf32, #tpu.memory_space<hbm>>
      %dma_wait3A_204 = tpu.memref_slice %arg12[%dma_wait3A_197] : memref<2x!tpu.dma_semaphore, #tpu.memory_space<semaphore_mem>> -> memref<1x!tpu.dma_semaphore, #tpu.memory_space<semaphore_mem>>
      %dma_wait3A_205 = tpu.memref_squeeze %dma_wait3A_204 : memref<1x!tpu.dma_semaphore, #tpu.memory_space<semaphore_mem>> -> memref<!tpu.dma_semaphore, #tpu.memory_space<semaphore_mem>>
      %dma_wait3A_206 = arith.constant 0 : i32
      %dma_wait3A_207 = arith.constant 0 : i32
      %dma_wait3A_208 = tpu.memref_slice %arg9[%dma_wait3A_196, %dma_wait3A_206, %dma_wait3A_207] : memref<2x128x128xf32, #tpu.memory_space<vmem>> -> memref<1x128x128xf32, #tpu.memory_space<vmem>>
      %dma_wait3A_209 = tpu.memref_squeeze %dma_wait3A_208 : memref<1x128x128xf32, #tpu.memory_space<vmem>> -> memref<128x128xf32, #tpu.memory_space<vmem>>
      %dma_wait3A_210 = arith.constant 0 : i32
      %dma_wait3A_211 = tpu.memref_slice %arg2[%add3A_195, %dma_wait3A_210] : memref<327680x128xf32, #tpu.memory_space<hbm>> -> memref<128x128xf32, #tpu.memory_space<hbm>>
      tpu.wait_dma2 semaphore(%dma_wait3A_205 : memref<!tpu.dma_semaphore, #tpu.memory_space<semaphore_mem>>) src(%dma_wait3A_211 : memref<128x128xf32, #tpu.memory_space<hbm>>) dst(%dma_wait3A_209 : memref<128x128xf32, #tpu.memory_space<vmem>>)
      %add3A_212 = arith.constant 1 : i32
      %add3A_213 = arith.addi %mul3A_157, %add3A_212 : i32
      %dma_start3A_214 = arith.constant 1 : i32
      %dma_start3A_215 = arith.constant 1 : i32
      %dma_start3A_216 = arith.constant 0 : i32
      %dma_start3A_217 = arith.constant 0 : i32
      %dma_start3A_218 = tpu.memref_slice %arg9[%dma_start3A_214, %dma_start3A_216, %dma_start3A_217] : memref<2x128x128xf32, #tpu.memory_space<vmem>> -> memref<1x128x128xf32, #tpu.memory_space<vmem>>
      %dma_start3A_219 = tpu.memref_squeeze %dma_start3A_218 : memref<1x128x128xf32, #tpu.memory_space<vmem>> -> memref<128x128xf32, #tpu.memory_space<vmem>>
      %dma_start3A_220 = arith.constant 0 : i32
      %dma_start3A_221 = tpu.memref_slice %arg8[%add3A_213, %dma_start3A_220] : memref<80x128xi32, #tpu.memory_space<vmem>> -> memref<1x128xi32, #tpu.memory_space<vmem>>
      %dma_start3A_222 = tpu.memref_squeeze %dma_start3A_221 : memref<1x128xi32, #tpu.memory_space<vmem>> -> memref<128xi32, #tpu.memory_space<vmem>>
      %dma_start3A_223 = arith.constant 0 : i32
      %dma_start3A_224 = arith.constant 0 : i32
      %dma_start3A_225 = tpu.memref_slice %arg11[%dma_start3A_223, %dma_start3A_224] : memref<10240x128xf32, #tpu.memory_space<vmem_shared>> -> memref<10240x128xf32, #tpu.memory_space<vmem_shared>>
      %dma_start3A_226 = tpu.memref_slice %arg13[%dma_start3A_215] : memref<2x!tpu.dma_semaphore, #tpu.memory_space<semaphore_mem>> -> memref<1x!tpu.dma_semaphore, #tpu.memory_space<semaphore_mem>>
      %dma_start3A_227 = tpu.memref_squeeze %dma_start3A_226 : memref<1x!tpu.dma_semaphore, #tpu.memory_space<semaphore_mem>> -> memref<!tpu.dma_semaphore, #tpu.memory_space<semaphore_mem>>
      tpu.enqueue_indirect_dma source(%dma_start3A_219 : memref<128x128xf32, #tpu.memory_space<vmem>>) target(%dma_start3A_225 : memref<10240x128xf32, #tpu.memory_space<vmem_shared>>) offsets(%dma_start3A_222 : memref<128xi32, #tpu.memory_space<vmem>>) semaphore(%dma_start3A_227 : memref<!tpu.dma_semaphore, #tpu.memory_space<semaphore_mem>>) {add = true}
      %add3A_228 = arith.constant 2 : i32
      %add3A_229 = arith.addi %mul3A_157, %add3A_228 : i32
      %lt3A = arith.constant 80 : i32
      %lt3A_230 = arith.cmpi slt, %add3A_229, %lt3A : i32
      %convert_element_type3A = arith.extui %lt3A_230 : i1 to i32
      %cond3A = arith.constant 0 : i32
      %cond3A_231 = arith.cmpi ne, %convert_element_type3A, %cond3A : i32
      scf.if %cond3A_231 {
        %dma_wait3A_232 = arith.constant 0 : i32
        %dma_wait3A_233 = arith.constant 0 : i32
        %dma_wait3A_234 = arith.constant 0 : i32
        %dma_wait3A_235 = arith.constant 0 : i32
        %dma_wait3A_236 = tpu.memref_slice %arg9[%dma_wait3A_232, %dma_wait3A_234, %dma_wait3A_235] : memref<2x128x128xf32, #tpu.memory_space<vmem>> -> memref<1x128x128xf32, #tpu.memory_space<vmem>>
        %dma_wait3A_237 = tpu.memref_squeeze %dma_wait3A_236 : memref<1x128x128xf32, #tpu.memory_space<vmem>> -> memref<128x128xf32, #tpu.memory_space<vmem>>
        %dma_wait3A_238 = arith.constant 0 : i32
        %dma_wait3A_239 = tpu.memref_slice %arg8[%mul3A_157, %dma_wait3A_238] : memref<80x128xi32, #tpu.memory_space<vmem>> -> memref<1x128xi32, #tpu.memory_space<vmem>>
        %dma_wait3A_240 = tpu.memref_squeeze %dma_wait3A_239 : memref<1x128xi32, #tpu.memory_space<vmem>> -> memref<128xi32, #tpu.memory_space<vmem>>
        %dma_wait3A_241 = arith.constant 0 : i32
        %dma_wait3A_242 = arith.constant 0 : i32
        %dma_wait3A_243 = tpu.memref_slice %arg11[%dma_wait3A_241, %dma_wait3A_242] : memref<10240x128xf32, #tpu.memory_space<vmem_shared>> -> memref<10240x128xf32, #tpu.memory_space<vmem_shared>>
        %dma_wait3A_244 = tpu.memref_slice %arg13[%dma_wait3A_233] : memref<2x!tpu.dma_semaphore, #tpu.memory_space<semaphore_mem>> -> memref<1x!tpu.dma_semaphore, #tpu.memory_space<semaphore_mem>>
        %dma_wait3A_245 = tpu.memref_squeeze %dma_wait3A_244 : memref<1x!tpu.dma_semaphore, #tpu.memory_space<semaphore_mem>> -> memref<!tpu.dma_semaphore, #tpu.memory_space<semaphore_mem>>
        tpu.wait_indirect_dma semaphore(%dma_wait3A_245 : memref<!tpu.dma_semaphore, #tpu.memory_space<semaphore_mem>>) src(%dma_wait3A_237 : memref<128x128xf32, #tpu.memory_space<vmem>>) dst(%dma_wait3A_243 : memref<10240x128xf32, #tpu.memory_space<vmem_shared>>)
        %add3A_246 = arith.constant 2 : i32
        %add3A_247 = arith.addi %mul3A_157, %add3A_246 : i32
        %mul3A_248 = arith.constant 128 : i32
        %mul3A_249 = arith.muli %add3A_247, %mul3A_248 : i32
        %add3A_250 = arith.addi %mul3A_6, %mul3A_249 : i32
        %dma_start3A_251 = arith.constant 0 : i32
        %dma_start3A_252 = arith.constant 0 : i32
        %dma_start3A_253 = arith.constant 0 : i32
        %dma_start3A_254 = arith.constant 0 : i32
        %dma_start3A_255 = tpu.memref_slice %arg9[%dma_start3A_251, %dma_start3A_253, %dma_start3A_254] : memref<2x128x128xf32, #tpu.memory_space<vmem>> -> memref<1x128x128xf32, #tpu.memory_space<vmem>>
        %dma_start3A_256 = tpu.memref_squeeze %dma_start3A_255 : memref<1x128x128xf32, #tpu.memory_space<vmem>> -> memref<128x128xf32, #tpu.memory_space<vmem>>
        %dma_start3A_257 = arith.constant 0 : i32
        %dma_start3A_258 = tpu.memref_slice %arg2[%add3A_250, %dma_start3A_257] : memref<327680x128xf32, #tpu.memory_space<hbm>> -> memref<128x128xf32, #tpu.memory_space<hbm>>
        %dma_start3A_259 = tpu.memref_slice %arg12[%dma_start3A_252] : memref<2x!tpu.dma_semaphore, #tpu.memory_space<semaphore_mem>> -> memref<1x!tpu.dma_semaphore, #tpu.memory_space<semaphore_mem>>
        %dma_start3A_260 = tpu.memref_squeeze %dma_start3A_259 : memref<1x!tpu.dma_semaphore, #tpu.memory_space<semaphore_mem>> -> memref<!tpu.dma_semaphore, #tpu.memory_space<semaphore_mem>>
        %dma_start3A_261 = arith.constant 0 : i32
        %dma_start3A_262 = arith.constant 0 : i32
        %dma_start3A_263 = tpu.memref_slice %arg9[%dma_start3A_251, %dma_start3A_261, %dma_start3A_262] : memref<2x128x128xf32, #tpu.memory_space<vmem>> -> memref<1x128x128xf32, #tpu.memory_space<vmem>>
        %dma_start3A_264 = tpu.memref_squeeze %dma_start3A_263 : memref<1x128x128xf32, #tpu.memory_space<vmem>> -> memref<128x128xf32, #tpu.memory_space<vmem>>
        %dma_start3A_265 = arith.constant 0 : i32
        %dma_start3A_266 = tpu.memref_slice %arg2[%add3A_250, %dma_start3A_265] : memref<327680x128xf32, #tpu.memory_space<hbm>> -> memref<128x128xf32, #tpu.memory_space<hbm>>
        tpu.enqueue_dma source(%dma_start3A_266 : memref<128x128xf32, #tpu.memory_space<hbm>>) target(%dma_start3A_264 : memref<128x128xf32, #tpu.memory_space<vmem>>) target_semaphore(%dma_start3A_260 : memref<!tpu.dma_semaphore, #tpu.memory_space<semaphore_mem>>)
        %add3A_267 = arith.constant 1 : i32
        %add3A_268 = arith.addi %mul3A_157, %add3A_267 : i32
        %dma_wait3A_269 = arith.constant 1 : i32
        %dma_wait3A_270 = arith.constant 1 : i32
        %dma_wait3A_271 = arith.constant 0 : i32
        %dma_wait3A_272 = arith.constant 0 : i32
        %dma_wait3A_273 = tpu.memref_slice %arg9[%dma_wait3A_269, %dma_wait3A_271, %dma_wait3A_272] : memref<2x128x128xf32, #tpu.memory_space<vmem>> -> memref<1x128x128xf32, #tpu.memory_space<vmem>>
        %dma_wait3A_274 = tpu.memref_squeeze %dma_wait3A_273 : memref<1x128x128xf32, #tpu.memory_space<vmem>> -> memref<128x128xf32, #tpu.memory_space<vmem>>
        %dma_wait3A_275 = arith.constant 0 : i32
        %dma_wait3A_276 = tpu.memref_slice %arg8[%add3A_268, %dma_wait3A_275] : memref<80x128xi32, #tpu.memory_space<vmem>> -> memref<1x128xi32, #tpu.memory_space<vmem>>
        %dma_wait3A_277 = tpu.memref_squeeze %dma_wait3A_276 : memref<1x128xi32, #tpu.memory_space<vmem>> -> memref<128xi32, #tpu.memory_space<vmem>>
        %dma_wait3A_278 = arith.constant 0 : i32
        %dma_wait3A_279 = arith.constant 0 : i32
        %dma_wait3A_280 = tpu.memref_slice %arg11[%dma_wait3A_278, %dma_wait3A_279] : memref<10240x128xf32, #tpu.memory_space<vmem_shared>> -> memref<10240x128xf32, #tpu.memory_space<vmem_shared>>
        %dma_wait3A_281 = tpu.memref_slice %arg13[%dma_wait3A_270] : memref<2x!tpu.dma_semaphore, #tpu.memory_space<semaphore_mem>> -> memref<1x!tpu.dma_semaphore, #tpu.memory_space<semaphore_mem>>
        %dma_wait3A_282 = tpu.memref_squeeze %dma_wait3A_281 : memref<1x!tpu.dma_semaphore, #tpu.memory_space<semaphore_mem>> -> memref<!tpu.dma_semaphore, #tpu.memory_space<semaphore_mem>>
        tpu.wait_indirect_dma semaphore(%dma_wait3A_282 : memref<!tpu.dma_semaphore, #tpu.memory_space<semaphore_mem>>) src(%dma_wait3A_274 : memref<128x128xf32, #tpu.memory_space<vmem>>) dst(%dma_wait3A_280 : memref<10240x128xf32, #tpu.memory_space<vmem_shared>>)
        %add3A_283 = arith.constant 3 : i32
        %add3A_284 = arith.addi %mul3A_157, %add3A_283 : i32
        %mul3A_285 = arith.constant 128 : i32
        %mul3A_286 = arith.muli %add3A_284, %mul3A_285 : i32
        %add3A_287 = arith.addi %mul3A_6, %mul3A_286 : i32
        %dma_start3A_288 = arith.constant 1 : i32
        %dma_start3A_289 = arith.constant 1 : i32
        %dma_start3A_290 = arith.constant 0 : i32
        %dma_start3A_291 = arith.constant 0 : i32
        %dma_start3A_292 = tpu.memref_slice %arg9[%dma_start3A_288, %dma_start3A_290, %dma_start3A_291] : memref<2x128x128xf32, #tpu.memory_space<vmem>> -> memref<1x128x128xf32, #tpu.memory_space<vmem>>
        %dma_start3A_293 = tpu.memref_squeeze %dma_start3A_292 : memref<1x128x128xf32, #tpu.memory_space<vmem>> -> memref<128x128xf32, #tpu.memory_space<vmem>>
        %dma_start3A_294 = arith.constant 0 : i32
        %dma_start3A_295 = tpu.memref_slice %arg2[%add3A_287, %dma_start3A_294] : memref<327680x128xf32, #tpu.memory_space<hbm>> -> memref<128x128xf32, #tpu.memory_space<hbm>>
        %dma_start3A_296 = tpu.memref_slice %arg12[%dma_start3A_289] : memref<2x!tpu.dma_semaphore, #tpu.memory_space<semaphore_mem>> -> memref<1x!tpu.dma_semaphore, #tpu.memory_space<semaphore_mem>>
        %dma_start3A_297 = tpu.memref_squeeze %dma_start3A_296 : memref<1x!tpu.dma_semaphore, #tpu.memory_space<semaphore_mem>> -> memref<!tpu.dma_semaphore, #tpu.memory_space<semaphore_mem>>
        %dma_start3A_298 = arith.constant 0 : i32
        %dma_start3A_299 = arith.constant 0 : i32
        %dma_start3A_300 = tpu.memref_slice %arg9[%dma_start3A_288, %dma_start3A_298, %dma_start3A_299] : memref<2x128x128xf32, #tpu.memory_space<vmem>> -> memref<1x128x128xf32, #tpu.memory_space<vmem>>
        %dma_start3A_301 = tpu.memref_squeeze %dma_start3A_300 : memref<1x128x128xf32, #tpu.memory_space<vmem>> -> memref<128x128xf32, #tpu.memory_space<vmem>>
        %dma_start3A_302 = arith.constant 0 : i32
        %dma_start3A_303 = tpu.memref_slice %arg2[%add3A_287, %dma_start3A_302] : memref<327680x128xf32, #tpu.memory_space<hbm>> -> memref<128x128xf32, #tpu.memory_space<hbm>>
        tpu.enqueue_dma source(%dma_start3A_303 : memref<128x128xf32, #tpu.memory_space<hbm>>) target(%dma_start3A_301 : memref<128x128xf32, #tpu.memory_space<vmem>>) target_semaphore(%dma_start3A_297 : memref<!tpu.dma_semaphore, #tpu.memory_space<semaphore_mem>>)
      } else {
      }
    }
    %scan3A_46 = arith.constant 40 : i32
    %dma_wait3A = arith.constant 0 : i32
    %dma_wait3A_47 = arith.constant 78 : i32
    %dma_wait3A_48 = arith.constant 0 : i32
    %dma_wait3A_49 = arith.constant 0 : i32
    %dma_wait3A_50 = arith.constant 0 : i32
    %dma_wait3A_51 = tpu.memref_slice %arg9[%dma_wait3A, %dma_wait3A_49, %dma_wait3A_50] : memref<2x128x128xf32, #tpu.memory_space<vmem>> -> memref<1x128x128xf32, #tpu.memory_space<vmem>>
    %dma_wait3A_52 = tpu.memref_squeeze %dma_wait3A_51 : memref<1x128x128xf32, #tpu.memory_space<vmem>> -> memref<128x128xf32, #tpu.memory_space<vmem>>
    %dma_wait3A_53 = arith.constant 0 : i32
    %dma_wait3A_54 = tpu.memref_slice %arg8[%dma_wait3A_47, %dma_wait3A_53] : memref<80x128xi32, #tpu.memory_space<vmem>> -> memref<1x128xi32, #tpu.memory_space<vmem>>
    %dma_wait3A_55 = tpu.memref_squeeze %dma_wait3A_54 : memref<1x128xi32, #tpu.memory_space<vmem>> -> memref<128xi32, #tpu.memory_space<vmem>>
    %dma_wait3A_56 = arith.constant 0 : i32
    %dma_wait3A_57 = arith.constant 0 : i32
    %dma_wait3A_58 = tpu.memref_slice %arg11[%dma_wait3A_56, %dma_wait3A_57] : memref<10240x128xf32, #tpu.memory_space<vmem_shared>> -> memref<10240x128xf32, #tpu.memory_space<vmem_shared>>
    %dma_wait3A_59 = tpu.memref_slice %arg13[%dma_wait3A_48] : memref<2x!tpu.dma_semaphore, #tpu.memory_space<semaphore_mem>> -> memref<1x!tpu.dma_semaphore, #tpu.memory_space<semaphore_mem>>
    %dma_wait3A_60 = tpu.memref_squeeze %dma_wait3A_59 : memref<1x!tpu.dma_semaphore, #tpu.memory_space<semaphore_mem>> -> memref<!tpu.dma_semaphore, #tpu.memory_space<semaphore_mem>>
    tpu.wait_indirect_dma semaphore(%dma_wait3A_60 : memref<!tpu.dma_semaphore, #tpu.memory_space<semaphore_mem>>) src(%dma_wait3A_52 : memref<128x128xf32, #tpu.memory_space<vmem>>) dst(%dma_wait3A_58 : memref<10240x128xf32, #tpu.memory_space<vmem_shared>>)
    %dma_wait3A_61 = arith.constant 1 : i32
    %dma_wait3A_62 = arith.constant 79 : i32
    %dma_wait3A_63 = arith.constant 1 : i32
    %dma_wait3A_64 = arith.constant 0 : i32
    %dma_wait3A_65 = arith.constant 0 : i32
    %dma_wait3A_66 = tpu.memref_slice %arg9[%dma_wait3A_61, %dma_wait3A_64, %dma_wait3A_65] : memref<2x128x128xf32, #tpu.memory_space<vmem>> -> memref<1x128x128xf32, #tpu.memory_space<vmem>>
    %dma_wait3A_67 = tpu.memref_squeeze %dma_wait3A_66 : memref<1x128x128xf32, #tpu.memory_space<vmem>> -> memref<128x128xf32, #tpu.memory_space<vmem>>
    %dma_wait3A_68 = arith.constant 0 : i32
    %dma_wait3A_69 = tpu.memref_slice %arg8[%dma_wait3A_62, %dma_wait3A_68] : memref<80x128xi32, #tpu.memory_space<vmem>> -> memref<1x128xi32, #tpu.memory_space<vmem>>
    %dma_wait3A_70 = tpu.memref_squeeze %dma_wait3A_69 : memref<1x128xi32, #tpu.memory_space<vmem>> -> memref<128xi32, #tpu.memory_space<vmem>>
    %dma_wait3A_71 = arith.constant 0 : i32
    %dma_wait3A_72 = arith.constant 0 : i32
    %dma_wait3A_73 = tpu.memref_slice %arg11[%dma_wait3A_71, %dma_wait3A_72] : memref<10240x128xf32, #tpu.memory_space<vmem_shared>> -> memref<10240x128xf32, #tpu.memory_space<vmem_shared>>
    %dma_wait3A_74 = tpu.memref_slice %arg13[%dma_wait3A_63] : memref<2x!tpu.dma_semaphore, #tpu.memory_space<semaphore_mem>> -> memref<1x!tpu.dma_semaphore, #tpu.memory_space<semaphore_mem>>
    %dma_wait3A_75 = tpu.memref_squeeze %dma_wait3A_74 : memref<1x!tpu.dma_semaphore, #tpu.memory_space<semaphore_mem>> -> memref<!tpu.dma_semaphore, #tpu.memory_space<semaphore_mem>>
    tpu.wait_indirect_dma semaphore(%dma_wait3A_75 : memref<!tpu.dma_semaphore, #tpu.memory_space<semaphore_mem>>) src(%dma_wait3A_67 : memref<128x128xf32, #tpu.memory_space<vmem>>) dst(%dma_wait3A_73 : memref<10240x128xf32, #tpu.memory_space<vmem_shared>>)
    %barrier3A_76 = arith.constant 0 : index
    tpu.barrier barrier_id(%barrier3A_76)
    %mul3A_77 = arith.constant 640 : i32
    %mul3A_78 = arith.muli %arg1, %mul3A_77 : i32
    %mul3A_79 = arith.constant 640 : i32
    %mul3A_80 = arith.muli %arg1, %mul3A_79 : i32
    "tpu.region"() ({
      %run_scoped3A = tpu.sem_alloc : memref<!tpu.dma_semaphore, #tpu.memory_space<semaphore_mem>>
      %dma_start3A_155 = arith.constant 0 : i32
      %dma_start3A_156 = tpu.memref_slice %arg6[%arg0, %mul3A_80, %dma_start3A_155] : memref<2x10240x128xf32, #tpu.memory_space<hbm>> -> memref<1x640x128xf32, #tpu.memory_space<hbm>>
      %dma_start3A_157 = tpu.memref_squeeze %dma_start3A_156 : memref<1x640x128xf32, #tpu.memory_space<hbm>> -> memref<640x128xf32, #tpu.memory_space<hbm>>
      %dma_start3A_158 = arith.constant 0 : i32
      %dma_start3A_159 = tpu.memref_slice %arg11[%mul3A_78, %dma_start3A_158] : memref<10240x128xf32, #tpu.memory_space<vmem_shared>> -> memref<640x128xf32, #tpu.memory_space<vmem_shared>>
      tpu.enqueue_dma source(%dma_start3A_159 : memref<640x128xf32, #tpu.memory_space<vmem_shared>>) target(%dma_start3A_157 : memref<640x128xf32, #tpu.memory_space<hbm>>) target_semaphore(%run_scoped3A : memref<!tpu.dma_semaphore, #tpu.memory_space<semaphore_mem>>)
      %dma_wait3A_160 = arith.constant 0 : i32
      %dma_wait3A_161 = tpu.memref_slice %arg6[%arg0, %mul3A_80, %dma_wait3A_160] : memref<2x10240x128xf32, #tpu.memory_space<hbm>> -> memref<1x640x128xf32, #tpu.memory_space<hbm>>
      %dma_wait3A_162 = tpu.memref_squeeze %dma_wait3A_161 : memref<1x640x128xf32, #tpu.memory_space<hbm>> -> memref<640x128xf32, #tpu.memory_space<hbm>>
      %dma_wait3A_163 = arith.constant 0 : i32
      %dma_wait3A_164 = tpu.memref_slice %arg11[%mul3A_78, %dma_wait3A_163] : memref<10240x128xf32, #tpu.memory_space<vmem_shared>> -> memref<640x128xf32, #tpu.memory_space<vmem_shared>>
      tpu.wait_dma2 semaphore(%run_scoped3A : memref<!tpu.dma_semaphore, #tpu.memory_space<semaphore_mem>>) src(%dma_wait3A_164 : memref<640x128xf32, #tpu.memory_space<vmem_shared>>) dst(%dma_wait3A_162 : memref<640x128xf32, #tpu.memory_space<hbm>>)
      tpu.yield
    }) : () -> ()
    %eq3A = arith.constant 0 : i32
    %eq3A_81 = arith.cmpi eq, %arg0, %eq3A : i32
    %mul3A_82 = arith.constant 120 : i32
    %mul3A_83 = arith.muli %arg1, %mul3A_82 : i32
    %mul3A_84 = arith.constant 40 : i32
    %mul3A_85 = arith.muli %arg1, %mul3A_84 : i32
    %add3A_86 = arith.constant 1920 : i32
    %add3A_87 = arith.addi %add3A_86, %mul3A_85 : i32
    %select_n3A = arith.select %eq3A_81, %mul3A_83, %add3A_87 : i32
    %eq3A_88 = arith.constant 0 : i32
    %eq3A_89 = arith.cmpi eq, %arg0, %eq3A_88 : i32
    %jit3A = arith.constant 120 : i32
    %jit3A_90 = arith.constant 40 : i32
    %select_n3A_91 = arith.select %eq3A_89, %jit3A, %jit3A_90 : i32
    %add3A_92 = arith.constant 0 : i32
    %add3A_93 = arith.addi %select_n3A, %add3A_92 : i32
    %dma_start3A_94 = arith.constant 0 : i32
    %dma_start3A_95 = arith.constant 0 : i32
    %dma_start3A_96 = arith.constant 0 : i32
    %dma_start3A_97 = tpu.memref_slice %arg10[%dma_start3A_94, %dma_start3A_96] : memref<2x128xi32, #tpu.memory_space<vmem>> -> memref<1x128xi32, #tpu.memory_space<vmem>>
    %dma_start3A_98 = tpu.memref_squeeze %dma_start3A_97 : memref<1x128xi32, #tpu.memory_space<vmem>> -> memref<128xi32, #tpu.memory_space<vmem>>
    %dma_start3A_99 = arith.constant 0 : i32
    %dma_start3A_100 = tpu.memref_slice %arg5[%add3A_93, %dma_start3A_99] : memref<2560x128xi32, #tpu.memory_space<hbm>> -> memref<1x128xi32, #tpu.memory_space<hbm>>
    %dma_start3A_101 = tpu.memref_squeeze %dma_start3A_100 : memref<1x128xi32, #tpu.memory_space<hbm>> -> memref<128xi32, #tpu.memory_space<hbm>>
    %dma_start3A_102 = tpu.memref_slice %arg14[%dma_start3A_95] : memref<2x!tpu.dma_semaphore, #tpu.memory_space<semaphore_mem>> -> memref<1x!tpu.dma_semaphore, #tpu.memory_space<semaphore_mem>>
    %dma_start3A_103 = tpu.memref_squeeze %dma_start3A_102 : memref<1x!tpu.dma_semaphore, #tpu.memory_space<semaphore_mem>> -> memref<!tpu.dma_semaphore, #tpu.memory_space<semaphore_mem>>
    %dma_start3A_104 = arith.constant 0 : i32
    %dma_start3A_105 = tpu.memref_slice %arg10[%dma_start3A_94, %dma_start3A_104] : memref<2x128xi32, #tpu.memory_space<vmem>> -> memref<1x128xi32, #tpu.memory_space<vmem>>
    %dma_start3A_106 = tpu.memref_squeeze %dma_start3A_105 : memref<1x128xi32, #tpu.memory_space<vmem>> -> memref<128xi32, #tpu.memory_space<vmem>>
    %dma_start3A_107 = arith.constant 0 : i32
    %dma_start3A_108 = tpu.memref_slice %arg5[%add3A_93, %dma_start3A_107] : memref<2560x128xi32, #tpu.memory_space<hbm>> -> memref<1x128xi32, #tpu.memory_space<hbm>>
    %dma_start3A_109 = tpu.memref_squeeze %dma_start3A_108 : memref<1x128xi32, #tpu.memory_space<hbm>> -> memref<128xi32, #tpu.memory_space<hbm>>
    tpu.enqueue_dma source(%dma_start3A_109 : memref<128xi32, #tpu.memory_space<hbm>>) target(%dma_start3A_106 : memref<128xi32, #tpu.memory_space<vmem>>) target_semaphore(%dma_start3A_103 : memref<!tpu.dma_semaphore, #tpu.memory_space<semaphore_mem>>)
    %add3A_110 = arith.constant 1 : i32
    %add3A_111 = arith.addi %select_n3A, %add3A_110 : i32
    %dma_start3A_112 = arith.constant 1 : i32
    %dma_start3A_113 = arith.constant 1 : i32
    %dma_start3A_114 = arith.constant 0 : i32
    %dma_start3A_115 = tpu.memref_slice %arg10[%dma_start3A_112, %dma_start3A_114] : memref<2x128xi32, #tpu.memory_space<vmem>> -> memref<1x128xi32, #tpu.memory_space<vmem>>
    %dma_start3A_116 = tpu.memref_squeeze %dma_start3A_115 : memref<1x128xi32, #tpu.memory_space<vmem>> -> memref<128xi32, #tpu.memory_space<vmem>>
    %dma_start3A_117 = arith.constant 0 : i32
    %dma_start3A_118 = tpu.memref_slice %arg5[%add3A_111, %dma_start3A_117] : memref<2560x128xi32, #tpu.memory_space<hbm>> -> memref<1x128xi32, #tpu.memory_space<hbm>>
    %dma_start3A_119 = tpu.memref_squeeze %dma_start3A_118 : memref<1x128xi32, #tpu.memory_space<hbm>> -> memref<128xi32, #tpu.memory_space<hbm>>
    %dma_start3A_120 = tpu.memref_slice %arg14[%dma_start3A_113] : memref<2x!tpu.dma_semaphore, #tpu.memory_space<semaphore_mem>> -> memref<1x!tpu.dma_semaphore, #tpu.memory_space<semaphore_mem>>
    %dma_start3A_121 = tpu.memref_squeeze %dma_start3A_120 : memref<1x!tpu.dma_semaphore, #tpu.memory_space<semaphore_mem>> -> memref<!tpu.dma_semaphore, #tpu.memory_space<semaphore_mem>>
    %dma_start3A_122 = arith.constant 0 : i32
    %dma_start3A_123 = tpu.memref_slice %arg10[%dma_start3A_112, %dma_start3A_122] : memref<2x128xi32, #tpu.memory_space<vmem>> -> memref<1x128xi32, #tpu.memory_space<vmem>>
    %dma_start3A_124 = tpu.memref_squeeze %dma_start3A_123 : memref<1x128xi32, #tpu.memory_space<vmem>> -> memref<128xi32, #tpu.memory_space<vmem>>
    %dma_start3A_125 = arith.constant 0 : i32
    %dma_start3A_126 = tpu.memref_slice %arg5[%add3A_111, %dma_start3A_125] : memref<2560x128xi32, #tpu.memory_space<hbm>> -> memref<1x128xi32, #tpu.memory_space<hbm>>
    %dma_start3A_127 = tpu.memref_squeeze %dma_start3A_126 : memref<1x128xi32, #tpu.memory_space<hbm>> -> memref<128xi32, #tpu.memory_space<hbm>>
    tpu.enqueue_dma source(%dma_start3A_127 : memref<128xi32, #tpu.memory_space<hbm>>) target(%dma_start3A_124 : memref<128xi32, #tpu.memory_space<vmem>>) target_semaphore(%dma_start3A_121 : memref<!tpu.dma_semaphore, #tpu.memory_space<semaphore_mem>>)
    %jit3A_128 = arith.constant 2 : i32
    %div3A = arith.divsi %select_n3A_91, %jit3A_128 : i32
    %sign3A = arith.constant 0 : i32
    %sign3A_129 = arith.cmpi sgt, %select_n3A_91, %sign3A : i32
    %sign3A_130 = arith.extui %sign3A_129 : i1 to i32
    %sign3A_131 = arith.constant 0 : i32
    %sign3A_132 = arith.cmpi slt, %select_n3A_91, %sign3A_131 : i32
    %sign3A_133 = arith.extui %sign3A_132 : i1 to i32
    %sign3A_134 = arith.subi %sign3A_130, %sign3A_133 : i32
    %sign3A_135 = arith.constant 0 : i32
    %sign3A_136 = arith.cmpi sgt, %jit3A_128, %sign3A_135 : i32
    %sign3A_137 = arith.extui %sign3A_136 : i1 to i32
    %sign3A_138 = arith.constant 0 : i32
    %sign3A_139 = arith.cmpi slt, %jit3A_128, %sign3A_138 : i32
    %sign3A_140 = arith.extui %sign3A_139 : i1 to i32
    %sign3A_141 = arith.subi %sign3A_137, %sign3A_140 : i32
    %ne3A = arith.cmpi ne, %sign3A_134, %sign3A_141 : i32
    %rem3A = arith.remsi %select_n3A_91, %jit3A_128 : i32
    %ne3A_142 = arith.constant 0 : i32
    %ne3A_143 = arith.cmpi ne, %rem3A, %ne3A_142 : i32
    %and3A = arith.andi %ne3A, %ne3A_143 : i1
    %sub3A = arith.constant 1 : i32
    %sub3A_144 = arith.subi %div3A, %sub3A : i32
    %select_n3A_145 = arith.select %and3A, %sub3A_144, %div3A : i32
    %while3A = arith.constant 0 : i32
    %while3A_146 = arith.constant 0 : i32
    %while3A_147 = arith.subi %select_n3A_145, %while3A_146 : i32
    %while3A_148 = arith.addi %while3A_146, %while3A_147 : i32
    %while3A_149 = arith.constant 1 : i32
    %while3A_150 = arith.divsi %while3A_147, %while3A_149 : i32
    %while3A_151 = arith.muli %while3A_150, %while3A_149 : i32
    %while3A_152 = arith.addi %while3A_146, %while3A_151 : i32
    %while3A_153 = arith.constant 1 : i32
    scf.for %while3A_155 = %while3A_146 to %while3A_152 step %while3A_153  : i32 {
      %mul3A_156 = arith.constant 2 : i32
      %mul3A_157 = arith.muli %mul3A_156, %while3A_155 : i32
      %add3A_158 = arith.addi %select_n3A, %mul3A_157 : i32
      %dma_wait3A_159 = arith.constant 0 : i32
      %dma_wait3A_160 = arith.constant 0 : i32
      %dma_wait3A_161 = arith.constant 0 : i32
      %dma_wait3A_162 = tpu.memref_slice %arg10[%dma_wait3A_159, %dma_wait3A_161] : memref<2x128xi32, #tpu.memory_space<vmem>> -> memref<1x128xi32, #tpu.memory_space<vmem>>
      %dma_wait3A_163 = tpu.memref_squeeze %dma_wait3A_162 : memref<1x128xi32, #tpu.memory_space<vmem>> -> memref<128xi32, #tpu.memory_space<vmem>>
      %dma_wait3A_164 = arith.constant 0 : i32
      %dma_wait3A_165 = tpu.memref_slice %arg5[%add3A_158, %dma_wait3A_164] : memref<2560x128xi32, #tpu.memory_space<hbm>> -> memref<1x128xi32, #tpu.memory_space<hbm>>
      %dma_wait3A_166 = tpu.memref_squeeze %dma_wait3A_165 : memref<1x128xi32, #tpu.memory_space<hbm>> -> memref<128xi32, #tpu.memory_space<hbm>>
      %dma_wait3A_167 = tpu.memref_slice %arg14[%dma_wait3A_160] : memref<2x!tpu.dma_semaphore, #tpu.memory_space<semaphore_mem>> -> memref<1x!tpu.dma_semaphore, #tpu.memory_space<semaphore_mem>>
      %dma_wait3A_168 = tpu.memref_squeeze %dma_wait3A_167 : memref<1x!tpu.dma_semaphore, #tpu.memory_space<semaphore_mem>> -> memref<!tpu.dma_semaphore, #tpu.memory_space<semaphore_mem>>
      %dma_wait3A_169 = arith.constant 0 : i32
      %dma_wait3A_170 = tpu.memref_slice %arg10[%dma_wait3A_159, %dma_wait3A_169] : memref<2x128xi32, #tpu.memory_space<vmem>> -> memref<1x128xi32, #tpu.memory_space<vmem>>
      %dma_wait3A_171 = tpu.memref_squeeze %dma_wait3A_170 : memref<1x128xi32, #tpu.memory_space<vmem>> -> memref<128xi32, #tpu.memory_space<vmem>>
      %dma_wait3A_172 = arith.constant 0 : i32
      %dma_wait3A_173 = tpu.memref_slice %arg5[%add3A_158, %dma_wait3A_172] : memref<2560x128xi32, #tpu.memory_space<hbm>> -> memref<1x128xi32, #tpu.memory_space<hbm>>
      %dma_wait3A_174 = tpu.memref_squeeze %dma_wait3A_173 : memref<1x128xi32, #tpu.memory_space<hbm>> -> memref<128xi32, #tpu.memory_space<hbm>>
      tpu.wait_dma2 semaphore(%dma_wait3A_168 : memref<!tpu.dma_semaphore, #tpu.memory_space<semaphore_mem>>) src(%dma_wait3A_174 : memref<128xi32, #tpu.memory_space<hbm>>) dst(%dma_wait3A_171 : memref<128xi32, #tpu.memory_space<vmem>>)
      %dma_start3A_175 = arith.constant 0 : i32
      %dma_start3A_176 = arith.constant 0 : i32
      %dma_start3A_177 = arith.constant 0 : i32
      %dma_start3A_178 = arith.constant 0 : i32
      %dma_start3A_179 = arith.constant 0 : i32
      %dma_start3A_180 = tpu.memref_slice %arg9[%dma_start3A_176, %dma_start3A_178, %dma_start3A_179] : memref<2x128x128xf32, #tpu.memory_space<vmem>> -> memref<1x128x128xf32, #tpu.memory_space<vmem>>
      %dma_start3A_181 = tpu.memref_squeeze %dma_start3A_180 : memref<1x128x128xf32, #tpu.memory_space<vmem>> -> memref<128x128xf32, #tpu.memory_space<vmem>>
      %dma_start3A_182 = arith.constant 0 : i32
      %dma_start3A_183 = tpu.memref_slice %arg10[%dma_start3A_175, %dma_start3A_182] : memref<2x128xi32, #tpu.memory_space<vmem>> -> memref<1x128xi32, #tpu.memory_space<vmem>>
      %dma_start3A_184 = tpu.memref_squeeze %dma_start3A_183 : memref<1x128xi32, #tpu.memory_space<vmem>> -> memref<128xi32, #tpu.memory_space<vmem>>
      %dma_start3A_185 = arith.constant 0 : i32
      %dma_start3A_186 = arith.constant 0 : i32
      %dma_start3A_187 = tpu.memref_slice %arg2[%dma_start3A_185, %dma_start3A_186] : memref<327680x128xf32, #tpu.memory_space<hbm>> -> memref<327680x128xf32, #tpu.memory_space<hbm>>
      %dma_start3A_188 = tpu.memref_slice %arg12[%dma_start3A_177] : memref<2x!tpu.dma_semaphore, #tpu.memory_space<semaphore_mem>> -> memref<1x!tpu.dma_semaphore, #tpu.memory_space<semaphore_mem>>
      %dma_start3A_189 = tpu.memref_squeeze %dma_start3A_188 : memref<1x!tpu.dma_semaphore, #tpu.memory_space<semaphore_mem>> -> memref<!tpu.dma_semaphore, #tpu.memory_space<semaphore_mem>>
      tpu.enqueue_indirect_dma source(%dma_start3A_187 : memref<327680x128xf32, #tpu.memory_space<hbm>>) target(%dma_start3A_181 : memref<128x128xf32, #tpu.memory_space<vmem>>) offsets(%dma_start3A_184 : memref<128xi32, #tpu.memory_space<vmem>>) semaphore(%dma_start3A_189 : memref<!tpu.dma_semaphore, #tpu.memory_space<semaphore_mem>>)
      %add3A_190 = arith.constant 1 : i32
      %add3A_191 = arith.addi %mul3A_157, %add3A_190 : i32
      %add3A_192 = arith.addi %select_n3A, %add3A_191 : i32
      %dma_wait3A_193 = arith.constant 1 : i32
      %dma_wait3A_194 = arith.constant 1 : i32
      %dma_wait3A_195 = arith.constant 0 : i32
      %dma_wait3A_196 = tpu.memref_slice %arg10[%dma_wait3A_193, %dma_wait3A_195] : memref<2x128xi32, #tpu.memory_space<vmem>> -> memref<1x128xi32, #tpu.memory_space<vmem>>
      %dma_wait3A_197 = tpu.memref_squeeze %dma_wait3A_196 : memref<1x128xi32, #tpu.memory_space<vmem>> -> memref<128xi32, #tpu.memory_space<vmem>>
      %dma_wait3A_198 = arith.constant 0 : i32
      %dma_wait3A_199 = tpu.memref_slice %arg5[%add3A_192, %dma_wait3A_198] : memref<2560x128xi32, #tpu.memory_space<hbm>> -> memref<1x128xi32, #tpu.memory_space<hbm>>
      %dma_wait3A_200 = tpu.memref_squeeze %dma_wait3A_199 : memref<1x128xi32, #tpu.memory_space<hbm>> -> memref<128xi32, #tpu.memory_space<hbm>>
      %dma_wait3A_201 = tpu.memref_slice %arg14[%dma_wait3A_194] : memref<2x!tpu.dma_semaphore, #tpu.memory_space<semaphore_mem>> -> memref<1x!tpu.dma_semaphore, #tpu.memory_space<semaphore_mem>>
      %dma_wait3A_202 = tpu.memref_squeeze %dma_wait3A_201 : memref<1x!tpu.dma_semaphore, #tpu.memory_space<semaphore_mem>> -> memref<!tpu.dma_semaphore, #tpu.memory_space<semaphore_mem>>
      %dma_wait3A_203 = arith.constant 0 : i32
      %dma_wait3A_204 = tpu.memref_slice %arg10[%dma_wait3A_193, %dma_wait3A_203] : memref<2x128xi32, #tpu.memory_space<vmem>> -> memref<1x128xi32, #tpu.memory_space<vmem>>
      %dma_wait3A_205 = tpu.memref_squeeze %dma_wait3A_204 : memref<1x128xi32, #tpu.memory_space<vmem>> -> memref<128xi32, #tpu.memory_space<vmem>>
      %dma_wait3A_206 = arith.constant 0 : i32
      %dma_wait3A_207 = tpu.memref_slice %arg5[%add3A_192, %dma_wait3A_206] : memref<2560x128xi32, #tpu.memory_space<hbm>> -> memref<1x128xi32, #tpu.memory_space<hbm>>
      %dma_wait3A_208 = tpu.memref_squeeze %dma_wait3A_207 : memref<1x128xi32, #tpu.memory_space<hbm>> -> memref<128xi32, #tpu.memory_space<hbm>>
      tpu.wait_dma2 semaphore(%dma_wait3A_202 : memref<!tpu.dma_semaphore, #tpu.memory_space<semaphore_mem>>) src(%dma_wait3A_208 : memref<128xi32, #tpu.memory_space<hbm>>) dst(%dma_wait3A_205 : memref<128xi32, #tpu.memory_space<vmem>>)
      %add3A_209 = arith.constant 1 : i32
      %add3A_210 = arith.addi %mul3A_157, %add3A_209 : i32
      %dma_start3A_211 = arith.constant 1 : i32
      %dma_start3A_212 = arith.constant 1 : i32
      %dma_start3A_213 = arith.constant 1 : i32
      %dma_start3A_214 = arith.constant 0 : i32
      %dma_start3A_215 = arith.constant 0 : i32
      %dma_start3A_216 = tpu.memref_slice %arg9[%dma_start3A_212, %dma_start3A_214, %dma_start3A_215] : memref<2x128x128xf32, #tpu.memory_space<vmem>> -> memref<1x128x128xf32, #tpu.memory_space<vmem>>
      %dma_start3A_217 = tpu.memref_squeeze %dma_start3A_216 : memref<1x128x128xf32, #tpu.memory_space<vmem>> -> memref<128x128xf32, #tpu.memory_space<vmem>>
      %dma_start3A_218 = arith.constant 0 : i32
      %dma_start3A_219 = tpu.memref_slice %arg10[%dma_start3A_211, %dma_start3A_218] : memref<2x128xi32, #tpu.memory_space<vmem>> -> memref<1x128xi32, #tpu.memory_space<vmem>>
      %dma_start3A_220 = tpu.memref_squeeze %dma_start3A_219 : memref<1x128xi32, #tpu.memory_space<vmem>> -> memref<128xi32, #tpu.memory_space<vmem>>
      %dma_start3A_221 = arith.constant 0 : i32
      %dma_start3A_222 = arith.constant 0 : i32
      %dma_start3A_223 = tpu.memref_slice %arg2[%dma_start3A_221, %dma_start3A_222] : memref<327680x128xf32, #tpu.memory_space<hbm>> -> memref<327680x128xf32, #tpu.memory_space<hbm>>
      %dma_start3A_224 = tpu.memref_slice %arg12[%dma_start3A_213] : memref<2x!tpu.dma_semaphore, #tpu.memory_space<semaphore_mem>> -> memref<1x!tpu.dma_semaphore, #tpu.memory_space<semaphore_mem>>
      %dma_start3A_225 = tpu.memref_squeeze %dma_start3A_224 : memref<1x!tpu.dma_semaphore, #tpu.memory_space<semaphore_mem>> -> memref<!tpu.dma_semaphore, #tpu.memory_space<semaphore_mem>>
      tpu.enqueue_indirect_dma source(%dma_start3A_223 : memref<327680x128xf32, #tpu.memory_space<hbm>>) target(%dma_start3A_217 : memref<128x128xf32, #tpu.memory_space<vmem>>) offsets(%dma_start3A_220 : memref<128xi32, #tpu.memory_space<vmem>>) semaphore(%dma_start3A_225 : memref<!tpu.dma_semaphore, #tpu.memory_space<semaphore_mem>>)
      %add3A_226 = arith.constant 0 : i32
      %add3A_227 = arith.addi %mul3A_157, %add3A_226 : i32
      %dma_wait3A_228 = arith.constant 0 : i32
      %dma_wait3A_229 = arith.constant 0 : i32
      %dma_wait3A_230 = arith.constant 0 : i32
      %dma_wait3A_231 = arith.constant 0 : i32
      %dma_wait3A_232 = arith.constant 0 : i32
      %dma_wait3A_233 = tpu.memref_slice %arg9[%dma_wait3A_229, %dma_wait3A_231, %dma_wait3A_232] : memref<2x128x128xf32, #tpu.memory_space<vmem>> -> memref<1x128x128xf32, #tpu.memory_space<vmem>>
      %dma_wait3A_234 = tpu.memref_squeeze %dma_wait3A_233 : memref<1x128x128xf32, #tpu.memory_space<vmem>> -> memref<128x128xf32, #tpu.memory_space<vmem>>
      %dma_wait3A_235 = arith.constant 0 : i32
      %dma_wait3A_236 = tpu.memref_slice %arg10[%dma_wait3A_228, %dma_wait3A_235] : memref<2x128xi32, #tpu.memory_space<vmem>> -> memref<1x128xi32, #tpu.memory_space<vmem>>
      %dma_wait3A_237 = tpu.memref_squeeze %dma_wait3A_236 : memref<1x128xi32, #tpu.memory_space<vmem>> -> memref<128xi32, #tpu.memory_space<vmem>>
      %dma_wait3A_238 = arith.constant 0 : i32
      %dma_wait3A_239 = arith.constant 0 : i32
      %dma_wait3A_240 = tpu.memref_slice %arg2[%dma_wait3A_238, %dma_wait3A_239] : memref<327680x128xf32, #tpu.memory_space<hbm>> -> memref<327680x128xf32, #tpu.memory_space<hbm>>
      %dma_wait3A_241 = tpu.memref_slice %arg12[%dma_wait3A_230] : memref<2x!tpu.dma_semaphore, #tpu.memory_space<semaphore_mem>> -> memref<1x!tpu.dma_semaphore, #tpu.memory_space<semaphore_mem>>
      %dma_wait3A_242 = tpu.memref_squeeze %dma_wait3A_241 : memref<1x!tpu.dma_semaphore, #tpu.memory_space<semaphore_mem>> -> memref<!tpu.dma_semaphore, #tpu.memory_space<semaphore_mem>>
      tpu.wait_indirect_dma semaphore(%dma_wait3A_242 : memref<!tpu.dma_semaphore, #tpu.memory_space<semaphore_mem>>) src(%dma_wait3A_240 : memref<327680x128xf32, #tpu.memory_space<hbm>>) dst(%dma_wait3A_234 : memref<128x128xf32, #tpu.memory_space<vmem>>)
      %add3A_243 = arith.addi %select_n3A, %add3A_227 : i32
      %mul3A_244 = arith.constant 128 : i32
      %mul3A_245 = arith.muli %add3A_243, %mul3A_244 : i32
      %run_scoped3A = arith.constant 0 : i32
      "tpu.region"() ({
        %run_scoped3A_276 = tpu.sem_alloc : memref<!tpu.dma_semaphore, #tpu.memory_space<semaphore_mem>>
        %dma_start3A_277 = arith.constant 0 : i32
        %dma_start3A_278 = arith.constant 0 : i32
        %dma_start3A_279 = tpu.memref_slice %arg9[%run_scoped3A, %dma_start3A_277, %dma_start3A_278] : memref<2x128x128xf32, #tpu.memory_space<vmem>> -> memref<1x128x128xf32, #tpu.memory_space<vmem>>
        %dma_start3A_280 = tpu.memref_squeeze %dma_start3A_279 : memref<1x128x128xf32, #tpu.memory_space<vmem>> -> memref<128x128xf32, #tpu.memory_space<vmem>>
        %dma_start3A_281 = arith.constant 0 : i32
        %dma_start3A_282 = tpu.memref_slice %arg7[%mul3A_245, %dma_start3A_281] : memref<327680x128xf32, #tpu.memory_space<hbm>> -> memref<128x128xf32, #tpu.memory_space<hbm>>
        %dma_start3A_283 = arith.constant 0 : i32
        %dma_start3A_284 = tpu.memref_slice %arg7[%mul3A_245, %dma_start3A_283] : memref<327680x128xf32, #tpu.memory_space<hbm>> -> memref<128x128xf32, #tpu.memory_space<hbm>>
        %dma_start3A_285 = arith.constant 0 : i32
        %dma_start3A_286 = arith.constant 0 : i32
        %dma_start3A_287 = tpu.memref_slice %arg9[%run_scoped3A, %dma_start3A_285, %dma_start3A_286] : memref<2x128x128xf32, #tpu.memory_space<vmem>> -> memref<1x128x128xf32, #tpu.memory_space<vmem>>
        %dma_start3A_288 = tpu.memref_squeeze %dma_start3A_287 : memref<1x128x128xf32, #tpu.memory_space<vmem>> -> memref<128x128xf32, #tpu.memory_space<vmem>>
        tpu.enqueue_dma source(%dma_start3A_288 : memref<128x128xf32, #tpu.memory_space<vmem>>) target(%dma_start3A_284 : memref<128x128xf32, #tpu.memory_space<hbm>>) target_semaphore(%run_scoped3A_276 : memref<!tpu.dma_semaphore, #tpu.memory_space<semaphore_mem>>)
        %dma_wait3A_289 = arith.constant 0 : i32
        %dma_wait3A_290 = arith.constant 0 : i32
        %dma_wait3A_291 = tpu.memref_slice %arg9[%run_scoped3A, %dma_wait3A_289, %dma_wait3A_290] : memref<2x128x128xf32, #tpu.memory_space<vmem>> -> memref<1x128x128xf32, #tpu.memory_space<vmem>>
        %dma_wait3A_292 = tpu.memref_squeeze %dma_wait3A_291 : memref<1x128x128xf32, #tpu.memory_space<vmem>> -> memref<128x128xf32, #tpu.memory_space<vmem>>
        %dma_wait3A_293 = arith.constant 0 : i32
        %dma_wait3A_294 = tpu.memref_slice %arg7[%mul3A_245, %dma_wait3A_293] : memref<327680x128xf32, #tpu.memory_space<hbm>> -> memref<128x128xf32, #tpu.memory_space<hbm>>
        %dma_wait3A_295 = arith.constant 0 : i32
        %dma_wait3A_296 = tpu.memref_slice %arg7[%mul3A_245, %dma_wait3A_295] : memref<327680x128xf32, #tpu.memory_space<hbm>> -> memref<128x128xf32, #tpu.memory_space<hbm>>
        %dma_wait3A_297 = arith.constant 0 : i32
        %dma_wait3A_298 = arith.constant 0 : i32
        %dma_wait3A_299 = tpu.memref_slice %arg9[%run_scoped3A, %dma_wait3A_297, %dma_wait3A_298] : memref<2x128x128xf32, #tpu.memory_space<vmem>> -> memref<1x128x128xf32, #tpu.memory_space<vmem>>
        %dma_wait3A_300 = tpu.memref_squeeze %dma_wait3A_299 : memref<1x128x128xf32, #tpu.memory_space<vmem>> -> memref<128x128xf32, #tpu.memory_space<vmem>>
        tpu.wait_dma2 semaphore(%run_scoped3A_276 : memref<!tpu.dma_semaphore, #tpu.memory_space<semaphore_mem>>) src(%dma_wait3A_300 : memref<128x128xf32, #tpu.memory_space<vmem>>) dst(%dma_wait3A_296 : memref<128x128xf32, #tpu.memory_space<hbm>>)
        tpu.yield
      }) : () -> ()
      %add3A_246 = arith.constant 2 : i32
      %add3A_247 = arith.addi %add3A_227, %add3A_246 : i32
      %lt3A = arith.cmpi slt, %add3A_247, %select_n3A_91 : i32
      %convert_element_type3A = arith.extui %lt3A : i1 to i32
      %cond3A = arith.constant 0 : i32
      %cond3A_248 = arith.cmpi ne, %convert_element_type3A, %cond3A : i32
      scf.if %cond3A_248 {
        %add3A_276 = arith.constant 2 : i32
        %add3A_277 = arith.addi %add3A_227, %add3A_276 : i32
        %add3A_278 = arith.addi %select_n3A, %add3A_277 : i32
        %dma_start3A_279 = arith.constant 0 : i32
        %dma_start3A_280 = arith.constant 0 : i32
        %dma_start3A_281 = arith.constant 0 : i32
        %dma_start3A_282 = tpu.memref_slice %arg10[%dma_start3A_279, %dma_start3A_281] : memref<2x128xi32, #tpu.memory_space<vmem>> -> memref<1x128xi32, #tpu.memory_space<vmem>>
        %dma_start3A_283 = tpu.memref_squeeze %dma_start3A_282 : memref<1x128xi32, #tpu.memory_space<vmem>> -> memref<128xi32, #tpu.memory_space<vmem>>
        %dma_start3A_284 = arith.constant 0 : i32
        %dma_start3A_285 = tpu.memref_slice %arg5[%add3A_278, %dma_start3A_284] : memref<2560x128xi32, #tpu.memory_space<hbm>> -> memref<1x128xi32, #tpu.memory_space<hbm>>
        %dma_start3A_286 = tpu.memref_squeeze %dma_start3A_285 : memref<1x128xi32, #tpu.memory_space<hbm>> -> memref<128xi32, #tpu.memory_space<hbm>>
        %dma_start3A_287 = tpu.memref_slice %arg14[%dma_start3A_280] : memref<2x!tpu.dma_semaphore, #tpu.memory_space<semaphore_mem>> -> memref<1x!tpu.dma_semaphore, #tpu.memory_space<semaphore_mem>>
        %dma_start3A_288 = tpu.memref_squeeze %dma_start3A_287 : memref<1x!tpu.dma_semaphore, #tpu.memory_space<semaphore_mem>> -> memref<!tpu.dma_semaphore, #tpu.memory_space<semaphore_mem>>
        %dma_start3A_289 = arith.constant 0 : i32
        %dma_start3A_290 = tpu.memref_slice %arg10[%dma_start3A_279, %dma_start3A_289] : memref<2x128xi32, #tpu.memory_space<vmem>> -> memref<1x128xi32, #tpu.memory_space<vmem>>
        %dma_start3A_291 = tpu.memref_squeeze %dma_start3A_290 : memref<1x128xi32, #tpu.memory_space<vmem>> -> memref<128xi32, #tpu.memory_space<vmem>>
        %dma_start3A_292 = arith.constant 0 : i32
        %dma_start3A_293 = tpu.memref_slice %arg5[%add3A_278, %dma_start3A_292] : memref<2560x128xi32, #tpu.memory_space<hbm>> -> memref<1x128xi32, #tpu.memory_space<hbm>>
        %dma_start3A_294 = tpu.memref_squeeze %dma_start3A_293 : memref<1x128xi32, #tpu.memory_space<hbm>> -> memref<128xi32, #tpu.memory_space<hbm>>
        tpu.enqueue_dma source(%dma_start3A_294 : memref<128xi32, #tpu.memory_space<hbm>>) target(%dma_start3A_291 : memref<128xi32, #tpu.memory_space<vmem>>) target_semaphore(%dma_start3A_288 : memref<!tpu.dma_semaphore, #tpu.memory_space<semaphore_mem>>)
      } else {
      }
      %add3A_249 = arith.constant 1 : i32
      %add3A_250 = arith.addi %mul3A_157, %add3A_249 : i32
      %dma_wait3A_251 = arith.constant 1 : i32
      %dma_wait3A_252 = arith.constant 1 : i32
      %dma_wait3A_253 = arith.constant 1 : i32
      %dma_wait3A_254 = arith.constant 0 : i32
      %dma_wait3A_255 = arith.constant 0 : i32
      %dma_wait3A_256 = tpu.memref_slice %arg9[%dma_wait3A_252, %dma_wait3A_254, %dma_wait3A_255] : memref<2x128x128xf32, #tpu.memory_space<vmem>> -> memref<1x128x128xf32, #tpu.memory_space<vmem>>
      %dma_wait3A_257 = tpu.memref_squeeze %dma_wait3A_256 : memref<1x128x128xf32, #tpu.memory_space<vmem>> -> memref<128x128xf32, #tpu.memory_space<vmem>>
      %dma_wait3A_258 = arith.constant 0 : i32
      %dma_wait3A_259 = tpu.memref_slice %arg10[%dma_wait3A_251, %dma_wait3A_258] : memref<2x128xi32, #tpu.memory_space<vmem>> -> memref<1x128xi32, #tpu.memory_space<vmem>>
      %dma_wait3A_260 = tpu.memref_squeeze %dma_wait3A_259 : memref<1x128xi32, #tpu.memory_space<vmem>> -> memref<128xi32, #tpu.memory_space<vmem>>
      %dma_wait3A_261 = arith.constant 0 : i32
      %dma_wait3A_262 = arith.constant 0 : i32
      %dma_wait3A_263 = tpu.memref_slice %arg2[%dma_wait3A_261, %dma_wait3A_262] : memref<327680x128xf32, #tpu.memory_space<hbm>> -> memref<327680x128xf32, #tpu.memory_space<hbm>>
      %dma_wait3A_264 = tpu.memref_slice %arg12[%dma_wait3A_253] : memref<2x!tpu.dma_semaphore, #tpu.memory_space<semaphore_mem>> -> memref<1x!tpu.dma_semaphore, #tpu.memory_space<semaphore_mem>>
      %dma_wait3A_265 = tpu.memref_squeeze %dma_wait3A_264 : memref<1x!tpu.dma_semaphore, #tpu.memory_space<semaphore_mem>> -> memref<!tpu.dma_semaphore, #tpu.memory_space<semaphore_mem>>
      tpu.wait_indirect_dma semaphore(%dma_wait3A_265 : memref<!tpu.dma_semaphore, #tpu.memory_space<semaphore_mem>>) src(%dma_wait3A_263 : memref<327680x128xf32, #tpu.memory_space<hbm>>) dst(%dma_wait3A_257 : memref<128x128xf32, #tpu.memory_space<vmem>>)
      %add3A_266 = arith.addi %select_n3A, %add3A_250 : i32
      %mul3A_267 = arith.constant 128 : i32
      %mul3A_268 = arith.muli %add3A_266, %mul3A_267 : i32
      %run_scoped3A_269 = arith.constant 1 : i32
      "tpu.region"() ({
        %run_scoped3A_276 = tpu.sem_alloc : memref<!tpu.dma_semaphore, #tpu.memory_space<semaphore_mem>>
        %dma_start3A_277 = arith.constant 0 : i32
        %dma_start3A_278 = arith.constant 0 : i32
        %dma_start3A_279 = tpu.memref_slice %arg9[%run_scoped3A_269, %dma_start3A_277, %dma_start3A_278] : memref<2x128x128xf32, #tpu.memory_space<vmem>> -> memref<1x128x128xf32, #tpu.memory_space<vmem>>
        %dma_start3A_280 = tpu.memref_squeeze %dma_start3A_279 : memref<1x128x128xf32, #tpu.memory_space<vmem>> -> memref<128x128xf32, #tpu.memory_space<vmem>>
        %dma_start3A_281 = arith.constant 0 : i32
        %dma_start3A_282 = tpu.memref_slice %arg7[%mul3A_268, %dma_start3A_281] : memref<327680x128xf32, #tpu.memory_space<hbm>> -> memref<128x128xf32, #tpu.memory_space<hbm>>
        %dma_start3A_283 = arith.constant 0 : i32
        %dma_start3A_284 = tpu.memref_slice %arg7[%mul3A_268, %dma_start3A_283] : memref<327680x128xf32, #tpu.memory_space<hbm>> -> memref<128x128xf32, #tpu.memory_space<hbm>>
        %dma_start3A_285 = arith.constant 0 : i32
        %dma_start3A_286 = arith.constant 0 : i32
        %dma_start3A_287 = tpu.memref_slice %arg9[%run_scoped3A_269, %dma_start3A_285, %dma_start3A_286] : memref<2x128x128xf32, #tpu.memory_space<vmem>> -> memref<1x128x128xf32, #tpu.memory_space<vmem>>
        %dma_start3A_288 = tpu.memref_squeeze %dma_start3A_287 : memref<1x128x128xf32, #tpu.memory_space<vmem>> -> memref<128x128xf32, #tpu.memory_space<vmem>>
        tpu.enqueue_dma source(%dma_start3A_288 : memref<128x128xf32, #tpu.memory_space<vmem>>) target(%dma_start3A_284 : memref<128x128xf32, #tpu.memory_space<hbm>>) target_semaphore(%run_scoped3A_276 : memref<!tpu.dma_semaphore, #tpu.memory_space<semaphore_mem>>)
        %dma_wait3A_289 = arith.constant 0 : i32
        %dma_wait3A_290 = arith.constant 0 : i32
        %dma_wait3A_291 = tpu.memref_slice %arg9[%run_scoped3A_269, %dma_wait3A_289, %dma_wait3A_290] : memref<2x128x128xf32, #tpu.memory_space<vmem>> -> memref<1x128x128xf32, #tpu.memory_space<vmem>>
        %dma_wait3A_292 = tpu.memref_squeeze %dma_wait3A_291 : memref<1x128x128xf32, #tpu.memory_space<vmem>> -> memref<128x128xf32, #tpu.memory_space<vmem>>
        %dma_wait3A_293 = arith.constant 0 : i32
        %dma_wait3A_294 = tpu.memref_slice %arg7[%mul3A_268, %dma_wait3A_293] : memref<327680x128xf32, #tpu.memory_space<hbm>> -> memref<128x128xf32, #tpu.memory_space<hbm>>
        %dma_wait3A_295 = arith.constant 0 : i32
        %dma_wait3A_296 = tpu.memref_slice %arg7[%mul3A_268, %dma_wait3A_295] : memref<327680x128xf32, #tpu.memory_space<hbm>> -> memref<128x128xf32, #tpu.memory_space<hbm>>
        %dma_wait3A_297 = arith.constant 0 : i32
        %dma_wait3A_298 = arith.constant 0 : i32
        %dma_wait3A_299 = tpu.memref_slice %arg9[%run_scoped3A_269, %dma_wait3A_297, %dma_wait3A_298] : memref<2x128x128xf32, #tpu.memory_space<vmem>> -> memref<1x128x128xf32, #tpu.memory_space<vmem>>
        %dma_wait3A_300 = tpu.memref_squeeze %dma_wait3A_299 : memref<1x128x128xf32, #tpu.memory_space<vmem>> -> memref<128x128xf32, #tpu.memory_space<vmem>>
        tpu.wait_dma2 semaphore(%run_scoped3A_276 : memref<!tpu.dma_semaphore, #tpu.memory_space<semaphore_mem>>) src(%dma_wait3A_300 : memref<128x128xf32, #tpu.memory_space<vmem>>) dst(%dma_wait3A_296 : memref<128x128xf32, #tpu.memory_space<hbm>>)
        tpu.yield
      }) : () -> ()
      %add3A_270 = arith.constant 2 : i32
      %add3A_271 = arith.addi %add3A_250, %add3A_270 : i32
      %lt3A_272 = arith.cmpi slt, %add3A_271, %select_n3A_91 : i32
      %convert_element_type3A_273 = arith.extui %lt3A_272 : i1 to i32
      %cond3A_274 = arith.constant 0 : i32
      %cond3A_275 = arith.cmpi ne, %convert_element_type3A_273, %cond3A_274 : i32
      scf.if %cond3A_275 {
        %add3A_276 = arith.constant 2 : i32
        %add3A_277 = arith.addi %add3A_250, %add3A_276 : i32
        %add3A_278 = arith.addi %select_n3A, %add3A_277 : i32
        %dma_start3A_279 = arith.constant 1 : i32
        %dma_start3A_280 = arith.constant 1 : i32
        %dma_start3A_281 = arith.constant 0 : i32
        %dma_start3A_282 = tpu.memref_slice %arg10[%dma_start3A_279, %dma_start3A_281] : memref<2x128xi32, #tpu.memory_space<vmem>> -> memref<1x128xi32, #tpu.memory_space<vmem>>
        %dma_start3A_283 = tpu.memref_squeeze %dma_start3A_282 : memref<1x128xi32, #tpu.memory_space<vmem>> -> memref<128xi32, #tpu.memory_space<vmem>>
        %dma_start3A_284 = arith.constant 0 : i32
        %dma_start3A_285 = tpu.memref_slice %arg5[%add3A_278, %dma_start3A_284] : memref<2560x128xi32, #tpu.memory_space<hbm>> -> memref<1x128xi32, #tpu.memory_space<hbm>>
        %dma_start3A_286 = tpu.memref_squeeze %dma_start3A_285 : memref<1x128xi32, #tpu.memory_space<hbm>> -> memref<128xi32, #tpu.memory_space<hbm>>
        %dma_start3A_287 = tpu.memref_slice %arg14[%dma_start3A_280] : memref<2x!tpu.dma_semaphore, #tpu.memory_space<semaphore_mem>> -> memref<1x!tpu.dma_semaphore, #tpu.memory_space<semaphore_mem>>
        %dma_start3A_288 = tpu.memref_squeeze %dma_start3A_287 : memref<1x!tpu.dma_semaphore, #tpu.memory_space<semaphore_mem>> -> memref<!tpu.dma_semaphore, #tpu.memory_space<semaphore_mem>>
        %dma_start3A_289 = arith.constant 0 : i32
        %dma_start3A_290 = tpu.memref_slice %arg10[%dma_start3A_279, %dma_start3A_289] : memref<2x128xi32, #tpu.memory_space<vmem>> -> memref<1x128xi32, #tpu.memory_space<vmem>>
        %dma_start3A_291 = tpu.memref_squeeze %dma_start3A_290 : memref<1x128xi32, #tpu.memory_space<vmem>> -> memref<128xi32, #tpu.memory_space<vmem>>
        %dma_start3A_292 = arith.constant 0 : i32
        %dma_start3A_293 = tpu.memref_slice %arg5[%add3A_278, %dma_start3A_292] : memref<2560x128xi32, #tpu.memory_space<hbm>> -> memref<1x128xi32, #tpu.memory_space<hbm>>
        %dma_start3A_294 = tpu.memref_squeeze %dma_start3A_293 : memref<1x128xi32, #tpu.memory_space<hbm>> -> memref<128xi32, #tpu.memory_space<hbm>>
        tpu.enqueue_dma source(%dma_start3A_294 : memref<128xi32, #tpu.memory_space<hbm>>) target(%dma_start3A_291 : memref<128xi32, #tpu.memory_space<vmem>>) target_semaphore(%dma_start3A_288 : memref<!tpu.dma_semaphore, #tpu.memory_space<semaphore_mem>>)
      } else {
      }
    }
    %while3A_154 = arith.constant 1 : i32
    scf.for %while3A_155 = %while3A_152 to %while3A_148 step %while3A_154  : i32 {
      %mul3A_156 = arith.constant 2 : i32
      %mul3A_157 = arith.muli %mul3A_156, %while3A_155 : i32
      %add3A_158 = arith.addi %select_n3A, %mul3A_157 : i32
      %dma_wait3A_159 = arith.constant 0 : i32
      %dma_wait3A_160 = arith.constant 0 : i32
      %dma_wait3A_161 = arith.constant 0 : i32
      %dma_wait3A_162 = tpu.memref_slice %arg10[%dma_wait3A_159, %dma_wait3A_161] : memref<2x128xi32, #tpu.memory_space<vmem>> -> memref<1x128xi32, #tpu.memory_space<vmem>>
      %dma_wait3A_163 = tpu.memref_squeeze %dma_wait3A_162 : memref<1x128xi32, #tpu.memory_space<vmem>> -> memref<128xi32, #tpu.memory_space<vmem>>
      %dma_wait3A_164 = arith.constant 0 : i32
      %dma_wait3A_165 = tpu.memref_slice %arg5[%add3A_158, %dma_wait3A_164] : memref<2560x128xi32, #tpu.memory_space<hbm>> -> memref<1x128xi32, #tpu.memory_space<hbm>>
      %dma_wait3A_166 = tpu.memref_squeeze %dma_wait3A_165 : memref<1x128xi32, #tpu.memory_space<hbm>> -> memref<128xi32, #tpu.memory_space<hbm>>
      %dma_wait3A_167 = tpu.memref_slice %arg14[%dma_wait3A_160] : memref<2x!tpu.dma_semaphore, #tpu.memory_space<semaphore_mem>> -> memref<1x!tpu.dma_semaphore, #tpu.memory_space<semaphore_mem>>
      %dma_wait3A_168 = tpu.memref_squeeze %dma_wait3A_167 : memref<1x!tpu.dma_semaphore, #tpu.memory_space<semaphore_mem>> -> memref<!tpu.dma_semaphore, #tpu.memory_space<semaphore_mem>>
      %dma_wait3A_169 = arith.constant 0 : i32
      %dma_wait3A_170 = tpu.memref_slice %arg10[%dma_wait3A_159, %dma_wait3A_169] : memref<2x128xi32, #tpu.memory_space<vmem>> -> memref<1x128xi32, #tpu.memory_space<vmem>>
      %dma_wait3A_171 = tpu.memref_squeeze %dma_wait3A_170 : memref<1x128xi32, #tpu.memory_space<vmem>> -> memref<128xi32, #tpu.memory_space<vmem>>
      %dma_wait3A_172 = arith.constant 0 : i32
      %dma_wait3A_173 = tpu.memref_slice %arg5[%add3A_158, %dma_wait3A_172] : memref<2560x128xi32, #tpu.memory_space<hbm>> -> memref<1x128xi32, #tpu.memory_space<hbm>>
      %dma_wait3A_174 = tpu.memref_squeeze %dma_wait3A_173 : memref<1x128xi32, #tpu.memory_space<hbm>> -> memref<128xi32, #tpu.memory_space<hbm>>
      tpu.wait_dma2 semaphore(%dma_wait3A_168 : memref<!tpu.dma_semaphore, #tpu.memory_space<semaphore_mem>>) src(%dma_wait3A_174 : memref<128xi32, #tpu.memory_space<hbm>>) dst(%dma_wait3A_171 : memref<128xi32, #tpu.memory_space<vmem>>)
      %dma_start3A_175 = arith.constant 0 : i32
      %dma_start3A_176 = arith.constant 0 : i32
      %dma_start3A_177 = arith.constant 0 : i32
      %dma_start3A_178 = arith.constant 0 : i32
      %dma_start3A_179 = arith.constant 0 : i32
      %dma_start3A_180 = tpu.memref_slice %arg9[%dma_start3A_176, %dma_start3A_178, %dma_start3A_179] : memref<2x128x128xf32, #tpu.memory_space<vmem>> -> memref<1x128x128xf32, #tpu.memory_space<vmem>>
      %dma_start3A_181 = tpu.memref_squeeze %dma_start3A_180 : memref<1x128x128xf32, #tpu.memory_space<vmem>> -> memref<128x128xf32, #tpu.memory_space<vmem>>
      %dma_start3A_182 = arith.constant 0 : i32
      %dma_start3A_183 = tpu.memref_slice %arg10[%dma_start3A_175, %dma_start3A_182] : memref<2x128xi32, #tpu.memory_space<vmem>> -> memref<1x128xi32, #tpu.memory_space<vmem>>
      %dma_start3A_184 = tpu.memref_squeeze %dma_start3A_183 : memref<1x128xi32, #tpu.memory_space<vmem>> -> memref<128xi32, #tpu.memory_space<vmem>>
      %dma_start3A_185 = arith.constant 0 : i32
      %dma_start3A_186 = arith.constant 0 : i32
      %dma_start3A_187 = tpu.memref_slice %arg2[%dma_start3A_185, %dma_start3A_186] : memref<327680x128xf32, #tpu.memory_space<hbm>> -> memref<327680x128xf32, #tpu.memory_space<hbm>>
      %dma_start3A_188 = tpu.memref_slice %arg12[%dma_start3A_177] : memref<2x!tpu.dma_semaphore, #tpu.memory_space<semaphore_mem>> -> memref<1x!tpu.dma_semaphore, #tpu.memory_space<semaphore_mem>>
      %dma_start3A_189 = tpu.memref_squeeze %dma_start3A_188 : memref<1x!tpu.dma_semaphore, #tpu.memory_space<semaphore_mem>> -> memref<!tpu.dma_semaphore, #tpu.memory_space<semaphore_mem>>
      tpu.enqueue_indirect_dma source(%dma_start3A_187 : memref<327680x128xf32, #tpu.memory_space<hbm>>) target(%dma_start3A_181 : memref<128x128xf32, #tpu.memory_space<vmem>>) offsets(%dma_start3A_184 : memref<128xi32, #tpu.memory_space<vmem>>) semaphore(%dma_start3A_189 : memref<!tpu.dma_semaphore, #tpu.memory_space<semaphore_mem>>)
      %add3A_190 = arith.constant 1 : i32
      %add3A_191 = arith.addi %mul3A_157, %add3A_190 : i32
      %add3A_192 = arith.addi %select_n3A, %add3A_191 : i32
      %dma_wait3A_193 = arith.constant 1 : i32
      %dma_wait3A_194 = arith.constant 1 : i32
      %dma_wait3A_195 = arith.constant 0 : i32
      %dma_wait3A_196 = tpu.memref_slice %arg10[%dma_wait3A_193, %dma_wait3A_195] : memref<2x128xi32, #tpu.memory_space<vmem>> -> memref<1x128xi32, #tpu.memory_space<vmem>>
      %dma_wait3A_197 = tpu.memref_squeeze %dma_wait3A_196 : memref<1x128xi32, #tpu.memory_space<vmem>> -> memref<128xi32, #tpu.memory_space<vmem>>
      %dma_wait3A_198 = arith.constant 0 : i32
      %dma_wait3A_199 = tpu.memref_slice %arg5[%add3A_192, %dma_wait3A_198] : memref<2560x128xi32, #tpu.memory_space<hbm>> -> memref<1x128xi32, #tpu.memory_space<hbm>>
      %dma_wait3A_200 = tpu.memref_squeeze %dma_wait3A_199 : memref<1x128xi32, #tpu.memory_space<hbm>> -> memref<128xi32, #tpu.memory_space<hbm>>
      %dma_wait3A_201 = tpu.memref_slice %arg14[%dma_wait3A_194] : memref<2x!tpu.dma_semaphore, #tpu.memory_space<semaphore_mem>> -> memref<1x!tpu.dma_semaphore, #tpu.memory_space<semaphore_mem>>
      %dma_wait3A_202 = tpu.memref_squeeze %dma_wait3A_201 : memref<1x!tpu.dma_semaphore, #tpu.memory_space<semaphore_mem>> -> memref<!tpu.dma_semaphore, #tpu.memory_space<semaphore_mem>>
      %dma_wait3A_203 = arith.constant 0 : i32
      %dma_wait3A_204 = tpu.memref_slice %arg10[%dma_wait3A_193, %dma_wait3A_203] : memref<2x128xi32, #tpu.memory_space<vmem>> -> memref<1x128xi32, #tpu.memory_space<vmem>>
      %dma_wait3A_205 = tpu.memref_squeeze %dma_wait3A_204 : memref<1x128xi32, #tpu.memory_space<vmem>> -> memref<128xi32, #tpu.memory_space<vmem>>
      %dma_wait3A_206 = arith.constant 0 : i32
      %dma_wait3A_207 = tpu.memref_slice %arg5[%add3A_192, %dma_wait3A_206] : memref<2560x128xi32, #tpu.memory_space<hbm>> -> memref<1x128xi32, #tpu.memory_space<hbm>>
      %dma_wait3A_208 = tpu.memref_squeeze %dma_wait3A_207 : memref<1x128xi32, #tpu.memory_space<hbm>> -> memref<128xi32, #tpu.memory_space<hbm>>
      tpu.wait_dma2 semaphore(%dma_wait3A_202 : memref<!tpu.dma_semaphore, #tpu.memory_space<semaphore_mem>>) src(%dma_wait3A_208 : memref<128xi32, #tpu.memory_space<hbm>>) dst(%dma_wait3A_205 : memref<128xi32, #tpu.memory_space<vmem>>)
      %add3A_209 = arith.constant 1 : i32
      %add3A_210 = arith.addi %mul3A_157, %add3A_209 : i32
      %dma_start3A_211 = arith.constant 1 : i32
      %dma_start3A_212 = arith.constant 1 : i32
      %dma_start3A_213 = arith.constant 1 : i32
      %dma_start3A_214 = arith.constant 0 : i32
      %dma_start3A_215 = arith.constant 0 : i32
      %dma_start3A_216 = tpu.memref_slice %arg9[%dma_start3A_212, %dma_start3A_214, %dma_start3A_215] : memref<2x128x128xf32, #tpu.memory_space<vmem>> -> memref<1x128x128xf32, #tpu.memory_space<vmem>>
      %dma_start3A_217 = tpu.memref_squeeze %dma_start3A_216 : memref<1x128x128xf32, #tpu.memory_space<vmem>> -> memref<128x128xf32, #tpu.memory_space<vmem>>
      %dma_start3A_218 = arith.constant 0 : i32
      %dma_start3A_219 = tpu.memref_slice %arg10[%dma_start3A_211, %dma_start3A_218] : memref<2x128xi32, #tpu.memory_space<vmem>> -> memref<1x128xi32, #tpu.memory_space<vmem>>
      %dma_start3A_220 = tpu.memref_squeeze %dma_start3A_219 : memref<1x128xi32, #tpu.memory_space<vmem>> -> memref<128xi32, #tpu.memory_space<vmem>>
      %dma_start3A_221 = arith.constant 0 : i32
      %dma_start3A_222 = arith.constant 0 : i32
      %dma_start3A_223 = tpu.memref_slice %arg2[%dma_start3A_221, %dma_start3A_222] : memref<327680x128xf32, #tpu.memory_space<hbm>> -> memref<327680x128xf32, #tpu.memory_space<hbm>>
      %dma_start3A_224 = tpu.memref_slice %arg12[%dma_start3A_213] : memref<2x!tpu.dma_semaphore, #tpu.memory_space<semaphore_mem>> -> memref<1x!tpu.dma_semaphore, #tpu.memory_space<semaphore_mem>>
      %dma_start3A_225 = tpu.memref_squeeze %dma_start3A_224 : memref<1x!tpu.dma_semaphore, #tpu.memory_space<semaphore_mem>> -> memref<!tpu.dma_semaphore, #tpu.memory_space<semaphore_mem>>
      tpu.enqueue_indirect_dma source(%dma_start3A_223 : memref<327680x128xf32, #tpu.memory_space<hbm>>) target(%dma_start3A_217 : memref<128x128xf32, #tpu.memory_space<vmem>>) offsets(%dma_start3A_220 : memref<128xi32, #tpu.memory_space<vmem>>) semaphore(%dma_start3A_225 : memref<!tpu.dma_semaphore, #tpu.memory_space<semaphore_mem>>)
      %add3A_226 = arith.constant 0 : i32
      %add3A_227 = arith.addi %mul3A_157, %add3A_226 : i32
      %dma_wait3A_228 = arith.constant 0 : i32
      %dma_wait3A_229 = arith.constant 0 : i32
      %dma_wait3A_230 = arith.constant 0 : i32
      %dma_wait3A_231 = arith.constant 0 : i32
      %dma_wait3A_232 = arith.constant 0 : i32
      %dma_wait3A_233 = tpu.memref_slice %arg9[%dma_wait3A_229, %dma_wait3A_231, %dma_wait3A_232] : memref<2x128x128xf32, #tpu.memory_space<vmem>> -> memref<1x128x128xf32, #tpu.memory_space<vmem>>
      %dma_wait3A_234 = tpu.memref_squeeze %dma_wait3A_233 : memref<1x128x128xf32, #tpu.memory_space<vmem>> -> memref<128x128xf32, #tpu.memory_space<vmem>>
      %dma_wait3A_235 = arith.constant 0 : i32
      %dma_wait3A_236 = tpu.memref_slice %arg10[%dma_wait3A_228, %dma_wait3A_235] : memref<2x128xi32, #tpu.memory_space<vmem>> -> memref<1x128xi32, #tpu.memory_space<vmem>>
      %dma_wait3A_237 = tpu.memref_squeeze %dma_wait3A_236 : memref<1x128xi32, #tpu.memory_space<vmem>> -> memref<128xi32, #tpu.memory_space<vmem>>
      %dma_wait3A_238 = arith.constant 0 : i32
      %dma_wait3A_239 = arith.constant 0 : i32
      %dma_wait3A_240 = tpu.memref_slice %arg2[%dma_wait3A_238, %dma_wait3A_239] : memref<327680x128xf32, #tpu.memory_space<hbm>> -> memref<327680x128xf32, #tpu.memory_space<hbm>>
      %dma_wait3A_241 = tpu.memref_slice %arg12[%dma_wait3A_230] : memref<2x!tpu.dma_semaphore, #tpu.memory_space<semaphore_mem>> -> memref<1x!tpu.dma_semaphore, #tpu.memory_space<semaphore_mem>>
      %dma_wait3A_242 = tpu.memref_squeeze %dma_wait3A_241 : memref<1x!tpu.dma_semaphore, #tpu.memory_space<semaphore_mem>> -> memref<!tpu.dma_semaphore, #tpu.memory_space<semaphore_mem>>
      tpu.wait_indirect_dma semaphore(%dma_wait3A_242 : memref<!tpu.dma_semaphore, #tpu.memory_space<semaphore_mem>>) src(%dma_wait3A_240 : memref<327680x128xf32, #tpu.memory_space<hbm>>) dst(%dma_wait3A_234 : memref<128x128xf32, #tpu.memory_space<vmem>>)
      %add3A_243 = arith.addi %select_n3A, %add3A_227 : i32
      %mul3A_244 = arith.constant 128 : i32
      %mul3A_245 = arith.muli %add3A_243, %mul3A_244 : i32
      %run_scoped3A = arith.constant 0 : i32
      "tpu.region"() ({
        %run_scoped3A_276 = tpu.sem_alloc : memref<!tpu.dma_semaphore, #tpu.memory_space<semaphore_mem>>
        %dma_start3A_277 = arith.constant 0 : i32
        %dma_start3A_278 = arith.constant 0 : i32
        %dma_start3A_279 = tpu.memref_slice %arg9[%run_scoped3A, %dma_start3A_277, %dma_start3A_278] : memref<2x128x128xf32, #tpu.memory_space<vmem>> -> memref<1x128x128xf32, #tpu.memory_space<vmem>>
        %dma_start3A_280 = tpu.memref_squeeze %dma_start3A_279 : memref<1x128x128xf32, #tpu.memory_space<vmem>> -> memref<128x128xf32, #tpu.memory_space<vmem>>
        %dma_start3A_281 = arith.constant 0 : i32
        %dma_start3A_282 = tpu.memref_slice %arg7[%mul3A_245, %dma_start3A_281] : memref<327680x128xf32, #tpu.memory_space<hbm>> -> memref<128x128xf32, #tpu.memory_space<hbm>>
        %dma_start3A_283 = arith.constant 0 : i32
        %dma_start3A_284 = tpu.memref_slice %arg7[%mul3A_245, %dma_start3A_283] : memref<327680x128xf32, #tpu.memory_space<hbm>> -> memref<128x128xf32, #tpu.memory_space<hbm>>
        %dma_start3A_285 = arith.constant 0 : i32
        %dma_start3A_286 = arith.constant 0 : i32
        %dma_start3A_287 = tpu.memref_slice %arg9[%run_scoped3A, %dma_start3A_285, %dma_start3A_286] : memref<2x128x128xf32, #tpu.memory_space<vmem>> -> memref<1x128x128xf32, #tpu.memory_space<vmem>>
        %dma_start3A_288 = tpu.memref_squeeze %dma_start3A_287 : memref<1x128x128xf32, #tpu.memory_space<vmem>> -> memref<128x128xf32, #tpu.memory_space<vmem>>
        tpu.enqueue_dma source(%dma_start3A_288 : memref<128x128xf32, #tpu.memory_space<vmem>>) target(%dma_start3A_284 : memref<128x128xf32, #tpu.memory_space<hbm>>) target_semaphore(%run_scoped3A_276 : memref<!tpu.dma_semaphore, #tpu.memory_space<semaphore_mem>>)
        %dma_wait3A_289 = arith.constant 0 : i32
        %dma_wait3A_290 = arith.constant 0 : i32
        %dma_wait3A_291 = tpu.memref_slice %arg9[%run_scoped3A, %dma_wait3A_289, %dma_wait3A_290] : memref<2x128x128xf32, #tpu.memory_space<vmem>> -> memref<1x128x128xf32, #tpu.memory_space<vmem>>
        %dma_wait3A_292 = tpu.memref_squeeze %dma_wait3A_291 : memref<1x128x128xf32, #tpu.memory_space<vmem>> -> memref<128x128xf32, #tpu.memory_space<vmem>>
        %dma_wait3A_293 = arith.constant 0 : i32
        %dma_wait3A_294 = tpu.memref_slice %arg7[%mul3A_245, %dma_wait3A_293] : memref<327680x128xf32, #tpu.memory_space<hbm>> -> memref<128x128xf32, #tpu.memory_space<hbm>>
        %dma_wait3A_295 = arith.constant 0 : i32
        %dma_wait3A_296 = tpu.memref_slice %arg7[%mul3A_245, %dma_wait3A_295] : memref<327680x128xf32, #tpu.memory_space<hbm>> -> memref<128x128xf32, #tpu.memory_space<hbm>>
        %dma_wait3A_297 = arith.constant 0 : i32
        %dma_wait3A_298 = arith.constant 0 : i32
        %dma_wait3A_299 = tpu.memref_slice %arg9[%run_scoped3A, %dma_wait3A_297, %dma_wait3A_298] : memref<2x128x128xf32, #tpu.memory_space<vmem>> -> memref<1x128x128xf32, #tpu.memory_space<vmem>>
        %dma_wait3A_300 = tpu.memref_squeeze %dma_wait3A_299 : memref<1x128x128xf32, #tpu.memory_space<vmem>> -> memref<128x128xf32, #tpu.memory_space<vmem>>
        tpu.wait_dma2 semaphore(%run_scoped3A_276 : memref<!tpu.dma_semaphore, #tpu.memory_space<semaphore_mem>>) src(%dma_wait3A_300 : memref<128x128xf32, #tpu.memory_space<vmem>>) dst(%dma_wait3A_296 : memref<128x128xf32, #tpu.memory_space<hbm>>)
        tpu.yield
      }) : () -> ()
      %add3A_246 = arith.constant 2 : i32
      %add3A_247 = arith.addi %add3A_227, %add3A_246 : i32
      %lt3A = arith.cmpi slt, %add3A_247, %select_n3A_91 : i32
      %convert_element_type3A = arith.extui %lt3A : i1 to i32
      %cond3A = arith.constant 0 : i32
      %cond3A_248 = arith.cmpi ne, %convert_element_type3A, %cond3A : i32
      scf.if %cond3A_248 {
        %add3A_276 = arith.constant 2 : i32
        %add3A_277 = arith.addi %add3A_227, %add3A_276 : i32
        %add3A_278 = arith.addi %select_n3A, %add3A_277 : i32
        %dma_start3A_279 = arith.constant 0 : i32
        %dma_start3A_280 = arith.constant 0 : i32
        %dma_start3A_281 = arith.constant 0 : i32
        %dma_start3A_282 = tpu.memref_slice %arg10[%dma_start3A_279, %dma_start3A_281] : memref<2x128xi32, #tpu.memory_space<vmem>> -> memref<1x128xi32, #tpu.memory_space<vmem>>
        %dma_start3A_283 = tpu.memref_squeeze %dma_start3A_282 : memref<1x128xi32, #tpu.memory_space<vmem>> -> memref<128xi32, #tpu.memory_space<vmem>>
        %dma_start3A_284 = arith.constant 0 : i32
        %dma_start3A_285 = tpu.memref_slice %arg5[%add3A_278, %dma_start3A_284] : memref<2560x128xi32, #tpu.memory_space<hbm>> -> memref<1x128xi32, #tpu.memory_space<hbm>>
        %dma_start3A_286 = tpu.memref_squeeze %dma_start3A_285 : memref<1x128xi32, #tpu.memory_space<hbm>> -> memref<128xi32, #tpu.memory_space<hbm>>
        %dma_start3A_287 = tpu.memref_slice %arg14[%dma_start3A_280] : memref<2x!tpu.dma_semaphore, #tpu.memory_space<semaphore_mem>> -> memref<1x!tpu.dma_semaphore, #tpu.memory_space<semaphore_mem>>
        %dma_start3A_288 = tpu.memref_squeeze %dma_start3A_287 : memref<1x!tpu.dma_semaphore, #tpu.memory_space<semaphore_mem>> -> memref<!tpu.dma_semaphore, #tpu.memory_space<semaphore_mem>>
        %dma_start3A_289 = arith.constant 0 : i32
        %dma_start3A_290 = tpu.memref_slice %arg10[%dma_start3A_279, %dma_start3A_289] : memref<2x128xi32, #tpu.memory_space<vmem>> -> memref<1x128xi32, #tpu.memory_space<vmem>>
        %dma_start3A_291 = tpu.memref_squeeze %dma_start3A_290 : memref<1x128xi32, #tpu.memory_space<vmem>> -> memref<128xi32, #tpu.memory_space<vmem>>
        %dma_start3A_292 = arith.constant 0 : i32
        %dma_start3A_293 = tpu.memref_slice %arg5[%add3A_278, %dma_start3A_292] : memref<2560x128xi32, #tpu.memory_space<hbm>> -> memref<1x128xi32, #tpu.memory_space<hbm>>
        %dma_start3A_294 = tpu.memref_squeeze %dma_start3A_293 : memref<1x128xi32, #tpu.memory_space<hbm>> -> memref<128xi32, #tpu.memory_space<hbm>>
        tpu.enqueue_dma source(%dma_start3A_294 : memref<128xi32, #tpu.memory_space<hbm>>) target(%dma_start3A_291 : memref<128xi32, #tpu.memory_space<vmem>>) target_semaphore(%dma_start3A_288 : memref<!tpu.dma_semaphore, #tpu.memory_space<semaphore_mem>>)
      } else {
      }
      %add3A_249 = arith.constant 1 : i32
      %add3A_250 = arith.addi %mul3A_157, %add3A_249 : i32
      %dma_wait3A_251 = arith.constant 1 : i32
      %dma_wait3A_252 = arith.constant 1 : i32
      %dma_wait3A_253 = arith.constant 1 : i32
      %dma_wait3A_254 = arith.constant 0 : i32
      %dma_wait3A_255 = arith.constant 0 : i32
      %dma_wait3A_256 = tpu.memref_slice %arg9[%dma_wait3A_252, %dma_wait3A_254, %dma_wait3A_255] : memref<2x128x128xf32, #tpu.memory_space<vmem>> -> memref<1x128x128xf32, #tpu.memory_space<vmem>>
      %dma_wait3A_257 = tpu.memref_squeeze %dma_wait3A_256 : memref<1x128x128xf32, #tpu.memory_space<vmem>> -> memref<128x128xf32, #tpu.memory_space<vmem>>
      %dma_wait3A_258 = arith.constant 0 : i32
      %dma_wait3A_259 = tpu.memref_slice %arg10[%dma_wait3A_251, %dma_wait3A_258] : memref<2x128xi32, #tpu.memory_space<vmem>> -> memref<1x128xi32, #tpu.memory_space<vmem>>
      %dma_wait3A_260 = tpu.memref_squeeze %dma_wait3A_259 : memref<1x128xi32, #tpu.memory_space<vmem>> -> memref<128xi32, #tpu.memory_space<vmem>>
      %dma_wait3A_261 = arith.constant 0 : i32
      %dma_wait3A_262 = arith.constant 0 : i32
      %dma_wait3A_263 = tpu.memref_slice %arg2[%dma_wait3A_261, %dma_wait3A_262] : memref<327680x128xf32, #tpu.memory_space<hbm>> -> memref<327680x128xf32, #tpu.memory_space<hbm>>
      %dma_wait3A_264 = tpu.memref_slice %arg12[%dma_wait3A_253] : memref<2x!tpu.dma_semaphore, #tpu.memory_space<semaphore_mem>> -> memref<1x!tpu.dma_semaphore, #tpu.memory_space<semaphore_mem>>
      %dma_wait3A_265 = tpu.memref_squeeze %dma_wait3A_264 : memref<1x!tpu.dma_semaphore, #tpu.memory_space<semaphore_mem>> -> memref<!tpu.dma_semaphore, #tpu.memory_space<semaphore_mem>>
      tpu.wait_indirect_dma semaphore(%dma_wait3A_265 : memref<!tpu.dma_semaphore, #tpu.memory_space<semaphore_mem>>) src(%dma_wait3A_263 : memref<327680x128xf32, #tpu.memory_space<hbm>>) dst(%dma_wait3A_257 : memref<128x128xf32, #tpu.memory_space<vmem>>)
      %add3A_266 = arith.addi %select_n3A, %add3A_250 : i32
      %mul3A_267 = arith.constant 128 : i32
      %mul3A_268 = arith.muli %add3A_266, %mul3A_267 : i32
      %run_scoped3A_269 = arith.constant 1 : i32
      "tpu.region"() ({
        %run_scoped3A_276 = tpu.sem_alloc : memref<!tpu.dma_semaphore, #tpu.memory_space<semaphore_mem>>
        %dma_start3A_277 = arith.constant 0 : i32
        %dma_start3A_278 = arith.constant 0 : i32
        %dma_start3A_279 = tpu.memref_slice %arg9[%run_scoped3A_269, %dma_start3A_277, %dma_start3A_278] : memref<2x128x128xf32, #tpu.memory_space<vmem>> -> memref<1x128x128xf32, #tpu.memory_space<vmem>>
        %dma_start3A_280 = tpu.memref_squeeze %dma_start3A_279 : memref<1x128x128xf32, #tpu.memory_space<vmem>> -> memref<128x128xf32, #tpu.memory_space<vmem>>
        %dma_start3A_281 = arith.constant 0 : i32
        %dma_start3A_282 = tpu.memref_slice %arg7[%mul3A_268, %dma_start3A_281] : memref<327680x128xf32, #tpu.memory_space<hbm>> -> memref<128x128xf32, #tpu.memory_space<hbm>>
        %dma_start3A_283 = arith.constant 0 : i32
        %dma_start3A_284 = tpu.memref_slice %arg7[%mul3A_268, %dma_start3A_283] : memref<327680x128xf32, #tpu.memory_space<hbm>> -> memref<128x128xf32, #tpu.memory_space<hbm>>
        %dma_start3A_285 = arith.constant 0 : i32
        %dma_start3A_286 = arith.constant 0 : i32
        %dma_start3A_287 = tpu.memref_slice %arg9[%run_scoped3A_269, %dma_start3A_285, %dma_start3A_286] : memref<2x128x128xf32, #tpu.memory_space<vmem>> -> memref<1x128x128xf32, #tpu.memory_space<vmem>>
        %dma_start3A_288 = tpu.memref_squeeze %dma_start3A_287 : memref<1x128x128xf32, #tpu.memory_space<vmem>> -> memref<128x128xf32, #tpu.memory_space<vmem>>
        tpu.enqueue_dma source(%dma_start3A_288 : memref<128x128xf32, #tpu.memory_space<vmem>>) target(%dma_start3A_284 : memref<128x128xf32, #tpu.memory_space<hbm>>) target_semaphore(%run_scoped3A_276 : memref<!tpu.dma_semaphore, #tpu.memory_space<semaphore_mem>>)
        %dma_wait3A_289 = arith.constant 0 : i32
        %dma_wait3A_290 = arith.constant 0 : i32
        %dma_wait3A_291 = tpu.memref_slice %arg9[%run_scoped3A_269, %dma_wait3A_289, %dma_wait3A_290] : memref<2x128x128xf32, #tpu.memory_space<vmem>> -> memref<1x128x128xf32, #tpu.memory_space<vmem>>
        %dma_wait3A_292 = tpu.memref_squeeze %dma_wait3A_291 : memref<1x128x128xf32, #tpu.memory_space<vmem>> -> memref<128x128xf32, #tpu.memory_space<vmem>>
        %dma_wait3A_293 = arith.constant 0 : i32
        %dma_wait3A_294 = tpu.memref_slice %arg7[%mul3A_268, %dma_wait3A_293] : memref<327680x128xf32, #tpu.memory_space<hbm>> -> memref<128x128xf32, #tpu.memory_space<hbm>>
        %dma_wait3A_295 = arith.constant 0 : i32
        %dma_wait3A_296 = tpu.memref_slice %arg7[%mul3A_268, %dma_wait3A_295] : memref<327680x128xf32, #tpu.memory_space<hbm>> -> memref<128x128xf32, #tpu.memory_space<hbm>>
        %dma_wait3A_297 = arith.constant 0 : i32
        %dma_wait3A_298 = arith.constant 0 : i32
        %dma_wait3A_299 = tpu.memref_slice %arg9[%run_scoped3A_269, %dma_wait3A_297, %dma_wait3A_298] : memref<2x128x128xf32, #tpu.memory_space<vmem>> -> memref<1x128x128xf32, #tpu.memory_space<vmem>>
        %dma_wait3A_300 = tpu.memref_squeeze %dma_wait3A_299 : memref<1x128x128xf32, #tpu.memory_space<vmem>> -> memref<128x128xf32, #tpu.memory_space<vmem>>
        tpu.wait_dma2 semaphore(%run_scoped3A_276 : memref<!tpu.dma_semaphore, #tpu.memory_space<semaphore_mem>>) src(%dma_wait3A_300 : memref<128x128xf32, #tpu.memory_space<vmem>>) dst(%dma_wait3A_296 : memref<128x128xf32, #tpu.memory_space<hbm>>)
        tpu.yield
      }) : () -> ()
      %add3A_270 = arith.constant 2 : i32
      %add3A_271 = arith.addi %add3A_250, %add3A_270 : i32
      %lt3A_272 = arith.cmpi slt, %add3A_271, %select_n3A_91 : i32
      %convert_element_type3A_273 = arith.extui %lt3A_272 : i1 to i32
      %cond3A_274 = arith.constant 0 : i32
      %cond3A_275 = arith.cmpi ne, %convert_element_type3A_273, %cond3A_274 : i32
      scf.if %cond3A_275 {
        %add3A_276 = arith.constant 2 : i32
        %add3A_277 = arith.addi %add3A_250, %add3A_276 : i32
        %add3A_278 = arith.addi %select_n3A, %add3A_277 : i32
        %dma_start3A_279 = arith.constant 1 : i32
        %dma_start3A_280 = arith.constant 1 : i32
        %dma_start3A_281 = arith.constant 0 : i32
        %dma_start3A_282 = tpu.memref_slice %arg10[%dma_start3A_279, %dma_start3A_281] : memref<2x128xi32, #tpu.memory_space<vmem>> -> memref<1x128xi32, #tpu.memory_space<vmem>>
        %dma_start3A_283 = tpu.memref_squeeze %dma_start3A_282 : memref<1x128xi32, #tpu.memory_space<vmem>> -> memref<128xi32, #tpu.memory_space<vmem>>
        %dma_start3A_284 = arith.constant 0 : i32
        %dma_start3A_285 = tpu.memref_slice %arg5[%add3A_278, %dma_start3A_284] : memref<2560x128xi32, #tpu.memory_space<hbm>> -> memref<1x128xi32, #tpu.memory_space<hbm>>
        %dma_start3A_286 = tpu.memref_squeeze %dma_start3A_285 : memref<1x128xi32, #tpu.memory_space<hbm>> -> memref<128xi32, #tpu.memory_space<hbm>>
        %dma_start3A_287 = tpu.memref_slice %arg14[%dma_start3A_280] : memref<2x!tpu.dma_semaphore, #tpu.memory_space<semaphore_mem>> -> memref<1x!tpu.dma_semaphore, #tpu.memory_space<semaphore_mem>>
        %dma_start3A_288 = tpu.memref_squeeze %dma_start3A_287 : memref<1x!tpu.dma_semaphore, #tpu.memory_space<semaphore_mem>> -> memref<!tpu.dma_semaphore, #tpu.memory_space<semaphore_mem>>
        %dma_start3A_289 = arith.constant 0 : i32
        %dma_start3A_290 = tpu.memref_slice %arg10[%dma_start3A_279, %dma_start3A_289] : memref<2x128xi32, #tpu.memory_space<vmem>> -> memref<1x128xi32, #tpu.memory_space<vmem>>
        %dma_start3A_291 = tpu.memref_squeeze %dma_start3A_290 : memref<1x128xi32, #tpu.memory_space<vmem>> -> memref<128xi32, #tpu.memory_space<vmem>>
        %dma_start3A_292 = arith.constant 0 : i32
        %dma_start3A_293 = tpu.memref_slice %arg5[%add3A_278, %dma_start3A_292] : memref<2560x128xi32, #tpu.memory_space<hbm>> -> memref<1x128xi32, #tpu.memory_space<hbm>>
        %dma_start3A_294 = tpu.memref_squeeze %dma_start3A_293 : memref<1x128xi32, #tpu.memory_space<hbm>> -> memref<128xi32, #tpu.memory_space<hbm>>
        tpu.enqueue_dma source(%dma_start3A_294 : memref<128xi32, #tpu.memory_space<hbm>>) target(%dma_start3A_291 : memref<128xi32, #tpu.memory_space<vmem>>) target_semaphore(%dma_start3A_288 : memref<!tpu.dma_semaphore, #tpu.memory_space<semaphore_mem>>)
      } else {
      }
    }
    return
  }
}

#map = affine_map<(d0, d1) -> (0, 0)>
#map1 = affine_map<(d0, d1) -> (0, 0, 0)>
module attributes {stable_mosaic.version = 14 : i64} {
  func.func @k(%arg0: i32, %arg1: i32, %arg2: memref<10240x128xf32, #tpu.memory_space<hbm>>, %arg3: memref<32x80x128xi32, #tpu.memory_space<hbm>>, %arg4: memref<327680x128xf32, #tpu.memory_space<hbm>>, %arg5: memref<80x128xi32, #tpu.memory_space<vmem>>, %arg6: memref<2x128x128xf32, #tpu.memory_space<vmem>>, %arg7: memref<10240x128xf32, #tpu.memory_space<vmem_shared>>, %arg8: memref<2x!tpu.dma_semaphore, #tpu.memory_space<semaphore_mem>>) attributes {dimension_semantics = [#tpu.dimension_semantics<core_parallel>, #tpu.dimension_semantics<subcore_parallel>], iteration_bounds = array<i64: 2, 16>, scalar_prefetch = 0 : i64, scratch_operands = 4 : i64, tpu.core_type = #tpu.core_type<sc_vector_subcore>, window_params = [{transform_indices = #map}, {transform_indices = #map1}, {transform_indices = #map}]} {
    %mul3A = arith.constant 2 : i32
    %mul3A_0 = arith.muli %arg1, %mul3A : i32
    %add3A = arith.addi %mul3A_0, %arg0 : i32
    %mul3A_1 = arith.constant 640 : i32
    %mul3A_2 = arith.muli %arg1, %mul3A_1 : i32
    %mul3A_3 = arith.constant 640 : i32
    %mul3A_4 = arith.muli %arg1, %mul3A_3 : i32
    "tpu.region"() ({
      %run_scoped3A = tpu.sem_alloc : memref<!tpu.dma_semaphore, #tpu.memory_space<semaphore_mem>>
      %dma_start3A_41 = arith.constant 0 : i32
      %dma_start3A_42 = tpu.memref_slice %arg7[%mul3A_4, %dma_start3A_41] : memref<10240x128xf32, #tpu.memory_space<vmem_shared>> -> memref<640x128xf32, #tpu.memory_space<vmem_shared>>
      %dma_start3A_43 = arith.constant 0 : i32
      %dma_start3A_44 = tpu.memref_slice %arg2[%mul3A_2, %dma_start3A_43] : memref<10240x128xf32, #tpu.memory_space<hbm>> -> memref<640x128xf32, #tpu.memory_space<hbm>>
      tpu.enqueue_dma source(%dma_start3A_44 : memref<640x128xf32, #tpu.memory_space<hbm>>) target(%dma_start3A_42 : memref<640x128xf32, #tpu.memory_space<vmem_shared>>) target_semaphore(%run_scoped3A : memref<!tpu.dma_semaphore, #tpu.memory_space<semaphore_mem>>)
      %dma_wait3A = arith.constant 0 : i32
      %dma_wait3A_45 = tpu.memref_slice %arg7[%mul3A_4, %dma_wait3A] : memref<10240x128xf32, #tpu.memory_space<vmem_shared>> -> memref<640x128xf32, #tpu.memory_space<vmem_shared>>
      %dma_wait3A_46 = arith.constant 0 : i32
      %dma_wait3A_47 = tpu.memref_slice %arg2[%mul3A_2, %dma_wait3A_46] : memref<10240x128xf32, #tpu.memory_space<hbm>> -> memref<640x128xf32, #tpu.memory_space<hbm>>
      tpu.wait_dma2 semaphore(%run_scoped3A : memref<!tpu.dma_semaphore, #tpu.memory_space<semaphore_mem>>) src(%dma_wait3A_47 : memref<640x128xf32, #tpu.memory_space<hbm>>) dst(%dma_wait3A_45 : memref<640x128xf32, #tpu.memory_space<vmem_shared>>)
      tpu.yield
    }) : () -> ()
    "tpu.region"() ({
      %run_scoped3A = tpu.sem_alloc : memref<!tpu.dma_semaphore, #tpu.memory_space<semaphore_mem>>
      %dma_start3A_41 = arith.constant 0 : i32
      %dma_start3A_42 = arith.constant 0 : i32
      %dma_start3A_43 = tpu.memref_slice %arg3[%add3A, %dma_start3A_41, %dma_start3A_42] : memref<32x80x128xi32, #tpu.memory_space<hbm>> -> memref<1x80x128xi32, #tpu.memory_space<hbm>>
      %dma_start3A_44 = tpu.memref_squeeze %dma_start3A_43 : memref<1x80x128xi32, #tpu.memory_space<hbm>> -> memref<80x128xi32, #tpu.memory_space<hbm>>
      %dma_start3A_45 = arith.constant 0 : i32
      %dma_start3A_46 = arith.constant 0 : i32
      %dma_start3A_47 = tpu.memref_slice %arg3[%add3A, %dma_start3A_45, %dma_start3A_46] : memref<32x80x128xi32, #tpu.memory_space<hbm>> -> memref<1x80x128xi32, #tpu.memory_space<hbm>>
      %dma_start3A_48 = tpu.memref_squeeze %dma_start3A_47 : memref<1x80x128xi32, #tpu.memory_space<hbm>> -> memref<80x128xi32, #tpu.memory_space<hbm>>
      tpu.enqueue_dma source(%dma_start3A_48 : memref<80x128xi32, #tpu.memory_space<hbm>>) target(%arg5 : memref<80x128xi32, #tpu.memory_space<vmem>>) target_semaphore(%run_scoped3A : memref<!tpu.dma_semaphore, #tpu.memory_space<semaphore_mem>>)
      %dma_wait3A = arith.constant 0 : i32
      %dma_wait3A_49 = arith.constant 0 : i32
      %dma_wait3A_50 = tpu.memref_slice %arg3[%add3A, %dma_wait3A, %dma_wait3A_49] : memref<32x80x128xi32, #tpu.memory_space<hbm>> -> memref<1x80x128xi32, #tpu.memory_space<hbm>>
      %dma_wait3A_51 = tpu.memref_squeeze %dma_wait3A_50 : memref<1x80x128xi32, #tpu.memory_space<hbm>> -> memref<80x128xi32, #tpu.memory_space<hbm>>
      %dma_wait3A_52 = arith.constant 0 : i32
      %dma_wait3A_53 = arith.constant 0 : i32
      %dma_wait3A_54 = tpu.memref_slice %arg3[%add3A, %dma_wait3A_52, %dma_wait3A_53] : memref<32x80x128xi32, #tpu.memory_space<hbm>> -> memref<1x80x128xi32, #tpu.memory_space<hbm>>
      %dma_wait3A_55 = tpu.memref_squeeze %dma_wait3A_54 : memref<1x80x128xi32, #tpu.memory_space<hbm>> -> memref<80x128xi32, #tpu.memory_space<hbm>>
      tpu.wait_dma2 semaphore(%run_scoped3A : memref<!tpu.dma_semaphore, #tpu.memory_space<semaphore_mem>>) src(%dma_wait3A_55 : memref<80x128xi32, #tpu.memory_space<hbm>>) dst(%arg5 : memref<80x128xi32, #tpu.memory_space<vmem>>)
      tpu.yield
    }) : () -> ()
    %barrier3A = arith.constant 0 : index
    tpu.barrier barrier_id(%barrier3A)
    %mul3A_5 = arith.constant 10240 : i32
    %mul3A_6 = arith.muli %add3A, %mul3A_5 : i32
    %dma_start3A = arith.constant 0 : i32
    %dma_start3A_7 = arith.constant 0 : i32
    %dma_start3A_8 = arith.constant 0 : i32
    %dma_start3A_9 = arith.constant 0 : i32
    %dma_start3A_10 = arith.constant 0 : i32
    %dma_start3A_11 = tpu.memref_slice %arg6[%dma_start3A_7, %dma_start3A_9, %dma_start3A_10] : memref<2x128x128xf32, #tpu.memory_space<vmem>> -> memref<1x128x128xf32, #tpu.memory_space<vmem>>
    %dma_start3A_12 = tpu.memref_squeeze %dma_start3A_11 : memref<1x128x128xf32, #tpu.memory_space<vmem>> -> memref<128x128xf32, #tpu.memory_space<vmem>>
    %dma_start3A_13 = arith.constant 0 : i32
    %dma_start3A_14 = tpu.memref_slice %arg5[%dma_start3A, %dma_start3A_13] : memref<80x128xi32, #tpu.memory_space<vmem>> -> memref<1x128xi32, #tpu.memory_space<vmem>>
    %dma_start3A_15 = tpu.memref_squeeze %dma_start3A_14 : memref<1x128xi32, #tpu.memory_space<vmem>> -> memref<128xi32, #tpu.memory_space<vmem>>
    %dma_start3A_16 = arith.constant 0 : i32
    %dma_start3A_17 = arith.constant 0 : i32
    %dma_start3A_18 = tpu.memref_slice %arg7[%dma_start3A_16, %dma_start3A_17] : memref<10240x128xf32, #tpu.memory_space<vmem_shared>> -> memref<10240x128xf32, #tpu.memory_space<vmem_shared>>
    %dma_start3A_19 = tpu.memref_slice %arg8[%dma_start3A_8] : memref<2x!tpu.dma_semaphore, #tpu.memory_space<semaphore_mem>> -> memref<1x!tpu.dma_semaphore, #tpu.memory_space<semaphore_mem>>
    %dma_start3A_20 = tpu.memref_squeeze %dma_start3A_19 : memref<1x!tpu.dma_semaphore, #tpu.memory_space<semaphore_mem>> -> memref<!tpu.dma_semaphore, #tpu.memory_space<semaphore_mem>>
    tpu.enqueue_indirect_dma source(%dma_start3A_18 : memref<10240x128xf32, #tpu.memory_space<vmem_shared>>) target(%dma_start3A_12 : memref<128x128xf32, #tpu.memory_space<vmem>>) offsets(%dma_start3A_15 : memref<128xi32, #tpu.memory_space<vmem>>) semaphore(%dma_start3A_20 : memref<!tpu.dma_semaphore, #tpu.memory_space<semaphore_mem>>)
    %dma_start3A_21 = arith.constant 1 : i32
    %dma_start3A_22 = arith.constant 1 : i32
    %dma_start3A_23 = arith.constant 1 : i32
    %dma_start3A_24 = arith.constant 0 : i32
    %dma_start3A_25 = arith.constant 0 : i32
    %dma_start3A_26 = tpu.memref_slice %arg6[%dma_start3A_22, %dma_start3A_24, %dma_start3A_25] : memref<2x128x128xf32, #tpu.memory_space<vmem>> -> memref<1x128x128xf32, #tpu.memory_space<vmem>>
    %dma_start3A_27 = tpu.memref_squeeze %dma_start3A_26 : memref<1x128x128xf32, #tpu.memory_space<vmem>> -> memref<128x128xf32, #tpu.memory_space<vmem>>
    %dma_start3A_28 = arith.constant 0 : i32
    %dma_start3A_29 = tpu.memref_slice %arg5[%dma_start3A_21, %dma_start3A_28] : memref<80x128xi32, #tpu.memory_space<vmem>> -> memref<1x128xi32, #tpu.memory_space<vmem>>
    %dma_start3A_30 = tpu.memref_squeeze %dma_start3A_29 : memref<1x128xi32, #tpu.memory_space<vmem>> -> memref<128xi32, #tpu.memory_space<vmem>>
    %dma_start3A_31 = arith.constant 0 : i32
    %dma_start3A_32 = arith.constant 0 : i32
    %dma_start3A_33 = tpu.memref_slice %arg7[%dma_start3A_31, %dma_start3A_32] : memref<10240x128xf32, #tpu.memory_space<vmem_shared>> -> memref<10240x128xf32, #tpu.memory_space<vmem_shared>>
    %dma_start3A_34 = tpu.memref_slice %arg8[%dma_start3A_23] : memref<2x!tpu.dma_semaphore, #tpu.memory_space<semaphore_mem>> -> memref<1x!tpu.dma_semaphore, #tpu.memory_space<semaphore_mem>>
    %dma_start3A_35 = tpu.memref_squeeze %dma_start3A_34 : memref<1x!tpu.dma_semaphore, #tpu.memory_space<semaphore_mem>> -> memref<!tpu.dma_semaphore, #tpu.memory_space<semaphore_mem>>
    tpu.enqueue_indirect_dma source(%dma_start3A_33 : memref<10240x128xf32, #tpu.memory_space<vmem_shared>>) target(%dma_start3A_27 : memref<128x128xf32, #tpu.memory_space<vmem>>) offsets(%dma_start3A_30 : memref<128xi32, #tpu.memory_space<vmem>>) semaphore(%dma_start3A_35 : memref<!tpu.dma_semaphore, #tpu.memory_space<semaphore_mem>>)
    %scan3A = arith.constant 0 : i32
    %scan3A_36 = arith.constant 0 : i32
    %scan3A_37 = arith.constant 40 : i32
    %scan3A_38 = arith.addi %scan3A_36, %scan3A_37 : i32
    %scan3A_39 = arith.constant 1 : i32
    scf.for %scan3A_41 = %scan3A_36 to %scan3A_38 step %scan3A_39  : i32 {
      %mul3A_42 = arith.constant 2 : i32
      %mul3A_43 = arith.muli %mul3A_42, %scan3A_41 : i32
      %add3A_44 = arith.constant 0 : i32
      %add3A_45 = arith.addi %mul3A_43, %add3A_44 : i32
      %dma_wait3A = arith.constant 0 : i32
      %dma_wait3A_46 = arith.constant 0 : i32
      %dma_wait3A_47 = arith.constant 0 : i32
      %dma_wait3A_48 = arith.constant 0 : i32
      %dma_wait3A_49 = tpu.memref_slice %arg6[%dma_wait3A, %dma_wait3A_47, %dma_wait3A_48] : memref<2x128x128xf32, #tpu.memory_space<vmem>> -> memref<1x128x128xf32, #tpu.memory_space<vmem>>
      %dma_wait3A_50 = tpu.memref_squeeze %dma_wait3A_49 : memref<1x128x128xf32, #tpu.memory_space<vmem>> -> memref<128x128xf32, #tpu.memory_space<vmem>>
      %dma_wait3A_51 = arith.constant 0 : i32
      %dma_wait3A_52 = tpu.memref_slice %arg5[%add3A_45, %dma_wait3A_51] : memref<80x128xi32, #tpu.memory_space<vmem>> -> memref<1x128xi32, #tpu.memory_space<vmem>>
      %dma_wait3A_53 = tpu.memref_squeeze %dma_wait3A_52 : memref<1x128xi32, #tpu.memory_space<vmem>> -> memref<128xi32, #tpu.memory_space<vmem>>
      %dma_wait3A_54 = arith.constant 0 : i32
      %dma_wait3A_55 = arith.constant 0 : i32
      %dma_wait3A_56 = tpu.memref_slice %arg7[%dma_wait3A_54, %dma_wait3A_55] : memref<10240x128xf32, #tpu.memory_space<vmem_shared>> -> memref<10240x128xf32, #tpu.memory_space<vmem_shared>>
      %dma_wait3A_57 = tpu.memref_slice %arg8[%dma_wait3A_46] : memref<2x!tpu.dma_semaphore, #tpu.memory_space<semaphore_mem>> -> memref<1x!tpu.dma_semaphore, #tpu.memory_space<semaphore_mem>>
      %dma_wait3A_58 = tpu.memref_squeeze %dma_wait3A_57 : memref<1x!tpu.dma_semaphore, #tpu.memory_space<semaphore_mem>> -> memref<!tpu.dma_semaphore, #tpu.memory_space<semaphore_mem>>
      tpu.wait_indirect_dma semaphore(%dma_wait3A_58 : memref<!tpu.dma_semaphore, #tpu.memory_space<semaphore_mem>>) src(%dma_wait3A_56 : memref<10240x128xf32, #tpu.memory_space<vmem_shared>>) dst(%dma_wait3A_50 : memref<128x128xf32, #tpu.memory_space<vmem>>)
      %mul3A_59 = arith.constant 128 : i32
      %mul3A_60 = arith.muli %add3A_45, %mul3A_59 : i32
      %add3A_61 = arith.addi %mul3A_6, %mul3A_60 : i32
      %run_scoped3A = arith.constant 0 : i32
      "tpu.region"() ({
        %run_scoped3A_93 = tpu.sem_alloc : memref<!tpu.dma_semaphore, #tpu.memory_space<semaphore_mem>>
        %dma_start3A_94 = arith.constant 0 : i32
        %dma_start3A_95 = arith.constant 0 : i32
        %dma_start3A_96 = tpu.memref_slice %arg6[%run_scoped3A, %dma_start3A_94, %dma_start3A_95] : memref<2x128x128xf32, #tpu.memory_space<vmem>> -> memref<1x128x128xf32, #tpu.memory_space<vmem>>
        %dma_start3A_97 = tpu.memref_squeeze %dma_start3A_96 : memref<1x128x128xf32, #tpu.memory_space<vmem>> -> memref<128x128xf32, #tpu.memory_space<vmem>>
        %dma_start3A_98 = arith.constant 0 : i32
        %dma_start3A_99 = tpu.memref_slice %arg4[%add3A_61, %dma_start3A_98] : memref<327680x128xf32, #tpu.memory_space<hbm>> -> memref<128x128xf32, #tpu.memory_space<hbm>>
        %dma_start3A_100 = arith.constant 0 : i32
        %dma_start3A_101 = tpu.memref_slice %arg4[%add3A_61, %dma_start3A_100] : memref<327680x128xf32, #tpu.memory_space<hbm>> -> memref<128x128xf32, #tpu.memory_space<hbm>>
        %dma_start3A_102 = arith.constant 0 : i32
        %dma_start3A_103 = arith.constant 0 : i32
        %dma_start3A_104 = tpu.memref_slice %arg6[%run_scoped3A, %dma_start3A_102, %dma_start3A_103] : memref<2x128x128xf32, #tpu.memory_space<vmem>> -> memref<1x128x128xf32, #tpu.memory_space<vmem>>
        %dma_start3A_105 = tpu.memref_squeeze %dma_start3A_104 : memref<1x128x128xf32, #tpu.memory_space<vmem>> -> memref<128x128xf32, #tpu.memory_space<vmem>>
        tpu.enqueue_dma source(%dma_start3A_105 : memref<128x128xf32, #tpu.memory_space<vmem>>) target(%dma_start3A_101 : memref<128x128xf32, #tpu.memory_space<hbm>>) target_semaphore(%run_scoped3A_93 : memref<!tpu.dma_semaphore, #tpu.memory_space<semaphore_mem>>)
        %dma_wait3A_106 = arith.constant 0 : i32
        %dma_wait3A_107 = arith.constant 0 : i32
        %dma_wait3A_108 = tpu.memref_slice %arg6[%run_scoped3A, %dma_wait3A_106, %dma_wait3A_107] : memref<2x128x128xf32, #tpu.memory_space<vmem>> -> memref<1x128x128xf32, #tpu.memory_space<vmem>>
        %dma_wait3A_109 = tpu.memref_squeeze %dma_wait3A_108 : memref<1x128x128xf32, #tpu.memory_space<vmem>> -> memref<128x128xf32, #tpu.memory_space<vmem>>
        %dma_wait3A_110 = arith.constant 0 : i32
        %dma_wait3A_111 = tpu.memref_slice %arg4[%add3A_61, %dma_wait3A_110] : memref<327680x128xf32, #tpu.memory_space<hbm>> -> memref<128x128xf32, #tpu.memory_space<hbm>>
        %dma_wait3A_112 = arith.constant 0 : i32
        %dma_wait3A_113 = tpu.memref_slice %arg4[%add3A_61, %dma_wait3A_112] : memref<327680x128xf32, #tpu.memory_space<hbm>> -> memref<128x128xf32, #tpu.memory_space<hbm>>
        %dma_wait3A_114 = arith.constant 0 : i32
        %dma_wait3A_115 = arith.constant 0 : i32
        %dma_wait3A_116 = tpu.memref_slice %arg6[%run_scoped3A, %dma_wait3A_114, %dma_wait3A_115] : memref<2x128x128xf32, #tpu.memory_space<vmem>> -> memref<1x128x128xf32, #tpu.memory_space<vmem>>
        %dma_wait3A_117 = tpu.memref_squeeze %dma_wait3A_116 : memref<1x128x128xf32, #tpu.memory_space<vmem>> -> memref<128x128xf32, #tpu.memory_space<vmem>>
        tpu.wait_dma2 semaphore(%run_scoped3A_93 : memref<!tpu.dma_semaphore, #tpu.memory_space<semaphore_mem>>) src(%dma_wait3A_117 : memref<128x128xf32, #tpu.memory_space<vmem>>) dst(%dma_wait3A_113 : memref<128x128xf32, #tpu.memory_space<hbm>>)
        tpu.yield
      }) : () -> ()
      %add3A_62 = arith.constant 2 : i32
      %add3A_63 = arith.addi %add3A_45, %add3A_62 : i32
      %lt3A = arith.constant 80 : i32
      %lt3A_64 = arith.cmpi slt, %add3A_63, %lt3A : i32
      %convert_element_type3A = arith.extui %lt3A_64 : i1 to i32
      %cond3A = arith.constant 0 : i32
      %cond3A_65 = arith.cmpi ne, %convert_element_type3A, %cond3A : i32
      scf.if %cond3A_65 {
        %add3A_93 = arith.constant 2 : i32
        %add3A_94 = arith.addi %add3A_45, %add3A_93 : i32
        %dma_start3A_95 = arith.constant 0 : i32
        %dma_start3A_96 = arith.constant 0 : i32
        %dma_start3A_97 = arith.constant 0 : i32
        %dma_start3A_98 = arith.constant 0 : i32
        %dma_start3A_99 = tpu.memref_slice %arg6[%dma_start3A_95, %dma_start3A_97, %dma_start3A_98] : memref<2x128x128xf32, #tpu.memory_space<vmem>> -> memref<1x128x128xf32, #tpu.memory_space<vmem>>
        %dma_start3A_100 = tpu.memref_squeeze %dma_start3A_99 : memref<1x128x128xf32, #tpu.memory_space<vmem>> -> memref<128x128xf32, #tpu.memory_space<vmem>>
        %dma_start3A_101 = arith.constant 0 : i32
        %dma_start3A_102 = tpu.memref_slice %arg5[%add3A_94, %dma_start3A_101] : memref<80x128xi32, #tpu.memory_space<vmem>> -> memref<1x128xi32, #tpu.memory_space<vmem>>
        %dma_start3A_103 = tpu.memref_squeeze %dma_start3A_102 : memref<1x128xi32, #tpu.memory_space<vmem>> -> memref<128xi32, #tpu.memory_space<vmem>>
        %dma_start3A_104 = arith.constant 0 : i32
        %dma_start3A_105 = arith.constant 0 : i32
        %dma_start3A_106 = tpu.memref_slice %arg7[%dma_start3A_104, %dma_start3A_105] : memref<10240x128xf32, #tpu.memory_space<vmem_shared>> -> memref<10240x128xf32, #tpu.memory_space<vmem_shared>>
        %dma_start3A_107 = tpu.memref_slice %arg8[%dma_start3A_96] : memref<2x!tpu.dma_semaphore, #tpu.memory_space<semaphore_mem>> -> memref<1x!tpu.dma_semaphore, #tpu.memory_space<semaphore_mem>>
        %dma_start3A_108 = tpu.memref_squeeze %dma_start3A_107 : memref<1x!tpu.dma_semaphore, #tpu.memory_space<semaphore_mem>> -> memref<!tpu.dma_semaphore, #tpu.memory_space<semaphore_mem>>
        tpu.enqueue_indirect_dma source(%dma_start3A_106 : memref<10240x128xf32, #tpu.memory_space<vmem_shared>>) target(%dma_start3A_100 : memref<128x128xf32, #tpu.memory_space<vmem>>) offsets(%dma_start3A_103 : memref<128xi32, #tpu.memory_space<vmem>>) semaphore(%dma_start3A_108 : memref<!tpu.dma_semaphore, #tpu.memory_space<semaphore_mem>>)
      } else {
      }
      %add3A_66 = arith.constant 1 : i32
      %add3A_67 = arith.addi %mul3A_43, %add3A_66 : i32
      %dma_wait3A_68 = arith.constant 1 : i32
      %dma_wait3A_69 = arith.constant 1 : i32
      %dma_wait3A_70 = arith.constant 0 : i32
      %dma_wait3A_71 = arith.constant 0 : i32
      %dma_wait3A_72 = tpu.memref_slice %arg6[%dma_wait3A_68, %dma_wait3A_70, %dma_wait3A_71] : memref<2x128x128xf32, #tpu.memory_space<vmem>> -> memref<1x128x128xf32, #tpu.memory_space<vmem>>
      %dma_wait3A_73 = tpu.memref_squeeze %dma_wait3A_72 : memref<1x128x128xf32, #tpu.memory_space<vmem>> -> memref<128x128xf32, #tpu.memory_space<vmem>>
      %dma_wait3A_74 = arith.constant 0 : i32
      %dma_wait3A_75 = tpu.memref_slice %arg5[%add3A_67, %dma_wait3A_74] : memref<80x128xi32, #tpu.memory_space<vmem>> -> memref<1x128xi32, #tpu.memory_space<vmem>>
      %dma_wait3A_76 = tpu.memref_squeeze %dma_wait3A_75 : memref<1x128xi32, #tpu.memory_space<vmem>> -> memref<128xi32, #tpu.memory_space<vmem>>
      %dma_wait3A_77 = arith.constant 0 : i32
      %dma_wait3A_78 = arith.constant 0 : i32
      %dma_wait3A_79 = tpu.memref_slice %arg7[%dma_wait3A_77, %dma_wait3A_78] : memref<10240x128xf32, #tpu.memory_space<vmem_shared>> -> memref<10240x128xf32, #tpu.memory_space<vmem_shared>>
      %dma_wait3A_80 = tpu.memref_slice %arg8[%dma_wait3A_69] : memref<2x!tpu.dma_semaphore, #tpu.memory_space<semaphore_mem>> -> memref<1x!tpu.dma_semaphore, #tpu.memory_space<semaphore_mem>>
      %dma_wait3A_81 = tpu.memref_squeeze %dma_wait3A_80 : memref<1x!tpu.dma_semaphore, #tpu.memory_space<semaphore_mem>> -> memref<!tpu.dma_semaphore, #tpu.memory_space<semaphore_mem>>
      tpu.wait_indirect_dma semaphore(%dma_wait3A_81 : memref<!tpu.dma_semaphore, #tpu.memory_space<semaphore_mem>>) src(%dma_wait3A_79 : memref<10240x128xf32, #tpu.memory_space<vmem_shared>>) dst(%dma_wait3A_73 : memref<128x128xf32, #tpu.memory_space<vmem>>)
      %mul3A_82 = arith.constant 128 : i32
      %mul3A_83 = arith.muli %add3A_67, %mul3A_82 : i32
      %add3A_84 = arith.addi %mul3A_6, %mul3A_83 : i32
      %run_scoped3A_85 = arith.constant 1 : i32
      "tpu.region"() ({
        %run_scoped3A_93 = tpu.sem_alloc : memref<!tpu.dma_semaphore, #tpu.memory_space<semaphore_mem>>
        %dma_start3A_94 = arith.constant 0 : i32
        %dma_start3A_95 = arith.constant 0 : i32
        %dma_start3A_96 = tpu.memref_slice %arg6[%run_scoped3A_85, %dma_start3A_94, %dma_start3A_95] : memref<2x128x128xf32, #tpu.memory_space<vmem>> -> memref<1x128x128xf32, #tpu.memory_space<vmem>>
        %dma_start3A_97 = tpu.memref_squeeze %dma_start3A_96 : memref<1x128x128xf32, #tpu.memory_space<vmem>> -> memref<128x128xf32, #tpu.memory_space<vmem>>
        %dma_start3A_98 = arith.constant 0 : i32
        %dma_start3A_99 = tpu.memref_slice %arg4[%add3A_84, %dma_start3A_98] : memref<327680x128xf32, #tpu.memory_space<hbm>> -> memref<128x128xf32, #tpu.memory_space<hbm>>
        %dma_start3A_100 = arith.constant 0 : i32
        %dma_start3A_101 = tpu.memref_slice %arg4[%add3A_84, %dma_start3A_100] : memref<327680x128xf32, #tpu.memory_space<hbm>> -> memref<128x128xf32, #tpu.memory_space<hbm>>
        %dma_start3A_102 = arith.constant 0 : i32
        %dma_start3A_103 = arith.constant 0 : i32
        %dma_start3A_104 = tpu.memref_slice %arg6[%run_scoped3A_85, %dma_start3A_102, %dma_start3A_103] : memref<2x128x128xf32, #tpu.memory_space<vmem>> -> memref<1x128x128xf32, #tpu.memory_space<vmem>>
        %dma_start3A_105 = tpu.memref_squeeze %dma_start3A_104 : memref<1x128x128xf32, #tpu.memory_space<vmem>> -> memref<128x128xf32, #tpu.memory_space<vmem>>
        tpu.enqueue_dma source(%dma_start3A_105 : memref<128x128xf32, #tpu.memory_space<vmem>>) target(%dma_start3A_101 : memref<128x128xf32, #tpu.memory_space<hbm>>) target_semaphore(%run_scoped3A_93 : memref<!tpu.dma_semaphore, #tpu.memory_space<semaphore_mem>>)
        %dma_wait3A_106 = arith.constant 0 : i32
        %dma_wait3A_107 = arith.constant 0 : i32
        %dma_wait3A_108 = tpu.memref_slice %arg6[%run_scoped3A_85, %dma_wait3A_106, %dma_wait3A_107] : memref<2x128x128xf32, #tpu.memory_space<vmem>> -> memref<1x128x128xf32, #tpu.memory_space<vmem>>
        %dma_wait3A_109 = tpu.memref_squeeze %dma_wait3A_108 : memref<1x128x128xf32, #tpu.memory_space<vmem>> -> memref<128x128xf32, #tpu.memory_space<vmem>>
        %dma_wait3A_110 = arith.constant 0 : i32
        %dma_wait3A_111 = tpu.memref_slice %arg4[%add3A_84, %dma_wait3A_110] : memref<327680x128xf32, #tpu.memory_space<hbm>> -> memref<128x128xf32, #tpu.memory_space<hbm>>
        %dma_wait3A_112 = arith.constant 0 : i32
        %dma_wait3A_113 = tpu.memref_slice %arg4[%add3A_84, %dma_wait3A_112] : memref<327680x128xf32, #tpu.memory_space<hbm>> -> memref<128x128xf32, #tpu.memory_space<hbm>>
        %dma_wait3A_114 = arith.constant 0 : i32
        %dma_wait3A_115 = arith.constant 0 : i32
        %dma_wait3A_116 = tpu.memref_slice %arg6[%run_scoped3A_85, %dma_wait3A_114, %dma_wait3A_115] : memref<2x128x128xf32, #tpu.memory_space<vmem>> -> memref<1x128x128xf32, #tpu.memory_space<vmem>>
        %dma_wait3A_117 = tpu.memref_squeeze %dma_wait3A_116 : memref<1x128x128xf32, #tpu.memory_space<vmem>> -> memref<128x128xf32, #tpu.memory_space<vmem>>
        tpu.wait_dma2 semaphore(%run_scoped3A_93 : memref<!tpu.dma_semaphore, #tpu.memory_space<semaphore_mem>>) src(%dma_wait3A_117 : memref<128x128xf32, #tpu.memory_space<vmem>>) dst(%dma_wait3A_113 : memref<128x128xf32, #tpu.memory_space<hbm>>)
        tpu.yield
      }) : () -> ()
      %add3A_86 = arith.constant 2 : i32
      %add3A_87 = arith.addi %add3A_67, %add3A_86 : i32
      %lt3A_88 = arith.constant 80 : i32
      %lt3A_89 = arith.cmpi slt, %add3A_87, %lt3A_88 : i32
      %convert_element_type3A_90 = arith.extui %lt3A_89 : i1 to i32
      %cond3A_91 = arith.constant 0 : i32
      %cond3A_92 = arith.cmpi ne, %convert_element_type3A_90, %cond3A_91 : i32
      scf.if %cond3A_92 {
        %add3A_93 = arith.constant 2 : i32
        %add3A_94 = arith.addi %add3A_67, %add3A_93 : i32
        %dma_start3A_95 = arith.constant 1 : i32
        %dma_start3A_96 = arith.constant 1 : i32
        %dma_start3A_97 = arith.constant 0 : i32
        %dma_start3A_98 = arith.constant 0 : i32
        %dma_start3A_99 = tpu.memref_slice %arg6[%dma_start3A_95, %dma_start3A_97, %dma_start3A_98] : memref<2x128x128xf32, #tpu.memory_space<vmem>> -> memref<1x128x128xf32, #tpu.memory_space<vmem>>
        %dma_start3A_100 = tpu.memref_squeeze %dma_start3A_99 : memref<1x128x128xf32, #tpu.memory_space<vmem>> -> memref<128x128xf32, #tpu.memory_space<vmem>>
        %dma_start3A_101 = arith.constant 0 : i32
        %dma_start3A_102 = tpu.memref_slice %arg5[%add3A_94, %dma_start3A_101] : memref<80x128xi32, #tpu.memory_space<vmem>> -> memref<1x128xi32, #tpu.memory_space<vmem>>
        %dma_start3A_103 = tpu.memref_squeeze %dma_start3A_102 : memref<1x128xi32, #tpu.memory_space<vmem>> -> memref<128xi32, #tpu.memory_space<vmem>>
        %dma_start3A_104 = arith.constant 0 : i32
        %dma_start3A_105 = arith.constant 0 : i32
        %dma_start3A_106 = tpu.memref_slice %arg7[%dma_start3A_104, %dma_start3A_105] : memref<10240x128xf32, #tpu.memory_space<vmem_shared>> -> memref<10240x128xf32, #tpu.memory_space<vmem_shared>>
        %dma_start3A_107 = tpu.memref_slice %arg8[%dma_start3A_96] : memref<2x!tpu.dma_semaphore, #tpu.memory_space<semaphore_mem>> -> memref<1x!tpu.dma_semaphore, #tpu.memory_space<semaphore_mem>>
        %dma_start3A_108 = tpu.memref_squeeze %dma_start3A_107 : memref<1x!tpu.dma_semaphore, #tpu.memory_space<semaphore_mem>> -> memref<!tpu.dma_semaphore, #tpu.memory_space<semaphore_mem>>
        tpu.enqueue_indirect_dma source(%dma_start3A_106 : memref<10240x128xf32, #tpu.memory_space<vmem_shared>>) target(%dma_start3A_100 : memref<128x128xf32, #tpu.memory_space<vmem>>) offsets(%dma_start3A_103 : memref<128xi32, #tpu.memory_space<vmem>>) semaphore(%dma_start3A_108 : memref<!tpu.dma_semaphore, #tpu.memory_space<semaphore_mem>>)
      } else {
      }
    }
    %scan3A_40 = arith.constant 40 : i32
    return
  }
}

#map = affine_map<(d0, d1) -> (0, 0)>
#map1 = affine_map<(d0, d1) -> (0, 0, 0)>
module attributes {stable_mosaic.version = 14 : i64} {
  func.func @k(%arg0: i32, %arg1: i32, %arg2: memref<10240x128xf32, #tpu.memory_space<hbm>>, %arg3: memref<32x80x128xi32, #tpu.memory_space<hbm>>, %arg4: memref<327680x128xf32, #tpu.memory_space<hbm>>, %arg5: memref<80x128xi32, #tpu.memory_space<vmem>>, %arg6: memref<2x128x128xf32, #tpu.memory_space<vmem>>, %arg7: memref<10240x128xf32, #tpu.memory_space<vmem_shared>>, %arg8: memref<2x!tpu.dma_semaphore, #tpu.memory_space<semaphore_mem>>) attributes {dimension_semantics = [#tpu.dimension_semantics<core_parallel>, #tpu.dimension_semantics<subcore_parallel>], iteration_bounds = array<i64: 2, 16>, scalar_prefetch = 0 : i64, scratch_operands = 4 : i64, tpu.core_type = #tpu.core_type<sc_vector_subcore>, window_params = [{transform_indices = #map}, {transform_indices = #map1}, {transform_indices = #map}]} {
    %mul3A = arith.constant 2 : i32
    %mul3A_0 = arith.muli %arg1, %mul3A : i32
    %add3A = arith.addi %mul3A_0, %arg0 : i32
    %mul3A_1 = arith.constant 640 : i32
    %mul3A_2 = arith.muli %arg1, %mul3A_1 : i32
    %mul3A_3 = arith.constant 640 : i32
    %mul3A_4 = arith.muli %arg1, %mul3A_3 : i32
    "tpu.region"() ({
      %run_scoped3A = tpu.sem_alloc : memref<!tpu.dma_semaphore, #tpu.memory_space<semaphore_mem>>
      %dma_start3A_41 = arith.constant 0 : i32
      %dma_start3A_42 = tpu.memref_slice %arg7[%mul3A_4, %dma_start3A_41] : memref<10240x128xf32, #tpu.memory_space<vmem_shared>> -> memref<640x128xf32, #tpu.memory_space<vmem_shared>>
      %dma_start3A_43 = arith.constant 0 : i32
      %dma_start3A_44 = tpu.memref_slice %arg2[%mul3A_2, %dma_start3A_43] : memref<10240x128xf32, #tpu.memory_space<hbm>> -> memref<640x128xf32, #tpu.memory_space<hbm>>
      tpu.enqueue_dma source(%dma_start3A_44 : memref<640x128xf32, #tpu.memory_space<hbm>>) target(%dma_start3A_42 : memref<640x128xf32, #tpu.memory_space<vmem_shared>>) target_semaphore(%run_scoped3A : memref<!tpu.dma_semaphore, #tpu.memory_space<semaphore_mem>>)
      %dma_wait3A = arith.constant 0 : i32
      %dma_wait3A_45 = tpu.memref_slice %arg7[%mul3A_4, %dma_wait3A] : memref<10240x128xf32, #tpu.memory_space<vmem_shared>> -> memref<640x128xf32, #tpu.memory_space<vmem_shared>>
      %dma_wait3A_46 = arith.constant 0 : i32
      %dma_wait3A_47 = tpu.memref_slice %arg2[%mul3A_2, %dma_wait3A_46] : memref<10240x128xf32, #tpu.memory_space<hbm>> -> memref<640x128xf32, #tpu.memory_space<hbm>>
      tpu.wait_dma2 semaphore(%run_scoped3A : memref<!tpu.dma_semaphore, #tpu.memory_space<semaphore_mem>>) src(%dma_wait3A_47 : memref<640x128xf32, #tpu.memory_space<hbm>>) dst(%dma_wait3A_45 : memref<640x128xf32, #tpu.memory_space<vmem_shared>>)
      tpu.yield
    }) : () -> ()
    "tpu.region"() ({
      %run_scoped3A = tpu.sem_alloc : memref<!tpu.dma_semaphore, #tpu.memory_space<semaphore_mem>>
      %dma_start3A_41 = arith.constant 0 : i32
      %dma_start3A_42 = arith.constant 0 : i32
      %dma_start3A_43 = tpu.memref_slice %arg3[%add3A, %dma_start3A_41, %dma_start3A_42] : memref<32x80x128xi32, #tpu.memory_space<hbm>> -> memref<1x80x128xi32, #tpu.memory_space<hbm>>
      %dma_start3A_44 = tpu.memref_squeeze %dma_start3A_43 : memref<1x80x128xi32, #tpu.memory_space<hbm>> -> memref<80x128xi32, #tpu.memory_space<hbm>>
      %dma_start3A_45 = arith.constant 0 : i32
      %dma_start3A_46 = arith.constant 0 : i32
      %dma_start3A_47 = tpu.memref_slice %arg3[%add3A, %dma_start3A_45, %dma_start3A_46] : memref<32x80x128xi32, #tpu.memory_space<hbm>> -> memref<1x80x128xi32, #tpu.memory_space<hbm>>
      %dma_start3A_48 = tpu.memref_squeeze %dma_start3A_47 : memref<1x80x128xi32, #tpu.memory_space<hbm>> -> memref<80x128xi32, #tpu.memory_space<hbm>>
      tpu.enqueue_dma source(%dma_start3A_48 : memref<80x128xi32, #tpu.memory_space<hbm>>) target(%arg5 : memref<80x128xi32, #tpu.memory_space<vmem>>) target_semaphore(%run_scoped3A : memref<!tpu.dma_semaphore, #tpu.memory_space<semaphore_mem>>)
      %dma_wait3A = arith.constant 0 : i32
      %dma_wait3A_49 = arith.constant 0 : i32
      %dma_wait3A_50 = tpu.memref_slice %arg3[%add3A, %dma_wait3A, %dma_wait3A_49] : memref<32x80x128xi32, #tpu.memory_space<hbm>> -> memref<1x80x128xi32, #tpu.memory_space<hbm>>
      %dma_wait3A_51 = tpu.memref_squeeze %dma_wait3A_50 : memref<1x80x128xi32, #tpu.memory_space<hbm>> -> memref<80x128xi32, #tpu.memory_space<hbm>>
      %dma_wait3A_52 = arith.constant 0 : i32
      %dma_wait3A_53 = arith.constant 0 : i32
      %dma_wait3A_54 = tpu.memref_slice %arg3[%add3A, %dma_wait3A_52, %dma_wait3A_53] : memref<32x80x128xi32, #tpu.memory_space<hbm>> -> memref<1x80x128xi32, #tpu.memory_space<hbm>>
      %dma_wait3A_55 = tpu.memref_squeeze %dma_wait3A_54 : memref<1x80x128xi32, #tpu.memory_space<hbm>> -> memref<80x128xi32, #tpu.memory_space<hbm>>
      tpu.wait_dma2 semaphore(%run_scoped3A : memref<!tpu.dma_semaphore, #tpu.memory_space<semaphore_mem>>) src(%dma_wait3A_55 : memref<80x128xi32, #tpu.memory_space<hbm>>) dst(%arg5 : memref<80x128xi32, #tpu.memory_space<vmem>>)
      tpu.yield
    }) : () -> ()
    %barrier3A = arith.constant 0 : index
    tpu.barrier barrier_id(%barrier3A)
    %mul3A_5 = arith.constant 10240 : i32
    %mul3A_6 = arith.muli %add3A, %mul3A_5 : i32
    %dma_start3A = arith.constant 0 : i32
    %dma_start3A_7 = arith.constant 0 : i32
    %dma_start3A_8 = arith.constant 0 : i32
    %dma_start3A_9 = arith.constant 0 : i32
    %dma_start3A_10 = arith.constant 0 : i32
    %dma_start3A_11 = tpu.memref_slice %arg6[%dma_start3A_7, %dma_start3A_9, %dma_start3A_10] : memref<2x128x128xf32, #tpu.memory_space<vmem>> -> memref<1x128x128xf32, #tpu.memory_space<vmem>>
    %dma_start3A_12 = tpu.memref_squeeze %dma_start3A_11 : memref<1x128x128xf32, #tpu.memory_space<vmem>> -> memref<128x128xf32, #tpu.memory_space<vmem>>
    %dma_start3A_13 = arith.constant 0 : i32
    %dma_start3A_14 = tpu.memref_slice %arg5[%dma_start3A, %dma_start3A_13] : memref<80x128xi32, #tpu.memory_space<vmem>> -> memref<1x128xi32, #tpu.memory_space<vmem>>
    %dma_start3A_15 = tpu.memref_squeeze %dma_start3A_14 : memref<1x128xi32, #tpu.memory_space<vmem>> -> memref<128xi32, #tpu.memory_space<vmem>>
    %dma_start3A_16 = arith.constant 0 : i32
    %dma_start3A_17 = arith.constant 0 : i32
    %dma_start3A_18 = tpu.memref_slice %arg7[%dma_start3A_16, %dma_start3A_17] : memref<10240x128xf32, #tpu.memory_space<vmem_shared>> -> memref<10240x128xf32, #tpu.memory_space<vmem_shared>>
    %dma_start3A_19 = tpu.memref_slice %arg8[%dma_start3A_8] : memref<2x!tpu.dma_semaphore, #tpu.memory_space<semaphore_mem>> -> memref<1x!tpu.dma_semaphore, #tpu.memory_space<semaphore_mem>>
    %dma_start3A_20 = tpu.memref_squeeze %dma_start3A_19 : memref<1x!tpu.dma_semaphore, #tpu.memory_space<semaphore_mem>> -> memref<!tpu.dma_semaphore, #tpu.memory_space<semaphore_mem>>
    tpu.enqueue_indirect_dma source(%dma_start3A_18 : memref<10240x128xf32, #tpu.memory_space<vmem_shared>>) target(%dma_start3A_12 : memref<128x128xf32, #tpu.memory_space<vmem>>) offsets(%dma_start3A_15 : memref<128xi32, #tpu.memory_space<vmem>>) semaphore(%dma_start3A_20 : memref<!tpu.dma_semaphore, #tpu.memory_space<semaphore_mem>>)
    %dma_start3A_21 = arith.constant 1 : i32
    %dma_start3A_22 = arith.constant 1 : i32
    %dma_start3A_23 = arith.constant 1 : i32
    %dma_start3A_24 = arith.constant 0 : i32
    %dma_start3A_25 = arith.constant 0 : i32
    %dma_start3A_26 = tpu.memref_slice %arg6[%dma_start3A_22, %dma_start3A_24, %dma_start3A_25] : memref<2x128x128xf32, #tpu.memory_space<vmem>> -> memref<1x128x128xf32, #tpu.memory_space<vmem>>
    %dma_start3A_27 = tpu.memref_squeeze %dma_start3A_26 : memref<1x128x128xf32, #tpu.memory_space<vmem>> -> memref<128x128xf32, #tpu.memory_space<vmem>>
    %dma_start3A_28 = arith.constant 0 : i32
    %dma_start3A_29 = tpu.memref_slice %arg5[%dma_start3A_21, %dma_start3A_28] : memref<80x128xi32, #tpu.memory_space<vmem>> -> memref<1x128xi32, #tpu.memory_space<vmem>>
    %dma_start3A_30 = tpu.memref_squeeze %dma_start3A_29 : memref<1x128xi32, #tpu.memory_space<vmem>> -> memref<128xi32, #tpu.memory_space<vmem>>
    %dma_start3A_31 = arith.constant 0 : i32
    %dma_start3A_32 = arith.constant 0 : i32
    %dma_start3A_33 = tpu.memref_slice %arg7[%dma_start3A_31, %dma_start3A_32] : memref<10240x128xf32, #tpu.memory_space<vmem_shared>> -> memref<10240x128xf32, #tpu.memory_space<vmem_shared>>
    %dma_start3A_34 = tpu.memref_slice %arg8[%dma_start3A_23] : memref<2x!tpu.dma_semaphore, #tpu.memory_space<semaphore_mem>> -> memref<1x!tpu.dma_semaphore, #tpu.memory_space<semaphore_mem>>
    %dma_start3A_35 = tpu.memref_squeeze %dma_start3A_34 : memref<1x!tpu.dma_semaphore, #tpu.memory_space<semaphore_mem>> -> memref<!tpu.dma_semaphore, #tpu.memory_space<semaphore_mem>>
    tpu.enqueue_indirect_dma source(%dma_start3A_33 : memref<10240x128xf32, #tpu.memory_space<vmem_shared>>) target(%dma_start3A_27 : memref<128x128xf32, #tpu.memory_space<vmem>>) offsets(%dma_start3A_30 : memref<128xi32, #tpu.memory_space<vmem>>) semaphore(%dma_start3A_35 : memref<!tpu.dma_semaphore, #tpu.memory_space<semaphore_mem>>)
    %scan3A = arith.constant 0 : i32
    %scan3A_36 = arith.constant 0 : i32
    %scan3A_37 = arith.constant 40 : i32
    %scan3A_38 = arith.addi %scan3A_36, %scan3A_37 : i32
    %scan3A_39 = arith.constant 1 : i32
    scf.for %scan3A_41 = %scan3A_36 to %scan3A_38 step %scan3A_39  : i32 {
      %mul3A_42 = arith.constant 2 : i32
      %mul3A_43 = arith.muli %mul3A_42, %scan3A_41 : i32
      %add3A_44 = arith.constant 0 : i32
      %add3A_45 = arith.addi %mul3A_43, %add3A_44 : i32
      %dma_wait3A = arith.constant 0 : i32
      %dma_wait3A_46 = arith.constant 0 : i32
      %dma_wait3A_47 = arith.constant 0 : i32
      %dma_wait3A_48 = arith.constant 0 : i32
      %dma_wait3A_49 = tpu.memref_slice %arg6[%dma_wait3A, %dma_wait3A_47, %dma_wait3A_48] : memref<2x128x128xf32, #tpu.memory_space<vmem>> -> memref<1x128x128xf32, #tpu.memory_space<vmem>>
      %dma_wait3A_50 = tpu.memref_squeeze %dma_wait3A_49 : memref<1x128x128xf32, #tpu.memory_space<vmem>> -> memref<128x128xf32, #tpu.memory_space<vmem>>
      %dma_wait3A_51 = arith.constant 0 : i32
      %dma_wait3A_52 = tpu.memref_slice %arg5[%add3A_45, %dma_wait3A_51] : memref<80x128xi32, #tpu.memory_space<vmem>> -> memref<1x128xi32, #tpu.memory_space<vmem>>
      %dma_wait3A_53 = tpu.memref_squeeze %dma_wait3A_52 : memref<1x128xi32, #tpu.memory_space<vmem>> -> memref<128xi32, #tpu.memory_space<vmem>>
      %dma_wait3A_54 = arith.constant 0 : i32
      %dma_wait3A_55 = arith.constant 0 : i32
      %dma_wait3A_56 = tpu.memref_slice %arg7[%dma_wait3A_54, %dma_wait3A_55] : memref<10240x128xf32, #tpu.memory_space<vmem_shared>> -> memref<10240x128xf32, #tpu.memory_space<vmem_shared>>
      %dma_wait3A_57 = tpu.memref_slice %arg8[%dma_wait3A_46] : memref<2x!tpu.dma_semaphore, #tpu.memory_space<semaphore_mem>> -> memref<1x!tpu.dma_semaphore, #tpu.memory_space<semaphore_mem>>
      %dma_wait3A_58 = tpu.memref_squeeze %dma_wait3A_57 : memref<1x!tpu.dma_semaphore, #tpu.memory_space<semaphore_mem>> -> memref<!tpu.dma_semaphore, #tpu.memory_space<semaphore_mem>>
      tpu.wait_indirect_dma semaphore(%dma_wait3A_58 : memref<!tpu.dma_semaphore, #tpu.memory_space<semaphore_mem>>) src(%dma_wait3A_56 : memref<10240x128xf32, #tpu.memory_space<vmem_shared>>) dst(%dma_wait3A_50 : memref<128x128xf32, #tpu.memory_space<vmem>>)
      %mul3A_59 = arith.constant 128 : i32
      %mul3A_60 = arith.muli %add3A_45, %mul3A_59 : i32
      %add3A_61 = arith.addi %mul3A_6, %mul3A_60 : i32
      %run_scoped3A = arith.constant 0 : i32
      "tpu.region"() ({
        %run_scoped3A_93 = tpu.sem_alloc : memref<!tpu.dma_semaphore, #tpu.memory_space<semaphore_mem>>
        %dma_start3A_94 = arith.constant 0 : i32
        %dma_start3A_95 = arith.constant 0 : i32
        %dma_start3A_96 = tpu.memref_slice %arg6[%run_scoped3A, %dma_start3A_94, %dma_start3A_95] : memref<2x128x128xf32, #tpu.memory_space<vmem>> -> memref<1x128x128xf32, #tpu.memory_space<vmem>>
        %dma_start3A_97 = tpu.memref_squeeze %dma_start3A_96 : memref<1x128x128xf32, #tpu.memory_space<vmem>> -> memref<128x128xf32, #tpu.memory_space<vmem>>
        %dma_start3A_98 = arith.constant 0 : i32
        %dma_start3A_99 = tpu.memref_slice %arg4[%add3A_61, %dma_start3A_98] : memref<327680x128xf32, #tpu.memory_space<hbm>> -> memref<128x128xf32, #tpu.memory_space<hbm>>
        %dma_start3A_100 = arith.constant 0 : i32
        %dma_start3A_101 = tpu.memref_slice %arg4[%add3A_61, %dma_start3A_100] : memref<327680x128xf32, #tpu.memory_space<hbm>> -> memref<128x128xf32, #tpu.memory_space<hbm>>
        %dma_start3A_102 = arith.constant 0 : i32
        %dma_start3A_103 = arith.constant 0 : i32
        %dma_start3A_104 = tpu.memref_slice %arg6[%run_scoped3A, %dma_start3A_102, %dma_start3A_103] : memref<2x128x128xf32, #tpu.memory_space<vmem>> -> memref<1x128x128xf32, #tpu.memory_space<vmem>>
        %dma_start3A_105 = tpu.memref_squeeze %dma_start3A_104 : memref<1x128x128xf32, #tpu.memory_space<vmem>> -> memref<128x128xf32, #tpu.memory_space<vmem>>
        tpu.enqueue_dma source(%dma_start3A_105 : memref<128x128xf32, #tpu.memory_space<vmem>>) target(%dma_start3A_101 : memref<128x128xf32, #tpu.memory_space<hbm>>) target_semaphore(%run_scoped3A_93 : memref<!tpu.dma_semaphore, #tpu.memory_space<semaphore_mem>>)
        %dma_wait3A_106 = arith.constant 0 : i32
        %dma_wait3A_107 = arith.constant 0 : i32
        %dma_wait3A_108 = tpu.memref_slice %arg6[%run_scoped3A, %dma_wait3A_106, %dma_wait3A_107] : memref<2x128x128xf32, #tpu.memory_space<vmem>> -> memref<1x128x128xf32, #tpu.memory_space<vmem>>
        %dma_wait3A_109 = tpu.memref_squeeze %dma_wait3A_108 : memref<1x128x128xf32, #tpu.memory_space<vmem>> -> memref<128x128xf32, #tpu.memory_space<vmem>>
        %dma_wait3A_110 = arith.constant 0 : i32
        %dma_wait3A_111 = tpu.memref_slice %arg4[%add3A_61, %dma_wait3A_110] : memref<327680x128xf32, #tpu.memory_space<hbm>> -> memref<128x128xf32, #tpu.memory_space<hbm>>
        %dma_wait3A_112 = arith.constant 0 : i32
        %dma_wait3A_113 = tpu.memref_slice %arg4[%add3A_61, %dma_wait3A_112] : memref<327680x128xf32, #tpu.memory_space<hbm>> -> memref<128x128xf32, #tpu.memory_space<hbm>>
        %dma_wait3A_114 = arith.constant 0 : i32
        %dma_wait3A_115 = arith.constant 0 : i32
        %dma_wait3A_116 = tpu.memref_slice %arg6[%run_scoped3A, %dma_wait3A_114, %dma_wait3A_115] : memref<2x128x128xf32, #tpu.memory_space<vmem>> -> memref<1x128x128xf32, #tpu.memory_space<vmem>>
        %dma_wait3A_117 = tpu.memref_squeeze %dma_wait3A_116 : memref<1x128x128xf32, #tpu.memory_space<vmem>> -> memref<128x128xf32, #tpu.memory_space<vmem>>
        tpu.wait_dma2 semaphore(%run_scoped3A_93 : memref<!tpu.dma_semaphore, #tpu.memory_space<semaphore_mem>>) src(%dma_wait3A_117 : memref<128x128xf32, #tpu.memory_space<vmem>>) dst(%dma_wait3A_113 : memref<128x128xf32, #tpu.memory_space<hbm>>)
        tpu.yield
      }) : () -> ()
      %add3A_62 = arith.constant 2 : i32
      %add3A_63 = arith.addi %add3A_45, %add3A_62 : i32
      %lt3A = arith.constant 80 : i32
      %lt3A_64 = arith.cmpi slt, %add3A_63, %lt3A : i32
      %convert_element_type3A = arith.extui %lt3A_64 : i1 to i32
      %cond3A = arith.constant 0 : i32
      %cond3A_65 = arith.cmpi ne, %convert_element_type3A, %cond3A : i32
      scf.if %cond3A_65 {
        %add3A_93 = arith.constant 2 : i32
        %add3A_94 = arith.addi %add3A_45, %add3A_93 : i32
        %dma_start3A_95 = arith.constant 0 : i32
        %dma_start3A_96 = arith.constant 0 : i32
        %dma_start3A_97 = arith.constant 0 : i32
        %dma_start3A_98 = arith.constant 0 : i32
        %dma_start3A_99 = tpu.memref_slice %arg6[%dma_start3A_95, %dma_start3A_97, %dma_start3A_98] : memref<2x128x128xf32, #tpu.memory_space<vmem>> -> memref<1x128x128xf32, #tpu.memory_space<vmem>>
        %dma_start3A_100 = tpu.memref_squeeze %dma_start3A_99 : memref<1x128x128xf32, #tpu.memory_space<vmem>> -> memref<128x128xf32, #tpu.memory_space<vmem>>
        %dma_start3A_101 = arith.constant 0 : i32
        %dma_start3A_102 = tpu.memref_slice %arg5[%add3A_94, %dma_start3A_101] : memref<80x128xi32, #tpu.memory_space<vmem>> -> memref<1x128xi32, #tpu.memory_space<vmem>>
        %dma_start3A_103 = tpu.memref_squeeze %dma_start3A_102 : memref<1x128xi32, #tpu.memory_space<vmem>> -> memref<128xi32, #tpu.memory_space<vmem>>
        %dma_start3A_104 = arith.constant 0 : i32
        %dma_start3A_105 = arith.constant 0 : i32
        %dma_start3A_106 = tpu.memref_slice %arg7[%dma_start3A_104, %dma_start3A_105] : memref<10240x128xf32, #tpu.memory_space<vmem_shared>> -> memref<10240x128xf32, #tpu.memory_space<vmem_shared>>
        %dma_start3A_107 = tpu.memref_slice %arg8[%dma_start3A_96] : memref<2x!tpu.dma_semaphore, #tpu.memory_space<semaphore_mem>> -> memref<1x!tpu.dma_semaphore, #tpu.memory_space<semaphore_mem>>
        %dma_start3A_108 = tpu.memref_squeeze %dma_start3A_107 : memref<1x!tpu.dma_semaphore, #tpu.memory_space<semaphore_mem>> -> memref<!tpu.dma_semaphore, #tpu.memory_space<semaphore_mem>>
        tpu.enqueue_indirect_dma source(%dma_start3A_106 : memref<10240x128xf32, #tpu.memory_space<vmem_shared>>) target(%dma_start3A_100 : memref<128x128xf32, #tpu.memory_space<vmem>>) offsets(%dma_start3A_103 : memref<128xi32, #tpu.memory_space<vmem>>) semaphore(%dma_start3A_108 : memref<!tpu.dma_semaphore, #tpu.memory_space<semaphore_mem>>)
      } else {
      }
      %add3A_66 = arith.constant 1 : i32
      %add3A_67 = arith.addi %mul3A_43, %add3A_66 : i32
      %dma_wait3A_68 = arith.constant 1 : i32
      %dma_wait3A_69 = arith.constant 1 : i32
      %dma_wait3A_70 = arith.constant 0 : i32
      %dma_wait3A_71 = arith.constant 0 : i32
      %dma_wait3A_72 = tpu.memref_slice %arg6[%dma_wait3A_68, %dma_wait3A_70, %dma_wait3A_71] : memref<2x128x128xf32, #tpu.memory_space<vmem>> -> memref<1x128x128xf32, #tpu.memory_space<vmem>>
      %dma_wait3A_73 = tpu.memref_squeeze %dma_wait3A_72 : memref<1x128x128xf32, #tpu.memory_space<vmem>> -> memref<128x128xf32, #tpu.memory_space<vmem>>
      %dma_wait3A_74 = arith.constant 0 : i32
      %dma_wait3A_75 = tpu.memref_slice %arg5[%add3A_67, %dma_wait3A_74] : memref<80x128xi32, #tpu.memory_space<vmem>> -> memref<1x128xi32, #tpu.memory_space<vmem>>
      %dma_wait3A_76 = tpu.memref_squeeze %dma_wait3A_75 : memref<1x128xi32, #tpu.memory_space<vmem>> -> memref<128xi32, #tpu.memory_space<vmem>>
      %dma_wait3A_77 = arith.constant 0 : i32
      %dma_wait3A_78 = arith.constant 0 : i32
      %dma_wait3A_79 = tpu.memref_slice %arg7[%dma_wait3A_77, %dma_wait3A_78] : memref<10240x128xf32, #tpu.memory_space<vmem_shared>> -> memref<10240x128xf32, #tpu.memory_space<vmem_shared>>
      %dma_wait3A_80 = tpu.memref_slice %arg8[%dma_wait3A_69] : memref<2x!tpu.dma_semaphore, #tpu.memory_space<semaphore_mem>> -> memref<1x!tpu.dma_semaphore, #tpu.memory_space<semaphore_mem>>
      %dma_wait3A_81 = tpu.memref_squeeze %dma_wait3A_80 : memref<1x!tpu.dma_semaphore, #tpu.memory_space<semaphore_mem>> -> memref<!tpu.dma_semaphore, #tpu.memory_space<semaphore_mem>>
      tpu.wait_indirect_dma semaphore(%dma_wait3A_81 : memref<!tpu.dma_semaphore, #tpu.memory_space<semaphore_mem>>) src(%dma_wait3A_79 : memref<10240x128xf32, #tpu.memory_space<vmem_shared>>) dst(%dma_wait3A_73 : memref<128x128xf32, #tpu.memory_space<vmem>>)
      %mul3A_82 = arith.constant 128 : i32
      %mul3A_83 = arith.muli %add3A_67, %mul3A_82 : i32
      %add3A_84 = arith.addi %mul3A_6, %mul3A_83 : i32
      %run_scoped3A_85 = arith.constant 1 : i32
      "tpu.region"() ({
        %run_scoped3A_93 = tpu.sem_alloc : memref<!tpu.dma_semaphore, #tpu.memory_space<semaphore_mem>>
        %dma_start3A_94 = arith.constant 0 : i32
        %dma_start3A_95 = arith.constant 0 : i32
        %dma_start3A_96 = tpu.memref_slice %arg6[%run_scoped3A_85, %dma_start3A_94, %dma_start3A_95] : memref<2x128x128xf32, #tpu.memory_space<vmem>> -> memref<1x128x128xf32, #tpu.memory_space<vmem>>
        %dma_start3A_97 = tpu.memref_squeeze %dma_start3A_96 : memref<1x128x128xf32, #tpu.memory_space<vmem>> -> memref<128x128xf32, #tpu.memory_space<vmem>>
        %dma_start3A_98 = arith.constant 0 : i32
        %dma_start3A_99 = tpu.memref_slice %arg4[%add3A_84, %dma_start3A_98] : memref<327680x128xf32, #tpu.memory_space<hbm>> -> memref<128x128xf32, #tpu.memory_space<hbm>>
        %dma_start3A_100 = arith.constant 0 : i32
        %dma_start3A_101 = tpu.memref_slice %arg4[%add3A_84, %dma_start3A_100] : memref<327680x128xf32, #tpu.memory_space<hbm>> -> memref<128x128xf32, #tpu.memory_space<hbm>>
        %dma_start3A_102 = arith.constant 0 : i32
        %dma_start3A_103 = arith.constant 0 : i32
        %dma_start3A_104 = tpu.memref_slice %arg6[%run_scoped3A_85, %dma_start3A_102, %dma_start3A_103] : memref<2x128x128xf32, #tpu.memory_space<vmem>> -> memref<1x128x128xf32, #tpu.memory_space<vmem>>
        %dma_start3A_105 = tpu.memref_squeeze %dma_start3A_104 : memref<1x128x128xf32, #tpu.memory_space<vmem>> -> memref<128x128xf32, #tpu.memory_space<vmem>>
        tpu.enqueue_dma source(%dma_start3A_105 : memref<128x128xf32, #tpu.memory_space<vmem>>) target(%dma_start3A_101 : memref<128x128xf32, #tpu.memory_space<hbm>>) target_semaphore(%run_scoped3A_93 : memref<!tpu.dma_semaphore, #tpu.memory_space<semaphore_mem>>)
        %dma_wait3A_106 = arith.constant 0 : i32
        %dma_wait3A_107 = arith.constant 0 : i32
        %dma_wait3A_108 = tpu.memref_slice %arg6[%run_scoped3A_85, %dma_wait3A_106, %dma_wait3A_107] : memref<2x128x128xf32, #tpu.memory_space<vmem>> -> memref<1x128x128xf32, #tpu.memory_space<vmem>>
        %dma_wait3A_109 = tpu.memref_squeeze %dma_wait3A_108 : memref<1x128x128xf32, #tpu.memory_space<vmem>> -> memref<128x128xf32, #tpu.memory_space<vmem>>
        %dma_wait3A_110 = arith.constant 0 : i32
        %dma_wait3A_111 = tpu.memref_slice %arg4[%add3A_84, %dma_wait3A_110] : memref<327680x128xf32, #tpu.memory_space<hbm>> -> memref<128x128xf32, #tpu.memory_space<hbm>>
        %dma_wait3A_112 = arith.constant 0 : i32
        %dma_wait3A_113 = tpu.memref_slice %arg4[%add3A_84, %dma_wait3A_112] : memref<327680x128xf32, #tpu.memory_space<hbm>> -> memref<128x128xf32, #tpu.memory_space<hbm>>
        %dma_wait3A_114 = arith.constant 0 : i32
        %dma_wait3A_115 = arith.constant 0 : i32
        %dma_wait3A_116 = tpu.memref_slice %arg6[%run_scoped3A_85, %dma_wait3A_114, %dma_wait3A_115] : memref<2x128x128xf32, #tpu.memory_space<vmem>> -> memref<1x128x128xf32, #tpu.memory_space<vmem>>
        %dma_wait3A_117 = tpu.memref_squeeze %dma_wait3A_116 : memref<1x128x128xf32, #tpu.memory_space<vmem>> -> memref<128x128xf32, #tpu.memory_space<vmem>>
        tpu.wait_dma2 semaphore(%run_scoped3A_93 : memref<!tpu.dma_semaphore, #tpu.memory_space<semaphore_mem>>) src(%dma_wait3A_117 : memref<128x128xf32, #tpu.memory_space<vmem>>) dst(%dma_wait3A_113 : memref<128x128xf32, #tpu.memory_space<hbm>>)
        tpu.yield
      }) : () -> ()
      %add3A_86 = arith.constant 2 : i32
      %add3A_87 = arith.addi %add3A_67, %add3A_86 : i32
      %lt3A_88 = arith.constant 80 : i32
      %lt3A_89 = arith.cmpi slt, %add3A_87, %lt3A_88 : i32
      %convert_element_type3A_90 = arith.extui %lt3A_89 : i1 to i32
      %cond3A_91 = arith.constant 0 : i32
      %cond3A_92 = arith.cmpi ne, %convert_element_type3A_90, %cond3A_91 : i32
      scf.if %cond3A_92 {
        %add3A_93 = arith.constant 2 : i32
        %add3A_94 = arith.addi %add3A_67, %add3A_93 : i32
        %dma_start3A_95 = arith.constant 1 : i32
        %dma_start3A_96 = arith.constant 1 : i32
        %dma_start3A_97 = arith.constant 0 : i32
        %dma_start3A_98 = arith.constant 0 : i32
        %dma_start3A_99 = tpu.memref_slice %arg6[%dma_start3A_95, %dma_start3A_97, %dma_start3A_98] : memref<2x128x128xf32, #tpu.memory_space<vmem>> -> memref<1x128x128xf32, #tpu.memory_space<vmem>>
        %dma_start3A_100 = tpu.memref_squeeze %dma_start3A_99 : memref<1x128x128xf32, #tpu.memory_space<vmem>> -> memref<128x128xf32, #tpu.memory_space<vmem>>
        %dma_start3A_101 = arith.constant 0 : i32
        %dma_start3A_102 = tpu.memref_slice %arg5[%add3A_94, %dma_start3A_101] : memref<80x128xi32, #tpu.memory_space<vmem>> -> memref<1x128xi32, #tpu.memory_space<vmem>>
        %dma_start3A_103 = tpu.memref_squeeze %dma_start3A_102 : memref<1x128xi32, #tpu.memory_space<vmem>> -> memref<128xi32, #tpu.memory_space<vmem>>
        %dma_start3A_104 = arith.constant 0 : i32
        %dma_start3A_105 = arith.constant 0 : i32
        %dma_start3A_106 = tpu.memref_slice %arg7[%dma_start3A_104, %dma_start3A_105] : memref<10240x128xf32, #tpu.memory_space<vmem_shared>> -> memref<10240x128xf32, #tpu.memory_space<vmem_shared>>
        %dma_start3A_107 = tpu.memref_slice %arg8[%dma_start3A_96] : memref<2x!tpu.dma_semaphore, #tpu.memory_space<semaphore_mem>> -> memref<1x!tpu.dma_semaphore, #tpu.memory_space<semaphore_mem>>
        %dma_start3A_108 = tpu.memref_squeeze %dma_start3A_107 : memref<1x!tpu.dma_semaphore, #tpu.memory_space<semaphore_mem>> -> memref<!tpu.dma_semaphore, #tpu.memory_space<semaphore_mem>>
        tpu.enqueue_indirect_dma source(%dma_start3A_106 : memref<10240x128xf32, #tpu.memory_space<vmem_shared>>) target(%dma_start3A_100 : memref<128x128xf32, #tpu.memory_space<vmem>>) offsets(%dma_start3A_103 : memref<128xi32, #tpu.memory_space<vmem>>) semaphore(%dma_start3A_108 : memref<!tpu.dma_semaphore, #tpu.memory_space<semaphore_mem>>)
      } else {
      }
    }
    %scan3A_40 = arith.constant 40 : i32
    return
  }
}

#map = affine_map<(d0, d1) -> (0, 0)>
#map1 = affine_map<(d0, d1) -> (0, 0, 0)>
module attributes {stable_mosaic.version = 14 : i64} {
  func.func @k(%arg0: i32, %arg1: i32, %arg2: memref<327680x128xf32, #tpu.memory_space<hbm>>, %arg3: memref<32x80x128xi32, #tpu.memory_space<hbm>>, %arg4: memref<10240x128xf32, #tpu.memory_space<hbm>>, %arg5: memref<2x10240x128xf32, #tpu.memory_space<hbm>>, %arg6: memref<80x128xi32, #tpu.memory_space<vmem>>, %arg7: memref<2x128x128xf32, #tpu.memory_space<vmem>>, %arg8: memref<2x128xi32, #tpu.memory_space<vmem>>, %arg9: memref<10240x128xf32, #tpu.memory_space<vmem_shared>>, %arg10: memref<2x!tpu.dma_semaphore, #tpu.memory_space<semaphore_mem>>, %arg11: memref<2x!tpu.dma_semaphore, #tpu.memory_space<semaphore_mem>>, %arg12: memref<2x!tpu.dma_semaphore, #tpu.memory_space<semaphore_mem>>) attributes {dimension_semantics = [#tpu.dimension_semantics<core_parallel>, #tpu.dimension_semantics<subcore_parallel>], iteration_bounds = array<i64: 2, 16>, scalar_prefetch = 0 : i64, scratch_operands = 7 : i64, tpu.core_type = #tpu.core_type<sc_vector_subcore>, window_params = [{transform_indices = #map}, {transform_indices = #map1}, {transform_indices = #map}, {transform_indices = #map1}]} {
    %mul3A = arith.constant 2 : i32
    %mul3A_0 = arith.muli %arg1, %mul3A : i32
    %add3A = arith.addi %mul3A_0, %arg0 : i32
    %mul3A_1 = arith.constant 640 : i32
    %mul3A_2 = arith.muli %arg1, %mul3A_1 : i32
    %mul3A_3 = arith.constant 640 : i32
    %mul3A_4 = arith.muli %arg1, %mul3A_3 : i32
    "tpu.region"() ({
      %run_scoped3A = tpu.sem_alloc : memref<!tpu.dma_semaphore, #tpu.memory_space<semaphore_mem>>
      %dma_start3A_81 = arith.constant 0 : i32
      %dma_start3A_82 = tpu.memref_slice %arg9[%mul3A_4, %dma_start3A_81] : memref<10240x128xf32, #tpu.memory_space<vmem_shared>> -> memref<640x128xf32, #tpu.memory_space<vmem_shared>>
      %dma_start3A_83 = arith.constant 0 : i32
      %dma_start3A_84 = tpu.memref_slice %arg4[%mul3A_2, %dma_start3A_83] : memref<10240x128xf32, #tpu.memory_space<hbm>> -> memref<640x128xf32, #tpu.memory_space<hbm>>
      tpu.enqueue_dma source(%dma_start3A_84 : memref<640x128xf32, #tpu.memory_space<hbm>>) target(%dma_start3A_82 : memref<640x128xf32, #tpu.memory_space<vmem_shared>>) target_semaphore(%run_scoped3A : memref<!tpu.dma_semaphore, #tpu.memory_space<semaphore_mem>>)
      %dma_wait3A_85 = arith.constant 0 : i32
      %dma_wait3A_86 = tpu.memref_slice %arg9[%mul3A_4, %dma_wait3A_85] : memref<10240x128xf32, #tpu.memory_space<vmem_shared>> -> memref<640x128xf32, #tpu.memory_space<vmem_shared>>
      %dma_wait3A_87 = arith.constant 0 : i32
      %dma_wait3A_88 = tpu.memref_slice %arg4[%mul3A_2, %dma_wait3A_87] : memref<10240x128xf32, #tpu.memory_space<hbm>> -> memref<640x128xf32, #tpu.memory_space<hbm>>
      tpu.wait_dma2 semaphore(%run_scoped3A : memref<!tpu.dma_semaphore, #tpu.memory_space<semaphore_mem>>) src(%dma_wait3A_88 : memref<640x128xf32, #tpu.memory_space<hbm>>) dst(%dma_wait3A_86 : memref<640x128xf32, #tpu.memory_space<vmem_shared>>)
      tpu.yield
    }) : () -> ()
    "tpu.region"() ({
      %run_scoped3A = tpu.sem_alloc : memref<!tpu.dma_semaphore, #tpu.memory_space<semaphore_mem>>
      %dma_start3A_81 = arith.constant 0 : i32
      %dma_start3A_82 = arith.constant 0 : i32
      %dma_start3A_83 = tpu.memref_slice %arg3[%add3A, %dma_start3A_81, %dma_start3A_82] : memref<32x80x128xi32, #tpu.memory_space<hbm>> -> memref<1x80x128xi32, #tpu.memory_space<hbm>>
      %dma_start3A_84 = tpu.memref_squeeze %dma_start3A_83 : memref<1x80x128xi32, #tpu.memory_space<hbm>> -> memref<80x128xi32, #tpu.memory_space<hbm>>
      %dma_start3A_85 = arith.constant 0 : i32
      %dma_start3A_86 = arith.constant 0 : i32
      %dma_start3A_87 = tpu.memref_slice %arg3[%add3A, %dma_start3A_85, %dma_start3A_86] : memref<32x80x128xi32, #tpu.memory_space<hbm>> -> memref<1x80x128xi32, #tpu.memory_space<hbm>>
      %dma_start3A_88 = tpu.memref_squeeze %dma_start3A_87 : memref<1x80x128xi32, #tpu.memory_space<hbm>> -> memref<80x128xi32, #tpu.memory_space<hbm>>
      tpu.enqueue_dma source(%dma_start3A_88 : memref<80x128xi32, #tpu.memory_space<hbm>>) target(%arg6 : memref<80x128xi32, #tpu.memory_space<vmem>>) target_semaphore(%run_scoped3A : memref<!tpu.dma_semaphore, #tpu.memory_space<semaphore_mem>>)
      %dma_wait3A_89 = arith.constant 0 : i32
      %dma_wait3A_90 = arith.constant 0 : i32
      %dma_wait3A_91 = tpu.memref_slice %arg3[%add3A, %dma_wait3A_89, %dma_wait3A_90] : memref<32x80x128xi32, #tpu.memory_space<hbm>> -> memref<1x80x128xi32, #tpu.memory_space<hbm>>
      %dma_wait3A_92 = tpu.memref_squeeze %dma_wait3A_91 : memref<1x80x128xi32, #tpu.memory_space<hbm>> -> memref<80x128xi32, #tpu.memory_space<hbm>>
      %dma_wait3A_93 = arith.constant 0 : i32
      %dma_wait3A_94 = arith.constant 0 : i32
      %dma_wait3A_95 = tpu.memref_slice %arg3[%add3A, %dma_wait3A_93, %dma_wait3A_94] : memref<32x80x128xi32, #tpu.memory_space<hbm>> -> memref<1x80x128xi32, #tpu.memory_space<hbm>>
      %dma_wait3A_96 = tpu.memref_squeeze %dma_wait3A_95 : memref<1x80x128xi32, #tpu.memory_space<hbm>> -> memref<80x128xi32, #tpu.memory_space<hbm>>
      tpu.wait_dma2 semaphore(%run_scoped3A : memref<!tpu.dma_semaphore, #tpu.memory_space<semaphore_mem>>) src(%dma_wait3A_96 : memref<80x128xi32, #tpu.memory_space<hbm>>) dst(%arg6 : memref<80x128xi32, #tpu.memory_space<vmem>>)
      tpu.yield
    }) : () -> ()
    %barrier3A = arith.constant 0 : index
    tpu.barrier barrier_id(%barrier3A)
    %mul3A_5 = arith.constant 10240 : i32
    %mul3A_6 = arith.muli %add3A, %mul3A_5 : i32
    %add3A_7 = arith.constant 0 : i32
    %add3A_8 = arith.addi %mul3A_6, %add3A_7 : i32
    %dma_start3A = arith.constant 0 : i32
    %dma_start3A_9 = arith.constant 0 : i32
    %dma_start3A_10 = arith.constant 0 : i32
    %dma_start3A_11 = arith.constant 0 : i32
    %dma_start3A_12 = tpu.memref_slice %arg7[%dma_start3A, %dma_start3A_10, %dma_start3A_11] : memref<2x128x128xf32, #tpu.memory_space<vmem>> -> memref<1x128x128xf32, #tpu.memory_space<vmem>>
    %dma_start3A_13 = tpu.memref_squeeze %dma_start3A_12 : memref<1x128x128xf32, #tpu.memory_space<vmem>> -> memref<128x128xf32, #tpu.memory_space<vmem>>
    %dma_start3A_14 = arith.constant 0 : i32
    %dma_start3A_15 = tpu.memref_slice %arg2[%add3A_8, %dma_start3A_14] : memref<327680x128xf32, #tpu.memory_space<hbm>> -> memref<128x128xf32, #tpu.memory_space<hbm>>
    %dma_start3A_16 = tpu.memref_slice %arg10[%dma_start3A_9] : memref<2x!tpu.dma_semaphore, #tpu.memory_space<semaphore_mem>> -> memref<1x!tpu.dma_semaphore, #tpu.memory_space<semaphore_mem>>
    %dma_start3A_17 = tpu.memref_squeeze %dma_start3A_16 : memref<1x!tpu.dma_semaphore, #tpu.memory_space<semaphore_mem>> -> memref<!tpu.dma_semaphore, #tpu.memory_space<semaphore_mem>>
    %dma_start3A_18 = arith.constant 0 : i32
    %dma_start3A_19 = arith.constant 0 : i32
    %dma_start3A_20 = tpu.memref_slice %arg7[%dma_start3A, %dma_start3A_18, %dma_start3A_19] : memref<2x128x128xf32, #tpu.memory_space<vmem>> -> memref<1x128x128xf32, #tpu.memory_space<vmem>>
    %dma_start3A_21 = tpu.memref_squeeze %dma_start3A_20 : memref<1x128x128xf32, #tpu.memory_space<vmem>> -> memref<128x128xf32, #tpu.memory_space<vmem>>
    %dma_start3A_22 = arith.constant 0 : i32
    %dma_start3A_23 = tpu.memref_slice %arg2[%add3A_8, %dma_start3A_22] : memref<327680x128xf32, #tpu.memory_space<hbm>> -> memref<128x128xf32, #tpu.memory_space<hbm>>
    tpu.enqueue_dma source(%dma_start3A_23 : memref<128x128xf32, #tpu.memory_space<hbm>>) target(%dma_start3A_21 : memref<128x128xf32, #tpu.memory_space<vmem>>) target_semaphore(%dma_start3A_17 : memref<!tpu.dma_semaphore, #tpu.memory_space<semaphore_mem>>)
    %add3A_24 = arith.constant 128 : i32
    %add3A_25 = arith.addi %mul3A_6, %add3A_24 : i32
    %dma_start3A_26 = arith.constant 1 : i32
    %dma_start3A_27 = arith.constant 1 : i32
    %dma_start3A_28 = arith.constant 0 : i32
    %dma_start3A_29 = arith.constant 0 : i32
    %dma_start3A_30 = tpu.memref_slice %arg7[%dma_start3A_26, %dma_start3A_28, %dma_start3A_29] : memref<2x128x128xf32, #tpu.memory_space<vmem>> -> memref<1x128x128xf32, #tpu.memory_space<vmem>>
    %dma_start3A_31 = tpu.memref_squeeze %dma_start3A_30 : memref<1x128x128xf32, #tpu.memory_space<vmem>> -> memref<128x128xf32, #tpu.memory_space<vmem>>
    %dma_start3A_32 = arith.constant 0 : i32
    %dma_start3A_33 = tpu.memref_slice %arg2[%add3A_25, %dma_start3A_32] : memref<327680x128xf32, #tpu.memory_space<hbm>> -> memref<128x128xf32, #tpu.memory_space<hbm>>
    %dma_start3A_34 = tpu.memref_slice %arg10[%dma_start3A_27] : memref<2x!tpu.dma_semaphore, #tpu.memory_space<semaphore_mem>> -> memref<1x!tpu.dma_semaphore, #tpu.memory_space<semaphore_mem>>
    %dma_start3A_35 = tpu.memref_squeeze %dma_start3A_34 : memref<1x!tpu.dma_semaphore, #tpu.memory_space<semaphore_mem>> -> memref<!tpu.dma_semaphore, #tpu.memory_space<semaphore_mem>>
    %dma_start3A_36 = arith.constant 0 : i32
    %dma_start3A_37 = arith.constant 0 : i32
    %dma_start3A_38 = tpu.memref_slice %arg7[%dma_start3A_26, %dma_start3A_36, %dma_start3A_37] : memref<2x128x128xf32, #tpu.memory_space<vmem>> -> memref<1x128x128xf32, #tpu.memory_space<vmem>>
    %dma_start3A_39 = tpu.memref_squeeze %dma_start3A_38 : memref<1x128x128xf32, #tpu.memory_space<vmem>> -> memref<128x128xf32, #tpu.memory_space<vmem>>
    %dma_start3A_40 = arith.constant 0 : i32
    %dma_start3A_41 = tpu.memref_slice %arg2[%add3A_25, %dma_start3A_40] : memref<327680x128xf32, #tpu.memory_space<hbm>> -> memref<128x128xf32, #tpu.memory_space<hbm>>
    tpu.enqueue_dma source(%dma_start3A_41 : memref<128x128xf32, #tpu.memory_space<hbm>>) target(%dma_start3A_39 : memref<128x128xf32, #tpu.memory_space<vmem>>) target_semaphore(%dma_start3A_35 : memref<!tpu.dma_semaphore, #tpu.memory_space<semaphore_mem>>)
    %scan3A = arith.constant 0 : i32
    %scan3A_42 = arith.constant 0 : i32
    %scan3A_43 = arith.constant 40 : i32
    %scan3A_44 = arith.addi %scan3A_42, %scan3A_43 : i32
    %scan3A_45 = arith.constant 1 : i32
    scf.for %scan3A_81 = %scan3A_42 to %scan3A_44 step %scan3A_45  : i32 {
      %mul3A_82 = arith.constant 2 : i32
      %mul3A_83 = arith.muli %mul3A_82, %scan3A_81 : i32
      %mul3A_84 = arith.constant 128 : i32
      %mul3A_85 = arith.muli %mul3A_83, %mul3A_84 : i32
      %add3A_86 = arith.addi %mul3A_6, %mul3A_85 : i32
      %dma_wait3A_87 = arith.constant 0 : i32
      %dma_wait3A_88 = arith.constant 0 : i32
      %dma_wait3A_89 = arith.constant 0 : i32
      %dma_wait3A_90 = arith.constant 0 : i32
      %dma_wait3A_91 = tpu.memref_slice %arg7[%dma_wait3A_87, %dma_wait3A_89, %dma_wait3A_90] : memref<2x128x128xf32, #tpu.memory_space<vmem>> -> memref<1x128x128xf32, #tpu.memory_space<vmem>>
      %dma_wait3A_92 = tpu.memref_squeeze %dma_wait3A_91 : memref<1x128x128xf32, #tpu.memory_space<vmem>> -> memref<128x128xf32, #tpu.memory_space<vmem>>
      %dma_wait3A_93 = arith.constant 0 : i32
      %dma_wait3A_94 = tpu.memref_slice %arg2[%add3A_86, %dma_wait3A_93] : memref<327680x128xf32, #tpu.memory_space<hbm>> -> memref<128x128xf32, #tpu.memory_space<hbm>>
      %dma_wait3A_95 = tpu.memref_slice %arg10[%dma_wait3A_88] : memref<2x!tpu.dma_semaphore, #tpu.memory_space<semaphore_mem>> -> memref<1x!tpu.dma_semaphore, #tpu.memory_space<semaphore_mem>>
      %dma_wait3A_96 = tpu.memref_squeeze %dma_wait3A_95 : memref<1x!tpu.dma_semaphore, #tpu.memory_space<semaphore_mem>> -> memref<!tpu.dma_semaphore, #tpu.memory_space<semaphore_mem>>
      %dma_wait3A_97 = arith.constant 0 : i32
      %dma_wait3A_98 = arith.constant 0 : i32
      %dma_wait3A_99 = tpu.memref_slice %arg7[%dma_wait3A_87, %dma_wait3A_97, %dma_wait3A_98] : memref<2x128x128xf32, #tpu.memory_space<vmem>> -> memref<1x128x128xf32, #tpu.memory_space<vmem>>
      %dma_wait3A_100 = tpu.memref_squeeze %dma_wait3A_99 : memref<1x128x128xf32, #tpu.memory_space<vmem>> -> memref<128x128xf32, #tpu.memory_space<vmem>>
      %dma_wait3A_101 = arith.constant 0 : i32
      %dma_wait3A_102 = tpu.memref_slice %arg2[%add3A_86, %dma_wait3A_101] : memref<327680x128xf32, #tpu.memory_space<hbm>> -> memref<128x128xf32, #tpu.memory_space<hbm>>
      tpu.wait_dma2 semaphore(%dma_wait3A_96 : memref<!tpu.dma_semaphore, #tpu.memory_space<semaphore_mem>>) src(%dma_wait3A_102 : memref<128x128xf32, #tpu.memory_space<hbm>>) dst(%dma_wait3A_100 : memref<128x128xf32, #tpu.memory_space<vmem>>)
      %dma_start3A_103 = arith.constant 0 : i32
      %dma_start3A_104 = arith.constant 0 : i32
      %dma_start3A_105 = arith.constant 0 : i32
      %dma_start3A_106 = arith.constant 0 : i32
      %dma_start3A_107 = tpu.memref_slice %arg7[%dma_start3A_103, %dma_start3A_105, %dma_start3A_106] : memref<2x128x128xf32, #tpu.memory_space<vmem>> -> memref<1x128x128xf32, #tpu.memory_space<vmem>>
      %dma_start3A_108 = tpu.memref_squeeze %dma_start3A_107 : memref<1x128x128xf32, #tpu.memory_space<vmem>> -> memref<128x128xf32, #tpu.memory_space<vmem>>
      %dma_start3A_109 = arith.constant 0 : i32
      %dma_start3A_110 = tpu.memref_slice %arg6[%mul3A_83, %dma_start3A_109] : memref<80x128xi32, #tpu.memory_space<vmem>> -> memref<1x128xi32, #tpu.memory_space<vmem>>
      %dma_start3A_111 = tpu.memref_squeeze %dma_start3A_110 : memref<1x128xi32, #tpu.memory_space<vmem>> -> memref<128xi32, #tpu.memory_space<vmem>>
      %dma_start3A_112 = arith.constant 0 : i32
      %dma_start3A_113 = arith.constant 0 : i32
      %dma_start3A_114 = tpu.memref_slice %arg9[%dma_start3A_112, %dma_start3A_113] : memref<10240x128xf32, #tpu.memory_space<vmem_shared>> -> memref<10240x128xf32, #tpu.memory_space<vmem_shared>>
      %dma_start3A_115 = tpu.memref_slice %arg11[%dma_start3A_104] : memref<2x!tpu.dma_semaphore, #tpu.memory_space<semaphore_mem>> -> memref<1x!tpu.dma_semaphore, #tpu.memory_space<semaphore_mem>>
      %dma_start3A_116 = tpu.memref_squeeze %dma_start3A_115 : memref<1x!tpu.dma_semaphore, #tpu.memory_space<semaphore_mem>> -> memref<!tpu.dma_semaphore, #tpu.memory_space<semaphore_mem>>
      tpu.enqueue_indirect_dma source(%dma_start3A_108 : memref<128x128xf32, #tpu.memory_space<vmem>>) target(%dma_start3A_114 : memref<10240x128xf32, #tpu.memory_space<vmem_shared>>) offsets(%dma_start3A_111 : memref<128xi32, #tpu.memory_space<vmem>>) semaphore(%dma_start3A_116 : memref<!tpu.dma_semaphore, #tpu.memory_space<semaphore_mem>>) {add = true}
      %add3A_117 = arith.constant 1 : i32
      %add3A_118 = arith.addi %mul3A_83, %add3A_117 : i32
      %mul3A_119 = arith.constant 128 : i32
      %mul3A_120 = arith.muli %add3A_118, %mul3A_119 : i32
      %add3A_121 = arith.addi %mul3A_6, %mul3A_120 : i32
      %dma_wait3A_122 = arith.constant 1 : i32
      %dma_wait3A_123 = arith.constant 1 : i32
      %dma_wait3A_124 = arith.constant 0 : i32
      %dma_wait3A_125 = arith.constant 0 : i32
      %dma_wait3A_126 = tpu.memref_slice %arg7[%dma_wait3A_122, %dma_wait3A_124, %dma_wait3A_125] : memref<2x128x128xf32, #tpu.memory_space<vmem>> -> memref<1x128x128xf32, #tpu.memory_space<vmem>>
      %dma_wait3A_127 = tpu.memref_squeeze %dma_wait3A_126 : memref<1x128x128xf32, #tpu.memory_space<vmem>> -> memref<128x128xf32, #tpu.memory_space<vmem>>
      %dma_wait3A_128 = arith.constant 0 : i32
      %dma_wait3A_129 = tpu.memref_slice %arg2[%add3A_121, %dma_wait3A_128] : memref<327680x128xf32, #tpu.memory_space<hbm>> -> memref<128x128xf32, #tpu.memory_space<hbm>>
      %dma_wait3A_130 = tpu.memref_slice %arg10[%dma_wait3A_123] : memref<2x!tpu.dma_semaphore, #tpu.memory_space<semaphore_mem>> -> memref<1x!tpu.dma_semaphore, #tpu.memory_space<semaphore_mem>>
      %dma_wait3A_131 = tpu.memref_squeeze %dma_wait3A_130 : memref<1x!tpu.dma_semaphore, #tpu.memory_space<semaphore_mem>> -> memref<!tpu.dma_semaphore, #tpu.memory_space<semaphore_mem>>
      %dma_wait3A_132 = arith.constant 0 : i32
      %dma_wait3A_133 = arith.constant 0 : i32
      %dma_wait3A_134 = tpu.memref_slice %arg7[%dma_wait3A_122, %dma_wait3A_132, %dma_wait3A_133] : memref<2x128x128xf32, #tpu.memory_space<vmem>> -> memref<1x128x128xf32, #tpu.memory_space<vmem>>
      %dma_wait3A_135 = tpu.memref_squeeze %dma_wait3A_134 : memref<1x128x128xf32, #tpu.memory_space<vmem>> -> memref<128x128xf32, #tpu.memory_space<vmem>>
      %dma_wait3A_136 = arith.constant 0 : i32
      %dma_wait3A_137 = tpu.memref_slice %arg2[%add3A_121, %dma_wait3A_136] : memref<327680x128xf32, #tpu.memory_space<hbm>> -> memref<128x128xf32, #tpu.memory_space<hbm>>
      tpu.wait_dma2 semaphore(%dma_wait3A_131 : memref<!tpu.dma_semaphore, #tpu.memory_space<semaphore_mem>>) src(%dma_wait3A_137 : memref<128x128xf32, #tpu.memory_space<hbm>>) dst(%dma_wait3A_135 : memref<128x128xf32, #tpu.memory_space<vmem>>)
      %add3A_138 = arith.constant 1 : i32
      %add3A_139 = arith.addi %mul3A_83, %add3A_138 : i32
      %dma_start3A_140 = arith.constant 1 : i32
      %dma_start3A_141 = arith.constant 1 : i32
      %dma_start3A_142 = arith.constant 0 : i32
      %dma_start3A_143 = arith.constant 0 : i32
      %dma_start3A_144 = tpu.memref_slice %arg7[%dma_start3A_140, %dma_start3A_142, %dma_start3A_143] : memref<2x128x128xf32, #tpu.memory_space<vmem>> -> memref<1x128x128xf32, #tpu.memory_space<vmem>>
      %dma_start3A_145 = tpu.memref_squeeze %dma_start3A_144 : memref<1x128x128xf32, #tpu.memory_space<vmem>> -> memref<128x128xf32, #tpu.memory_space<vmem>>
      %dma_start3A_146 = arith.constant 0 : i32
      %dma_start3A_147 = tpu.memref_slice %arg6[%add3A_139, %dma_start3A_146] : memref<80x128xi32, #tpu.memory_space<vmem>> -> memref<1x128xi32, #tpu.memory_space<vmem>>
      %dma_start3A_148 = tpu.memref_squeeze %dma_start3A_147 : memref<1x128xi32, #tpu.memory_space<vmem>> -> memref<128xi32, #tpu.memory_space<vmem>>
      %dma_start3A_149 = arith.constant 0 : i32
      %dma_start3A_150 = arith.constant 0 : i32
      %dma_start3A_151 = tpu.memref_slice %arg9[%dma_start3A_149, %dma_start3A_150] : memref<10240x128xf32, #tpu.memory_space<vmem_shared>> -> memref<10240x128xf32, #tpu.memory_space<vmem_shared>>
      %dma_start3A_152 = tpu.memref_slice %arg11[%dma_start3A_141] : memref<2x!tpu.dma_semaphore, #tpu.memory_space<semaphore_mem>> -> memref<1x!tpu.dma_semaphore, #tpu.memory_space<semaphore_mem>>
      %dma_start3A_153 = tpu.memref_squeeze %dma_start3A_152 : memref<1x!tpu.dma_semaphore, #tpu.memory_space<semaphore_mem>> -> memref<!tpu.dma_semaphore, #tpu.memory_space<semaphore_mem>>
      tpu.enqueue_indirect_dma source(%dma_start3A_145 : memref<128x128xf32, #tpu.memory_space<vmem>>) target(%dma_start3A_151 : memref<10240x128xf32, #tpu.memory_space<vmem_shared>>) offsets(%dma_start3A_148 : memref<128xi32, #tpu.memory_space<vmem>>) semaphore(%dma_start3A_153 : memref<!tpu.dma_semaphore, #tpu.memory_space<semaphore_mem>>) {add = true}
      %add3A_154 = arith.constant 2 : i32
      %add3A_155 = arith.addi %mul3A_83, %add3A_154 : i32
      %lt3A = arith.constant 80 : i32
      %lt3A_156 = arith.cmpi slt, %add3A_155, %lt3A : i32
      %convert_element_type3A = arith.extui %lt3A_156 : i1 to i32
      %cond3A = arith.constant 0 : i32
      %cond3A_157 = arith.cmpi ne, %convert_element_type3A, %cond3A : i32
      scf.if %cond3A_157 {
        %dma_wait3A_158 = arith.constant 0 : i32
        %dma_wait3A_159 = arith.constant 0 : i32
        %dma_wait3A_160 = arith.constant 0 : i32
        %dma_wait3A_161 = arith.constant 0 : i32
        %dma_wait3A_162 = tpu.memref_slice %arg7[%dma_wait3A_158, %dma_wait3A_160, %dma_wait3A_161] : memref<2x128x128xf32, #tpu.memory_space<vmem>> -> memref<1x128x128xf32, #tpu.memory_space<vmem>>
        %dma_wait3A_163 = tpu.memref_squeeze %dma_wait3A_162 : memref<1x128x128xf32, #tpu.memory_space<vmem>> -> memref<128x128xf32, #tpu.memory_space<vmem>>
        %dma_wait3A_164 = arith.constant 0 : i32
        %dma_wait3A_165 = tpu.memref_slice %arg6[%mul3A_83, %dma_wait3A_164] : memref<80x128xi32, #tpu.memory_space<vmem>> -> memref<1x128xi32, #tpu.memory_space<vmem>>
        %dma_wait3A_166 = tpu.memref_squeeze %dma_wait3A_165 : memref<1x128xi32, #tpu.memory_space<vmem>> -> memref<128xi32, #tpu.memory_space<vmem>>
        %dma_wait3A_167 = arith.constant 0 : i32
        %dma_wait3A_168 = arith.constant 0 : i32
        %dma_wait3A_169 = tpu.memref_slice %arg9[%dma_wait3A_167, %dma_wait3A_168] : memref<10240x128xf32, #tpu.memory_space<vmem_shared>> -> memref<10240x128xf32, #tpu.memory_space<vmem_shared>>
        %dma_wait3A_170 = tpu.memref_slice %arg11[%dma_wait3A_159] : memref<2x!tpu.dma_semaphore, #tpu.memory_space<semaphore_mem>> -> memref<1x!tpu.dma_semaphore, #tpu.memory_space<semaphore_mem>>
        %dma_wait3A_171 = tpu.memref_squeeze %dma_wait3A_170 : memref<1x!tpu.dma_semaphore, #tpu.memory_space<semaphore_mem>> -> memref<!tpu.dma_semaphore, #tpu.memory_space<semaphore_mem>>
        tpu.wait_indirect_dma semaphore(%dma_wait3A_171 : memref<!tpu.dma_semaphore, #tpu.memory_space<semaphore_mem>>) src(%dma_wait3A_163 : memref<128x128xf32, #tpu.memory_space<vmem>>) dst(%dma_wait3A_169 : memref<10240x128xf32, #tpu.memory_space<vmem_shared>>)
        %add3A_172 = arith.constant 2 : i32
        %add3A_173 = arith.addi %mul3A_83, %add3A_172 : i32
        %mul3A_174 = arith.constant 128 : i32
        %mul3A_175 = arith.muli %add3A_173, %mul3A_174 : i32
        %add3A_176 = arith.addi %mul3A_6, %mul3A_175 : i32
        %dma_start3A_177 = arith.constant 0 : i32
        %dma_start3A_178 = arith.constant 0 : i32
        %dma_start3A_179 = arith.constant 0 : i32
        %dma_start3A_180 = arith.constant 0 : i32
        %dma_start3A_181 = tpu.memref_slice %arg7[%dma_start3A_177, %dma_start3A_179, %dma_start3A_180] : memref<2x128x128xf32, #tpu.memory_space<vmem>> -> memref<1x128x128xf32, #tpu.memory_space<vmem>>
        %dma_start3A_182 = tpu.memref_squeeze %dma_start3A_181 : memref<1x128x128xf32, #tpu.memory_space<vmem>> -> memref<128x128xf32, #tpu.memory_space<vmem>>
        %dma_start3A_183 = arith.constant 0 : i32
        %dma_start3A_184 = tpu.memref_slice %arg2[%add3A_176, %dma_start3A_183] : memref<327680x128xf32, #tpu.memory_space<hbm>> -> memref<128x128xf32, #tpu.memory_space<hbm>>
        %dma_start3A_185 = tpu.memref_slice %arg10[%dma_start3A_178] : memref<2x!tpu.dma_semaphore, #tpu.memory_space<semaphore_mem>> -> memref<1x!tpu.dma_semaphore, #tpu.memory_space<semaphore_mem>>
        %dma_start3A_186 = tpu.memref_squeeze %dma_start3A_185 : memref<1x!tpu.dma_semaphore, #tpu.memory_space<semaphore_mem>> -> memref<!tpu.dma_semaphore, #tpu.memory_space<semaphore_mem>>
        %dma_start3A_187 = arith.constant 0 : i32
        %dma_start3A_188 = arith.constant 0 : i32
        %dma_start3A_189 = tpu.memref_slice %arg7[%dma_start3A_177, %dma_start3A_187, %dma_start3A_188] : memref<2x128x128xf32, #tpu.memory_space<vmem>> -> memref<1x128x128xf32, #tpu.memory_space<vmem>>
        %dma_start3A_190 = tpu.memref_squeeze %dma_start3A_189 : memref<1x128x128xf32, #tpu.memory_space<vmem>> -> memref<128x128xf32, #tpu.memory_space<vmem>>
        %dma_start3A_191 = arith.constant 0 : i32
        %dma_start3A_192 = tpu.memref_slice %arg2[%add3A_176, %dma_start3A_191] : memref<327680x128xf32, #tpu.memory_space<hbm>> -> memref<128x128xf32, #tpu.memory_space<hbm>>
        tpu.enqueue_dma source(%dma_start3A_192 : memref<128x128xf32, #tpu.memory_space<hbm>>) target(%dma_start3A_190 : memref<128x128xf32, #tpu.memory_space<vmem>>) target_semaphore(%dma_start3A_186 : memref<!tpu.dma_semaphore, #tpu.memory_space<semaphore_mem>>)
        %add3A_193 = arith.constant 1 : i32
        %add3A_194 = arith.addi %mul3A_83, %add3A_193 : i32
        %dma_wait3A_195 = arith.constant 1 : i32
        %dma_wait3A_196 = arith.constant 1 : i32
        %dma_wait3A_197 = arith.constant 0 : i32
        %dma_wait3A_198 = arith.constant 0 : i32
        %dma_wait3A_199 = tpu.memref_slice %arg7[%dma_wait3A_195, %dma_wait3A_197, %dma_wait3A_198] : memref<2x128x128xf32, #tpu.memory_space<vmem>> -> memref<1x128x128xf32, #tpu.memory_space<vmem>>
        %dma_wait3A_200 = tpu.memref_squeeze %dma_wait3A_199 : memref<1x128x128xf32, #tpu.memory_space<vmem>> -> memref<128x128xf32, #tpu.memory_space<vmem>>
        %dma_wait3A_201 = arith.constant 0 : i32
        %dma_wait3A_202 = tpu.memref_slice %arg6[%add3A_194, %dma_wait3A_201] : memref<80x128xi32, #tpu.memory_space<vmem>> -> memref<1x128xi32, #tpu.memory_space<vmem>>
        %dma_wait3A_203 = tpu.memref_squeeze %dma_wait3A_202 : memref<1x128xi32, #tpu.memory_space<vmem>> -> memref<128xi32, #tpu.memory_space<vmem>>
        %dma_wait3A_204 = arith.constant 0 : i32
        %dma_wait3A_205 = arith.constant 0 : i32
        %dma_wait3A_206 = tpu.memref_slice %arg9[%dma_wait3A_204, %dma_wait3A_205] : memref<10240x128xf32, #tpu.memory_space<vmem_shared>> -> memref<10240x128xf32, #tpu.memory_space<vmem_shared>>
        %dma_wait3A_207 = tpu.memref_slice %arg11[%dma_wait3A_196] : memref<2x!tpu.dma_semaphore, #tpu.memory_space<semaphore_mem>> -> memref<1x!tpu.dma_semaphore, #tpu.memory_space<semaphore_mem>>
        %dma_wait3A_208 = tpu.memref_squeeze %dma_wait3A_207 : memref<1x!tpu.dma_semaphore, #tpu.memory_space<semaphore_mem>> -> memref<!tpu.dma_semaphore, #tpu.memory_space<semaphore_mem>>
        tpu.wait_indirect_dma semaphore(%dma_wait3A_208 : memref<!tpu.dma_semaphore, #tpu.memory_space<semaphore_mem>>) src(%dma_wait3A_200 : memref<128x128xf32, #tpu.memory_space<vmem>>) dst(%dma_wait3A_206 : memref<10240x128xf32, #tpu.memory_space<vmem_shared>>)
        %add3A_209 = arith.constant 3 : i32
        %add3A_210 = arith.addi %mul3A_83, %add3A_209 : i32
        %mul3A_211 = arith.constant 128 : i32
        %mul3A_212 = arith.muli %add3A_210, %mul3A_211 : i32
        %add3A_213 = arith.addi %mul3A_6, %mul3A_212 : i32
        %dma_start3A_214 = arith.constant 1 : i32
        %dma_start3A_215 = arith.constant 1 : i32
        %dma_start3A_216 = arith.constant 0 : i32
        %dma_start3A_217 = arith.constant 0 : i32
        %dma_start3A_218 = tpu.memref_slice %arg7[%dma_start3A_214, %dma_start3A_216, %dma_start3A_217] : memref<2x128x128xf32, #tpu.memory_space<vmem>> -> memref<1x128x128xf32, #tpu.memory_space<vmem>>
        %dma_start3A_219 = tpu.memref_squeeze %dma_start3A_218 : memref<1x128x128xf32, #tpu.memory_space<vmem>> -> memref<128x128xf32, #tpu.memory_space<vmem>>
        %dma_start3A_220 = arith.constant 0 : i32
        %dma_start3A_221 = tpu.memref_slice %arg2[%add3A_213, %dma_start3A_220] : memref<327680x128xf32, #tpu.memory_space<hbm>> -> memref<128x128xf32, #tpu.memory_space<hbm>>
        %dma_start3A_222 = tpu.memref_slice %arg10[%dma_start3A_215] : memref<2x!tpu.dma_semaphore, #tpu.memory_space<semaphore_mem>> -> memref<1x!tpu.dma_semaphore, #tpu.memory_space<semaphore_mem>>
        %dma_start3A_223 = tpu.memref_squeeze %dma_start3A_222 : memref<1x!tpu.dma_semaphore, #tpu.memory_space<semaphore_mem>> -> memref<!tpu.dma_semaphore, #tpu.memory_space<semaphore_mem>>
        %dma_start3A_224 = arith.constant 0 : i32
        %dma_start3A_225 = arith.constant 0 : i32
        %dma_start3A_226 = tpu.memref_slice %arg7[%dma_start3A_214, %dma_start3A_224, %dma_start3A_225] : memref<2x128x128xf32, #tpu.memory_space<vmem>> -> memref<1x128x128xf32, #tpu.memory_space<vmem>>
        %dma_start3A_227 = tpu.memref_squeeze %dma_start3A_226 : memref<1x128x128xf32, #tpu.memory_space<vmem>> -> memref<128x128xf32, #tpu.memory_space<vmem>>
        %dma_start3A_228 = arith.constant 0 : i32
        %dma_start3A_229 = tpu.memref_slice %arg2[%add3A_213, %dma_start3A_228] : memref<327680x128xf32, #tpu.memory_space<hbm>> -> memref<128x128xf32, #tpu.memory_space<hbm>>
        tpu.enqueue_dma source(%dma_start3A_229 : memref<128x128xf32, #tpu.memory_space<hbm>>) target(%dma_start3A_227 : memref<128x128xf32, #tpu.memory_space<vmem>>) target_semaphore(%dma_start3A_223 : memref<!tpu.dma_semaphore, #tpu.memory_space<semaphore_mem>>)
      } else {
      }
    }
    %scan3A_46 = arith.constant 40 : i32
    %dma_wait3A = arith.constant 0 : i32
    %dma_wait3A_47 = arith.constant 78 : i32
    %dma_wait3A_48 = arith.constant 0 : i32
    %dma_wait3A_49 = arith.constant 0 : i32
    %dma_wait3A_50 = arith.constant 0 : i32
    %dma_wait3A_51 = tpu.memref_slice %arg7[%dma_wait3A, %dma_wait3A_49, %dma_wait3A_50] : memref<2x128x128xf32, #tpu.memory_space<vmem>> -> memref<1x128x128xf32, #tpu.memory_space<vmem>>
    %dma_wait3A_52 = tpu.memref_squeeze %dma_wait3A_51 : memref<1x128x128xf32, #tpu.memory_space<vmem>> -> memref<128x128xf32, #tpu.memory_space<vmem>>
    %dma_wait3A_53 = arith.constant 0 : i32
    %dma_wait3A_54 = tpu.memref_slice %arg6[%dma_wait3A_47, %dma_wait3A_53] : memref<80x128xi32, #tpu.memory_space<vmem>> -> memref<1x128xi32, #tpu.memory_space<vmem>>
    %dma_wait3A_55 = tpu.memref_squeeze %dma_wait3A_54 : memref<1x128xi32, #tpu.memory_space<vmem>> -> memref<128xi32, #tpu.memory_space<vmem>>
    %dma_wait3A_56 = arith.constant 0 : i32
    %dma_wait3A_57 = arith.constant 0 : i32
    %dma_wait3A_58 = tpu.memref_slice %arg9[%dma_wait3A_56, %dma_wait3A_57] : memref<10240x128xf32, #tpu.memory_space<vmem_shared>> -> memref<10240x128xf32, #tpu.memory_space<vmem_shared>>
    %dma_wait3A_59 = tpu.memref_slice %arg11[%dma_wait3A_48] : memref<2x!tpu.dma_semaphore, #tpu.memory_space<semaphore_mem>> -> memref<1x!tpu.dma_semaphore, #tpu.memory_space<semaphore_mem>>
    %dma_wait3A_60 = tpu.memref_squeeze %dma_wait3A_59 : memref<1x!tpu.dma_semaphore, #tpu.memory_space<semaphore_mem>> -> memref<!tpu.dma_semaphore, #tpu.memory_space<semaphore_mem>>
    tpu.wait_indirect_dma semaphore(%dma_wait3A_60 : memref<!tpu.dma_semaphore, #tpu.memory_space<semaphore_mem>>) src(%dma_wait3A_52 : memref<128x128xf32, #tpu.memory_space<vmem>>) dst(%dma_wait3A_58 : memref<10240x128xf32, #tpu.memory_space<vmem_shared>>)
    %dma_wait3A_61 = arith.constant 1 : i32
    %dma_wait3A_62 = arith.constant 79 : i32
    %dma_wait3A_63 = arith.constant 1 : i32
    %dma_wait3A_64 = arith.constant 0 : i32
    %dma_wait3A_65 = arith.constant 0 : i32
    %dma_wait3A_66 = tpu.memref_slice %arg7[%dma_wait3A_61, %dma_wait3A_64, %dma_wait3A_65] : memref<2x128x128xf32, #tpu.memory_space<vmem>> -> memref<1x128x128xf32, #tpu.memory_space<vmem>>
    %dma_wait3A_67 = tpu.memref_squeeze %dma_wait3A_66 : memref<1x128x128xf32, #tpu.memory_space<vmem>> -> memref<128x128xf32, #tpu.memory_space<vmem>>
    %dma_wait3A_68 = arith.constant 0 : i32
    %dma_wait3A_69 = tpu.memref_slice %arg6[%dma_wait3A_62, %dma_wait3A_68] : memref<80x128xi32, #tpu.memory_space<vmem>> -> memref<1x128xi32, #tpu.memory_space<vmem>>
    %dma_wait3A_70 = tpu.memref_squeeze %dma_wait3A_69 : memref<1x128xi32, #tpu.memory_space<vmem>> -> memref<128xi32, #tpu.memory_space<vmem>>
    %dma_wait3A_71 = arith.constant 0 : i32
    %dma_wait3A_72 = arith.constant 0 : i32
    %dma_wait3A_73 = tpu.memref_slice %arg9[%dma_wait3A_71, %dma_wait3A_72] : memref<10240x128xf32, #tpu.memory_space<vmem_shared>> -> memref<10240x128xf32, #tpu.memory_space<vmem_shared>>
    %dma_wait3A_74 = tpu.memref_slice %arg11[%dma_wait3A_63] : memref<2x!tpu.dma_semaphore, #tpu.memory_space<semaphore_mem>> -> memref<1x!tpu.dma_semaphore, #tpu.memory_space<semaphore_mem>>
    %dma_wait3A_75 = tpu.memref_squeeze %dma_wait3A_74 : memref<1x!tpu.dma_semaphore, #tpu.memory_space<semaphore_mem>> -> memref<!tpu.dma_semaphore, #tpu.memory_space<semaphore_mem>>
    tpu.wait_indirect_dma semaphore(%dma_wait3A_75 : memref<!tpu.dma_semaphore, #tpu.memory_space<semaphore_mem>>) src(%dma_wait3A_67 : memref<128x128xf32, #tpu.memory_space<vmem>>) dst(%dma_wait3A_73 : memref<10240x128xf32, #tpu.memory_space<vmem_shared>>)
    %barrier3A_76 = arith.constant 0 : index
    tpu.barrier barrier_id(%barrier3A_76)
    %mul3A_77 = arith.constant 640 : i32
    %mul3A_78 = arith.muli %arg1, %mul3A_77 : i32
    %mul3A_79 = arith.constant 640 : i32
    %mul3A_80 = arith.muli %arg1, %mul3A_79 : i32
    "tpu.region"() ({
      %run_scoped3A = tpu.sem_alloc : memref<!tpu.dma_semaphore, #tpu.memory_space<semaphore_mem>>
      %dma_start3A_81 = arith.constant 0 : i32
      %dma_start3A_82 = tpu.memref_slice %arg5[%arg0, %mul3A_80, %dma_start3A_81] : memref<2x10240x128xf32, #tpu.memory_space<hbm>> -> memref<1x640x128xf32, #tpu.memory_space<hbm>>
      %dma_start3A_83 = tpu.memref_squeeze %dma_start3A_82 : memref<1x640x128xf32, #tpu.memory_space<hbm>> -> memref<640x128xf32, #tpu.memory_space<hbm>>
      %dma_start3A_84 = arith.constant 0 : i32
      %dma_start3A_85 = tpu.memref_slice %arg9[%mul3A_78, %dma_start3A_84] : memref<10240x128xf32, #tpu.memory_space<vmem_shared>> -> memref<640x128xf32, #tpu.memory_space<vmem_shared>>
      tpu.enqueue_dma source(%dma_start3A_85 : memref<640x128xf32, #tpu.memory_space<vmem_shared>>) target(%dma_start3A_83 : memref<640x128xf32, #tpu.memory_space<hbm>>) target_semaphore(%run_scoped3A : memref<!tpu.dma_semaphore, #tpu.memory_space<semaphore_mem>>)
      %dma_wait3A_86 = arith.constant 0 : i32
      %dma_wait3A_87 = tpu.memref_slice %arg5[%arg0, %mul3A_80, %dma_wait3A_86] : memref<2x10240x128xf32, #tpu.memory_space<hbm>> -> memref<1x640x128xf32, #tpu.memory_space<hbm>>
      %dma_wait3A_88 = tpu.memref_squeeze %dma_wait3A_87 : memref<1x640x128xf32, #tpu.memory_space<hbm>> -> memref<640x128xf32, #tpu.memory_space<hbm>>
      %dma_wait3A_89 = arith.constant 0 : i32
      %dma_wait3A_90 = tpu.memref_slice %arg9[%mul3A_78, %dma_wait3A_89] : memref<10240x128xf32, #tpu.memory_space<vmem_shared>> -> memref<640x128xf32, #tpu.memory_space<vmem_shared>>
      tpu.wait_dma2 semaphore(%run_scoped3A : memref<!tpu.dma_semaphore, #tpu.memory_space<semaphore_mem>>) src(%dma_wait3A_90 : memref<640x128xf32, #tpu.memory_space<vmem_shared>>) dst(%dma_wait3A_88 : memref<640x128xf32, #tpu.memory_space<hbm>>)
      tpu.yield
    }) : () -> ()
    return
  }
}

module attributes {stable_mosaic.version = 14 : i64} {
  func.func @body(%arg0: i32, %arg1: memref<512x128xf32, #tpu.memory_space<vmem>>, %arg2: memref<128x128xf32, #tpu.memory_space<vmem>>, %arg3: memref<1x128xf32, #tpu.memory_space<vmem>>, %arg4: memref<512x128xf32, #tpu.memory_space<vmem>>) attributes {dimension_semantics = [#tpu.dimension_semantics<arbitrary>], iteration_bounds = array<i64: 20>, scalar_prefetch = 0 : i64, scratch_operands = 0 : i64, tpu.core_type = #tpu.core_type<tc>, window_params = [{transform_indices = @transform_0, window_bounds = array<i64: 512, 128>}, {pipeline_mode = #tpu.pipeline_mode<synchronous>, transform_indices = @transform_1, window_bounds = array<i64: 128, 128>}, {pipeline_mode = #tpu.pipeline_mode<synchronous>, transform_indices = @transform_2, window_bounds = array<i64: 1, 128>}, {transform_indices = @transform_3, window_bounds = array<i64: 512, 128>}]} {
    %get3A = arith.constant 0 : index
    %get3A_0 = arith.constant 0 : index
    %get3A_1 = vector.load %arg1[%get3A, %get3A_0] : memref<512x128xf32, #tpu.memory_space<vmem>>, vector<512x128xf32>
    %get3A_2 = arith.constant 0 : index
    %get3A_3 = arith.constant 0 : index
    %get3A_4 = vector.load %arg2[%get3A_2, %get3A_3] : memref<128x128xf32, #tpu.memory_space<vmem>>, vector<128x128xf32>
    %dot_general3A = arith.constant dense<0.000000e+00> : vector<512x128xf32>
    %dot_general3A_5 = tpu.matmul %get3A_1, %get3A_4, %dot_general3A {dimension_numbers = #tpu.dot_dimension_numbers<[1], [0], [0], [1], [0, 0, 1, 1], [], []>, transpose_lhs_hint = false} : vector<512x128xf32>, vector<128x128xf32>, vector<512x128xf32> -> vector<512x128xf32>
    %get3A_6 = arith.constant 0 : index
    %get3A_7 = arith.constant 0 : index
    %get3A_8 = vector.load %arg3[%get3A_6, %get3A_7] : memref<1x128xf32, #tpu.memory_space<vmem>>, vector<1x128xf32>
    %add3A = vector.broadcast %get3A_8 : vector<1x128xf32> to vector<512x128xf32>
    %add3A_9 = arith.addf %dot_general3A_5, %add3A : vector<512x128xf32>
    %swap3A = arith.constant 0 : index
    %swap3A_10 = arith.constant 0 : index
    %swap3A_11 = vector.load %arg4[%swap3A, %swap3A_10] : memref<512x128xf32, #tpu.memory_space<vmem>>, vector<512x128xf32>
    tpu.vector_store %arg4[%swap3A, %swap3A_10], %add3A_9 {strides = array<i32>} : memref<512x128xf32, #tpu.memory_space<vmem>>, vector<512x128xf32>,
    return
  }
  func.func @transform_0(%arg0: i32) -> (i32, i32) {
    %c0_i32 = arith.constant 0 : i32
    %c0_i32_0 = arith.constant 0 : i32
    return %arg0, %c0_i32 : i32, i32
  }
  func.func @transform_1(%arg0: i32) -> (i32, i32) {
    %c0_i32 = arith.constant 0 : i32
    %c0_i32_0 = arith.constant 0 : i32
    %c0_i32_1 = arith.constant 0 : i32
    return %c0_i32, %c0_i32_0 : i32, i32
  }
  func.func @transform_2(%arg0: i32) -> (i32, i32) {
    %c0_i32 = arith.constant 0 : i32
    %c0_i32_0 = arith.constant 0 : i32
    %c0_i32_1 = arith.constant 0 : i32
    return %c0_i32, %c0_i32_0 : i32, i32
  }
  func.func @transform_3(%arg0: i32) -> (i32, i32) {
    %c0_i32 = arith.constant 0 : i32
    %c0_i32_0 = arith.constant 0 : i32
    return %arg0, %c0_i32 : i32, i32
  }
}

module attributes {stable_mosaic.version = 14 : i64} {
  func.func @body(%arg0: i32, %arg1: memref<512x128xf32, #tpu.memory_space<vmem>>, %arg2: memref<512x16xf32, #tpu.memory_space<vmem>>, %arg3: memref<16x128xf32, #tpu.memory_space<vmem>>, %arg4: memref<128x128xf32, #tpu.memory_space<vmem>>, %arg5: memref<512x128xbf16, #tpu.memory_space<vmem>>, %arg6: memref<512x128xf32, #tpu.memory_space<vmem>>) attributes {dimension_semantics = [#tpu.dimension_semantics<arbitrary>], iteration_bounds = array<i64: 640>, scalar_prefetch = 0 : i64, scratch_operands = 0 : i64, tpu.core_type = #tpu.core_type<tc>, window_params = [{transform_indices = @transform_0, window_bounds = array<i64: 512, 128>}, {transform_indices = @transform_1, window_bounds = array<i64: 512, 16>}, {pipeline_mode = #tpu.pipeline_mode<synchronous>, transform_indices = @transform_2, window_bounds = array<i64: 16, 128>}, {pipeline_mode = #tpu.pipeline_mode<synchronous>, transform_indices = @transform_3, window_bounds = array<i64: 128, 128>}, {transform_indices = @transform_4, window_bounds = array<i64: 512, 128>}, {transform_indices = @transform_5, window_bounds = array<i64: 512, 128>}]} {
    %get3A = arith.constant 0 : index
    %get3A_0 = arith.constant 0 : index
    %get3A_1 = vector.load %arg1[%get3A, %get3A_0] : memref<512x128xf32, #tpu.memory_space<vmem>>, vector<512x128xf32>
    %get3A_2 = arith.constant 0 : index
    %get3A_3 = arith.constant 0 : index
    %get3A_4 = vector.load %arg2[%get3A_2, %get3A_3] : memref<512x16xf32, #tpu.memory_space<vmem>>, vector<512x16xf32>
    %get3A_5 = arith.constant 0 : index
    %get3A_6 = arith.constant 0 : index
    %get3A_7 = vector.load %arg3[%get3A_5, %get3A_6] : memref<16x128xf32, #tpu.memory_space<vmem>>, vector<16x128xf32>
    %dot_general3A = arith.constant dense<0.000000e+00> : vector<512x128xf32>
    %dot_general3A_8 = tpu.matmul %get3A_4, %get3A_7, %dot_general3A {dimension_numbers = #tpu.dot_dimension_numbers<[1], [0], [0], [1], [0, 0, 1, 1], [], []>, transpose_lhs_hint = false} : vector<512x16xf32>, vector<16x128xf32>, vector<512x128xf32> -> vector<512x128xf32>
    %add3A = arith.addf %get3A_1, %dot_general3A_8 : vector<512x128xf32>
    %convert_element_type3A = arith.truncf %add3A : vector<512x128xf32> to vector<512x128xbf16>
    %swap3A = arith.constant 0 : index
    %swap3A_9 = arith.constant 0 : index
    %swap3A_10 = vector.load %arg5[%swap3A, %swap3A_9] : memref<512x128xbf16, #tpu.memory_space<vmem>>, vector<512x128xbf16>
    tpu.vector_store %arg5[%swap3A, %swap3A_9], %convert_element_type3A {strides = array<i32>} : memref<512x128xbf16, #tpu.memory_space<vmem>>, vector<512x128xbf16>,
    %max3A = arith.constant 0.000000e+00 : f32
    %max3A_11 = vector.broadcast %max3A : f32 to vector<512x128xf32>
    %max3A_12 = arith.maximumf %add3A, %max3A_11 : vector<512x128xf32>
    %get3A_13 = arith.constant 0 : index
    %get3A_14 = arith.constant 0 : index
    %get3A_15 = vector.load %arg4[%get3A_13, %get3A_14] : memref<128x128xf32, #tpu.memory_space<vmem>>, vector<128x128xf32>
    %dot_general3A_16 = arith.constant dense<0.000000e+00> : vector<512x128xf32>
    %dot_general3A_17 = tpu.matmul %max3A_12, %get3A_15, %dot_general3A_16 {dimension_numbers = #tpu.dot_dimension_numbers<[1], [0], [0], [1], [0, 0, 1, 1], [], []>, transpose_lhs_hint = false} : vector<512x128xf32>, vector<128x128xf32>, vector<512x128xf32> -> vector<512x128xf32>
    %swap3A_18 = arith.constant 0 : index
    %swap3A_19 = arith.constant 0 : index
    %swap3A_20 = vector.load %arg6[%swap3A_18, %swap3A_19] : memref<512x128xf32, #tpu.memory_space<vmem>>, vector<512x128xf32>
    tpu.vector_store %arg6[%swap3A_18, %swap3A_19], %dot_general3A_17 {strides = array<i32>} : memref<512x128xf32, #tpu.memory_space<vmem>>, vector<512x128xf32>,
    return
  }
  func.func @transform_0(%arg0: i32) -> (i32, i32) {
    %c0_i32 = arith.constant 0 : i32
    %c0_i32_0 = arith.constant 0 : i32
    return %arg0, %c0_i32 : i32, i32
  }
  func.func @transform_1(%arg0: i32) -> (i32, i32) {
    %c0_i32 = arith.constant 0 : i32
    %c0_i32_0 = arith.constant 0 : i32
    return %arg0, %c0_i32 : i32, i32
  }
  func.func @transform_2(%arg0: i32) -> (i32, i32) {
    %c0_i32 = arith.constant 0 : i32
    %c0_i32_0 = arith.constant 0 : i32
    %c0_i32_1 = arith.constant 0 : i32
    return %c0_i32, %c0_i32_0 : i32, i32
  }
  func.func @transform_3(%arg0: i32) -> (i32, i32) {
    %c0_i32 = arith.constant 0 : i32
    %c0_i32_0 = arith.constant 0 : i32
    %c0_i32_1 = arith.constant 0 : i32
    return %c0_i32, %c0_i32_0 : i32, i32
  }
  func.func @transform_4(%arg0: i32) -> (i32, i32) {
    %c0_i32 = arith.constant 0 : i32
    %c0_i32_0 = arith.constant 0 : i32
    return %arg0, %c0_i32 : i32, i32
  }
  func.func @transform_5(%arg0: i32) -> (i32, i32) {
    %c0_i32 = arith.constant 0 : i32
    %c0_i32_0 = arith.constant 0 : i32
    return %arg0, %c0_i32 : i32, i32
  }
}

module attributes {stable_mosaic.version = 14 : i64} {
  func.func @body(%arg0: i32, %arg1: memref<2x512x128xf32, #tpu.memory_space<vmem>>, %arg2: memref<512x128xf32, #tpu.memory_space<vmem>>) attributes {dimension_semantics = [#tpu.dimension_semantics<arbitrary>], iteration_bounds = array<i64: 20>, scalar_prefetch = 0 : i64, scratch_operands = 0 : i64, tpu.core_type = #tpu.core_type<tc>, window_params = [{transform_indices = @transform_0, window_bounds = array<i64: 2, 512, 128>}, {transform_indices = @transform_1, window_bounds = array<i64: 512, 128>}]} {
    %get3A = arith.constant 0 : index
    %get3A_0 = arith.constant 0 : index
    %get3A_1 = arith.constant 0 : index
    %get3A_2 = vector.load %arg1[%get3A, %get3A_0, %get3A_1] : memref<2x512x128xf32, #tpu.memory_space<vmem>>, vector<1x512x128xf32>
    %get3A_3 = vector.shape_cast %get3A_2 : vector<1x512x128xf32> to vector<512x128xf32>
    %get3A_4 = arith.constant 1 : index
    %get3A_5 = arith.constant 0 : index
    %get3A_6 = arith.constant 0 : index
    %get3A_7 = vector.load %arg1[%get3A_4, %get3A_5, %get3A_6] : memref<2x512x128xf32, #tpu.memory_space<vmem>>, vector<1x512x128xf32>
    %get3A_8 = vector.shape_cast %get3A_7 : vector<1x512x128xf32> to vector<512x128xf32>
    %add3A = arith.addf %get3A_3, %get3A_8 : vector<512x128xf32>
    %swap3A = arith.constant 0 : index
    %swap3A_9 = arith.constant 0 : index
    %swap3A_10 = vector.load %arg2[%swap3A, %swap3A_9] : memref<512x128xf32, #tpu.memory_space<vmem>>, vector<512x128xf32>
    tpu.vector_store %arg2[%swap3A, %swap3A_9], %add3A {strides = array<i32>} : memref<512x128xf32, #tpu.memory_space<vmem>>, vector<512x128xf32>,
    return
  }
  func.func @transform_0(%arg0: i32) -> (i32, i32, i32) {
    %c0_i32 = arith.constant 0 : i32
    %c0_i32_0 = arith.constant 0 : i32
    %c0_i32_1 = arith.constant 0 : i32
    return %c0_i32, %arg0, %c0_i32_0 : i32, i32, i32
  }
  func.func @transform_1(%arg0: i32) -> (i32, i32) {
    %c0_i32 = arith.constant 0 : i32
    %c0_i32_0 = arith.constant 0 : i32
    return %arg0, %c0_i32 : i32, i32
  }
}

module attributes {stable_mosaic.version = 14 : i64} {
  func.func @body(%arg0: i32, %arg1: memref<512x128xbf16, #tpu.memory_space<vmem>>, %arg2: memref<512x128xf32, #tpu.memory_space<vmem>>, %arg3: memref<512x128xf32, #tpu.memory_space<vmem>>, %arg4: memref<1x128xf32, #tpu.memory_space<vmem>>, %arg5: memref<128x128xf32, #tpu.memory_space<vmem>>, %arg6: memref<512x128xf32, #tpu.memory_space<vmem>>) attributes {dimension_semantics = [#tpu.dimension_semantics<arbitrary>], iteration_bounds = array<i64: 640>, scalar_prefetch = 0 : i64, scratch_operands = 0 : i64, tpu.core_type = #tpu.core_type<tc>, window_params = [{transform_indices = @transform_0, window_bounds = array<i64: 512, 128>}, {transform_indices = @transform_1, window_bounds = array<i64: 512, 128>}, {transform_indices = @transform_2, window_bounds = array<i64: 512, 128>}, {pipeline_mode = #tpu.pipeline_mode<synchronous>, transform_indices = @transform_3, window_bounds = array<i64: 1, 128>}, {pipeline_mode = #tpu.pipeline_mode<synchronous>, transform_indices = @transform_4, window_bounds = array<i64: 128, 128>}, {transform_indices = @transform_5, window_bounds = array<i64: 512, 128>}]} {
    %get3A = arith.constant 0 : index
    %get3A_0 = arith.constant 0 : index
    %get3A_1 = vector.load %arg1[%get3A, %get3A_0] : memref<512x128xbf16, #tpu.memory_space<vmem>>, vector<512x128xbf16>
    %convert_element_type3A = arith.extf %get3A_1 : vector<512x128xbf16> to vector<512x128xf32>
    %get3A_2 = arith.constant 0 : index
    %get3A_3 = arith.constant 0 : index
    %get3A_4 = vector.load %arg2[%get3A_2, %get3A_3] : memref<512x128xf32, #tpu.memory_space<vmem>>, vector<512x128xf32>
    %add3A = arith.addf %convert_element_type3A, %get3A_4 : vector<512x128xf32>
    %get3A_5 = arith.constant 0 : index
    %get3A_6 = arith.constant 0 : index
    %get3A_7 = vector.load %arg3[%get3A_5, %get3A_6] : memref<512x128xf32, #tpu.memory_space<vmem>>, vector<512x128xf32>
    %sub3A = arith.subf %add3A, %get3A_7 : vector<512x128xf32>
    %get3A_8 = arith.constant 0 : index
    %get3A_9 = arith.constant 0 : index
    %get3A_10 = vector.load %arg4[%get3A_8, %get3A_9] : memref<1x128xf32, #tpu.memory_space<vmem>>, vector<1x128xf32>
    %add3A_11 = vector.broadcast %get3A_10 : vector<1x128xf32> to vector<512x128xf32>
    %add3A_12 = arith.addf %sub3A, %add3A_11 : vector<512x128xf32>
    %max3A = arith.constant 0.000000e+00 : f32
    %max3A_13 = vector.broadcast %max3A : f32 to vector<512x128xf32>
    %max3A_14 = arith.maximumf %add3A_12, %max3A_13 : vector<512x128xf32>
    %get3A_15 = arith.constant 0 : index
    %get3A_16 = arith.constant 0 : index
    %get3A_17 = vector.load %arg5[%get3A_15, %get3A_16] : memref<128x128xf32, #tpu.memory_space<vmem>>, vector<128x128xf32>
    %dot_general3A = arith.constant dense<0.000000e+00> : vector<512x128xf32>
    %dot_general3A_18 = tpu.matmul %max3A_14, %get3A_17, %dot_general3A {dimension_numbers = #tpu.dot_dimension_numbers<[1], [0], [0], [1], [0, 0, 1, 1], [], []>, transpose_lhs_hint = false} : vector<512x128xf32>, vector<128x128xf32>, vector<512x128xf32> -> vector<512x128xf32>
    %swap3A = arith.constant 0 : index
    %swap3A_19 = arith.constant 0 : index
    %swap3A_20 = vector.load %arg6[%swap3A, %swap3A_19] : memref<512x128xf32, #tpu.memory_space<vmem>>, vector<512x128xf32>
    tpu.vector_store %arg6[%swap3A, %swap3A_19], %dot_general3A_18 {strides = array<i32>} : memref<512x128xf32, #tpu.memory_space<vmem>>, vector<512x128xf32>,
    return
  }
  func.func @transform_0(%arg0: i32) -> (i32, i32) {
    %c0_i32 = arith.constant 0 : i32
    %c0_i32_0 = arith.constant 0 : i32
    return %arg0, %c0_i32 : i32, i32
  }
  func.func @transform_1(%arg0: i32) -> (i32, i32) {
    %c0_i32 = arith.constant 0 : i32
    %c0_i32_0 = arith.constant 0 : i32
    return %arg0, %c0_i32 : i32, i32
  }
  func.func @transform_2(%arg0: i32) -> (i32, i32) {
    %c0_i32 = arith.constant 0 : i32
    %c0_i32_0 = arith.constant 0 : i32
    return %arg0, %c0_i32 : i32, i32
  }
  func.func @transform_3(%arg0: i32) -> (i32, i32) {
    %c0_i32 = arith.constant 0 : i32
    %c0_i32_0 = arith.constant 0 : i32
    %c0_i32_1 = arith.constant 0 : i32
    return %c0_i32, %c0_i32_0 : i32, i32
  }
  func.func @transform_4(%arg0: i32) -> (i32, i32) {
    %c0_i32 = arith.constant 0 : i32
    %c0_i32_0 = arith.constant 0 : i32
    %c0_i32_1 = arith.constant 0 : i32
    return %c0_i32, %c0_i32_0 : i32, i32
  }
  func.func @transform_5(%arg0: i32) -> (i32, i32) {
    %c0_i32 = arith.constant 0 : i32
    %c0_i32_0 = arith.constant 0 : i32
    return %arg0, %c0_i32 : i32, i32
  }
}

module attributes {stable_mosaic.version = 14 : i64} {
  func.func @body(%arg0: i32, %arg1: memref<512x128xbf16, #tpu.memory_space<vmem>>, %arg2: memref<512x128xf32, #tpu.memory_space<vmem>>, %arg3: memref<512x128xf32, #tpu.memory_space<vmem>>, %arg4: memref<1x128xf32, #tpu.memory_space<vmem>>, %arg5: memref<512x128xf32, #tpu.memory_space<vmem>>) attributes {dimension_semantics = [#tpu.dimension_semantics<arbitrary>], iteration_bounds = array<i64: 640>, scalar_prefetch = 0 : i64, scratch_operands = 0 : i64, tpu.core_type = #tpu.core_type<tc>, window_params = [{transform_indices = @transform_0, window_bounds = array<i64: 512, 128>}, {transform_indices = @transform_1, window_bounds = array<i64: 512, 128>}, {transform_indices = @transform_2, window_bounds = array<i64: 512, 128>}, {pipeline_mode = #tpu.pipeline_mode<synchronous>, transform_indices = @transform_3, window_bounds = array<i64: 1, 128>}, {transform_indices = @transform_4, window_bounds = array<i64: 512, 128>}]} {
    %get3A = arith.constant 0 : index
    %get3A_0 = arith.constant 0 : index
    %get3A_1 = vector.load %arg1[%get3A, %get3A_0] : memref<512x128xbf16, #tpu.memory_space<vmem>>, vector<512x128xbf16>
    %convert_element_type3A = arith.extf %get3A_1 : vector<512x128xbf16> to vector<512x128xf32>
    %get3A_2 = arith.constant 0 : index
    %get3A_3 = arith.constant 0 : index
    %get3A_4 = vector.load %arg2[%get3A_2, %get3A_3] : memref<512x128xf32, #tpu.memory_space<vmem>>, vector<512x128xf32>
    %add3A = arith.addf %convert_element_type3A, %get3A_4 : vector<512x128xf32>
    %get3A_5 = arith.constant 0 : index
    %get3A_6 = arith.constant 0 : index
    %get3A_7 = vector.load %arg3[%get3A_5, %get3A_6] : memref<512x128xf32, #tpu.memory_space<vmem>>, vector<512x128xf32>
    %sub3A = arith.subf %add3A, %get3A_7 : vector<512x128xf32>
    %get3A_8 = arith.constant 0 : index
    %get3A_9 = arith.constant 0 : index
    %get3A_10 = vector.load %arg4[%get3A_8, %get3A_9] : memref<1x128xf32, #tpu.memory_space<vmem>>, vector<1x128xf32>
    %add3A_11 = vector.broadcast %get3A_10 : vector<1x128xf32> to vector<512x128xf32>
    %add3A_12 = arith.addf %sub3A, %add3A_11 : vector<512x128xf32>
    %max3A = arith.constant 0.000000e+00 : f32
    %max3A_13 = vector.broadcast %max3A : f32 to vector<512x128xf32>
    %max3A_14 = arith.maximumf %add3A_12, %max3A_13 : vector<512x128xf32>
    %swap3A = arith.constant 0 : index
    %swap3A_15 = arith.constant 0 : index
    %swap3A_16 = vector.load %arg5[%swap3A, %swap3A_15] : memref<512x128xf32, #tpu.memory_space<vmem>>, vector<512x128xf32>
    tpu.vector_store %arg5[%swap3A, %swap3A_15], %max3A_14 {strides = array<i32>} : memref<512x128xf32, #tpu.memory_space<vmem>>, vector<512x128xf32>,
    return
  }
  func.func @transform_0(%arg0: i32) -> (i32, i32) {
    %c0_i32 = arith.constant 0 : i32
    %c0_i32_0 = arith.constant 0 : i32
    return %arg0, %c0_i32 : i32, i32
  }
  func.func @transform_1(%arg0: i32) -> (i32, i32) {
    %c0_i32 = arith.constant 0 : i32
    %c0_i32_0 = arith.constant 0 : i32
    return %arg0, %c0_i32 : i32, i32
  }
  func.func @transform_2(%arg0: i32) -> (i32, i32) {
    %c0_i32 = arith.constant 0 : i32
    %c0_i32_0 = arith.constant 0 : i32
    return %arg0, %c0_i32 : i32, i32
  }
  func.func @transform_3(%arg0: i32) -> (i32, i32) {
    %c0_i32 = arith.constant 0 : i32
    %c0_i32_0 = arith.constant 0 : i32
    %c0_i32_1 = arith.constant 0 : i32
    return %c0_i32, %c0_i32_0 : i32, i32
  }
  func.func @transform_4(%arg0: i32) -> (i32, i32) {
    %c0_i32 = arith.constant 0 : i32
    %c0_i32_0 = arith.constant 0 : i32
    return %arg0, %c0_i32 : i32, i32
  }
}

module attributes {stable_mosaic.version = 14 : i64} {
  func.func @body(%arg0: i32, %arg1: memref<400x128xf32, #tpu.memory_space<vmem>>, %arg2: memref<2x400x128xf32, #tpu.memory_space<vmem>>, %arg3: memref<128x128xf32, #tpu.memory_space<vmem>>, %arg4: memref<128x128xf32, #tpu.memory_space<vmem>>, %arg5: memref<1x128xf32, #tpu.memory_space<vmem>>, %arg6: memref<400x128xf32, #tpu.memory_space<vmem>>) attributes {dimension_semantics = [#tpu.dimension_semantics<arbitrary>], iteration_bounds = array<i64: 25>, scalar_prefetch = 0 : i64, scratch_operands = 0 : i64, tpu.core_type = #tpu.core_type<tc>, window_params = [{transform_indices = @transform_0, window_bounds = array<i64: 400, 128>}, {transform_indices = @transform_1, window_bounds = array<i64: 2, 400, 128>}, {pipeline_mode = #tpu.pipeline_mode<synchronous>, transform_indices = @transform_2, window_bounds = array<i64: 128, 128>}, {pipeline_mode = #tpu.pipeline_mode<synchronous>, transform_indices = @transform_3, window_bounds = array<i64: 128, 128>}, {pipeline_mode = #tpu.pipeline_mode<synchronous>, transform_indices = @transform_4, window_bounds = array<i64: 1, 128>}, {transform_indices = @transform_5, window_bounds = array<i64: 400, 128>}]} {
    %get3A = arith.constant 0 : index
    %get3A_0 = arith.constant 0 : index
    %get3A_1 = arith.constant 0 : index
    %get3A_2 = vector.load %arg2[%get3A, %get3A_0, %get3A_1] : memref<2x400x128xf32, #tpu.memory_space<vmem>>, vector<1x400x128xf32>
    %get3A_3 = vector.shape_cast %get3A_2 : vector<1x400x128xf32> to vector<400x128xf32>
    %get3A_4 = arith.constant 1 : index
    %get3A_5 = arith.constant 0 : index
    %get3A_6 = arith.constant 0 : index
    %get3A_7 = vector.load %arg2[%get3A_4, %get3A_5, %get3A_6] : memref<2x400x128xf32, #tpu.memory_space<vmem>>, vector<1x400x128xf32>
    %get3A_8 = vector.shape_cast %get3A_7 : vector<1x400x128xf32> to vector<400x128xf32>
    %add3A = arith.addf %get3A_3, %get3A_8 : vector<400x128xf32>
    %reduce_sum3A = arith.constant dense<0.000000e+00> : vector<400xf32>
    %reduce_sum3A_9 = vector.multi_reduction <add>, %add3A, %reduce_sum3A [1] : vector<400x128xf32> to vector<400xf32>
    %broadcast_in_dim3A = vector.shape_cast %reduce_sum3A_9 : vector<400xf32> to vector<400x1xf32>
    %get3A_10 = arith.constant 0 : index
    %get3A_11 = arith.constant 0 : index
    %get3A_12 = vector.load %arg1[%get3A_10, %get3A_11] : memref<400x128xf32, #tpu.memory_space<vmem>>, vector<400x128xf32>
    %eq3A = arith.constant 0.000000e+00 : f32
    %eq3A_13 = vector.broadcast %eq3A : f32 to vector<400x1xf32>
    %eq3A_14 = arith.cmpf oeq, %broadcast_in_dim3A, %eq3A_13 : vector<400x1xf32>
    %broadcast_in_dim3A_15 = vector.shape_cast %eq3A_14 : vector<400x1xi1> to vector<400x1xi1>
    %broadcast_in_dim3A_16 = vector.broadcast %broadcast_in_dim3A_15 : vector<400x1xi1> to vector<400x128xi1>
    %select_n3A = arith.select %broadcast_in_dim3A_16, %get3A_12, %add3A : vector<400x128xi1>, vector<400x128xf32>
    %get3A_17 = arith.constant 0 : index
    %get3A_18 = arith.constant 0 : index
    %get3A_19 = vector.load %arg3[%get3A_17, %get3A_18] : memref<128x128xf32, #tpu.memory_space<vmem>>, vector<128x128xf32>
    %dot_general3A = arith.constant dense<0.000000e+00> : vector<400x128xf32>
    %dot_general3A_20 = tpu.matmul %get3A_12, %get3A_19, %dot_general3A {dimension_numbers = #tpu.dot_dimension_numbers<[1], [0], [0], [1], [0, 0, 1, 1], [], []>, transpose_lhs_hint = false} : vector<400x128xf32>, vector<128x128xf32>, vector<400x128xf32> -> vector<400x128xf32>
    %get3A_21 = arith.constant 0 : index
    %get3A_22 = arith.constant 0 : index
    %get3A_23 = vector.load %arg4[%get3A_21, %get3A_22] : memref<128x128xf32, #tpu.memory_space<vmem>>, vector<128x128xf32>
    %dot_general3A_24 = arith.constant dense<0.000000e+00> : vector<400x128xf32>
    %dot_general3A_25 = tpu.matmul %select_n3A, %get3A_23, %dot_general3A_24 {dimension_numbers = #tpu.dot_dimension_numbers<[1], [0], [0], [1], [0, 0, 1, 1], [], []>, transpose_lhs_hint = false} : vector<400x128xf32>, vector<128x128xf32>, vector<400x128xf32> -> vector<400x128xf32>
    %add3A_26 = arith.addf %dot_general3A_20, %dot_general3A_25 : vector<400x128xf32>
    %get3A_27 = arith.constant 0 : index
    %get3A_28 = arith.constant 0 : index
    %get3A_29 = vector.load %arg5[%get3A_27, %get3A_28] : memref<1x128xf32, #tpu.memory_space<vmem>>, vector<1x128xf32>
    %add3A_30 = vector.broadcast %get3A_29 : vector<1x128xf32> to vector<400x128xf32>
    %add3A_31 = arith.addf %add3A_26, %add3A_30 : vector<400x128xf32>
    %max3A = arith.constant 0.000000e+00 : f32
    %max3A_32 = vector.broadcast %max3A : f32 to vector<400x128xf32>
    %max3A_33 = arith.maximumf %add3A_31, %max3A_32 : vector<400x128xf32>
    %swap3A = arith.constant 0 : index
    %swap3A_34 = arith.constant 0 : index
    %swap3A_35 = vector.load %arg6[%swap3A, %swap3A_34] : memref<400x128xf32, #tpu.memory_space<vmem>>, vector<400x128xf32>
    tpu.vector_store %arg6[%swap3A, %swap3A_34], %max3A_33 {strides = array<i32>} : memref<400x128xf32, #tpu.memory_space<vmem>>, vector<400x128xf32>,
    return
  }
  func.func @transform_0(%arg0: i32) -> (i32, i32) {
    %c0_i32 = arith.constant 0 : i32
    %c0_i32_0 = arith.constant 0 : i32
    return %arg0, %c0_i32 : i32, i32
  }
  func.func @transform_1(%arg0: i32) -> (i32, i32, i32) {
    %c0_i32 = arith.constant 0 : i32
    %c0_i32_0 = arith.constant 0 : i32
    %c0_i32_1 = arith.constant 0 : i32
    return %c0_i32, %arg0, %c0_i32_0 : i32, i32, i32
  }
  func.func @transform_2(%arg0: i32) -> (i32, i32) {
    %c0_i32 = arith.constant 0 : i32
    %c0_i32_0 = arith.constant 0 : i32
    %c0_i32_1 = arith.constant 0 : i32
    return %c0_i32, %c0_i32_0 : i32, i32
  }
  func.func @transform_3(%arg0: i32) -> (i32, i32) {
    %c0_i32 = arith.constant 0 : i32
    %c0_i32_0 = arith.constant 0 : i32
    %c0_i32_1 = arith.constant 0 : i32
    return %c0_i32, %c0_i32_0 : i32, i32
  }
  func.func @transform_4(%arg0: i32) -> (i32, i32) {
    %c0_i32 = arith.constant 0 : i32
    %c0_i32_0 = arith.constant 0 : i32
    %c0_i32_1 = arith.constant 0 : i32
    return %c0_i32, %c0_i32_0 : i32, i32
  }
  func.func @transform_5(%arg0: i32) -> (i32, i32) {
    %c0_i32 = arith.constant 0 : i32
    %c0_i32_0 = arith.constant 0 : i32
    return %arg0, %c0_i32 : i32, i32
  }
}

</mosaic_0001>

<sc_bundles>
// kernel: kernel.15.cloned.1.call-start
scs
__scs_entry_jumppad:
0x0: {  	(pc) =	sbr.rel $0x88, $3  }
0x1: {  	(tag) =	ssettag $0x0;
	lr =	simm.s32 $0x1  }
0x2: {  	[smem:$0x3F97] =	sst lr;
	_ =	strace $0xD0000000  }
0x3: {  	_ = 	snop  }
0x4: {  	_ = 	snop  }
0x5: {  	_ = 	snop  }
0x6: {  	_ = 	snop  }
0x7: {  	_ = 	snop  }
__scs_overlays_trampoline_lowered:
0x8: {  	[smem:$0x3FA6] =	sst s0  }
0x9: {  	[smem:$0x3FA7] =	sst s1  }
0xa: {  	[smem:$0x3FA8] =	sst s2  }
0xb: {  	[smem:$0x3FA9] =	sst s3  }
0xc: {  	[smem:$0x3FAA] =	sst s4  }
0xd: {  	[smem:$0x3FAB] =	sst s5  }
0xe: {  	[smem:$0x3FAC] =	sst s6  }
0xf: {  	[smem:$0x3FAD] =	sst s7  }
0x10: {  	[smem:$0x3FAE] =	sst s8  }
0x11: {  	[smem:$0x3FAF] =	sst s9;
	s0 =	simm.s32 @!p0 $0x0  }
0x12: {  	s1 =	sld [smem:$0x3F95];
	s0 =	simm.s32 @p0 $0x1  }
0x13: {  	[smem:$0x3FB0] =	sst s0;
	s0 =	simm.s32 @!p1 $0x0  }
0x14: {  	s2 =	sld [smem:$0x3F94];
	s0 =	simm.s32 @p1 $0x1  }
0x15: {  	[smem:$0x3FB1] =	sst s0;
	s0 =	simm.s32 @!p2 $0x0  }
0x16: {  	s3 =	sld [smem:$0x3FDB];
	s0 =	simm.s32 @p2 $0x1  }
0x17: {  	s4 =	simm.s32 $0x1BF5;
	[smem:$0x3FB3] =	sst s0  }
0x18: {  	s0 =	sld [smem:$0x3F96];
	_ =	swait.ge [sflag:s4], $0x0  }
0x19: {  	s7 =	sld [smem:$0x3F97]  }
0x1a: {  	s8 =	sadd.s32 $0xFFFFE003, lr  }
0x1b: {  	s9 =	sadd.s32 $0xFFFFFEF7, lr;
	s5 =	simm.s32 $0xFFFFFFFF;
	p2 =	slt.u32 s8, $0xFFFFF086  }
0x1c: {  	p1 =	slt.u32 s9, $0xF7A;
	s5 =	simm.s32 @!p2 $0x0  }
0x1d: {  	s5 =	simm.s32 @p1 $0x1;
	p0 =	seq.s32 s7, s2  }
0x1e: {  	s7 =	smul.u32 @!p0 $0xF7A, s2;
	p2 =	seq.s32 @!p0 s5, $0x0  }
0x1f: {  	s9 =	smul.u32 $0xF7A, s1;
	s8 =	simm.s32 @!p0 $0x1BF5;
	p2 =	por !p2, p0  }
0x20: {  	[sflag:s8] =	ssyncset.s32 @!p0 $0xFFFFF086;
	s6 =	sadd.s32 @!p0 s3, s7;
	s7 =	simm.s32 @!p0 $0x108  }
0x21: {  	s3 =	sadd.s32 s3, s9;
	s6 =	sadd.s32 @!p0 $0x88, s6;
	s7 =	simm.s32 @p2 $0x1082  }
0x22: {  	[simem:s7], [sflag:s8] =	dma.local @!p0 [hbm:s6], $0xF7A  }
0x23: {  	s9 =	sor.u32 $0xD0000000, s2;
	s6 =	simm.s32 $0x108;
	_ =	swait.ge @!p0 [sflag:s8], $0x0  }
0x24: {  	s3 =	sadd.s32 $0x88, s3;
	s6 =	simm.s32 @!p1 $0x1082;
	[sflag:s4] =	ssyncset.s32 $0xFFFFF086  }
0x25: {  	[simem:s6], [sflag:s4] =	dma.local [hbm:s3], $0xF7A  }
0x26: {  	[smem:$0x3F97] =	sst s1;
	(tag) =	ssettag s2;
	_ =	strace s9  }
0x27: {  	s1 =	sld [smem:$0x3FA7]  }
0x28: {  	s2 =	sld [smem:$0x3FA8]  }
0x29: {  	s4 =	sld [smem:$0x3FAA]  }
0x2a: {  	p0 =	seq.s32 s5, $0x0;
	s5 =	sld [smem:$0x3FAB]  }
0x2b: {  	s6 =	sld [smem:$0x3FAC]  }
0x2c: {  	s7 =	sld [smem:$0x3FAD]  }
0x2d: {  	s3 =	simm.s32 $0x108;
	s8 =	sld [smem:$0x3FAE]  }
0x2e: {  	s3 =	simm.s32 @!p0 $0x1082;
	s9 =	sld [smem:$0x3FAF]  }
0x2f: {  	lr =	sadd.s32 s0, s3;
	s0 =	sld [smem:$0x3FA6]  }
0x30: {  	s3 =	sld [smem:$0x3FA9]  }
0x31: {  	[smem:$0x3FB2] =	sst s10  }
0x32: {  	s10 =	sld [smem:$0x3FB0];
	_ =	sdelay $0x3  }
0x33: {  	p0 =	seq.s32 s10, $0x1;
	s10 =	sld [smem:$0x3FB2];
	_ =	sdelay $0x3  }
0x34: {  	[smem:$0x3FB2] =	sst s10  }
0x35: {  	s10 =	sld [smem:$0x3FB1];
	_ =	sdelay $0x3  }
0x36: {  	p1 =	seq.s32 s10, $0x1;
	s10 =	sld [smem:$0x3FB2];
	_ =	sdelay $0x3  }
0x37: {  	[smem:$0x3FB2] =	sst s10  }
0x38: {  	s10 =	sld [smem:$0x3FB3]  }
0x39: {  	_ = 	snop;
	(pc) =	sbr.ind lr, $3  }
0x3a: {  	_ = 	snop  }
0x3b: {  	_ = 	snop  }
0x3c: {  	p2 =	seq.s32 s10, $0x1;
	s10 =	sld [smem:$0x3FB2]  }
0x3d: {  	_ =	shalt  }
0x3e: {  	_ =	shalt  }
0x3f: {  	_ =	shalt  }
0x40: {  	_ =	shalt  }
0x41: {  	_ =	shalt  }
0x42: {  	_ =	shalt  }
0x43: {  	_ =	shalt  }
0x44: {  	_ =	shalt  }
0x45: {  	_ =	shalt  }
0x46: {  	_ =	shalt  }
0x47: {  	_ =	shalt  }
0x48: {  	_ =	shalt  }
0x49: {  	_ =	shalt  }
0x4a: {  	_ =	shalt  }
0x4b: {  	_ =	shalt  }
0x4c: {  	_ =	shalt  }
0x4d: {  	_ =	shalt  }
0x4e: {  	_ =	shalt  }
0x4f: {  	_ =	shalt  }
0x50: {  	_ =	shalt  }
0x51: {  	_ =	shalt  }
0x52: {  	_ =	shalt  }
0x53: {  	_ =	shalt  }
0x54: {  	_ =	shalt  }
0x55: {  	_ =	shalt  }
0x56: {  	_ =	shalt  }
0x57: {  	_ =	shalt  }
0x58: {  	_ =	shalt  }
0x59: {  	_ =	shalt  }
0x5a: {  	_ =	shalt  }
0x5b: {  	_ =	shalt  }
0x5c: {  	_ =	shalt  }
0x5d: {  	_ =	shalt  }
0x5e: {  	_ =	shalt  }
0x5f: {  	_ =	shalt  }
0x60: {  	_ =	shalt  }
0x61: {  	_ =	shalt  }
0x62: {  	_ =	shalt  }
0x63: {  	_ =	shalt  }
0x64: {  	_ =	shalt  }
0x65: {  	_ =	shalt  }
0x66: {  	_ =	shalt  }
0x67: {  	_ =	shalt  }
0x68: {  	_ =	shalt  }
0x69: {  	_ =	shalt  }
0x6a: {  	_ =	shalt  }
0x6b: {  	_ =	shalt  }
0x6c: {  	_ =	shalt  }
0x6d: {  	_ =	shalt  }
0x6e: {  	_ =	shalt  }
0x6f: {  	_ =	shalt  }
0x70: {  	_ =	shalt  }
0x71: {  	_ =	shalt  }
0x72: {  	_ =	shalt  }
0x73: {  	_ =	shalt  }
0x74: {  	_ =	shalt  }
0x75: {  	_ =	shalt  }
0x76: {  	_ =	shalt  }
0x77: {  	_ =	shalt  }
0x78: {  	_ =	shalt  }
0x79: {  	_ =	shalt  }
0x7a: {  	_ =	shalt  }
0x7b: {  	_ =	shalt  }
0x7c: {  	_ =	shalt  }
0x7d: {  	_ =	shalt  }
0x7e: {  	_ =	shalt  }
0x7f: {  	_ =	shalt  }
0x80: {  	_ =	shalt  }
0x81: {  	_ =	shalt  }
0x82: {  	_ =	shalt  }
0x83: {  	_ =	shalt  }
0x84: {  	_ =	shalt  }
0x85: {  	_ =	shalt  }
0x86: {  	_ =	shalt  }
0x87: {  	_ =	shalt  }
.Lfunc_end0:
.L_simem_size_0:
called_computation_lowered:
.L_overlay_start_0:
0x88: {  	s2 =	sld [smem:$0x3FD9]  }
0x89: {  	s3 =	sld [smem:$0x3FFE];
	_ =	sdelay $0x1  }
0x8a: {  	s1 =	srdreg.scid  }
0x8b: {  	s0 =	sand.u32 $0x1, s1  }
0x8c: {  	s17 =	sshll.u32 s0, $0xA;
	s2 =	sadd.s32 s3, s2  }
0x8d: {  	s2 =	sadd.s32 s2, s17  }
0x8e: {  	[smem:$0x3FBE] =	sst s2  }
0x8f: {  	_ = 	snop  }
0x90: {  	s2 =	sld [smem:$0x3FD0];
	(tm) =	ssettm $0x1  }
0x91: {  	s18 =	sld [smem:$0x3FFB];
	_ =	sdelay $0x3  }
0x92: {  	_ =	strace s18  }
0x93: {  	s3 =	sld [smem:$0x3FFC];
	_ =	sdelay $0x3  }
0x94: {  	_ =	strace s3  }
0x95: {  	s3 =	sld [smem:$0x3FFD];
	_ =	sdelay $0x3  }
0x96: {  	_ =	strace s3  }
0x97: {  	_ =	strace $0x8FFFFFFF  }
0x98: {  	s19 =	sld [smem:$0x3FDB];
	_ =	sdelay $0x1  }
0x99: {  	s4 =	simm.s32 $_scs_section_size  }
0x9a: {  	s5 =	simm.s32 $_size__tile_overlayer_lowered;
	s6 =	simm.s32 $_tile_overlayer_lowered  }
0x9b: {  	s22 =	simm.s32 $0x1BFF;
	s21 =	sshll.u32 s6, $0x1;
	s3 =	sadd.s32 s4, s19  }
0x9c: {  	s7 =	simm.s32 $0x0;
	s20 =	sshll.u32 s5, $0x1;
	s5 =	sadd.s32 s21, s3  }
0x9d: {  	[timem:s7], [sflag:s22] =	dma.local [hbm:s5], s20  }
0x9e: {  	_ =	swait.ge [sflag:s22], s20  }
0x9f: {  	s4 =	ssub.s32 $0x0, s20;
	[sflag:s22] =	ssyncset.done $0x0  }
0xa0: {  	[sflag:s22] =	ssyncadd.s32 s4;
	_ =	sdelay $0x1  }
0xa1: {  	s23 =	simm.s32 $0x1B8B  }
0xa2: {  	_ =	swait.ge [sflag:s23], $0x1  }
0xa3: {  	[sflag:s23] =	ssyncset.done $0x0  }
0xa4: {  	s25 =	simm.s32 $0x1B8E;
	s24 =	sld [smem:$0x3FFE];
	[sflag:s23] =	ssyncadd.s32 $0xFFFFFFFF  }
0xa5: {  	s26 =	simm.s32 $execute0_lowered;
	[smem:$0x3FD2] =	sst s25  }
0xa6: {  	s5 =	sshll.u32 s26, $0x1;
	_ =	strace $0x80000046;
	[dreg:$0x1] =	wrdreg $0xFFFFFFFF  }
0xa7: {  	s28 =	simm.s32 $_size_execute0_lowered;
	s3 =	sadd.s32 s3, s5;
	[dreg:$0x0] =	wrdreg $0x0  }
0xa8: {  	s5 =	sshll.u32 s28, $0x1;
	[dreg:$0x2] =	wrdreg s3  }
0xa9: {  	[dreg:$0x3] =	wrdreg s5  }
0xaa: {  	[dreg:$0x4] =	wrdreg $0xC0  }
0xab: {  	_ =	task [dreg:s7], $0x5FFFF  }
0xac: {  	[dreg:$0x1] =	wrdreg $0xFFFFFFFF  }
0xad: {  	[dreg:$0x0] =	wrdreg $0x60  }
0xae: {  	[dreg:$0x2] =	wrdreg s24  }
0xaf: {  	[dreg:$0x3] =	wrdreg s2  }
0xb0: {  	[dreg:$0x4] =	wrdreg $0xA8000  }
0xb1: {  	[dreg:$0x5] =	wrdreg $0x9  }
0xb2: {  	_ =	task.clear_ibuf [dreg:s7], $0x6FFFF;
	_ =	strace $0x90000046  }
0xb3: {  	s29 =	simm.s32 $0x9;
	_ =	strace $0x80000048  }
0xb4: {  	_ =	swait.ge [sflag:s29], $0x1  }
0xb5: {  	[sflag:s29] =	ssyncadd.s32 $0xFFFFFFFF  }
0xb6: {  	_ =	strace $0x90000048  }
0xb7: {  	_ =	sfence  }
0xb8: {  	s30 =	sld [smem:$0x0];
	_ =	sdelay $0x2  }
0xb9: {  	s31 =	sshll.u32 s1, $0xD;
	s1 =	sshrl.u32 s1, $0x2  }
0xba: {  	s3 =	sand.u32 $0x4000, s31;
	s1 =	sadd.s32 s1, s30  }
0xbb: {  	s0 =	sor.u32 s3, s0;
	s1 =	sshll.u32 s1, $0x11  }
0xbc: {  	s0 =	sor.u32 s1, s0  }
0xbd: {  	s0 =	sadd.s32 $0x8F2B, s0  }
0xbe: {  	[sflag:s0] =	ssyncadd.remote.s32 $0x1  }
0xbf: {  	_ =	sfence.sel $0xFFFF  }
0xc0: {  	[dreg:$0x0] =	wrdreg $0xFFFFFFFF;
	(pc) =	sbr.abs _section_cstart, $3  }
0xc1: {  	[dreg:$0x1] =	wrdreg $0xFFFFFFFF  }
0xc2: {  	_ =	task.clear_ibuf [dreg:s7], $0x2FFFF;
	_ =	strace $0x9FFFFFFF  }
0xc3: {  	(tm) =	ssettm $0x7FFFFFFF  }
tec
execute0_lowered:
.L_overlay_start_1:
0x0: {  	(tag) =	ssettag $0x1  }
0x1: {  	s4 =	rddreg [dreg:$0x0]  }
0x2: {  	s6 =	rddreg [dreg:$0x1]  }
0x3: {  	s2 =	rddreg [dreg:$0x2]  }
0x4: {  	s0 =	rddreg [dreg:$0x3];
	s3 =	simm.s32 $0x0;
	s1 =	stileid.u32  }
0x5: {  	s7 =	srdreg.scid;
	s17 =	simm.s32 $0x1;
	s5 =	smul.u32 $0x2800, s1  }
0x6: {  	s18 =	simm.s32 $0x2;
	s19 =	simm.s32 $0x0;
	s9 =	smul.u32 $0x50000, s1  }
0x7: {  	[smem:$0x7FF] =	sst s3;
	s7 =	sand.u32 $0x1, s7;
	s26 =	smul.u32 $0x280000, s1  }
0x8: {  	s8 =	sshll.u32 s1, $0x1;
	s11 =	sadd.s32 $0x35C00, s4;
	s16 =	smul.u32 $0x28000, s7  }
0x9: {  	s24 =	sshll.u32 s1, $0x6;
	s8 =	sor.u32 s7, s8;
	s28 =	smul.u32 $0x140000, s7  }
0xa: {  	_ =	strace $0x80000047;
	s23 =	ssub.s32 $0x2, s7;
	s10 =	smul.u32 $0x500, s8  }
0xb: {  	s5 =	sadd.s32 s5, s4;
	s12 =	sshrl.u32 s23, $0x1;
	s14 =	smul.u32 $0x140000, s8  }
0xc: {  	s13 =	sshrl.u32 s9, $0x2;
	s15 =	smul.u32 $0x28000, s8;
	s9 =	sadd.s32 s9, s11  }
0xd: {  	s12 =	ssub.s32 s23, s12;
	s13 =	sadd.s32 s13, s2;
	s4 =	sadd.s32 $0xDC00, s5  }
0xe: {  	s5 =	sor.u32 $0x1C03, s24;
	s30 =	sadd.s32 s16, s9;
	s16 =	simm.s32 $0x6800  }
0xf: {  	s25 =	sshrl.u32 s14, $0x3;
	s6 =	sadd.s32 s6, s10;
	s7 =	smax.u32 s12, $0x1  }
0x10: {  	s29 =	sadd.s32 s15, s11;
	s14 =	sadd.s32 s28, s26;
	s10 =	sadd.s32 $0x800, s30  }
0x11: {  	s12 =	sshrl.u32 s13, $0x3;
	s13 =	simm.s32 $0x3;
	s15 =	simm.s32 $0x2800  }
0x12: {  	s8 =	sadd.s32 s11, s25;
	s9 =	sadd.s32 $0x27800, s29;
	s31 =	sshrl.u32 s14, $0x3  }
0x13: {  	s14 =	simm.s32 $0x80;
	s8 =	sadd.s32 $0x27000, s8;
	s11 =	sadd.s32 s31, s11  }
.LBB2_1:
0x14: {  	[spmem:s12], [sflag:s5] =	dma.local [hbm:s4], $0x2800  }
0x15: {  	_ =	swait.ge [sflag:s13], $0x2800  }
0x16: {  	[sflag:s13] =	ssyncset.done $0x0  }
0x17: {  	[sflag:s13] =	ssyncadd.s32 $0xFFFFD800  }
0x18: {  	[tilespmem:s3], [sflag:$0x3] =	stream.linear.gather [hbm4b:s6+s3], $0x2800, $0x38;
	[tilespmem:$0x1E800] =	vst v63  }
0x19: {  	_ =	swait.ge [sflag:s13], $0x2800  }
0x1a: {  	[sflag:s13] =	ssyncset.done $0x0  }
0x1b: {  	[sflag:s13] =	ssyncadd.s32 $0xFFFFD800  }
0x1c: {  	[bflag:$0x0] =	sbarrier.arrive $0xFFFF  }
0x1d: {  	[tilespmem:s15], [sflag:$0x1] =	stream.indirect.gather [spmem:s2], $0x80, s3, s14, $0xb8;
	[tilespmem:$0x1E800] =	vst v63  }
0x1e: {  	_ = 	snop  }
0x1f: {  	[tilespmem:s16], [sflag:$0x2] =	stream.indirect.gather [spmem:s2], $0x80, s14, s14, $0xb8;
	[tilespmem:$0x1E800] =	vst v63  }
0x20: {  	_ =	swait.ge [sflag:s17], $0x4000  }
0x21: {  	[sflag:s17] =	ssyncset.done $0x0  }
0x22: {  	s20 =	sadd.s32 $0x0, s11;
	[sflag:s17] =	ssyncadd.s32 $0xFFFFC000  }
0x23: {  	[hbm4b:s20+s3] =	stream.linear.scatter [tilespmem:s15], [sflag:$0x3], $0x4000, $0x38;
	[tilespmem:$0x1E800] =	vst v63  }
0x24: {  	_ =	swait.ge [sflag:s13], $0x4000  }
0x25: {  	[sflag:s13] =	ssyncset.done $0x0  }
0x26: {  	s30 =	simm.s32 $0x100;
	[sflag:s13] =	ssyncadd.s32 $0xFFFFC000  }
0x27: {  	[tilespmem:s15], [sflag:$0x1] =	stream.indirect.gather [spmem:s2], $0x80, s30, s14, $0xb8;
	[tilespmem:$0x1E800] =	vst v63  }
0x28: {  	_ =	swait.ge [sflag:s18], $0x4000  }
0x29: {  	[sflag:s18] =	ssyncset.done $0x0  }
0x2a: {  	s31 =	sadd.s32 $0x0, s10;
	[sflag:s18] =	ssyncadd.s32 $0xFFFFC000  }
0x2b: {  	[hbm4b:s31+s3] =	stream.linear.scatter [tilespmem:s16], [sflag:$0x3], $0x4000, $0x38;
	[tilespmem:$0x1E800] =	vst v63  }
0x2c: {  	_ =	swait.ge [sflag:s13], $0x4000  }
0x2d: {  	s21 =	simm.s32 $0x1000;
	[sflag:s13] =	ssyncset.done $0x0  }
0x2e: {  	s22 =	simm.s32 $0x280;
	s20 =	simm.s32 $0x180;
	[sflag:s13] =	ssyncadd.s32 $0xFFFFC000  }
.LBB2_2:
0x2f: {  	[tilespmem:s16], [sflag:$0x2] =	stream.indirect.gather [spmem:s2], $0x80, s20, s14, $0xb8;
	[tilespmem:$0x1E800] =	vst v63  }
0x30: {  	s23 =	smov.u32 s21;
	s20 =	smov.u32 s22  }
0x31: {  	p0 =	sne.s32 s21, $0x26000;
	s21 =	sadd.s32 $0x1000, s21;
	_ =	swait.ge [sflag:s17], $0x4000  }
0x32: {  	[sflag:s17] =	ssyncset.done $0x0  }
0x33: {  	s24 =	sadd.s32 s23, s11;
	[sflag:s17] =	ssyncadd.s32 $0xFFFFC000  }
0x34: {  	[hbm4b:s24+s3] =	stream.linear.scatter [tilespmem:s15], [sflag:$0x3], $0x4000, $0x38;
	[tilespmem:$0x1E800] =	vst v63  }
0x35: {  	_ =	swait.ge [sflag:s13], $0x4000  }
0x36: {  	[sflag:s13] =	ssyncset.done $0x0  }
0x37: {  	s24 =	sadd.s32 $0xFFFFFF80, s22;
	[sflag:s13] =	ssyncadd.s32 $0xFFFFC000  }
0x38: {  	[tilespmem:s15], [sflag:$0x1] =	stream.indirect.gather [spmem:s2], $0x80, s24, s14, $0xb8;
	[tilespmem:$0x1E800] =	vst v63  }
0x39: {  	_ =	swait.ge [sflag:s18], $0x4000  }
0x3a: {  	[sflag:s18] =	ssyncset.done $0x0  }
.Ltmp0:
0x3b: {  	s23 =	sadd.s32 s23, s10;
	[sflag:s18] =	ssyncadd.s32 $0xFFFFC000;
	(pc) =	sbr.rel @p0 .LBB2_2-.Ltmp0, $4  }
0x3c: {  	[hbm4b:s23+s3] =	stream.linear.scatter [tilespmem:s16], [sflag:$0x3], $0x4000, $0x38;
	[tilespmem:$0x1E800] =	vst v63  }
0x3d: {  	_ =	swait.ge [sflag:s13], $0x4000  }
0x3e: {  	[sflag:s13] =	ssyncset.done $0x0  }
0x3f: {  	s22 =	sadd.s32 $0x100, s22;
	[sflag:s13] =	ssyncadd.s32 $0xFFFFC000  }
0x40: {  	[tilespmem:s16], [sflag:$0x2] =	stream.indirect.gather [spmem:s2], $0x80, s20, s14, $0xb8;
	[tilespmem:$0x1E800] =	vst v63  }
0x41: {  	_ =	swait.ge [sflag:s17], $0x4000  }
0x42: {  	[sflag:s17] =	ssyncset.done $0x0  }
0x43: {  	[sflag:s17] =	ssyncadd.s32 $0xFFFFC000  }
0x44: {  	[hbm4b:s8+s3] =	stream.linear.scatter [tilespmem:s15], [sflag:$0x3], $0x4000, $0x38;
	[tilespmem:$0x1E800] =	vst v63  }
0x45: {  	_ =	swait.ge [sflag:s13], $0x4000  }
0x46: {  	[sflag:s13] =	ssyncset.done $0x0  }
0x47: {  	[sflag:s13] =	ssyncadd.s32 $0xFFFFC000  }
0x48: {  	s19 =	sadd.s32 $0x1, s19;
	_ =	swait.ge [sflag:s18], $0x4000  }
0x49: {  	p0 =	sne.s32 s19, s7;
	[sflag:s18] =	ssyncset.done $0x0  }
.Ltmp1:
0x4a: {  	[sflag:s18] =	ssyncadd.s32 $0xFFFFC000;
	(pc) =	sbr.rel @p0 .LBB2_1-.Ltmp1, $4  }
0x4b: {  	[hbm4b:s9+s3] =	stream.linear.scatter [tilespmem:s16], [sflag:$0x3], $0x4000, $0x38;
	[tilespmem:$0x1E800] =	vst v63  }
0x4c: {  	_ =	swait.ge [sflag:s13], $0x4000  }
0x4d: {  	[sflag:s13] =	ssyncset.done $0x0  }
0x4e: {  	[sflag:s13] =	ssyncadd.s32 $0xFFFFC000  }
0x4f: {  	_ =	sfence.sel $0x180000  }
0x50: {  	[bflag:$0x0] =	sbarrier.arrive $0xFFFF  }
0x51: {  	p0 =	sne.s32 s1, $0x0;
	_ =	strace $0x90000047  }
0x52: {  	s0 =	sadd.s32 @!p0 $0x100000, s0;
	[bflag:$0x2] =	sbarrier.arrive $0xFFFF  }
0x53: {  	[sflag:s0] =	ssyncadd.tile.s32 @!p0 $0x1;
	_ =	shalt  }
.Lfunc_end2:
_tile_overlayer_lowered:
.L_overlay_start_2:
0x54: {  	(tag) =	ssettag $0x2  }
0x55: {  	s0 =	rddreg [dreg:$0x0];
	s2 =	stileid.u32  }
0x56: {  	s1 =	rddreg [dreg:$0x1];
	p0 =	sne.s32 s2, $0x0  }
0x57: {  	s3 =	rddreg [dreg:$0x2];
	[bflag:$0x3] =	sbarrier.arrive $0xFFFF;
	s2 =	simm.s32 @!p0 $0x1C03  }
0x58: {  	[timem:s3], [sflag:s2] =	dma.local @!p0 [hbm:s0], s1  }
0x59: {  	s0 =	simm.s32 @!p0 $0x3  }
0x5a: {  	_ =	swait.ge @!p0 [sflag:s0], s1  }
0x5b: {  	s1 =	ssub.s32 @!p0 $0x0, s1;
	[sflag:s0] =	ssyncset.done @!p0 $0x0  }
0x5c: {  	[sflag:s0] =	ssyncadd.s32 @!p0 s1  }
0x5d: {  	[bflag:$0x3] =	sbarrier.arrive $0xFFFF  }
0x5e: {  	_ =	shalt  }

// kernel: kernel.18.cloned.1.call-start
scs
__scs_entry_jumppad:
0x0: {  	(pc) =	sbr.rel $0x88, $3  }
0x1: {  	(tag) =	ssettag $0x0;
	lr =	simm.s32 $0x1  }
0x2: {  	[smem:$0x3F97] =	sst lr;
	_ =	strace $0xD0000000  }
0x3: {  	_ = 	snop  }
0x4: {  	_ = 	snop  }
0x5: {  	_ = 	snop  }
0x6: {  	_ = 	snop  }
0x7: {  	_ = 	snop  }
__scs_overlays_trampoline_lowered:
0x8: {  	[smem:$0x3FA6] =	sst s0  }
0x9: {  	[smem:$0x3FA7] =	sst s1  }
0xa: {  	[smem:$0x3FA8] =	sst s2  }
0xb: {  	[smem:$0x3FA9] =	sst s3  }
0xc: {  	[smem:$0x3FAA] =	sst s4  }
0xd: {  	[smem:$0x3FAB] =	sst s5  }
0xe: {  	[smem:$0x3FAC] =	sst s6  }
0xf: {  	[smem:$0x3FAD] =	sst s7  }
0x10: {  	[smem:$0x3FAE] =	sst s8  }
0x11: {  	[smem:$0x3FAF] =	sst s9;
	s0 =	simm.s32 @!p0 $0x0  }
0x12: {  	s1 =	sld [smem:$0x3F95];
	s0 =	simm.s32 @p0 $0x1  }
0x13: {  	[smem:$0x3FB0] =	sst s0;
	s0 =	simm.s32 @!p1 $0x0  }
0x14: {  	s2 =	sld [smem:$0x3F94];
	s0 =	simm.s32 @p1 $0x1  }
0x15: {  	[smem:$0x3FB1] =	sst s0;
	s0 =	simm.s32 @!p2 $0x0  }
0x16: {  	s3 =	sld [smem:$0x3FDB];
	s0 =	simm.s32 @p2 $0x1  }
0x17: {  	s4 =	simm.s32 $0x1BF5;
	[smem:$0x3FB3] =	sst s0  }
0x18: {  	s0 =	sld [smem:$0x3F96];
	_ =	swait.ge [sflag:s4], $0x0  }
0x19: {  	s7 =	sld [smem:$0x3F97]  }
0x1a: {  	s8 =	sadd.s32 $0xFFFFE003, lr  }
0x1b: {  	s9 =	sadd.s32 $0xFFFFFEF7, lr;
	s5 =	simm.s32 $0xFFFFFFFF;
	p2 =	slt.u32 s8, $0xFFFFF086  }
0x1c: {  	p1 =	slt.u32 s9, $0xF7A;
	s5 =	simm.s32 @!p2 $0x0  }
0x1d: {  	s5 =	simm.s32 @p1 $0x1;
	p0 =	seq.s32 s7, s2  }
0x1e: {  	s7 =	smul.u32 @!p0 $0xF7A, s2;
	p2 =	seq.s32 @!p0 s5, $0x0  }
0x1f: {  	s9 =	smul.u32 $0xF7A, s1;
	s8 =	simm.s32 @!p0 $0x1BF5;
	p2 =	por !p2, p0  }
0x20: {  	[sflag:s8] =	ssyncset.s32 @!p0 $0xFFFFF086;
	s6 =	sadd.s32 @!p0 s3, s7;
	s7 =	simm.s32 @!p0 $0x108  }
0x21: {  	s3 =	sadd.s32 s3, s9;
	s6 =	sadd.s32 @!p0 $0x88, s6;
	s7 =	simm.s32 @p2 $0x1082  }
0x22: {  	[simem:s7], [sflag:s8] =	dma.local @!p0 [hbm:s6], $0xF7A  }
0x23: {  	s9 =	sor.u32 $0xD0000000, s2;
	s6 =	simm.s32 $0x108;
	_ =	swait.ge @!p0 [sflag:s8], $0x0  }
0x24: {  	s3 =	sadd.s32 $0x88, s3;
	s6 =	simm.s32 @!p1 $0x1082;
	[sflag:s4] =	ssyncset.s32 $0xFFFFF086  }
0x25: {  	[simem:s6], [sflag:s4] =	dma.local [hbm:s3], $0xF7A  }
0x26: {  	[smem:$0x3F97] =	sst s1;
	(tag) =	ssettag s2;
	_ =	strace s9  }
0x27: {  	s1 =	sld [smem:$0x3FA7]  }
0x28: {  	s2 =	sld [smem:$0x3FA8]  }
0x29: {  	s4 =	sld [smem:$0x3FAA]  }
0x2a: {  	p0 =	seq.s32 s5, $0x0;
	s5 =	sld [smem:$0x3FAB]  }
0x2b: {  	s6 =	sld [smem:$0x3FAC]  }
0x2c: {  	s7 =	sld [smem:$0x3FAD]  }
0x2d: {  	s3 =	simm.s32 $0x108;
	s8 =	sld [smem:$0x3FAE]  }
0x2e: {  	s3 =	simm.s32 @!p0 $0x1082;
	s9 =	sld [smem:$0x3FAF]  }
0x2f: {  	lr =	sadd.s32 s0, s3;
	s0 =	sld [smem:$0x3FA6]  }
0x30: {  	s3 =	sld [smem:$0x3FA9]  }
0x31: {  	[smem:$0x3FB2] =	sst s10  }
0x32: {  	s10 =	sld [smem:$0x3FB0];
	_ =	sdelay $0x3  }
0x33: {  	p0 =	seq.s32 s10, $0x1;
	s10 =	sld [smem:$0x3FB2];
	_ =	sdelay $0x3  }
0x34: {  	[smem:$0x3FB2] =	sst s10  }
0x35: {  	s10 =	sld [smem:$0x3FB1];
	_ =	sdelay $0x3  }
0x36: {  	p1 =	seq.s32 s10, $0x1;
	s10 =	sld [smem:$0x3FB2];
	_ =	sdelay $0x3  }
0x37: {  	[smem:$0x3FB2] =	sst s10  }
0x38: {  	s10 =	sld [smem:$0x3FB3]  }
0x39: {  	_ = 	snop;
	(pc) =	sbr.ind lr, $3  }
0x3a: {  	_ = 	snop  }
0x3b: {  	_ = 	snop  }
0x3c: {  	p2 =	seq.s32 s10, $0x1;
	s10 =	sld [smem:$0x3FB2]  }
0x3d: {  	_ =	shalt  }
0x3e: {  	_ =	shalt  }
0x3f: {  	_ =	shalt  }
0x40: {  	_ =	shalt  }
0x41: {  	_ =	shalt  }
0x42: {  	_ =	shalt  }
0x43: {  	_ =	shalt  }
0x44: {  	_ =	shalt  }
0x45: {  	_ =	shalt  }
0x46: {  	_ =	shalt  }
0x47: {  	_ =	shalt  }
0x48: {  	_ =	shalt  }
0x49: {  	_ =	shalt  }
0x4a: {  	_ =	shalt  }
0x4b: {  	_ =	shalt  }
0x4c: {  	_ =	shalt  }
0x4d: {  	_ =	shalt  }
0x4e: {  	_ =	shalt  }
0x4f: {  	_ =	shalt  }
0x50: {  	_ =	shalt  }
0x51: {  	_ =	shalt  }
0x52: {  	_ =	shalt  }
0x53: {  	_ =	shalt  }
0x54: {  	_ =	shalt  }
0x55: {  	_ =	shalt  }
0x56: {  	_ =	shalt  }
0x57: {  	_ =	shalt  }
0x58: {  	_ =	shalt  }
0x59: {  	_ =	shalt  }
0x5a: {  	_ =	shalt  }
0x5b: {  	_ =	shalt  }
0x5c: {  	_ =	shalt  }
0x5d: {  	_ =	shalt  }
0x5e: {  	_ =	shalt  }
0x5f: {  	_ =	shalt  }
0x60: {  	_ =	shalt  }
0x61: {  	_ =	shalt  }
0x62: {  	_ =	shalt  }
0x63: {  	_ =	shalt  }
0x64: {  	_ =	shalt  }
0x65: {  	_ =	shalt  }
0x66: {  	_ =	shalt  }
0x67: {  	_ =	shalt  }
0x68: {  	_ =	shalt  }
0x69: {  	_ =	shalt  }
0x6a: {  	_ =	shalt  }
0x6b: {  	_ =	shalt  }
0x6c: {  	_ =	shalt  }
0x6d: {  	_ =	shalt  }
0x6e: {  	_ =	shalt  }
0x6f: {  	_ =	shalt  }
0x70: {  	_ =	shalt  }
0x71: {  	_ =	shalt  }
0x72: {  	_ =	shalt  }
0x73: {  	_ =	shalt  }
0x74: {  	_ =	shalt  }
0x75: {  	_ =	shalt  }
0x76: {  	_ =	shalt  }
0x77: {  	_ =	shalt  }
0x78: {  	_ =	shalt  }
0x79: {  	_ =	shalt  }
0x7a: {  	_ =	shalt  }
0x7b: {  	_ =	shalt  }
0x7c: {  	_ =	shalt  }
0x7d: {  	_ =	shalt  }
0x7e: {  	_ =	shalt  }
0x7f: {  	_ =	shalt  }
0x80: {  	_ =	shalt  }
0x81: {  	_ =	shalt  }
0x82: {  	_ =	shalt  }
0x83: {  	_ =	shalt  }
0x84: {  	_ =	shalt  }
0x85: {  	_ =	shalt  }
0x86: {  	_ =	shalt  }
0x87: {  	_ =	shalt  }
.Lfunc_end0:
.L_simem_size_0:
called_computation.1_lowered:
.L_overlay_start_0:
0x88: {  	s2 =	sld [smem:$0x3FD9]  }
0x89: {  	s3 =	sld [smem:$0x3FFE];
	_ =	sdelay $0x1  }
0x8a: {  	s1 =	srdreg.scid  }
0x8b: {  	s0 =	sand.u32 $0x1, s1  }
0x8c: {  	s16 =	sshll.u32 s0, $0xA;
	s2 =	sadd.s32 s3, s2  }
0x8d: {  	s2 =	sadd.s32 s2, s16  }
0x8e: {  	[smem:$0x3FBE] =	sst s2  }
0x8f: {  	_ = 	snop  }
0x90: {  	(tm) =	ssettm $0x1  }
0x91: {  	s17 =	sld [smem:$0x3FFB];
	_ =	sdelay $0x3  }
0x92: {  	_ =	strace s17  }
0x93: {  	s2 =	sld [smem:$0x3FFC];
	_ =	sdelay $0x3  }
0x94: {  	_ =	strace s2  }
0x95: {  	s2 =	sld [smem:$0x3FFD];
	_ =	sdelay $0x3  }
0x96: {  	_ =	strace s2  }
0x97: {  	_ =	strace $0x8FFFFFFF  }
0x98: {  	s18 =	sld [smem:$0x3FDB];
	_ =	sdelay $0x1  }
0x99: {  	s19 =	simm.s32 $_scs_section_size  }
0x9a: {  	s4 =	simm.s32 $_size__tile_overlayer_lowered;
	s5 =	simm.s32 $_tile_overlayer_lowered  }
0x9b: {  	s22 =	simm.s32 $0x1BFF;
	s21 =	sshll.u32 s5, $0x1;
	s2 =	sadd.s32 s19, s18  }
0x9c: {  	s6 =	simm.s32 $0x0;
	s20 =	sshll.u32 s4, $0x1;
	s4 =	sadd.s32 s21, s2  }
0x9d: {  	[timem:s6], [sflag:s22] =	dma.local [hbm:s4], s20  }
0x9e: {  	_ =	swait.ge [sflag:s22], s20  }
0x9f: {  	s3 =	ssub.s32 $0x0, s20;
	[sflag:s22] =	ssyncset.done $0x0  }
0xa0: {  	[sflag:s22] =	ssyncadd.s32 s3;
	_ =	sdelay $0x1  }
0xa1: {  	s23 =	simm.s32 $0x1B8B  }
0xa2: {  	_ =	swait.ge [sflag:s23], $0x1  }
0xa3: {  	[sflag:s23] =	ssyncset.done $0x0  }
0xa4: {  	s25 =	simm.s32 $0x1B8E;
	s24 =	sld [smem:$0x3FFE];
	[sflag:s23] =	ssyncadd.s32 $0xFFFFFFFF  }
0xa5: {  	s26 =	simm.s32 $execute0_lowered;
	[smem:$0x3FD2] =	sst s25  }
0xa6: {  	s4 =	sshll.u32 s26, $0x1;
	_ =	strace $0x80000049;
	[dreg:$0x1] =	wrdreg $0xFFFFFFFF  }
0xa7: {  	s28 =	simm.s32 $_size_execute0_lowered;
	s2 =	sadd.s32 s2, s4;
	[dreg:$0x0] =	wrdreg $0x0  }
0xa8: {  	s4 =	sshll.u32 s28, $0x1;
	[dreg:$0x2] =	wrdreg s2  }
0xa9: {  	[dreg:$0x3] =	wrdreg s4  }
0xaa: {  	[dreg:$0x4] =	wrdreg $0xC0  }
0xab: {  	_ =	task [dreg:s6], $0x5FFFF  }
0xac: {  	[dreg:$0x1] =	wrdreg $0xFFFFFFFF  }
0xad: {  	[dreg:$0x0] =	wrdreg $0x60  }
0xae: {  	[dreg:$0x2] =	wrdreg s24  }
0xaf: {  	[dreg:$0x3] =	wrdreg $0xA9000  }
0xb0: {  	[dreg:$0x4] =	wrdreg $0x9  }
0xb1: {  	_ =	task.clear_ibuf [dreg:s6], $0x5FFFF;
	_ =	strace $0x90000049  }
0xb2: {  	s29 =	simm.s32 $0x9;
	_ =	strace $0x8000004B  }
0xb3: {  	_ =	swait.ge [sflag:s29], $0x1  }
0xb4: {  	[sflag:s29] =	ssyncadd.s32 $0xFFFFFFFF  }
0xb5: {  	_ =	strace $0x9000004B  }
0xb6: {  	_ =	sfence  }
0xb7: {  	s30 =	sld [smem:$0x0];
	_ =	sdelay $0x2  }
0xb8: {  	s31 =	sshll.u32 s1, $0xD;
	s1 =	sshrl.u32 s1, $0x2  }
0xb9: {  	s3 =	sand.u32 $0x4000, s31;
	s1 =	sadd.s32 s1, s30  }
0xba: {  	s0 =	sor.u32 s3, s0;
	s1 =	sshll.u32 s1, $0x11  }
0xbb: {  	s0 =	sor.u32 s1, s0  }
0xbc: {  	s0 =	sadd.s32 $0x8F2B, s0  }
0xbd: {  	[sflag:s0] =	ssyncadd.remote.s32 $0x1  }
0xbe: {  	_ =	sfence.sel $0xFFFF  }
0xbf: {  	[dreg:$0x0] =	wrdreg $0xFFFFFFFF;
	(pc) =	sbr.abs _section_cstart, $3  }
0xc0: {  	[dreg:$0x1] =	wrdreg $0xFFFFFFFF  }
0xc1: {  	_ =	task.clear_ibuf [dreg:s6], $0x2FFFF;
	_ =	strace $0x9FFFFFFF  }
0xc2: {  	(tm) =	ssettm $0x7FFFFFFF  }
0xc3: {  	_ =	shalt  }
tec
execute0_lowered:
.L_overlay_start_1:
0x0: {  	(tag) =	ssettag $0x1  }
0x1: {  	s0 =	srdreg.scid;
	s17 =	stileid.u32  }
0x2: {  	s1 =	rddreg [dreg:$0x0];
	s7 =	smul.u32 $0x14000, s17  }
0x3: {  	s2 =	rddreg [dreg:$0x1];
	s28 =	simm.s32 $0x3;
	s9 =	smul.u32 $0x28, s17  }
0x4: {  	s29 =	simm.s32 $0x4;
	s30 =	simm.s32 $0x5;
	s11 =	smul.u32 $0x78, s17  }
0x5: {  	s31 =	simm.s32 $0x6;
	s0 =	sand.u32 $0x1, s0;
	s13 =	smul.u32 $0x50000, s17  }
0x6: {  	s3 =	sshll.u32 s17, $0x1;
	s4 =	sadd.s32 $0xF17C00, s1;
	s20 =	smul.u32 $0x280000, s17  }
0x7: {  	s6 =	sor.u32 s0, s3;
	s3 =	simm.s32 $0x0;
	s8 =	smul.u32 $0x140000, s0  }
0x8: {  	p0 =	seq.s32 s0, $0x0;
	s23 =	ssub.s32 $0x2, s0;
	s0 =	smul.u32 $0x28000, s0  }
0x9: {  	s25 =	sshll.u32 s17, $0x6;
	s5 =	smul.u32 $0x500, s6;
	[smem:$0x7FF] =	sst s3  }
0xa: {  	s22 =	sshrl.u32 s7, $0x3;
	s9 =	sadd.s32 $0x780, s9;
	s24 =	sshrl.u32 s23, $0x1  }
0xb: {  	s15 =	sshrl.u32 s13, $0x2;
	s6 =	smul.u32 $0x28000, s6;
	_ =	strace $0x8000004A  }
0xc: {  	s12 =	sadd.s32 s22, s1;
	s7 =	sadd.s32 s7, s8;
	s9 =	smov.u32 @p0 s11  }
0xd: {  	s16 =	ssub.s32 s23, s24;
	s19 =	sadd.s32 s15, s2;
	s23 =	sadd.s32 s13, s4  }
0xe: {  	s10 =	sadd.s32 s5, s1;
	s5 =	sadd.s32 $0x53FC00, s1;
	s7 =	sshrl.u32 s7, $0x3  }
0xf: {  	s11 =	sshll.u32 s9, $0xB;
	s26 =	sadd.s32 $0x3E00, s12;
	s12 =	sor.u32 $0x1C07, s25  }
0x10: {  	s6 =	sadd.s32 s4, s6;
	s15 =	sshll.u32 s9, $0x4;
	s22 =	smax.u32 s16, $0x1  }
0x11: {  	s0 =	sadd.s32 s0, s23;
	s23 =	simm.s32 $0x6800;
	[dreg:$0x4] =	wrdreg s26  }
0x12: {  	s14 =	sadd.s32 s7, s1;
	s1 =	sadd.s32 s11, s1;
	[dreg:$0x5] =	wrdreg s6  }
0x13: {  	s11 =	sadd.s32 $0x535C00, s10;
	s6 =	sadd.s32 $0x800, s6;
	[dreg:$0xb] =	wrdreg s22  }
0x14: {  	s18 =	sadd.s32 s5, s15;
	s16 =	sadd.s32 $0x1800, s0;
	[dreg:$0x6] =	wrdreg s11  }
0x15: {  	s22 =	simm.s32 $0x2800;
	s0 =	simm.s32 $0xA880;
	[dreg:$0x7] =	wrdreg s6  }
0x16: {  	s11 =	simm.s32 $0x78;
	s21 =	sadd.s32 $0x2BE00, s14;
	[dreg:$0x8] =	wrdreg s18  }
0x17: {  	s7 =	sadd.s32 $0x10, s18;
	s6 =	sadd.s32 s8, s20;
	s18 =	sshll.u32 s9, $0x7  }
0x18: {  	s26 =	sadd.s32 $0x7C9C00, s1;
	s14 =	sshrl.u32 s19, $0x3;
	[dreg:$0x9] =	wrdreg s21  }
0x19: {  	s1 =	simm.s32 $0xA800;
	s11 =	simm.s32 @!p0 $0x28;
	[dreg:$0xa] =	wrdreg s7  }
0x1a: {  	s6 =	sor.u32 $0x8000, s6;
	[dreg:$0xc] =	wrdreg s26;
	s21 =	simm.s32 $0x7  }
0x1b: {  	s26 =	simm.s32 $0x2;
	s24 =	sshll.u32 s11, $0x7;
	s6 =	sshrl.u32 s6, $0x3  }
0x1c: {  	s25 =	sadd.s32 $0xFFFFFF00, s24;
	s17 =	sadd.s32 s6, s4;
	s24 =	simm.s32 $0x1  }
0x1d: {  	s6 =	simm.s32 $0x0;
	[dreg:$0x3] =	wrdreg s25;
	s25 =	simm.s32 $0x80  }
.LBB2_1:
0x1e: {  	s7 =	rddreg [dreg:$0x4]  }
0x1f: {  	[spmem:s14], [sflag:s12] =	dma.local [hbm:s7], $0x2800  }
0x20: {  	_ =	swait.ge [sflag:s21], $0x2800  }
0x21: {  	[sflag:s21] =	ssyncset.done $0x0  }
0x22: {  	s13 =	rddreg [dreg:$0x6];
	[sflag:s21] =	ssyncadd.s32 $0xFFFFD800  }
0x23: {  	[tilespmem:s3], [sflag:$0x7] =	stream.linear.gather [hbm4b:s13+s3], $0x2800, $0x38;
	[tilespmem:$0x1E900] =	vst v63  }
0x24: {  	_ =	swait.ge [sflag:s21], $0x2800  }
0x25: {  	[sflag:s21] =	ssyncset.done $0x0  }
0x26: {  	[sflag:s21] =	ssyncadd.s32 $0xFFFFD800  }
0x27: {  	[bflag:$0x0] =	sbarrier.arrive $0xFFFF  }
0x28: {  	s15 =	rddreg [dreg:$0x5]  }
0x29: {  	[tilespmem:s22], [sflag:$0x1] =	stream.linear.gather [hbm4b:s15+s3], $0x4000, $0x38;
	[tilespmem:$0x1E900] =	vst v63  }
0x2a: {  	s19 =	rddreg [dreg:$0x7]  }
0x2b: {  	[tilespmem:s23], [sflag:$0x2] =	stream.linear.gather [hbm4b:s19+s3], $0x4000, $0x38;
	[tilespmem:$0x1E900] =	vst v63  }
0x2c: {  	_ =	swait.ge [sflag:s24], $0x4000  }
0x2d: {  	[sflag:s24] =	ssyncset.done $0x0  }
0x2e: {  	s9 =	simm.s32 $0x0;
	[sflag:s24] =	ssyncadd.s32 $0xFFFFC000  }
0x2f: {  	[spmem:s2] =	stream.indirect.scatter.add.f32 [tilespmem:s22], [sflag:$0x3], $0x80, s9, s25, $0xb8;
	[tilespmem:$0x1E900] =	vst v63  }
0x30: {  	_ =	swait.ge [sflag:s26], $0x4000  }
0x31: {  	[sflag:s26] =	ssyncset.done $0x0  }
0x32: {  	[sflag:s26] =	ssyncadd.s32 $0xFFFFC000  }
0x33: {  	[spmem:s2] =	stream.indirect.scatter.add.f32 [tilespmem:s23], [sflag:$0x4], $0x80, s25, s25, $0xb8;
	[tilespmem:$0x1E900] =	vst v63  }
0x34: {  	_ =	swait.ge [sflag:s28], $0x4000  }
0x35: {  	[sflag:s28] =	ssyncset.done $0x0  }
0x36: {  	s20 =	sadd.s32 $0x0, s17;
	[sflag:s28] =	ssyncadd.s32 $0xFFFFC000  }
0x37: {  	[tilespmem:s22], [sflag:$0x1] =	stream.linear.gather [hbm4b:s20+s3], $0x4000, $0x38;
	[tilespmem:$0x1E900] =	vst v63  }
0x38: {  	_ =	swait.ge [sflag:s29], $0x4000  }
0x39: {  	s10 =	simm.s32 $0x180;
	[sflag:s29] =	ssyncset.done $0x0  }
0x3a: {  	s13 =	sadd.s32 $0x0, s16;
	s9 =	simm.s32 $0x1000;
	[sflag:s29] =	ssyncadd.s32 $0xFFFFC000  }
.LBB2_2:
0x3b: {  	[tilespmem:s23], [sflag:$0x2] =	stream.linear.gather [hbm4b:s13+s3], $0x4000, $0x38;
	[tilespmem:$0x1E900] =	vst v63  }
0x3c: {  	s13 =	smov.u32 s9  }
0x3d: {  	p0 =	sne.s32 s9, $0x26000;
	s9 =	sadd.s32 $0x1000, s9;
	_ =	swait.ge [sflag:s24], $0x4000  }
0x3e: {  	[sflag:s24] =	ssyncset.done $0x0  }
0x3f: {  	s19 =	sadd.s32 $0xFFFFFF80, s10;
	[sflag:s24] =	ssyncadd.s32 $0xFFFFC000  }
0x40: {  	[spmem:s2] =	stream.indirect.scatter.add.f32 [tilespmem:s22], [sflag:$0x3], $0x80, s19, s25, $0xb8;
	[tilespmem:$0x1E900] =	vst v63  }
0x41: {  	_ =	swait.ge [sflag:s26], $0x4000  }
0x42: {  	[sflag:s26] =	ssyncset.done $0x0  }
0x43: {  	[sflag:s26] =	ssyncadd.s32 $0xFFFFC000  }
0x44: {  	[spmem:s2] =	stream.indirect.scatter.add.f32 [tilespmem:s23], [sflag:$0x4], $0x80, s10, s25, $0xb8;
	[tilespmem:$0x1E900] =	vst v63  }
0x45: {  	_ =	swait.ge [sflag:s28], $0x4000  }
0x46: {  	[sflag:s28] =	ssyncset.done $0x0  }
.Ltmp0:
0x47: {  	s19 =	sadd.s32 s13, s17;
	[sflag:s28] =	ssyncadd.s32 $0xFFFFC000;
	(pc) =	sbr.rel @p0 .LBB2_2-.Ltmp0, $4  }
0x48: {  	[tilespmem:s22], [sflag:$0x1] =	stream.linear.gather [hbm4b:s19+s3], $0x4000, $0x38;
	[tilespmem:$0x1E900] =	vst v63  }
0x49: {  	_ =	swait.ge [sflag:s29], $0x4000  }
0x4a: {  	[sflag:s29] =	ssyncset.done $0x0  }
0x4b: {  	s13 =	sadd.s32 s13, s16;
	s10 =	sadd.s32 $0x100, s10;
	[sflag:s29] =	ssyncadd.s32 $0xFFFFC000  }
0x4c: {  	[tilespmem:s23], [sflag:$0x2] =	stream.linear.gather [hbm4b:s13+s3], $0x4000, $0x38;
	[tilespmem:$0x1E900] =	vst v63  }
0x4d: {  	_ =	swait.ge [sflag:s24], $0x4000  }
0x4e: {  	[sflag:s24] =	ssyncset.done $0x0  }
0x4f: {  	s7 =	simm.s32 $0x2700;
	[sflag:s24] =	ssyncadd.s32 $0xFFFFC000  }
0x50: {  	[spmem:s2] =	stream.indirect.scatter.add.f32 [tilespmem:s22], [sflag:$0x3], $0x80, s7, s25, $0xb8;
	[tilespmem:$0x1E900] =	vst v63  }
0x51: {  	_ =	swait.ge [sflag:s26], $0x4000  }
0x52: {  	[sflag:s26] =	ssyncset.done $0x0  }
0x53: {  	s10 =	simm.s32 $0x2780;
	s9 =	simm.s32 $0x3;
	[sflag:s26] =	ssyncadd.s32 $0xFFFFC000  }
0x54: {  	[spmem:s2] =	stream.indirect.scatter.add.f32 [tilespmem:s23], [sflag:$0x4], $0x80, s10, s25, $0xb8;
	[tilespmem:$0x1E900] =	vst v63  }
0x55: {  	_ =	swait.ge [sflag:s9], $0x4000  }
0x56: {  	[sflag:s9] =	ssyncset.done $0x0  }
0x57: {  	[sflag:s9] =	ssyncadd.s32 $0xFFFFC000  }
0x58: {  	_ =	swait.ge [sflag:s29], $0x4000  }
0x59: {  	[sflag:s29] =	ssyncset.done $0x0  }
0x5a: {  	[sflag:s29] =	ssyncadd.s32 $0xFFFFC000  }
0x5b: {  	[bflag:$0x0] =	sbarrier.arrive $0xFFFF  }
0x5c: {  	s13 =	rddreg [dreg:$0x9]  }
0x5d: {  	[hbm:s13], [sflag:s12] =	dma.local [spmem:s14], $0x2800  }
0x5e: {  	_ =	swait.ge [sflag:s21], $0x2800  }
0x5f: {  	[sflag:s21] =	ssyncset.done $0x0  }
0x60: {  	s10 =	simm.s32 $0x0;
	s15 =	rddreg [dreg:$0x8];
	[sflag:s21] =	ssyncadd.s32 $0xFFFFD800  }
0x61: {  	[tilespmem:s1], [sflag:$0x5] =	stream.linear.gather [hbm4b:s15+s10], $0x80, $0x38;
	[tilespmem:$0x1E900] =	vst v63  }
0x62: {  	s19 =	rddreg [dreg:$0xa]  }
0x63: {  	[tilespmem:s0], [sflag:$0x6] =	stream.linear.gather [hbm4b:s19+s10], $0x80, $0x38;
	[tilespmem:$0x1E900] =	vst v63  }
0x64: {  	s19 =	rddreg [dreg:$0xc]  }
0x65: {  	s20 =	smov.u32 s12;
	s8 =	smov.u32 s14;
	s13 =	smov.u32 s19  }
.LBB2_4:
0x66: {  	_ =	swait.ge [sflag:s30], $0x80  }
0x67: {  	[sflag:s30] =	ssyncset.done $0x0  }
0x68: {  	[sflag:s30] =	ssyncadd.s32 $0xFFFFFF80  }
0x69: {  	[tilespmem:s22], [sflag:$0x1] =	stream.indirect.gather [hbm4b:s4+s25], $0x80, s1, s25, $0xb8;
	[tilespmem:$0x1E900] =	vst v63  }
0x6a: {  	_ =	swait.ge [sflag:s31], $0x80  }
0x6b: {  	s14 =	sadd.s32 $0xFFFFFFFF, s9;
	[sflag:s31] =	ssyncset.done $0x0  }
0x6c: {  	p0 =	sge.u32 s14, s11;
	[sflag:s31] =	ssyncadd.s32 $0xFFFFFF80  }
0x6d: {  	[tilespmem:s23], [sflag:$0x2] =	stream.indirect.gather [hbm4b:s4+s25], $0x80, s0, s25, $0xb8;
	[tilespmem:$0x1E900] =	vst v63  }
0x6e: {  	s14 =	sadd.s32 @!p0 $0x100, s10;
	_ =	swait.ge [sflag:s24], $0x4000  }
0x6f: {  	s15 =	sadd.s32 @!p0 s18, s14;
	[sflag:s24] =	ssyncset.done $0x0  }
0x70: {  	s14 =	sand.u32 @!p0 $0x300, s14;
	s15 =	sand.u32 @!p0 $0x7FFFFC00, s15;
	[sflag:s24] =	ssyncadd.s32 $0xFFFFC000  }
0x71: {  	[hbm4b:s13+s3] =	stream.linear.scatter [tilespmem:s22], [sflag:$0x7], $0x4000, $0x38;
	[tilespmem:$0x1E900] =	vst v63  }
0x72: {  	s14 =	sor.u32 @!p0 s14, s15;
	_ =	swait.ge [sflag:s21], $0x4000  }
0x73: {  	s12 =	simm.s32 @!p0 $0xA800;
	s14 =	sshrl.u32 @!p0 s14, $0x3;
	[sflag:s21] =	ssyncset.done $0x0  }
0x74: {  	s15 =	simm.s32 @!p0 $0x0;
	s14 =	sadd.s32 @!p0 s5, s14;
	[sflag:s21] =	ssyncadd.s32 $0xFFFFC000  }
0x75: {  	[tilespmem:s12], [sflag:$0x5] =	stream.linear.gather @!p0 [hbm4b:s14+s15], $0x80, $0x38;
	[tilespmem:$0x1E900] =	vst v63  }
0x76: {  	p0 =	sge.u32 s9, s11  }
0x77: {  	s15 =	sadd.s32 $0x800, s19;
	_ =	swait.ge [sflag:s26], $0x4000;
	s12 =	sadd.s32 @!p0 $0x180, s10  }
0x78: {  	s10 =	sadd.s32 $0x100, s10;
	[sflag:s26] =	ssyncset.done $0x0;
	s14 =	sadd.s32 @!p0 s18, s12  }
0x79: {  	s12 =	sand.u32 @!p0 $0x380, s12;
	[sflag:s26] =	ssyncadd.s32 $0xFFFFC000;
	s14 =	sand.u32 @!p0 $0x7FFFFC00, s14  }
0x7a: {  	[hbm4b:s15+s3] =	stream.linear.scatter [tilespmem:s23], [sflag:$0x7], $0x4000, $0x38;
	[tilespmem:$0x1E900] =	vst v63  }
0x7b: {  	s12 =	sor.u32 @!p0 s12, s14;
	s14 =	simm.s32 @!p0 $0x0;
	_ =	swait.ge [sflag:s21], $0x4000  }
0x7c: {  	s15 =	simm.s32 @!p0 $0xA880;
	s12 =	sshrl.u32 @!p0 s12, $0x3;
	[sflag:s21] =	ssyncset.done $0x0  }
0x7d: {  	s12 =	sadd.s32 @!p0 s5, s12;
	s7 =	rddreg [dreg:$0x3];
	[sflag:s21] =	ssyncadd.s32 $0xFFFFC000  }
0x7e: {  	[tilespmem:s15], [sflag:$0x6] =	stream.linear.gather @!p0 [hbm4b:s12+s14], $0x80, $0x38;
	[tilespmem:$0x1E900] =	vst v63  }
0x7f: {  	p0 =	sne.s32 s7, s10  }
.Ltmp1:
0x80: {  	_ = 	snop;
	(pc) =	sbr.rel @p0 .LBB2_4-.Ltmp1, $2  }
0x81: {  	_ =	sdelay $0x2  }
0x82: {  	s13 =	sadd.s32 $0x1000, s13;
	s9 =	sadd.s32 $0x2, s9;
	s19 =	sadd.s32 $0x1000, s19  }
0x83: {  	_ =	swait.ge [sflag:s30], $0x80  }
0x84: {  	[sflag:s30] =	ssyncset.done $0x0  }
0x85: {  	[sflag:s30] =	ssyncadd.s32 $0xFFFFFF80  }
0x86: {  	[tilespmem:s22], [sflag:$0x1] =	stream.indirect.gather [hbm4b:s4+s25], $0x80, s1, s25, $0xb8;
	[tilespmem:$0x1E900] =	vst v63  }
0x87: {  	_ =	swait.ge [sflag:s31], $0x80  }
0x88: {  	s7 =	sadd.s32 $0xFFFFFFFF, s9;
	[sflag:s31] =	ssyncset.done $0x0  }
0x89: {  	p0 =	sge.u32 s7, s11;
	[sflag:s31] =	ssyncadd.s32 $0xFFFFFF80  }
0x8a: {  	[tilespmem:s23], [sflag:$0x2] =	stream.indirect.gather [hbm4b:s4+s25], $0x80, s0, s25, $0xb8;
	[tilespmem:$0x1E900] =	vst v63  }
0x8b: {  	s7 =	sadd.s32 @!p0 $0x100, s10;
	_ =	swait.ge [sflag:s24], $0x4000  }
0x8c: {  	s12 =	sadd.s32 @!p0 s18, s7;
	[sflag:s24] =	ssyncset.done $0x0  }
0x8d: {  	s7 =	sand.u32 @!p0 $0x300, s7;
	s12 =	sand.u32 @!p0 $0x7FFFFC00, s12;
	[sflag:s24] =	ssyncadd.s32 $0xFFFFC000  }
0x8e: {  	[hbm4b:s19+s3] =	stream.linear.scatter [tilespmem:s22], [sflag:$0x7], $0x4000, $0x38;
	[tilespmem:$0x1E900] =	vst v63  }
0x8f: {  	s7 =	sor.u32 @!p0 s7, s12;
	_ =	swait.ge [sflag:s21], $0x4000  }
0x90: {  	s13 =	simm.s32 @!p0 $0xA800;
	s7 =	sshrl.u32 @!p0 s7, $0x3;
	[sflag:s21] =	ssyncset.done $0x0  }
0x91: {  	s12 =	simm.s32 @!p0 $0x0;
	s7 =	sadd.s32 @!p0 s5, s7;
	[sflag:s21] =	ssyncadd.s32 $0xFFFFC000  }
0x92: {  	[tilespmem:s13], [sflag:$0x5] =	stream.linear.gather @!p0 [hbm4b:s7+s12], $0x80, $0x38;
	[tilespmem:$0x1E900] =	vst v63  }
0x93: {  	p0 =	sge.u32 s9, s11  }
0x94: {  	s15 =	sadd.s32 $0x800, s19;
	_ =	swait.ge [sflag:s26], $0x4000;
	s7 =	sadd.s32 @!p0 $0x180, s10  }
0x95: {  	s6 =	sadd.s32 $0x1, s6;
	[sflag:s26] =	ssyncset.done $0x0;
	s9 =	sadd.s32 @!p0 s18, s7  }
0x96: {  	s7 =	sand.u32 @!p0 $0x380, s7;
	[sflag:s26] =	ssyncadd.s32 $0xFFFFC000;
	s9 =	sand.u32 @!p0 $0x7FFFFC00, s9  }
0x97: {  	[hbm4b:s15+s3] =	stream.linear.scatter [tilespmem:s23], [sflag:$0x7], $0x4000, $0x38;
	[tilespmem:$0x1E900] =	vst v63  }
0x98: {  	s10 =	simm.s32 @!p0 $0xA880;
	s7 =	sor.u32 @!p0 s7, s9;
	_ =	swait.ge [sflag:s21], $0x4000  }
0x99: {  	s9 =	simm.s32 @!p0 $0x0;
	s7 =	sshrl.u32 @!p0 s7, $0x3;
	[sflag:s21] =	ssyncset.done $0x0  }
0x9a: {  	s7 =	sadd.s32 @!p0 s5, s7;
	s19 =	rddreg [dreg:$0xb];
	[sflag:s21] =	ssyncadd.s32 $0xFFFFC000  }
0x9b: {  	[tilespmem:s10], [sflag:$0x6] =	stream.linear.gather @!p0 [hbm4b:s7+s9], $0x80, $0x38;
	[tilespmem:$0x1E900] =	vst v63  }
0x9c: {  	p0 =	sne.s32 s6, s19  }
.Ltmp2:
0x9d: {  	_ = 	snop;
	(pc) =	sbr.rel @p0 .LBB2_1-.Ltmp2, $2  }
0x9e: {  	_ =	sdelay $0x2  }
0x9f: {  	s14 =	smov.u32 s8;
	s12 =	smov.u32 s20  }
0xa0: {  	_ =	sfence.sel $0x180000  }
0xa1: {  	[bflag:$0x0] =	sbarrier.arrive $0xFFFF  }
0xa2: {  	_ =	strace $0x9000004A  }
0xa3: {  	s0 =	stileid.u32;
	[bflag:$0x2] =	sbarrier.arrive $0xFFFF  }
0xa4: {  	p0 =	sne.s32 s0, $0x0;
	s0 =	rddreg [dreg:$0x2]  }
0xa5: {  	s0 =	sadd.s32 @!p0 $0x100000, s0  }
0xa6: {  	[sflag:s0] =	ssyncadd.tile.s32 @!p0 $0x1;
	_ =	shalt  }
.Lfunc_end2:
_tile_overlayer_lowered:
.L_overlay_start_2:
0xa7: {  	(tag) =	ssettag $0x2  }
0xa8: {  	s0 =	rddreg [dreg:$0x0];
	s2 =	stileid.u32  }
0xa9: {  	s1 =	rddreg [dreg:$0x1];
	p0 =	sne.s32 s2, $0x0  }
0xaa: {  	s3 =	rddreg [dreg:$0x2];
	[bflag:$0x3] =	sbarrier.arrive $0xFFFF;
	s2 =	simm.s32 @!p0 $0x1C07  }
0xab: {  	[timem:s3], [sflag:s2] =	dma.local @!p0 [hbm:s0], s1  }
0xac: {  	s0 =	simm.s32 @!p0 $0x7  }
0xad: {  	_ =	swait.ge @!p0 [sflag:s0], s1  }
0xae: {  	s1 =	ssub.s32 @!p0 $0x0, s1;
	[sflag:s0] =	ssyncset.done @!p0 $0x0  }
0xaf: {  	[sflag:s0] =	ssyncadd.s32 @!p0 s1  }
0xb0: {  	[bflag:$0x3] =	sbarrier.arrive $0xFFFF  }
0xb1: {  	_ =	shalt  }

// kernel: kernel.21.cloned.1.call-start
scs
__scs_entry_jumppad:
0x0: {  	(pc) =	sbr.rel $0x88, $3  }
0x1: {  	(tag) =	ssettag $0x0;
	lr =	simm.s32 $0x1  }
0x2: {  	[smem:$0x3F97] =	sst lr;
	_ =	strace $0xD0000000  }
0x3: {  	_ = 	snop  }
0x4: {  	_ = 	snop  }
0x5: {  	_ = 	snop  }
0x6: {  	_ = 	snop  }
0x7: {  	_ = 	snop  }
__scs_overlays_trampoline_lowered:
0x8: {  	[smem:$0x3FA6] =	sst s0  }
0x9: {  	[smem:$0x3FA7] =	sst s1  }
0xa: {  	[smem:$0x3FA8] =	sst s2  }
0xb: {  	[smem:$0x3FA9] =	sst s3  }
0xc: {  	[smem:$0x3FAA] =	sst s4  }
0xd: {  	[smem:$0x3FAB] =	sst s5  }
0xe: {  	[smem:$0x3FAC] =	sst s6  }
0xf: {  	[smem:$0x3FAD] =	sst s7  }
0x10: {  	[smem:$0x3FAE] =	sst s8  }
0x11: {  	[smem:$0x3FAF] =	sst s9;
	s0 =	simm.s32 @!p0 $0x0  }
0x12: {  	s1 =	sld [smem:$0x3F95];
	s0 =	simm.s32 @p0 $0x1  }
0x13: {  	[smem:$0x3FB0] =	sst s0;
	s0 =	simm.s32 @!p1 $0x0  }
0x14: {  	s2 =	sld [smem:$0x3F94];
	s0 =	simm.s32 @p1 $0x1  }
0x15: {  	[smem:$0x3FB1] =	sst s0;
	s0 =	simm.s32 @!p2 $0x0  }
0x16: {  	s3 =	sld [smem:$0x3FDB];
	s0 =	simm.s32 @p2 $0x1  }
0x17: {  	s4 =	simm.s32 $0x1BF5;
	[smem:$0x3FB3] =	sst s0  }
0x18: {  	s0 =	sld [smem:$0x3F96];
	_ =	swait.ge [sflag:s4], $0x0  }
0x19: {  	s7 =	sld [smem:$0x3F97]  }
0x1a: {  	s8 =	sadd.s32 $0xFFFFE003, lr  }
0x1b: {  	s9 =	sadd.s32 $0xFFFFFEF7, lr;
	s5 =	simm.s32 $0xFFFFFFFF;
	p2 =	slt.u32 s8, $0xFFFFF086  }
0x1c: {  	p1 =	slt.u32 s9, $0xF7A;
	s5 =	simm.s32 @!p2 $0x0  }
0x1d: {  	s5 =	simm.s32 @p1 $0x1;
	p0 =	seq.s32 s7, s2  }
0x1e: {  	s7 =	smul.u32 @!p0 $0xF7A, s2;
	p2 =	seq.s32 @!p0 s5, $0x0  }
0x1f: {  	s9 =	smul.u32 $0xF7A, s1;
	s8 =	simm.s32 @!p0 $0x1BF5;
	p2 =	por !p2, p0  }
0x20: {  	[sflag:s8] =	ssyncset.s32 @!p0 $0xFFFFF086;
	s6 =	sadd.s32 @!p0 s3, s7;
	s7 =	simm.s32 @!p0 $0x108  }
0x21: {  	s3 =	sadd.s32 s3, s9;
	s6 =	sadd.s32 @!p0 $0x88, s6;
	s7 =	simm.s32 @p2 $0x1082  }
0x22: {  	[simem:s7], [sflag:s8] =	dma.local @!p0 [hbm:s6], $0xF7A  }
0x23: {  	s9 =	sor.u32 $0xD0000000, s2;
	s6 =	simm.s32 $0x108;
	_ =	swait.ge @!p0 [sflag:s8], $0x0  }
0x24: {  	s3 =	sadd.s32 $0x88, s3;
	s6 =	simm.s32 @!p1 $0x1082;
	[sflag:s4] =	ssyncset.s32 $0xFFFFF086  }
0x25: {  	[simem:s6], [sflag:s4] =	dma.local [hbm:s3], $0xF7A  }
0x26: {  	[smem:$0x3F97] =	sst s1;
	(tag) =	ssettag s2;
	_ =	strace s9  }
0x27: {  	s1 =	sld [smem:$0x3FA7]  }
0x28: {  	s2 =	sld [smem:$0x3FA8]  }
0x29: {  	s4 =	sld [smem:$0x3FAA]  }
0x2a: {  	p0 =	seq.s32 s5, $0x0;
	s5 =	sld [smem:$0x3FAB]  }
0x2b: {  	s6 =	sld [smem:$0x3FAC]  }
0x2c: {  	s7 =	sld [smem:$0x3FAD]  }
0x2d: {  	s3 =	simm.s32 $0x108;
	s8 =	sld [smem:$0x3FAE]  }
0x2e: {  	s3 =	simm.s32 @!p0 $0x1082;
	s9 =	sld [smem:$0x3FAF]  }
0x2f: {  	lr =	sadd.s32 s0, s3;
	s0 =	sld [smem:$0x3FA6]  }
0x30: {  	s3 =	sld [smem:$0x3FA9]  }
0x31: {  	[smem:$0x3FB2] =	sst s10  }
0x32: {  	s10 =	sld [smem:$0x3FB0];
	_ =	sdelay $0x3  }
0x33: {  	p0 =	seq.s32 s10, $0x1;
	s10 =	sld [smem:$0x3FB2];
	_ =	sdelay $0x3  }
0x34: {  	[smem:$0x3FB2] =	sst s10  }
0x35: {  	s10 =	sld [smem:$0x3FB1];
	_ =	sdelay $0x3  }
0x36: {  	p1 =	seq.s32 s10, $0x1;
	s10 =	sld [smem:$0x3FB2];
	_ =	sdelay $0x3  }
0x37: {  	[smem:$0x3FB2] =	sst s10  }
0x38: {  	s10 =	sld [smem:$0x3FB3]  }
0x39: {  	_ = 	snop;
	(pc) =	sbr.ind lr, $3  }
0x3a: {  	_ = 	snop  }
0x3b: {  	_ = 	snop  }
0x3c: {  	p2 =	seq.s32 s10, $0x1;
	s10 =	sld [smem:$0x3FB2]  }
0x3d: {  	_ =	shalt  }
0x3e: {  	_ =	shalt  }
0x3f: {  	_ =	shalt  }
0x40: {  	_ =	shalt  }
0x41: {  	_ =	shalt  }
0x42: {  	_ =	shalt  }
0x43: {  	_ =	shalt  }
0x44: {  	_ =	shalt  }
0x45: {  	_ =	shalt  }
0x46: {  	_ =	shalt  }
0x47: {  	_ =	shalt  }
0x48: {  	_ =	shalt  }
0x49: {  	_ =	shalt  }
0x4a: {  	_ =	shalt  }
0x4b: {  	_ =	shalt  }
0x4c: {  	_ =	shalt  }
0x4d: {  	_ =	shalt  }
0x4e: {  	_ =	shalt  }
0x4f: {  	_ =	shalt  }
0x50: {  	_ =	shalt  }
0x51: {  	_ =	shalt  }
0x52: {  	_ =	shalt  }
0x53: {  	_ =	shalt  }
0x54: {  	_ =	shalt  }
0x55: {  	_ =	shalt  }
0x56: {  	_ =	shalt  }
0x57: {  	_ =	shalt  }
0x58: {  	_ =	shalt  }
0x59: {  	_ =	shalt  }
0x5a: {  	_ =	shalt  }
0x5b: {  	_ =	shalt  }
0x5c: {  	_ =	shalt  }
0x5d: {  	_ =	shalt  }
0x5e: {  	_ =	shalt  }
0x5f: {  	_ =	shalt  }
0x60: {  	_ =	shalt  }
0x61: {  	_ =	shalt  }
0x62: {  	_ =	shalt  }
0x63: {  	_ =	shalt  }
0x64: {  	_ =	shalt  }
0x65: {  	_ =	shalt  }
0x66: {  	_ =	shalt  }
0x67: {  	_ =	shalt  }
0x68: {  	_ =	shalt  }
0x69: {  	_ =	shalt  }
0x6a: {  	_ =	shalt  }
0x6b: {  	_ =	shalt  }
0x6c: {  	_ =	shalt  }
0x6d: {  	_ =	shalt  }
0x6e: {  	_ =	shalt  }
0x6f: {  	_ =	shalt  }
0x70: {  	_ =	shalt  }
0x71: {  	_ =	shalt  }
0x72: {  	_ =	shalt  }
0x73: {  	_ =	shalt  }
0x74: {  	_ =	shalt  }
0x75: {  	_ =	shalt  }
0x76: {  	_ =	shalt  }
0x77: {  	_ =	shalt  }
0x78: {  	_ =	shalt  }
0x79: {  	_ =	shalt  }
0x7a: {  	_ =	shalt  }
0x7b: {  	_ =	shalt  }
0x7c: {  	_ =	shalt  }
0x7d: {  	_ =	shalt  }
0x7e: {  	_ =	shalt  }
0x7f: {  	_ =	shalt  }
0x80: {  	_ =	shalt  }
0x81: {  	_ =	shalt  }
0x82: {  	_ =	shalt  }
0x83: {  	_ =	shalt  }
0x84: {  	_ =	shalt  }
0x85: {  	_ =	shalt  }
0x86: {  	_ =	shalt  }
0x87: {  	_ =	shalt  }
.Lfunc_end0:
.L_simem_size_0:
called_computation.2_lowered:
.L_overlay_start_0:
0x88: {  	s2 =	sld [smem:$0x3FD9]  }
0x89: {  	s3 =	sld [smem:$0x3FFE];
	_ =	sdelay $0x1  }
0x8a: {  	s1 =	srdreg.scid  }
0x8b: {  	s0 =	sand.u32 $0x1, s1  }
0x8c: {  	s17 =	sshll.u32 s0, $0xA;
	s2 =	sadd.s32 s3, s2  }
0x8d: {  	s2 =	sadd.s32 s2, s17  }
0x8e: {  	[smem:$0x3FBE] =	sst s2  }
0x8f: {  	_ = 	snop  }
0x90: {  	s2 =	sld [smem:$0x3FD0];
	(tm) =	ssettm $0x1  }
0x91: {  	s18 =	sld [smem:$0x3FFB];
	_ =	sdelay $0x3  }
0x92: {  	_ =	strace s18  }
0x93: {  	s3 =	sld [smem:$0x3FFC];
	_ =	sdelay $0x3  }
0x94: {  	_ =	strace s3  }
0x95: {  	s3 =	sld [smem:$0x3FFD];
	_ =	sdelay $0x3  }
0x96: {  	_ =	strace s3  }
0x97: {  	_ =	strace $0x8FFFFFFF  }
0x98: {  	s19 =	sld [smem:$0x3FDB];
	_ =	sdelay $0x1  }
0x99: {  	s4 =	simm.s32 $_scs_section_size  }
0x9a: {  	s5 =	simm.s32 $_size__tile_overlayer_lowered;
	s6 =	simm.s32 $_tile_overlayer_lowered  }
0x9b: {  	s22 =	simm.s32 $0x1BFF;
	s21 =	sshll.u32 s6, $0x1;
	s3 =	sadd.s32 s4, s19  }
0x9c: {  	s7 =	simm.s32 $0x0;
	s20 =	sshll.u32 s5, $0x1;
	s5 =	sadd.s32 s21, s3  }
0x9d: {  	[timem:s7], [sflag:s22] =	dma.local [hbm:s5], s20  }
0x9e: {  	_ =	swait.ge [sflag:s22], s20  }
0x9f: {  	s4 =	ssub.s32 $0x0, s20;
	[sflag:s22] =	ssyncset.done $0x0  }
0xa0: {  	[sflag:s22] =	ssyncadd.s32 s4;
	_ =	sdelay $0x1  }
0xa1: {  	s23 =	simm.s32 $0x1B8B  }
0xa2: {  	_ =	swait.ge [sflag:s23], $0x1  }
0xa3: {  	[sflag:s23] =	ssyncset.done $0x0  }
0xa4: {  	s25 =	simm.s32 $0x1B8E;
	s24 =	sld [smem:$0x3FFE];
	[sflag:s23] =	ssyncadd.s32 $0xFFFFFFFF  }
0xa5: {  	s26 =	simm.s32 $execute0_lowered;
	[smem:$0x3FD2] =	sst s25  }
0xa6: {  	s5 =	sshll.u32 s26, $0x1;
	_ =	strace $0x8000004C;
	[dreg:$0x1] =	wrdreg $0xFFFFFFFF  }
0xa7: {  	s28 =	simm.s32 $_size_execute0_lowered;
	s3 =	sadd.s32 s3, s5;
	[dreg:$0x0] =	wrdreg $0x0  }
0xa8: {  	s5 =	sshll.u32 s28, $0x1;
	[dreg:$0x2] =	wrdreg s3  }
0xa9: {  	[dreg:$0x3] =	wrdreg s5  }
0xaa: {  	[dreg:$0x4] =	wrdreg $0xC0  }
0xab: {  	_ =	task [dreg:s7], $0x5FFFF  }
0xac: {  	[dreg:$0x1] =	wrdreg $0xFFFFFFFF  }
0xad: {  	[dreg:$0x0] =	wrdreg $0x60  }
0xae: {  	[dreg:$0x2] =	wrdreg s24  }
0xaf: {  	[dreg:$0x3] =	wrdreg s2  }
0xb0: {  	[dreg:$0x4] =	wrdreg $0xA8000  }
0xb1: {  	[dreg:$0x5] =	wrdreg $0x9  }
0xb2: {  	_ =	task.clear_ibuf [dreg:s7], $0x6FFFF;
	_ =	strace $0x9000004C  }
0xb3: {  	s29 =	simm.s32 $0x9;
	_ =	strace $0x8000004E  }
0xb4: {  	_ =	swait.ge [sflag:s29], $0x1  }
0xb5: {  	[sflag:s29] =	ssyncadd.s32 $0xFFFFFFFF  }
0xb6: {  	_ =	strace $0x9000004E  }
0xb7: {  	_ =	sfence  }
0xb8: {  	s30 =	sld [smem:$0x0];
	_ =	sdelay $0x2  }
0xb9: {  	s31 =	sshll.u32 s1, $0xD;
	s1 =	sshrl.u32 s1, $0x2  }
0xba: {  	s3 =	sand.u32 $0x4000, s31;
	s1 =	sadd.s32 s1, s30  }
0xbb: {  	s0 =	sor.u32 s3, s0;
	s1 =	sshll.u32 s1, $0x11  }
0xbc: {  	s0 =	sor.u32 s1, s0  }
0xbd: {  	s0 =	sadd.s32 $0x8F2B, s0  }
0xbe: {  	[sflag:s0] =	ssyncadd.remote.s32 $0x1  }
0xbf: {  	_ =	sfence.sel $0xFFFF  }
0xc0: {  	[dreg:$0x0] =	wrdreg $0xFFFFFFFF;
	(pc) =	sbr.abs _section_cstart, $3  }
0xc1: {  	[dreg:$0x1] =	wrdreg $0xFFFFFFFF  }
0xc2: {  	_ =	task.clear_ibuf [dreg:s7], $0x2FFFF;
	_ =	strace $0x9FFFFFFF  }
0xc3: {  	(tm) =	ssettm $0x7FFFFFFF  }
tec
execute0_lowered:
.L_overlay_start_1:
0x0: {  	(tag) =	ssettag $0x1  }
0x1: {  	s4 =	rddreg [dreg:$0x0]  }
0x2: {  	s6 =	rddreg [dreg:$0x1]  }
0x3: {  	s2 =	rddreg [dreg:$0x2]  }
0x4: {  	s0 =	rddreg [dreg:$0x3];
	s3 =	simm.s32 $0x0;
	s1 =	stileid.u32  }
0x5: {  	s7 =	srdreg.scid;
	s17 =	simm.s32 $0x1;
	s5 =	smul.u32 $0x2800, s1  }
0x6: {  	s18 =	simm.s32 $0x2;
	s19 =	simm.s32 $0x0;
	s9 =	smul.u32 $0x50000, s1  }
0x7: {  	[smem:$0x7FF] =	sst s3;
	s7 =	sand.u32 $0x1, s7;
	s26 =	smul.u32 $0x280000, s1  }
0x8: {  	s8 =	sshll.u32 s1, $0x1;
	s11 =	sadd.s32 $0xCC9C00, s4;
	s16 =	smul.u32 $0x28000, s7  }
0x9: {  	s24 =	sshll.u32 s1, $0x6;
	s8 =	sor.u32 s7, s8;
	s28 =	smul.u32 $0x140000, s7  }
0xa: {  	_ =	strace $0x8000004D;
	s23 =	ssub.s32 $0x2, s7;
	s10 =	smul.u32 $0x500, s8  }
0xb: {  	s5 =	sadd.s32 s5, s4;
	s12 =	sshrl.u32 s23, $0x1;
	s14 =	smul.u32 $0x140000, s8  }
0xc: {  	s13 =	sshrl.u32 s9, $0x2;
	s15 =	smul.u32 $0x28000, s8;
	s9 =	sadd.s32 s9, s11  }
0xd: {  	s12 =	ssub.s32 s23, s12;
	s13 =	sadd.s32 s13, s2;
	s4 =	sadd.s32 $0x2BE00, s5  }
0xe: {  	s5 =	sor.u32 $0x1C03, s24;
	s30 =	sadd.s32 s16, s9;
	s16 =	simm.s32 $0x6800  }
0xf: {  	s25 =	sshrl.u32 s14, $0x3;
	s6 =	sadd.s32 s6, s10;
	s7 =	smax.u32 s12, $0x1  }
0x10: {  	s29 =	sadd.s32 s15, s11;
	s14 =	sadd.s32 s28, s26;
	s10 =	sadd.s32 $0x800, s30  }
0x11: {  	s12 =	sshrl.u32 s13, $0x3;
	s13 =	simm.s32 $0x3;
	s15 =	simm.s32 $0x2800  }
0x12: {  	s8 =	sadd.s32 s11, s25;
	s9 =	sadd.s32 $0x27800, s29;
	s31 =	sshrl.u32 s14, $0x3  }
0x13: {  	s14 =	simm.s32 $0x80;
	s8 =	sadd.s32 $0x27000, s8;
	s11 =	sadd.s32 s31, s11  }
.LBB2_1:
0x14: {  	[spmem:s12], [sflag:s5] =	dma.local [hbm:s4], $0x2800  }
0x15: {  	_ =	swait.ge [sflag:s13], $0x2800  }
0x16: {  	[sflag:s13] =	ssyncset.done $0x0  }
0x17: {  	[sflag:s13] =	ssyncadd.s32 $0xFFFFD800  }
0x18: {  	[tilespmem:s3], [sflag:$0x3] =	stream.linear.gather [hbm4b:s6+s3], $0x2800, $0x38;
	[tilespmem:$0x1E800] =	vst v63  }
0x19: {  	_ =	swait.ge [sflag:s13], $0x2800  }
0x1a: {  	[sflag:s13] =	ssyncset.done $0x0  }
0x1b: {  	[sflag:s13] =	ssyncadd.s32 $0xFFFFD800  }
0x1c: {  	[bflag:$0x0] =	sbarrier.arrive $0xFFFF  }
0x1d: {  	[tilespmem:s15], [sflag:$0x1] =	stream.indirect.gather [spmem:s2], $0x80, s3, s14, $0xb8;
	[tilespmem:$0x1E800] =	vst v63  }
0x1e: {  	_ = 	snop  }
0x1f: {  	[tilespmem:s16], [sflag:$0x2] =	stream.indirect.gather [spmem:s2], $0x80, s14, s14, $0xb8;
	[tilespmem:$0x1E800] =	vst v63  }
0x20: {  	_ =	swait.ge [sflag:s17], $0x4000  }
0x21: {  	[sflag:s17] =	ssyncset.done $0x0  }
0x22: {  	s20 =	sadd.s32 $0x0, s11;
	[sflag:s17] =	ssyncadd.s32 $0xFFFFC000  }
0x23: {  	[hbm4b:s20+s3] =	stream.linear.scatter [tilespmem:s15], [sflag:$0x3], $0x4000, $0x38;
	[tilespmem:$0x1E800] =	vst v63  }
0x24: {  	_ =	swait.ge [sflag:s13], $0x4000  }
0x25: {  	[sflag:s13] =	ssyncset.done $0x0  }
0x26: {  	s30 =	simm.s32 $0x100;
	[sflag:s13] =	ssyncadd.s32 $0xFFFFC000  }
0x27: {  	[tilespmem:s15], [sflag:$0x1] =	stream.indirect.gather [spmem:s2], $0x80, s30, s14, $0xb8;
	[tilespmem:$0x1E800] =	vst v63  }
0x28: {  	_ =	swait.ge [sflag:s18], $0x4000  }
0x29: {  	[sflag:s18] =	ssyncset.done $0x0  }
0x2a: {  	s31 =	sadd.s32 $0x0, s10;
	[sflag:s18] =	ssyncadd.s32 $0xFFFFC000  }
0x2b: {  	[hbm4b:s31+s3] =	stream.linear.scatter [tilespmem:s16], [sflag:$0x3], $0x4000, $0x38;
	[tilespmem:$0x1E800] =	vst v63  }
0x2c: {  	_ =	swait.ge [sflag:s13], $0x4000  }
0x2d: {  	s21 =	simm.s32 $0x1000;
	[sflag:s13] =	ssyncset.done $0x0  }
0x2e: {  	s22 =	simm.s32 $0x280;
	s20 =	simm.s32 $0x180;
	[sflag:s13] =	ssyncadd.s32 $0xFFFFC000  }
.LBB2_2:
0x2f: {  	[tilespmem:s16], [sflag:$0x2] =	stream.indirect.gather [spmem:s2], $0x80, s20, s14, $0xb8;
	[tilespmem:$0x1E800] =	vst v63  }
0x30: {  	s23 =	smov.u32 s21;
	s20 =	smov.u32 s22  }
0x31: {  	p0 =	sne.s32 s21, $0x26000;
	s21 =	sadd.s32 $0x1000, s21;
	_ =	swait.ge [sflag:s17], $0x4000  }
0x32: {  	[sflag:s17] =	ssyncset.done $0x0  }
0x33: {  	s24 =	sadd.s32 s23, s11;
	[sflag:s17] =	ssyncadd.s32 $0xFFFFC000  }
0x34: {  	[hbm4b:s24+s3] =	stream.linear.scatter [tilespmem:s15], [sflag:$0x3], $0x4000, $0x38;
	[tilespmem:$0x1E800] =	vst v63  }
0x35: {  	_ =	swait.ge [sflag:s13], $0x4000  }
0x36: {  	[sflag:s13] =	ssyncset.done $0x0  }
0x37: {  	s24 =	sadd.s32 $0xFFFFFF80, s22;
	[sflag:s13] =	ssyncadd.s32 $0xFFFFC000  }
0x38: {  	[tilespmem:s15], [sflag:$0x1] =	stream.indirect.gather [spmem:s2], $0x80, s24, s14, $0xb8;
	[tilespmem:$0x1E800] =	vst v63  }
0x39: {  	_ =	swait.ge [sflag:s18], $0x4000  }
0x3a: {  	[sflag:s18] =	ssyncset.done $0x0  }
.Ltmp0:
0x3b: {  	s23 =	sadd.s32 s23, s10;
	[sflag:s18] =	ssyncadd.s32 $0xFFFFC000;
	(pc) =	sbr.rel @p0 .LBB2_2-.Ltmp0, $4  }
0x3c: {  	[hbm4b:s23+s3] =	stream.linear.scatter [tilespmem:s16], [sflag:$0x3], $0x4000, $0x38;
	[tilespmem:$0x1E800] =	vst v63  }
0x3d: {  	_ =	swait.ge [sflag:s13], $0x4000  }
0x3e: {  	[sflag:s13] =	ssyncset.done $0x0  }
0x3f: {  	s22 =	sadd.s32 $0x100, s22;
	[sflag:s13] =	ssyncadd.s32 $0xFFFFC000  }
0x40: {  	[tilespmem:s16], [sflag:$0x2] =	stream.indirect.gather [spmem:s2], $0x80, s20, s14, $0xb8;
	[tilespmem:$0x1E800] =	vst v63  }
0x41: {  	_ =	swait.ge [sflag:s17], $0x4000  }
0x42: {  	[sflag:s17] =	ssyncset.done $0x0  }
0x43: {  	[sflag:s17] =	ssyncadd.s32 $0xFFFFC000  }
0x44: {  	[hbm4b:s8+s3] =	stream.linear.scatter [tilespmem:s15], [sflag:$0x3], $0x4000, $0x38;
	[tilespmem:$0x1E800] =	vst v63  }
0x45: {  	_ =	swait.ge [sflag:s13], $0x4000  }
0x46: {  	[sflag:s13] =	ssyncset.done $0x0  }
0x47: {  	[sflag:s13] =	ssyncadd.s32 $0xFFFFC000  }
0x48: {  	s19 =	sadd.s32 $0x1, s19;
	_ =	swait.ge [sflag:s18], $0x4000  }
0x49: {  	p0 =	sne.s32 s19, s7;
	[sflag:s18] =	ssyncset.done $0x0  }
.Ltmp1:
0x4a: {  	[sflag:s18] =	ssyncadd.s32 $0xFFFFC000;
	(pc) =	sbr.rel @p0 .LBB2_1-.Ltmp1, $4  }
0x4b: {  	[hbm4b:s9+s3] =	stream.linear.scatter [tilespmem:s16], [sflag:$0x3], $0x4000, $0x38;
	[tilespmem:$0x1E800] =	vst v63  }
0x4c: {  	_ =	swait.ge [sflag:s13], $0x4000  }
0x4d: {  	[sflag:s13] =	ssyncset.done $0x0  }
0x4e: {  	[sflag:s13] =	ssyncadd.s32 $0xFFFFC000  }
0x4f: {  	_ =	sfence.sel $0x180000  }
0x50: {  	[bflag:$0x0] =	sbarrier.arrive $0xFFFF  }
0x51: {  	p0 =	sne.s32 s1, $0x0;
	_ =	strace $0x9000004D  }
0x52: {  	s0 =	sadd.s32 @!p0 $0x100000, s0;
	[bflag:$0x2] =	sbarrier.arrive $0xFFFF  }
0x53: {  	[sflag:s0] =	ssyncadd.tile.s32 @!p0 $0x1;
	_ =	shalt  }
.Lfunc_end2:
_tile_overlayer_lowered:
.L_overlay_start_2:
0x54: {  	(tag) =	ssettag $0x2  }
0x55: {  	s0 =	rddreg [dreg:$0x0];
	s2 =	stileid.u32  }
0x56: {  	s1 =	rddreg [dreg:$0x1];
	p0 =	sne.s32 s2, $0x0  }
0x57: {  	s3 =	rddreg [dreg:$0x2];
	[bflag:$0x3] =	sbarrier.arrive $0xFFFF;
	s2 =	simm.s32 @!p0 $0x1C03  }
0x58: {  	[timem:s3], [sflag:s2] =	dma.local @!p0 [hbm:s0], s1  }
0x59: {  	s0 =	simm.s32 @!p0 $0x3  }
0x5a: {  	_ =	swait.ge @!p0 [sflag:s0], s1  }
0x5b: {  	s1 =	ssub.s32 @!p0 $0x0, s1;
	[sflag:s0] =	ssyncset.done @!p0 $0x0  }
0x5c: {  	[sflag:s0] =	ssyncadd.s32 @!p0 s1  }
0x5d: {  	[bflag:$0x3] =	sbarrier.arrive $0xFFFF  }
0x5e: {  	_ =	shalt  }

// kernel: kernel.24.cloned.1.call-start
scs
__scs_entry_jumppad:
0x0: {  	(pc) =	sbr.rel $0x88, $3  }
0x1: {  	(tag) =	ssettag $0x0;
	lr =	simm.s32 $0x1  }
0x2: {  	[smem:$0x3F97] =	sst lr;
	_ =	strace $0xD0000000  }
0x3: {  	_ = 	snop  }
0x4: {  	_ = 	snop  }
0x5: {  	_ = 	snop  }
0x6: {  	_ = 	snop  }
0x7: {  	_ = 	snop  }
__scs_overlays_trampoline_lowered:
0x8: {  	[smem:$0x3FA6] =	sst s0  }
0x9: {  	[smem:$0x3FA7] =	sst s1  }
0xa: {  	[smem:$0x3FA8] =	sst s2  }
0xb: {  	[smem:$0x3FA9] =	sst s3  }
0xc: {  	[smem:$0x3FAA] =	sst s4  }
0xd: {  	[smem:$0x3FAB] =	sst s5  }
0xe: {  	[smem:$0x3FAC] =	sst s6  }
0xf: {  	[smem:$0x3FAD] =	sst s7  }
0x10: {  	[smem:$0x3FAE] =	sst s8  }
0x11: {  	[smem:$0x3FAF] =	sst s9;
	s0 =	simm.s32 @!p0 $0x0  }
0x12: {  	s1 =	sld [smem:$0x3F95];
	s0 =	simm.s32 @p0 $0x1  }
0x13: {  	[smem:$0x3FB0] =	sst s0;
	s0 =	simm.s32 @!p1 $0x0  }
0x14: {  	s2 =	sld [smem:$0x3F94];
	s0 =	simm.s32 @p1 $0x1  }
0x15: {  	[smem:$0x3FB1] =	sst s0;
	s0 =	simm.s32 @!p2 $0x0  }
0x16: {  	s3 =	sld [smem:$0x3FDB];
	s0 =	simm.s32 @p2 $0x1  }
0x17: {  	s4 =	simm.s32 $0x1BF5;
	[smem:$0x3FB3] =	sst s0  }
0x18: {  	s0 =	sld [smem:$0x3F96];
	_ =	swait.ge [sflag:s4], $0x0  }
0x19: {  	s7 =	sld [smem:$0x3F97]  }
0x1a: {  	s8 =	sadd.s32 $0xFFFFE003, lr  }
0x1b: {  	s9 =	sadd.s32 $0xFFFFFEF7, lr;
	s5 =	simm.s32 $0xFFFFFFFF;
	p2 =	slt.u32 s8, $0xFFFFF086  }
0x1c: {  	p1 =	slt.u32 s9, $0xF7A;
	s5 =	simm.s32 @!p2 $0x0  }
0x1d: {  	s5 =	simm.s32 @p1 $0x1;
	p0 =	seq.s32 s7, s2  }
0x1e: {  	s7 =	smul.u32 @!p0 $0xF7A, s2;
	p2 =	seq.s32 @!p0 s5, $0x0  }
0x1f: {  	s9 =	smul.u32 $0xF7A, s1;
	s8 =	simm.s32 @!p0 $0x1BF5;
	p2 =	por !p2, p0  }
0x20: {  	[sflag:s8] =	ssyncset.s32 @!p0 $0xFFFFF086;
	s6 =	sadd.s32 @!p0 s3, s7;
	s7 =	simm.s32 @!p0 $0x108  }
0x21: {  	s3 =	sadd.s32 s3, s9;
	s6 =	sadd.s32 @!p0 $0x88, s6;
	s7 =	simm.s32 @p2 $0x1082  }
0x22: {  	[simem:s7], [sflag:s8] =	dma.local @!p0 [hbm:s6], $0xF7A  }
0x23: {  	s9 =	sor.u32 $0xD0000000, s2;
	s6 =	simm.s32 $0x108;
	_ =	swait.ge @!p0 [sflag:s8], $0x0  }
0x24: {  	s3 =	sadd.s32 $0x88, s3;
	s6 =	simm.s32 @!p1 $0x1082;
	[sflag:s4] =	ssyncset.s32 $0xFFFFF086  }
0x25: {  	[simem:s6], [sflag:s4] =	dma.local [hbm:s3], $0xF7A  }
0x26: {  	[smem:$0x3F97] =	sst s1;
	(tag) =	ssettag s2;
	_ =	strace s9  }
0x27: {  	s1 =	sld [smem:$0x3FA7]  }
0x28: {  	s2 =	sld [smem:$0x3FA8]  }
0x29: {  	s4 =	sld [smem:$0x3FAA]  }
0x2a: {  	p0 =	seq.s32 s5, $0x0;
	s5 =	sld [smem:$0x3FAB]  }
0x2b: {  	s6 =	sld [smem:$0x3FAC]  }
0x2c: {  	s7 =	sld [smem:$0x3FAD]  }
0x2d: {  	s3 =	simm.s32 $0x108;
	s8 =	sld [smem:$0x3FAE]  }
0x2e: {  	s3 =	simm.s32 @!p0 $0x1082;
	s9 =	sld [smem:$0x3FAF]  }
0x2f: {  	lr =	sadd.s32 s0, s3;
	s0 =	sld [smem:$0x3FA6]  }
0x30: {  	s3 =	sld [smem:$0x3FA9]  }
0x31: {  	[smem:$0x3FB2] =	sst s10  }
0x32: {  	s10 =	sld [smem:$0x3FB0];
	_ =	sdelay $0x3  }
0x33: {  	p0 =	seq.s32 s10, $0x1;
	s10 =	sld [smem:$0x3FB2];
	_ =	sdelay $0x3  }
0x34: {  	[smem:$0x3FB2] =	sst s10  }
0x35: {  	s10 =	sld [smem:$0x3FB1];
	_ =	sdelay $0x3  }
0x36: {  	p1 =	seq.s32 s10, $0x1;
	s10 =	sld [smem:$0x3FB2];
	_ =	sdelay $0x3  }
0x37: {  	[smem:$0x3FB2] =	sst s10  }
0x38: {  	s10 =	sld [smem:$0x3FB3]  }
0x39: {  	_ = 	snop;
	(pc) =	sbr.ind lr, $3  }
0x3a: {  	_ = 	snop  }
0x3b: {  	_ = 	snop  }
0x3c: {  	p2 =	seq.s32 s10, $0x1;
	s10 =	sld [smem:$0x3FB2]  }
0x3d: {  	_ =	shalt  }
0x3e: {  	_ =	shalt  }
0x3f: {  	_ =	shalt  }
0x40: {  	_ =	shalt  }
0x41: {  	_ =	shalt  }
0x42: {  	_ =	shalt  }
0x43: {  	_ =	shalt  }
0x44: {  	_ =	shalt  }
0x45: {  	_ =	shalt  }
0x46: {  	_ =	shalt  }
0x47: {  	_ =	shalt  }
0x48: {  	_ =	shalt  }
0x49: {  	_ =	shalt  }
0x4a: {  	_ =	shalt  }
0x4b: {  	_ =	shalt  }
0x4c: {  	_ =	shalt  }
0x4d: {  	_ =	shalt  }
0x4e: {  	_ =	shalt  }
0x4f: {  	_ =	shalt  }
0x50: {  	_ =	shalt  }
0x51: {  	_ =	shalt  }
0x52: {  	_ =	shalt  }
0x53: {  	_ =	shalt  }
0x54: {  	_ =	shalt  }
0x55: {  	_ =	shalt  }
0x56: {  	_ =	shalt  }
0x57: {  	_ =	shalt  }
0x58: {  	_ =	shalt  }
0x59: {  	_ =	shalt  }
0x5a: {  	_ =	shalt  }
0x5b: {  	_ =	shalt  }
0x5c: {  	_ =	shalt  }
0x5d: {  	_ =	shalt  }
0x5e: {  	_ =	shalt  }
0x5f: {  	_ =	shalt  }
0x60: {  	_ =	shalt  }
0x61: {  	_ =	shalt  }
0x62: {  	_ =	shalt  }
0x63: {  	_ =	shalt  }
0x64: {  	_ =	shalt  }
0x65: {  	_ =	shalt  }
0x66: {  	_ =	shalt  }
0x67: {  	_ =	shalt  }
0x68: {  	_ =	shalt  }
0x69: {  	_ =	shalt  }
0x6a: {  	_ =	shalt  }
0x6b: {  	_ =	shalt  }
0x6c: {  	_ =	shalt  }
0x6d: {  	_ =	shalt  }
0x6e: {  	_ =	shalt  }
0x6f: {  	_ =	shalt  }
0x70: {  	_ =	shalt  }
0x71: {  	_ =	shalt  }
0x72: {  	_ =	shalt  }
0x73: {  	_ =	shalt  }
0x74: {  	_ =	shalt  }
0x75: {  	_ =	shalt  }
0x76: {  	_ =	shalt  }
0x77: {  	_ =	shalt  }
0x78: {  	_ =	shalt  }
0x79: {  	_ =	shalt  }
0x7a: {  	_ =	shalt  }
0x7b: {  	_ =	shalt  }
0x7c: {  	_ =	shalt  }
0x7d: {  	_ =	shalt  }
0x7e: {  	_ =	shalt  }
0x7f: {  	_ =	shalt  }
0x80: {  	_ =	shalt  }
0x81: {  	_ =	shalt  }
0x82: {  	_ =	shalt  }
0x83: {  	_ =	shalt  }
0x84: {  	_ =	shalt  }
0x85: {  	_ =	shalt  }
0x86: {  	_ =	shalt  }
0x87: {  	_ =	shalt  }
.Lfunc_end0:
.L_simem_size_0:
called_computation.3_lowered:
.L_overlay_start_0:
0x88: {  	s2 =	sld [smem:$0x3FD9]  }
0x89: {  	s3 =	sld [smem:$0x3FFE];
	_ =	sdelay $0x1  }
0x8a: {  	s1 =	srdreg.scid  }
0x8b: {  	s0 =	sand.u32 $0x1, s1  }
0x8c: {  	s16 =	sshll.u32 s0, $0xA;
	s2 =	sadd.s32 s3, s2  }
0x8d: {  	s2 =	sadd.s32 s2, s16  }
0x8e: {  	[smem:$0x3FBE] =	sst s2  }
0x8f: {  	_ = 	snop  }
0x90: {  	(tm) =	ssettm $0x1  }
0x91: {  	s17 =	sld [smem:$0x3FFB];
	_ =	sdelay $0x3  }
0x92: {  	_ =	strace s17  }
0x93: {  	s2 =	sld [smem:$0x3FFC];
	_ =	sdelay $0x3  }
0x94: {  	_ =	strace s2  }
0x95: {  	s2 =	sld [smem:$0x3FFD];
	_ =	sdelay $0x3  }
0x96: {  	_ =	strace s2  }
0x97: {  	_ =	strace $0x8FFFFFFF  }
0x98: {  	s18 =	sld [smem:$0x3FDB];
	_ =	sdelay $0x1  }
0x99: {  	s19 =	simm.s32 $_scs_section_size  }
0x9a: {  	s4 =	simm.s32 $_size__tile_overlayer_lowered;
	s5 =	simm.s32 $_tile_overlayer_lowered  }
0x9b: {  	s22 =	simm.s32 $0x1BFF;
	s21 =	sshll.u32 s5, $0x1;
	s2 =	sadd.s32 s19, s18  }
0x9c: {  	s6 =	simm.s32 $0x0;
	s20 =	sshll.u32 s4, $0x1;
	s4 =	sadd.s32 s21, s2  }
0x9d: {  	[timem:s6], [sflag:s22] =	dma.local [hbm:s4], s20  }
0x9e: {  	_ =	swait.ge [sflag:s22], s20  }
0x9f: {  	s3 =	ssub.s32 $0x0, s20;
	[sflag:s22] =	ssyncset.done $0x0  }
0xa0: {  	[sflag:s22] =	ssyncadd.s32 s3;
	_ =	sdelay $0x1  }
0xa1: {  	s23 =	simm.s32 $0x1B8B  }
0xa2: {  	_ =	swait.ge [sflag:s23], $0x1  }
0xa3: {  	[sflag:s23] =	ssyncset.done $0x0  }
0xa4: {  	s25 =	simm.s32 $0x1B8E;
	s24 =	sld [smem:$0x3FFE];
	[sflag:s23] =	ssyncadd.s32 $0xFFFFFFFF  }
0xa5: {  	s26 =	simm.s32 $execute0_lowered;
	[smem:$0x3FD2] =	sst s25  }
0xa6: {  	s4 =	sshll.u32 s26, $0x1;
	_ =	strace $0x8000004F;
	[dreg:$0x1] =	wrdreg $0xFFFFFFFF  }
0xa7: {  	s28 =	simm.s32 $_size_execute0_lowered;
	s2 =	sadd.s32 s2, s4;
	[dreg:$0x0] =	wrdreg $0x0  }
0xa8: {  	s4 =	sshll.u32 s28, $0x1;
	[dreg:$0x2] =	wrdreg s2  }
0xa9: {  	[dreg:$0x3] =	wrdreg s4  }
0xaa: {  	[dreg:$0x4] =	wrdreg $0xC0  }
0xab: {  	_ =	task [dreg:s6], $0x5FFFF  }
0xac: {  	[dreg:$0x1] =	wrdreg $0xFFFFFFFF  }
0xad: {  	[dreg:$0x0] =	wrdreg $0x60  }
0xae: {  	[dreg:$0x2] =	wrdreg s24  }
0xaf: {  	[dreg:$0x3] =	wrdreg $0xA9000  }
0xb0: {  	[dreg:$0x4] =	wrdreg $0x9  }
0xb1: {  	_ =	task.clear_ibuf [dreg:s6], $0x5FFFF;
	_ =	strace $0x9000004F  }
0xb2: {  	s29 =	simm.s32 $0x9;
	_ =	strace $0x80000051  }
0xb3: {  	_ =	swait.ge [sflag:s29], $0x1  }
0xb4: {  	[sflag:s29] =	ssyncadd.s32 $0xFFFFFFFF  }
0xb5: {  	_ =	strace $0x90000051  }
0xb6: {  	_ =	sfence  }
0xb7: {  	s30 =	sld [smem:$0x0];
	_ =	sdelay $0x2  }
0xb8: {  	s31 =	sshll.u32 s1, $0xD;
	s1 =	sshrl.u32 s1, $0x2  }
0xb9: {  	s3 =	sand.u32 $0x4000, s31;
	s1 =	sadd.s32 s1, s30  }
0xba: {  	s0 =	sor.u32 s3, s0;
	s1 =	sshll.u32 s1, $0x11  }
0xbb: {  	s0 =	sor.u32 s1, s0  }
0xbc: {  	s0 =	sadd.s32 $0x8F2B, s0  }
0xbd: {  	[sflag:s0] =	ssyncadd.remote.s32 $0x1  }
0xbe: {  	_ =	sfence.sel $0xFFFF  }
0xbf: {  	[dreg:$0x0] =	wrdreg $0xFFFFFFFF;
	(pc) =	sbr.abs _section_cstart, $3  }
0xc0: {  	[dreg:$0x1] =	wrdreg $0xFFFFFFFF  }
0xc1: {  	_ =	task.clear_ibuf [dreg:s6], $0x2FFFF;
	_ =	strace $0x9FFFFFFF  }
0xc2: {  	(tm) =	ssettm $0x7FFFFFFF  }
0xc3: {  	_ =	shalt  }
tec
execute0_lowered:
.L_overlay_start_1:
0x0: {  	(tag) =	ssettag $0x1  }
0x1: {  	s0 =	srdreg.scid;
	s6 =	rddreg [dreg:$0x0]  }
0x2: {  	s17 =	stileid.u32;
	s2 =	rddreg [dreg:$0x1]  }
0x3: {  	s3 =	simm.s32 $0x0;
	s28 =	simm.s32 $0x3;
	s7 =	smul.u32 $0x14000, s17  }
0x4: {  	s29 =	simm.s32 $0x4;
	s30 =	simm.s32 $0x5;
	s9 =	smul.u32 $0x28, s17  }
0x5: {  	s31 =	simm.s32 $0x6;
	s0 =	sand.u32 $0x1, s0;
	s11 =	smul.u32 $0x78, s17  }
0x6: {  	s1 =	sshll.u32 s17, $0x1;
	[smem:$0x7FF] =	sst s3;
	s13 =	smul.u32 $0x50000, s17  }
0x7: {  	s4 =	sadd.s32 $0x2BE00, s6;
	s25 =	sshll.u32 s17, $0x6;
	s20 =	smul.u32 $0x280000, s17  }
0x8: {  	s1 =	sor.u32 s0, s1;
	s8 =	smul.u32 $0x140000, s0;
	_ =	strace $0x80000050  }
0x9: {  	p0 =	seq.s32 s0, $0x0;
	s23 =	ssub.s32 $0x2, s0;
	s0 =	smul.u32 $0x28000, s0  }
0xa: {  	s5 =	smul.u32 $0x500, s1;
	s22 =	sshrl.u32 s7, $0x3;
	s9 =	sadd.s32 $0x780, s9  }
0xb: {  	s24 =	sshrl.u32 s23, $0x1;
	s15 =	sshrl.u32 s13, $0x2;
	s1 =	smul.u32 $0x28000, s1  }
0xc: {  	s12 =	sadd.s32 s22, s6;
	s7 =	sadd.s32 s7, s8;
	s9 =	smov.u32 @p0 s11  }
0xd: {  	s16 =	ssub.s32 s23, s24;
	s19 =	sadd.s32 s15, s2;
	s23 =	sadd.s32 s13, s4  }
0xe: {  	s10 =	sadd.s32 s5, s6;
	s5 =	sadd.s32 $0x53FC00, s6;
	s7 =	sshrl.u32 s7, $0x3  }
0xf: {  	s11 =	sshll.u32 s9, $0xB;
	s26 =	sadd.s32 $0x3E00, s12;
	s12 =	sor.u32 $0x1C07, s25  }
0x10: {  	s1 =	sadd.s32 s4, s1;
	s15 =	sshll.u32 s9, $0x4;
	s22 =	smax.u32 s16, $0x1  }
0x11: {  	s0 =	sadd.s32 s0, s23;
	s23 =	simm.s32 $0x6800;
	[dreg:$0x4] =	wrdreg s26  }
0x12: {  	s14 =	sadd.s32 s7, s6;
	s6 =	sadd.s32 s11, s6;
	[dreg:$0x5] =	wrdreg s1  }
0x13: {  	s11 =	sadd.s32 $0x535C00, s10;
	s1 =	sadd.s32 $0x800, s1;
	[dreg:$0xb] =	wrdreg s22  }
0x14: {  	s18 =	sadd.s32 s5, s15;
	s16 =	sadd.s32 $0x1800, s0;
	[dreg:$0x6] =	wrdreg s11  }
0x15: {  	s22 =	simm.s32 $0x2800;
	s0 =	simm.s32 $0xA880;
	[dreg:$0x7] =	wrdreg s1  }
0x16: {  	s11 =	simm.s32 $0x78;
	s21 =	sadd.s32 $0x7C9C00, s14;
	[dreg:$0x8] =	wrdreg s18  }
0x17: {  	s7 =	sadd.s32 $0x10, s18;
	s1 =	sadd.s32 s8, s20;
	s18 =	sshll.u32 s9, $0x7  }
0x18: {  	s26 =	sadd.s32 $0x819C00, s6;
	s14 =	sshrl.u32 s19, $0x3;
	[dreg:$0x9] =	wrdreg s21  }
0x19: {  	s6 =	simm.s32 $0x0;
	s11 =	simm.s32 @!p0 $0x28;
	[dreg:$0xa] =	wrdreg s7  }
0x1a: {  	s1 =	sor.u32 $0x8000, s1;
	[dreg:$0xc] =	wrdreg s26;
	s21 =	simm.s32 $0x7  }
0x1b: {  	s26 =	simm.s32 $0x2;
	s24 =	sshll.u32 s11, $0x7;
	s1 =	sshrl.u32 s1, $0x3  }
0x1c: {  	s25 =	sadd.s32 $0xFFFFFF00, s24;
	s17 =	sadd.s32 s1, s4;
	s24 =	simm.s32 $0x1  }
0x1d: {  	s1 =	simm.s32 $0xA800;
	[dreg:$0x3] =	wrdreg s25;
	s25 =	simm.s32 $0x80  }
.LBB2_1:
0x1e: {  	s7 =	rddreg [dreg:$0x4]  }
0x1f: {  	[spmem:s14], [sflag:s12] =	dma.local [hbm:s7], $0x2800  }
0x20: {  	_ =	swait.ge [sflag:s21], $0x2800  }
0x21: {  	[sflag:s21] =	ssyncset.done $0x0  }
0x22: {  	s13 =	rddreg [dreg:$0x6];
	[sflag:s21] =	ssyncadd.s32 $0xFFFFD800  }
0x23: {  	[tilespmem:s3], [sflag:$0x7] =	stream.linear.gather [hbm4b:s13+s3], $0x2800, $0x38;
	[tilespmem:$0x1E900] =	vst v63  }
0x24: {  	_ =	swait.ge [sflag:s21], $0x2800  }
0x25: {  	[sflag:s21] =	ssyncset.done $0x0  }
0x26: {  	[sflag:s21] =	ssyncadd.s32 $0xFFFFD800  }
0x27: {  	[bflag:$0x0] =	sbarrier.arrive $0xFFFF  }
0x28: {  	s15 =	rddreg [dreg:$0x5]  }
0x29: {  	[tilespmem:s22], [sflag:$0x1] =	stream.linear.gather [hbm4b:s15+s3], $0x4000, $0x38;
	[tilespmem:$0x1E900] =	vst v63  }
0x2a: {  	s19 =	rddreg [dreg:$0x7]  }
0x2b: {  	[tilespmem:s23], [sflag:$0x2] =	stream.linear.gather [hbm4b:s19+s3], $0x4000, $0x38;
	[tilespmem:$0x1E900] =	vst v63  }
0x2c: {  	_ =	swait.ge [sflag:s24], $0x4000  }
0x2d: {  	[sflag:s24] =	ssyncset.done $0x0  }
0x2e: {  	s9 =	simm.s32 $0x0;
	[sflag:s24] =	ssyncadd.s32 $0xFFFFC000  }
0x2f: {  	[spmem:s2] =	stream.indirect.scatter.add.f32 [tilespmem:s22], [sflag:$0x3], $0x80, s9, s25, $0xb8;
	[tilespmem:$0x1E900] =	vst v63  }
0x30: {  	_ =	swait.ge [sflag:s26], $0x4000  }
0x31: {  	[sflag:s26] =	ssyncset.done $0x0  }
0x32: {  	[sflag:s26] =	ssyncadd.s32 $0xFFFFC000  }
0x33: {  	[spmem:s2] =	stream.indirect.scatter.add.f32 [tilespmem:s23], [sflag:$0x4], $0x80, s25, s25, $0xb8;
	[tilespmem:$0x1E900] =	vst v63  }
0x34: {  	_ =	swait.ge [sflag:s28], $0x4000  }
0x35: {  	[sflag:s28] =	ssyncset.done $0x0  }
0x36: {  	s20 =	sadd.s32 $0x0, s17;
	[sflag:s28] =	ssyncadd.s32 $0xFFFFC000  }
0x37: {  	[tilespmem:s22], [sflag:$0x1] =	stream.linear.gather [hbm4b:s20+s3], $0x4000, $0x38;
	[tilespmem:$0x1E900] =	vst v63  }
0x38: {  	_ =	swait.ge [sflag:s29], $0x4000  }
0x39: {  	s10 =	simm.s32 $0x180;
	[sflag:s29] =	ssyncset.done $0x0  }
0x3a: {  	s13 =	sadd.s32 $0x0, s16;
	s9 =	simm.s32 $0x1000;
	[sflag:s29] =	ssyncadd.s32 $0xFFFFC000  }
.LBB2_2:
0x3b: {  	[tilespmem:s23], [sflag:$0x2] =	stream.linear.gather [hbm4b:s13+s3], $0x4000, $0x38;
	[tilespmem:$0x1E900] =	vst v63  }
0x3c: {  	s13 =	smov.u32 s9  }
0x3d: {  	p0 =	sne.s32 s9, $0x26000;
	s9 =	sadd.s32 $0x1000, s9;
	_ =	swait.ge [sflag:s24], $0x4000  }
0x3e: {  	[sflag:s24] =	ssyncset.done $0x0  }
0x3f: {  	s19 =	sadd.s32 $0xFFFFFF80, s10;
	[sflag:s24] =	ssyncadd.s32 $0xFFFFC000  }
0x40: {  	[spmem:s2] =	stream.indirect.scatter.add.f32 [tilespmem:s22], [sflag:$0x3], $0x80, s19, s25, $0xb8;
	[tilespmem:$0x1E900] =	vst v63  }
0x41: {  	_ =	swait.ge [sflag:s26], $0x4000  }
0x42: {  	[sflag:s26] =	ssyncset.done $0x0  }
0x43: {  	[sflag:s26] =	ssyncadd.s32 $0xFFFFC000  }
0x44: {  	[spmem:s2] =	stream.indirect.scatter.add.f32 [tilespmem:s23], [sflag:$0x4], $0x80, s10, s25, $0xb8;
	[tilespmem:$0x1E900] =	vst v63  }
0x45: {  	_ =	swait.ge [sflag:s28], $0x4000  }
0x46: {  	[sflag:s28] =	ssyncset.done $0x0  }
.Ltmp0:
0x47: {  	s19 =	sadd.s32 s13, s17;
	[sflag:s28] =	ssyncadd.s32 $0xFFFFC000;
	(pc) =	sbr.rel @p0 .LBB2_2-.Ltmp0, $4  }
0x48: {  	[tilespmem:s22], [sflag:$0x1] =	stream.linear.gather [hbm4b:s19+s3], $0x4000, $0x38;
	[tilespmem:$0x1E900] =	vst v63  }
0x49: {  	_ =	swait.ge [sflag:s29], $0x4000  }
0x4a: {  	[sflag:s29] =	ssyncset.done $0x0  }
0x4b: {  	s13 =	sadd.s32 s13, s16;
	s10 =	sadd.s32 $0x100, s10;
	[sflag:s29] =	ssyncadd.s32 $0xFFFFC000  }
0x4c: {  	[tilespmem:s23], [sflag:$0x2] =	stream.linear.gather [hbm4b:s13+s3], $0x4000, $0x38;
	[tilespmem:$0x1E900] =	vst v63  }
0x4d: {  	_ =	swait.ge [sflag:s24], $0x4000  }
0x4e: {  	[sflag:s24] =	ssyncset.done $0x0  }
0x4f: {  	s7 =	simm.s32 $0x2700;
	[sflag:s24] =	ssyncadd.s32 $0xFFFFC000  }
0x50: {  	[spmem:s2] =	stream.indirect.scatter.add.f32 [tilespmem:s22], [sflag:$0x3], $0x80, s7, s25, $0xb8;
	[tilespmem:$0x1E900] =	vst v63  }
0x51: {  	_ =	swait.ge [sflag:s26], $0x4000  }
0x52: {  	[sflag:s26] =	ssyncset.done $0x0  }
0x53: {  	s10 =	simm.s32 $0x2780;
	s9 =	simm.s32 $0x3;
	[sflag:s26] =	ssyncadd.s32 $0xFFFFC000  }
0x54: {  	[spmem:s2] =	stream.indirect.scatter.add.f32 [tilespmem:s23], [sflag:$0x4], $0x80, s10, s25, $0xb8;
	[tilespmem:$0x1E900] =	vst v63  }
0x55: {  	_ =	swait.ge [sflag:s9], $0x4000  }
0x56: {  	[sflag:s9] =	ssyncset.done $0x0  }
0x57: {  	[sflag:s9] =	ssyncadd.s32 $0xFFFFC000  }
0x58: {  	_ =	swait.ge [sflag:s29], $0x4000  }
0x59: {  	[sflag:s29] =	ssyncset.done $0x0  }
0x5a: {  	[sflag:s29] =	ssyncadd.s32 $0xFFFFC000  }
0x5b: {  	[bflag:$0x0] =	sbarrier.arrive $0xFFFF  }
0x5c: {  	s13 =	rddreg [dreg:$0x9]  }
0x5d: {  	[hbm:s13], [sflag:s12] =	dma.local [spmem:s14], $0x2800  }
0x5e: {  	_ =	swait.ge [sflag:s21], $0x2800  }
0x5f: {  	[sflag:s21] =	ssyncset.done $0x0  }
0x60: {  	s10 =	simm.s32 $0x0;
	s15 =	rddreg [dreg:$0x8];
	[sflag:s21] =	ssyncadd.s32 $0xFFFFD800  }
0x61: {  	[tilespmem:s1], [sflag:$0x5] =	stream.linear.gather [hbm4b:s15+s10], $0x80, $0x38;
	[tilespmem:$0x1E900] =	vst v63  }
0x62: {  	s19 =	rddreg [dreg:$0xa]  }
0x63: {  	[tilespmem:s0], [sflag:$0x6] =	stream.linear.gather [hbm4b:s19+s10], $0x80, $0x38;
	[tilespmem:$0x1E900] =	vst v63  }
0x64: {  	s19 =	rddreg [dreg:$0xc]  }
0x65: {  	s20 =	smov.u32 s12;
	s8 =	smov.u32 s14;
	s13 =	smov.u32 s19  }
.LBB2_4:
0x66: {  	_ =	swait.ge [sflag:s30], $0x80  }
0x67: {  	[sflag:s30] =	ssyncset.done $0x0  }
0x68: {  	[sflag:s30] =	ssyncadd.s32 $0xFFFFFF80  }
0x69: {  	[tilespmem:s22], [sflag:$0x1] =	stream.indirect.gather [hbm4b:s4+s25], $0x80, s1, s25, $0xb8;
	[tilespmem:$0x1E900] =	vst v63  }
0x6a: {  	_ =	swait.ge [sflag:s31], $0x80  }
0x6b: {  	s14 =	sadd.s32 $0xFFFFFFFF, s9;
	[sflag:s31] =	ssyncset.done $0x0  }
0x6c: {  	p0 =	sge.u32 s14, s11;
	[sflag:s31] =	ssyncadd.s32 $0xFFFFFF80  }
0x6d: {  	[tilespmem:s23], [sflag:$0x2] =	stream.indirect.gather [hbm4b:s4+s25], $0x80, s0, s25, $0xb8;
	[tilespmem:$0x1E900] =	vst v63  }
0x6e: {  	s14 =	sadd.s32 @!p0 $0x100, s10;
	_ =	swait.ge [sflag:s24], $0x4000  }
0x6f: {  	s15 =	sadd.s32 @!p0 s18, s14;
	[sflag:s24] =	ssyncset.done $0x0  }
0x70: {  	s14 =	sand.u32 @!p0 $0x300, s14;
	s15 =	sand.u32 @!p0 $0x7FFFFC00, s15;
	[sflag:s24] =	ssyncadd.s32 $0xFFFFC000  }
0x71: {  	[hbm4b:s13+s3] =	stream.linear.scatter [tilespmem:s22], [sflag:$0x7], $0x4000, $0x38;
	[tilespmem:$0x1E900] =	vst v63  }
0x72: {  	s14 =	sor.u32 @!p0 s14, s15;
	_ =	swait.ge [sflag:s21], $0x4000  }
0x73: {  	s12 =	simm.s32 @!p0 $0xA800;
	s14 =	sshrl.u32 @!p0 s14, $0x3;
	[sflag:s21] =	ssyncset.done $0x0  }
0x74: {  	s15 =	simm.s32 @!p0 $0x0;
	s14 =	sadd.s32 @!p0 s5, s14;
	[sflag:s21] =	ssyncadd.s32 $0xFFFFC000  }
0x75: {  	[tilespmem:s12], [sflag:$0x5] =	stream.linear.gather @!p0 [hbm4b:s14+s15], $0x80, $0x38;
	[tilespmem:$0x1E900] =	vst v63  }
0x76: {  	p0 =	sge.u32 s9, s11  }
0x77: {  	s15 =	sadd.s32 $0x800, s19;
	_ =	swait.ge [sflag:s26], $0x4000;
	s12 =	sadd.s32 @!p0 $0x180, s10  }
0x78: {  	s10 =	sadd.s32 $0x100, s10;
	[sflag:s26] =	ssyncset.done $0x0;
	s14 =	sadd.s32 @!p0 s18, s12  }
0x79: {  	s12 =	sand.u32 @!p0 $0x380, s12;
	[sflag:s26] =	ssyncadd.s32 $0xFFFFC000;
	s14 =	sand.u32 @!p0 $0x7FFFFC00, s14  }
0x7a: {  	[hbm4b:s15+s3] =	stream.linear.scatter [tilespmem:s23], [sflag:$0x7], $0x4000, $0x38;
	[tilespmem:$0x1E900] =	vst v63  }
0x7b: {  	s12 =	sor.u32 @!p0 s12, s14;
	s14 =	simm.s32 @!p0 $0x0;
	_ =	swait.ge [sflag:s21], $0x4000  }
0x7c: {  	s15 =	simm.s32 @!p0 $0xA880;
	s12 =	sshrl.u32 @!p0 s12, $0x3;
	[sflag:s21] =	ssyncset.done $0x0  }
0x7d: {  	s12 =	sadd.s32 @!p0 s5, s12;
	s7 =	rddreg [dreg:$0x3];
	[sflag:s21] =	ssyncadd.s32 $0xFFFFC000  }
0x7e: {  	[tilespmem:s15], [sflag:$0x6] =	stream.linear.gather @!p0 [hbm4b:s12+s14], $0x80, $0x38;
	[tilespmem:$0x1E900] =	vst v63  }
0x7f: {  	p0 =	sne.s32 s7, s10  }
.Ltmp1:
0x80: {  	_ = 	snop;
	(pc) =	sbr.rel @p0 .LBB2_4-.Ltmp1, $2  }
0x81: {  	_ =	sdelay $0x2  }
0x82: {  	s13 =	sadd.s32 $0x1000, s13;
	s9 =	sadd.s32 $0x2, s9;
	s19 =	sadd.s32 $0x1000, s19  }
0x83: {  	_ =	swait.ge [sflag:s30], $0x80  }
0x84: {  	[sflag:s30] =	ssyncset.done $0x0  }
0x85: {  	[sflag:s30] =	ssyncadd.s32 $0xFFFFFF80  }
0x86: {  	[tilespmem:s22], [sflag:$0x1] =	stream.indirect.gather [hbm4b:s4+s25], $0x80, s1, s25, $0xb8;
	[tilespmem:$0x1E900] =	vst v63  }
0x87: {  	_ =	swait.ge [sflag:s31], $0x80  }
0x88: {  	s7 =	sadd.s32 $0xFFFFFFFF, s9;
	[sflag:s31] =	ssyncset.done $0x0  }
0x89: {  	p0 =	sge.u32 s7, s11;
	[sflag:s31] =	ssyncadd.s32 $0xFFFFFF80  }
0x8a: {  	[tilespmem:s23], [sflag:$0x2] =	stream.indirect.gather [hbm4b:s4+s25], $0x80, s0, s25, $0xb8;
	[tilespmem:$0x1E900] =	vst v63  }
0x8b: {  	s7 =	sadd.s32 @!p0 $0x100, s10;
	_ =	swait.ge [sflag:s24], $0x4000  }
0x8c: {  	s12 =	sadd.s32 @!p0 s18, s7;
	[sflag:s24] =	ssyncset.done $0x0  }
0x8d: {  	s7 =	sand.u32 @!p0 $0x300, s7;
	s12 =	sand.u32 @!p0 $0x7FFFFC00, s12;
	[sflag:s24] =	ssyncadd.s32 $0xFFFFC000  }
0x8e: {  	[hbm4b:s19+s3] =	stream.linear.scatter [tilespmem:s22], [sflag:$0x7], $0x4000, $0x38;
	[tilespmem:$0x1E900] =	vst v63  }
0x8f: {  	s7 =	sor.u32 @!p0 s7, s12;
	_ =	swait.ge [sflag:s21], $0x4000  }
0x90: {  	s13 =	simm.s32 @!p0 $0xA800;
	s7 =	sshrl.u32 @!p0 s7, $0x3;
	[sflag:s21] =	ssyncset.done $0x0  }
0x91: {  	s12 =	simm.s32 @!p0 $0x0;
	s7 =	sadd.s32 @!p0 s5, s7;
	[sflag:s21] =	ssyncadd.s32 $0xFFFFC000  }
0x92: {  	[tilespmem:s13], [sflag:$0x5] =	stream.linear.gather @!p0 [hbm4b:s7+s12], $0x80, $0x38;
	[tilespmem:$0x1E900] =	vst v63  }
0x93: {  	p0 =	sge.u32 s9, s11  }
0x94: {  	s15 =	sadd.s32 $0x800, s19;
	_ =	swait.ge [sflag:s26], $0x4000;
	s7 =	sadd.s32 @!p0 $0x180, s10  }
0x95: {  	s6 =	sadd.s32 $0x1, s6;
	[sflag:s26] =	ssyncset.done $0x0;
	s9 =	sadd.s32 @!p0 s18, s7  }
0x96: {  	s7 =	sand.u32 @!p0 $0x380, s7;
	[sflag:s26] =	ssyncadd.s32 $0xFFFFC000;
	s9 =	sand.u32 @!p0 $0x7FFFFC00, s9  }
0x97: {  	[hbm4b:s15+s3] =	stream.linear.scatter [tilespmem:s23], [sflag:$0x7], $0x4000, $0x38;
	[tilespmem:$0x1E900] =	vst v63  }
0x98: {  	s10 =	simm.s32 @!p0 $0xA880;
	s7 =	sor.u32 @!p0 s7, s9;
	_ =	swait.ge [sflag:s21], $0x4000  }
0x99: {  	s9 =	simm.s32 @!p0 $0x0;
	s7 =	sshrl.u32 @!p0 s7, $0x3;
	[sflag:s21] =	ssyncset.done $0x0  }
0x9a: {  	s7 =	sadd.s32 @!p0 s5, s7;
	s19 =	rddreg [dreg:$0xb];
	[sflag:s21] =	ssyncadd.s32 $0xFFFFC000  }
0x9b: {  	[tilespmem:s10], [sflag:$0x6] =	stream.linear.gather @!p0 [hbm4b:s7+s9], $0x80, $0x38;
	[tilespmem:$0x1E900] =	vst v63  }
0x9c: {  	p0 =	sne.s32 s6, s19  }
.Ltmp2:
0x9d: {  	_ = 	snop;
	(pc) =	sbr.rel @p0 .LBB2_1-.Ltmp2, $2  }
0x9e: {  	_ =	sdelay $0x2  }
0x9f: {  	s14 =	smov.u32 s8;
	s12 =	smov.u32 s20  }
0xa0: {  	_ =	sfence.sel $0x180000  }
0xa1: {  	[bflag:$0x0] =	sbarrier.arrive $0xFFFF  }
0xa2: {  	_ =	strace $0x90000050  }
0xa3: {  	s0 =	stileid.u32;
	[bflag:$0x2] =	sbarrier.arrive $0xFFFF  }
0xa4: {  	p0 =	sne.s32 s0, $0x0;
	s0 =	rddreg [dreg:$0x2]  }
0xa5: {  	s0 =	sadd.s32 @!p0 $0x100000, s0  }
0xa6: {  	[sflag:s0] =	ssyncadd.tile.s32 @!p0 $0x1;
	_ =	shalt  }
.Lfunc_end2:
_tile_overlayer_lowered:
.L_overlay_start_2:
0xa7: {  	(tag) =	ssettag $0x2  }
0xa8: {  	s0 =	rddreg [dreg:$0x0];
	s2 =	stileid.u32  }
0xa9: {  	s1 =	rddreg [dreg:$0x1];
	p0 =	sne.s32 s2, $0x0  }
0xaa: {  	s3 =	rddreg [dreg:$0x2];
	[bflag:$0x3] =	sbarrier.arrive $0xFFFF;
	s2 =	simm.s32 @!p0 $0x1C07  }
0xab: {  	[timem:s3], [sflag:s2] =	dma.local @!p0 [hbm:s0], s1  }
0xac: {  	s0 =	simm.s32 @!p0 $0x7  }
0xad: {  	_ =	swait.ge @!p0 [sflag:s0], s1  }
0xae: {  	s1 =	ssub.s32 @!p0 $0x0, s1;
	[sflag:s0] =	ssyncset.done @!p0 $0x0  }
0xaf: {  	[sflag:s0] =	ssyncadd.s32 @!p0 s1  }
0xb0: {  	[bflag:$0x3] =	sbarrier.arrive $0xFFFF  }
0xb1: {  	_ =	shalt  }

// kernel: kernel.27.cloned.1.call-start
scs
__scs_entry_jumppad:
0x0: {  	(pc) =	sbr.rel $0x88, $3  }
0x1: {  	(tag) =	ssettag $0x0;
	lr =	simm.s32 $0x1  }
0x2: {  	[smem:$0x3F97] =	sst lr;
	_ =	strace $0xD0000000  }
0x3: {  	_ = 	snop  }
0x4: {  	_ = 	snop  }
0x5: {  	_ = 	snop  }
0x6: {  	_ = 	snop  }
0x7: {  	_ = 	snop  }
__scs_overlays_trampoline_lowered:
0x8: {  	[smem:$0x3FA6] =	sst s0  }
0x9: {  	[smem:$0x3FA7] =	sst s1  }
0xa: {  	[smem:$0x3FA8] =	sst s2  }
0xb: {  	[smem:$0x3FA9] =	sst s3  }
0xc: {  	[smem:$0x3FAA] =	sst s4  }
0xd: {  	[smem:$0x3FAB] =	sst s5  }
0xe: {  	[smem:$0x3FAC] =	sst s6  }
0xf: {  	[smem:$0x3FAD] =	sst s7  }
0x10: {  	[smem:$0x3FAE] =	sst s8  }
0x11: {  	[smem:$0x3FAF] =	sst s9;
	s0 =	simm.s32 @!p0 $0x0  }
0x12: {  	s1 =	sld [smem:$0x3F95];
	s0 =	simm.s32 @p0 $0x1  }
0x13: {  	[smem:$0x3FB0] =	sst s0;
	s0 =	simm.s32 @!p1 $0x0  }
0x14: {  	s2 =	sld [smem:$0x3F94];
	s0 =	simm.s32 @p1 $0x1  }
0x15: {  	[smem:$0x3FB1] =	sst s0;
	s0 =	simm.s32 @!p2 $0x0  }
0x16: {  	s3 =	sld [smem:$0x3FDB];
	s0 =	simm.s32 @p2 $0x1  }
0x17: {  	s4 =	simm.s32 $0x1BF5;
	[smem:$0x3FB3] =	sst s0  }
0x18: {  	s0 =	sld [smem:$0x3F96];
	_ =	swait.ge [sflag:s4], $0x0  }
0x19: {  	s7 =	sld [smem:$0x3F97]  }
0x1a: {  	s8 =	sadd.s32 $0xFFFFE003, lr  }
0x1b: {  	s9 =	sadd.s32 $0xFFFFFEF7, lr;
	s5 =	simm.s32 $0xFFFFFFFF;
	p2 =	slt.u32 s8, $0xFFFFF086  }
0x1c: {  	p1 =	slt.u32 s9, $0xF7A;
	s5 =	simm.s32 @!p2 $0x0  }
0x1d: {  	s5 =	simm.s32 @p1 $0x1;
	p0 =	seq.s32 s7, s2  }
0x1e: {  	s7 =	smul.u32 @!p0 $0xF7A, s2;
	p2 =	seq.s32 @!p0 s5, $0x0  }
0x1f: {  	s9 =	smul.u32 $0xF7A, s1;
	s8 =	simm.s32 @!p0 $0x1BF5;
	p2 =	por !p2, p0  }
0x20: {  	[sflag:s8] =	ssyncset.s32 @!p0 $0xFFFFF086;
	s6 =	sadd.s32 @!p0 s3, s7;
	s7 =	simm.s32 @!p0 $0x108  }
0x21: {  	s3 =	sadd.s32 s3, s9;
	s6 =	sadd.s32 @!p0 $0x88, s6;
	s7 =	simm.s32 @p2 $0x1082  }
0x22: {  	[simem:s7], [sflag:s8] =	dma.local @!p0 [hbm:s6], $0xF7A  }
0x23: {  	s9 =	sor.u32 $0xD0000000, s2;
	s6 =	simm.s32 $0x108;
	_ =	swait.ge @!p0 [sflag:s8], $0x0  }
0x24: {  	s3 =	sadd.s32 $0x88, s3;
	s6 =	simm.s32 @!p1 $0x1082;
	[sflag:s4] =	ssyncset.s32 $0xFFFFF086  }
0x25: {  	[simem:s6], [sflag:s4] =	dma.local [hbm:s3], $0xF7A  }
0x26: {  	[smem:$0x3F97] =	sst s1;
	(tag) =	ssettag s2;
	_ =	strace s9  }
0x27: {  	s1 =	sld [smem:$0x3FA7]  }
0x28: {  	s2 =	sld [smem:$0x3FA8]  }
0x29: {  	s4 =	sld [smem:$0x3FAA]  }
0x2a: {  	p0 =	seq.s32 s5, $0x0;
	s5 =	sld [smem:$0x3FAB]  }
0x2b: {  	s6 =	sld [smem:$0x3FAC]  }
0x2c: {  	s7 =	sld [smem:$0x3FAD]  }
0x2d: {  	s3 =	simm.s32 $0x108;
	s8 =	sld [smem:$0x3FAE]  }
0x2e: {  	s3 =	simm.s32 @!p0 $0x1082;
	s9 =	sld [smem:$0x3FAF]  }
0x2f: {  	lr =	sadd.s32 s0, s3;
	s0 =	sld [smem:$0x3FA6]  }
0x30: {  	s3 =	sld [smem:$0x3FA9]  }
0x31: {  	[smem:$0x3FB2] =	sst s10  }
0x32: {  	s10 =	sld [smem:$0x3FB0];
	_ =	sdelay $0x3  }
0x33: {  	p0 =	seq.s32 s10, $0x1;
	s10 =	sld [smem:$0x3FB2];
	_ =	sdelay $0x3  }
0x34: {  	[smem:$0x3FB2] =	sst s10  }
0x35: {  	s10 =	sld [smem:$0x3FB1];
	_ =	sdelay $0x3  }
0x36: {  	p1 =	seq.s32 s10, $0x1;
	s10 =	sld [smem:$0x3FB2];
	_ =	sdelay $0x3  }
0x37: {  	[smem:$0x3FB2] =	sst s10  }
0x38: {  	s10 =	sld [smem:$0x3FB3]  }
0x39: {  	_ = 	snop;
	(pc) =	sbr.ind lr, $3  }
0x3a: {  	_ = 	snop  }
0x3b: {  	_ = 	snop  }
0x3c: {  	p2 =	seq.s32 s10, $0x1;
	s10 =	sld [smem:$0x3FB2]  }
0x3d: {  	_ =	shalt  }
0x3e: {  	_ =	shalt  }
0x3f: {  	_ =	shalt  }
0x40: {  	_ =	shalt  }
0x41: {  	_ =	shalt  }
0x42: {  	_ =	shalt  }
0x43: {  	_ =	shalt  }
0x44: {  	_ =	shalt  }
0x45: {  	_ =	shalt  }
0x46: {  	_ =	shalt  }
0x47: {  	_ =	shalt  }
0x48: {  	_ =	shalt  }
0x49: {  	_ =	shalt  }
0x4a: {  	_ =	shalt  }
0x4b: {  	_ =	shalt  }
0x4c: {  	_ =	shalt  }
0x4d: {  	_ =	shalt  }
0x4e: {  	_ =	shalt  }
0x4f: {  	_ =	shalt  }
0x50: {  	_ =	shalt  }
0x51: {  	_ =	shalt  }
0x52: {  	_ =	shalt  }
0x53: {  	_ =	shalt  }
0x54: {  	_ =	shalt  }
0x55: {  	_ =	shalt  }
0x56: {  	_ =	shalt  }
0x57: {  	_ =	shalt  }
0x58: {  	_ =	shalt  }
0x59: {  	_ =	shalt  }
0x5a: {  	_ =	shalt  }
0x5b: {  	_ =	shalt  }
0x5c: {  	_ =	shalt  }
0x5d: {  	_ =	shalt  }
0x5e: {  	_ =	shalt  }
0x5f: {  	_ =	shalt  }
0x60: {  	_ =	shalt  }
0x61: {  	_ =	shalt  }
0x62: {  	_ =	shalt  }
0x63: {  	_ =	shalt  }
0x64: {  	_ =	shalt  }
0x65: {  	_ =	shalt  }
0x66: {  	_ =	shalt  }
0x67: {  	_ =	shalt  }
0x68: {  	_ =	shalt  }
0x69: {  	_ =	shalt  }
0x6a: {  	_ =	shalt  }
0x6b: {  	_ =	shalt  }
0x6c: {  	_ =	shalt  }
0x6d: {  	_ =	shalt  }
0x6e: {  	_ =	shalt  }
0x6f: {  	_ =	shalt  }
0x70: {  	_ =	shalt  }
0x71: {  	_ =	shalt  }
0x72: {  	_ =	shalt  }
0x73: {  	_ =	shalt  }
0x74: {  	_ =	shalt  }
0x75: {  	_ =	shalt  }
0x76: {  	_ =	shalt  }
0x77: {  	_ =	shalt  }
0x78: {  	_ =	shalt  }
0x79: {  	_ =	shalt  }
0x7a: {  	_ =	shalt  }
0x7b: {  	_ =	shalt  }
0x7c: {  	_ =	shalt  }
0x7d: {  	_ =	shalt  }
0x7e: {  	_ =	shalt  }
0x7f: {  	_ =	shalt  }
0x80: {  	_ =	shalt  }
0x81: {  	_ =	shalt  }
0x82: {  	_ =	shalt  }
0x83: {  	_ =	shalt  }
0x84: {  	_ =	shalt  }
0x85: {  	_ =	shalt  }
0x86: {  	_ =	shalt  }
0x87: {  	_ =	shalt  }
.Lfunc_end0:
.L_simem_size_0:
called_computation.4_lowered:
.L_overlay_start_0:
0x88: {  	s2 =	sld [smem:$0x3FD9]  }
0x89: {  	s3 =	sld [smem:$0x3FFE];
	_ =	sdelay $0x1  }
0x8a: {  	s1 =	srdreg.scid  }
0x8b: {  	s0 =	sand.u32 $0x1, s1  }
0x8c: {  	s17 =	sshll.u32 s0, $0xA;
	s2 =	sadd.s32 s3, s2  }
0x8d: {  	s2 =	sadd.s32 s2, s17  }
0x8e: {  	[smem:$0x3FBE] =	sst s2  }
0x8f: {  	_ = 	snop  }
0x90: {  	s2 =	sld [smem:$0x3FD0];
	(tm) =	ssettm $0x1  }
0x91: {  	s18 =	sld [smem:$0x3FFB];
	_ =	sdelay $0x3  }
0x92: {  	_ =	strace s18  }
0x93: {  	s3 =	sld [smem:$0x3FFC];
	_ =	sdelay $0x3  }
0x94: {  	_ =	strace s3  }
0x95: {  	s3 =	sld [smem:$0x3FFD];
	_ =	sdelay $0x3  }
0x96: {  	_ =	strace s3  }
0x97: {  	_ =	strace $0x8FFFFFFF  }
0x98: {  	s19 =	sld [smem:$0x3FDB];
	_ =	sdelay $0x1  }
0x99: {  	s4 =	simm.s32 $_scs_section_size  }
0x9a: {  	s5 =	simm.s32 $_size__tile_overlayer_lowered;
	s6 =	simm.s32 $_tile_overlayer_lowered  }
0x9b: {  	s22 =	simm.s32 $0x1BFF;
	s21 =	sshll.u32 s6, $0x1;
	s3 =	sadd.s32 s4, s19  }
0x9c: {  	s7 =	simm.s32 $0x0;
	s20 =	sshll.u32 s5, $0x1;
	s5 =	sadd.s32 s21, s3  }
0x9d: {  	[timem:s7], [sflag:s22] =	dma.local [hbm:s5], s20  }
0x9e: {  	_ =	swait.ge [sflag:s22], s20  }
0x9f: {  	s4 =	ssub.s32 $0x0, s20;
	[sflag:s22] =	ssyncset.done $0x0  }
0xa0: {  	[sflag:s22] =	ssyncadd.s32 s4;
	_ =	sdelay $0x1  }
0xa1: {  	s23 =	simm.s32 $0x1B8B  }
0xa2: {  	_ =	swait.ge [sflag:s23], $0x1  }
0xa3: {  	[sflag:s23] =	ssyncset.done $0x0  }
0xa4: {  	s25 =	simm.s32 $0x1B8E;
	s24 =	sld [smem:$0x3FFE];
	[sflag:s23] =	ssyncadd.s32 $0xFFFFFFFF  }
0xa5: {  	s26 =	simm.s32 $execute0_lowered;
	[smem:$0x3FD2] =	sst s25  }
0xa6: {  	s5 =	sshll.u32 s26, $0x1;
	_ =	strace $0x80000052;
	[dreg:$0x1] =	wrdreg $0xFFFFFFFF  }
0xa7: {  	s28 =	simm.s32 $_size_execute0_lowered;
	s3 =	sadd.s32 s3, s5;
	[dreg:$0x0] =	wrdreg $0x0  }
0xa8: {  	s5 =	sshll.u32 s28, $0x1;
	[dreg:$0x2] =	wrdreg s3  }
0xa9: {  	[dreg:$0x3] =	wrdreg s5  }
0xaa: {  	[dreg:$0x4] =	wrdreg $0xC0  }
0xab: {  	_ =	task [dreg:s7], $0x5FFFF  }
0xac: {  	[dreg:$0x1] =	wrdreg $0xFFFFFFFF  }
0xad: {  	[dreg:$0x0] =	wrdreg $0x60  }
0xae: {  	[dreg:$0x2] =	wrdreg s24  }
0xaf: {  	[dreg:$0x3] =	wrdreg s2  }
0xb0: {  	[dreg:$0x4] =	wrdreg $0xA8000  }
0xb1: {  	[dreg:$0x5] =	wrdreg $0x9  }
0xb2: {  	_ =	task.clear_ibuf [dreg:s7], $0x6FFFF;
	_ =	strace $0x90000052  }
0xb3: {  	s29 =	simm.s32 $0x9;
	_ =	strace $0x80000054  }
0xb4: {  	_ =	swait.ge [sflag:s29], $0x1  }
0xb5: {  	[sflag:s29] =	ssyncadd.s32 $0xFFFFFFFF  }
0xb6: {  	_ =	strace $0x90000054  }
0xb7: {  	_ =	sfence  }
0xb8: {  	s30 =	sld [smem:$0x0];
	_ =	sdelay $0x2  }
0xb9: {  	s31 =	sshll.u32 s1, $0xD;
	s1 =	sshrl.u32 s1, $0x2  }
0xba: {  	s3 =	sand.u32 $0x4000, s31;
	s1 =	sadd.s32 s1, s30  }
0xbb: {  	s0 =	sor.u32 s3, s0;
	s1 =	sshll.u32 s1, $0x11  }
0xbc: {  	s0 =	sor.u32 s1, s0  }
0xbd: {  	s0 =	sadd.s32 $0x8F2B, s0  }
0xbe: {  	[sflag:s0] =	ssyncadd.remote.s32 $0x1  }
0xbf: {  	_ =	sfence.sel $0xFFFF  }
0xc0: {  	[dreg:$0x0] =	wrdreg $0xFFFFFFFF;
	(pc) =	sbr.abs _section_cstart, $3  }
0xc1: {  	[dreg:$0x1] =	wrdreg $0xFFFFFFFF  }
0xc2: {  	_ =	task.clear_ibuf [dreg:s7], $0x2FFFF;
	_ =	strace $0x9FFFFFFF  }
0xc3: {  	(tm) =	ssettm $0x7FFFFFFF  }
tec
execute0_lowered:
.L_overlay_start_1:
0x0: {  	(tag) =	ssettag $0x1  }
0x1: {  	s4 =	rddreg [dreg:$0x0]  }
0x2: {  	s6 =	rddreg [dreg:$0x1]  }
0x3: {  	s2 =	rddreg [dreg:$0x2]  }
0x4: {  	s0 =	rddreg [dreg:$0x3];
	s3 =	simm.s32 $0x0;
	s1 =	stileid.u32  }
0x5: {  	s7 =	srdreg.scid;
	s17 =	simm.s32 $0x1;
	s5 =	smul.u32 $0x2800, s1  }
0x6: {  	s18 =	simm.s32 $0x2;
	s19 =	simm.s32 $0x0;
	s9 =	smul.u32 $0x50000, s1  }
0x7: {  	[smem:$0x7FF] =	sst s3;
	s7 =	sand.u32 $0x1, s7;
	s26 =	smul.u32 $0x280000, s1  }
0x8: {  	s8 =	sshll.u32 s1, $0x1;
	s11 =	sadd.s32 $0x2BE00, s4;
	s16 =	smul.u32 $0x28000, s7  }
0x9: {  	s24 =	sshll.u32 s1, $0x6;
	s8 =	sor.u32 s7, s8;
	s28 =	smul.u32 $0x140000, s7  }
0xa: {  	_ =	strace $0x80000053;
	s23 =	ssub.s32 $0x2, s7;
	s10 =	smul.u32 $0x500, s8  }
0xb: {  	s5 =	sadd.s32 s5, s4;
	s12 =	sshrl.u32 s23, $0x1;
	s14 =	smul.u32 $0x140000, s8  }
0xc: {  	s13 =	sshrl.u32 s9, $0x2;
	s15 =	smul.u32 $0x28000, s8;
	s9 =	sadd.s32 s9, s11  }
0xd: {  	s12 =	ssub.s32 s23, s12;
	s13 =	sadd.s32 s13, s2;
	s4 =	sadd.s32 $0x7C9C00, s5  }
0xe: {  	s5 =	sor.u32 $0x1C03, s24;
	s30 =	sadd.s32 s16, s9;
	s16 =	simm.s32 $0x6800  }
0xf: {  	s25 =	sshrl.u32 s14, $0x3;
	s6 =	sadd.s32 s6, s10;
	s7 =	smax.u32 s12, $0x1  }
0x10: {  	s29 =	sadd.s32 s15, s11;
	s14 =	sadd.s32 s28, s26;
	s10 =	sadd.s32 $0x800, s30  }
0x11: {  	s12 =	sshrl.u32 s13, $0x3;
	s13 =	simm.s32 $0x3;
	s15 =	simm.s32 $0x2800  }
0x12: {  	s8 =	sadd.s32 s11, s25;
	s9 =	sadd.s32 $0x27800, s29;
	s31 =	sshrl.u32 s14, $0x3  }
0x13: {  	s14 =	simm.s32 $0x80;
	s8 =	sadd.s32 $0x27000, s8;
	s11 =	sadd.s32 s31, s11  }
.LBB2_1:
0x14: {  	[spmem:s12], [sflag:s5] =	dma.local [hbm:s4], $0x2800  }
0x15: {  	_ =	swait.ge [sflag:s13], $0x2800  }
0x16: {  	[sflag:s13] =	ssyncset.done $0x0  }
0x17: {  	[sflag:s13] =	ssyncadd.s32 $0xFFFFD800  }
0x18: {  	[tilespmem:s3], [sflag:$0x3] =	stream.linear.gather [hbm4b:s6+s3], $0x2800, $0x38;
	[tilespmem:$0x1E800] =	vst v63  }
0x19: {  	_ =	swait.ge [sflag:s13], $0x2800  }
0x1a: {  	[sflag:s13] =	ssyncset.done $0x0  }
0x1b: {  	[sflag:s13] =	ssyncadd.s32 $0xFFFFD800  }
0x1c: {  	[bflag:$0x0] =	sbarrier.arrive $0xFFFF  }
0x1d: {  	[tilespmem:s15], [sflag:$0x1] =	stream.indirect.gather [spmem:s2], $0x80, s3, s14, $0xb8;
	[tilespmem:$0x1E800] =	vst v63  }
0x1e: {  	_ = 	snop  }
0x1f: {  	[tilespmem:s16], [sflag:$0x2] =	stream.indirect.gather [spmem:s2], $0x80, s14, s14, $0xb8;
	[tilespmem:$0x1E800] =	vst v63  }
0x20: {  	_ =	swait.ge [sflag:s17], $0x4000  }
0x21: {  	[sflag:s17] =	ssyncset.done $0x0  }
0x22: {  	s20 =	sadd.s32 $0x0, s11;
	[sflag:s17] =	ssyncadd.s32 $0xFFFFC000  }
0x23: {  	[hbm4b:s20+s3] =	stream.linear.scatter [tilespmem:s15], [sflag:$0x3], $0x4000, $0x38;
	[tilespmem:$0x1E800] =	vst v63  }
0x24: {  	_ =	swait.ge [sflag:s13], $0x4000  }
0x25: {  	[sflag:s13] =	ssyncset.done $0x0  }
0x26: {  	s30 =	simm.s32 $0x100;
	[sflag:s13] =	ssyncadd.s32 $0xFFFFC000  }
0x27: {  	[tilespmem:s15], [sflag:$0x1] =	stream.indirect.gather [spmem:s2], $0x80, s30, s14, $0xb8;
	[tilespmem:$0x1E800] =	vst v63  }
0x28: {  	_ =	swait.ge [sflag:s18], $0x4000  }
0x29: {  	[sflag:s18] =	ssyncset.done $0x0  }
0x2a: {  	s31 =	sadd.s32 $0x0, s10;
	[sflag:s18] =	ssyncadd.s32 $0xFFFFC000  }
0x2b: {  	[hbm4b:s31+s3] =	stream.linear.scatter [tilespmem:s16], [sflag:$0x3], $0x4000, $0x38;
	[tilespmem:$0x1E800] =	vst v63  }
0x2c: {  	_ =	swait.ge [sflag:s13], $0x4000  }
0x2d: {  	s21 =	simm.s32 $0x1000;
	[sflag:s13] =	ssyncset.done $0x0  }
0x2e: {  	s22 =	simm.s32 $0x280;
	s20 =	simm.s32 $0x180;
	[sflag:s13] =	ssyncadd.s32 $0xFFFFC000  }
.LBB2_2:
0x2f: {  	[tilespmem:s16], [sflag:$0x2] =	stream.indirect.gather [spmem:s2], $0x80, s20, s14, $0xb8;
	[tilespmem:$0x1E800] =	vst v63  }
0x30: {  	s23 =	smov.u32 s21;
	s20 =	smov.u32 s22  }
0x31: {  	p0 =	sne.s32 s21, $0x26000;
	s21 =	sadd.s32 $0x1000, s21;
	_ =	swait.ge [sflag:s17], $0x4000  }
0x32: {  	[sflag:s17] =	ssyncset.done $0x0  }
0x33: {  	s24 =	sadd.s32 s23, s11;
	[sflag:s17] =	ssyncadd.s32 $0xFFFFC000  }
0x34: {  	[hbm4b:s24+s3] =	stream.linear.scatter [tilespmem:s15], [sflag:$0x3], $0x4000, $0x38;
	[tilespmem:$0x1E800] =	vst v63  }
0x35: {  	_ =	swait.ge [sflag:s13], $0x4000  }
0x36: {  	[sflag:s13] =	ssyncset.done $0x0  }
0x37: {  	s24 =	sadd.s32 $0xFFFFFF80, s22;
	[sflag:s13] =	ssyncadd.s32 $0xFFFFC000  }
0x38: {  	[tilespmem:s15], [sflag:$0x1] =	stream.indirect.gather [spmem:s2], $0x80, s24, s14, $0xb8;
	[tilespmem:$0x1E800] =	vst v63  }
0x39: {  	_ =	swait.ge [sflag:s18], $0x4000  }
0x3a: {  	[sflag:s18] =	ssyncset.done $0x0  }
.Ltmp0:
0x3b: {  	s23 =	sadd.s32 s23, s10;
	[sflag:s18] =	ssyncadd.s32 $0xFFFFC000;
	(pc) =	sbr.rel @p0 .LBB2_2-.Ltmp0, $4  }
0x3c: {  	[hbm4b:s23+s3] =	stream.linear.scatter [tilespmem:s16], [sflag:$0x3], $0x4000, $0x38;
	[tilespmem:$0x1E800] =	vst v63  }
0x3d: {  	_ =	swait.ge [sflag:s13], $0x4000  }
0x3e: {  	[sflag:s13] =	ssyncset.done $0x0  }
0x3f: {  	s22 =	sadd.s32 $0x100, s22;
	[sflag:s13] =	ssyncadd.s32 $0xFFFFC000  }
0x40: {  	[tilespmem:s16], [sflag:$0x2] =	stream.indirect.gather [spmem:s2], $0x80, s20, s14, $0xb8;
	[tilespmem:$0x1E800] =	vst v63  }
0x41: {  	_ =	swait.ge [sflag:s17], $0x4000  }
0x42: {  	[sflag:s17] =	ssyncset.done $0x0  }
0x43: {  	[sflag:s17] =	ssyncadd.s32 $0xFFFFC000  }
0x44: {  	[hbm4b:s8+s3] =	stream.linear.scatter [tilespmem:s15], [sflag:$0x3], $0x4000, $0x38;
	[tilespmem:$0x1E800] =	vst v63  }
0x45: {  	_ =	swait.ge [sflag:s13], $0x4000  }
0x46: {  	[sflag:s13] =	ssyncset.done $0x0  }
0x47: {  	[sflag:s13] =	ssyncadd.s32 $0xFFFFC000  }
0x48: {  	s19 =	sadd.s32 $0x1, s19;
	_ =	swait.ge [sflag:s18], $0x4000  }
0x49: {  	p0 =	sne.s32 s19, s7;
	[sflag:s18] =	ssyncset.done $0x0  }
.Ltmp1:
0x4a: {  	[sflag:s18] =	ssyncadd.s32 $0xFFFFC000;
	(pc) =	sbr.rel @p0 .LBB2_1-.Ltmp1, $4  }
0x4b: {  	[hbm4b:s9+s3] =	stream.linear.scatter [tilespmem:s16], [sflag:$0x3], $0x4000, $0x38;
	[tilespmem:$0x1E800] =	vst v63  }
0x4c: {  	_ =	swait.ge [sflag:s13], $0x4000  }
0x4d: {  	[sflag:s13] =	ssyncset.done $0x0  }
0x4e: {  	[sflag:s13] =	ssyncadd.s32 $0xFFFFC000  }
0x4f: {  	_ =	sfence.sel $0x180000  }
0x50: {  	[bflag:$0x0] =	sbarrier.arrive $0xFFFF  }
0x51: {  	p0 =	sne.s32 s1, $0x0;
	_ =	strace $0x90000053  }
0x52: {  	s0 =	sadd.s32 @!p0 $0x100000, s0;
	[bflag:$0x2] =	sbarrier.arrive $0xFFFF  }
0x53: {  	[sflag:s0] =	ssyncadd.tile.s32 @!p0 $0x1;
	_ =	shalt  }
.Lfunc_end2:
_tile_overlayer_lowered:
.L_overlay_start_2:
0x54: {  	(tag) =	ssettag $0x2  }
0x55: {  	s0 =	rddreg [dreg:$0x0];
	s2 =	stileid.u32  }
0x56: {  	s1 =	rddreg [dreg:$0x1];
	p0 =	sne.s32 s2, $0x0  }
0x57: {  	s3 =	rddreg [dreg:$0x2];
	[bflag:$0x3] =	sbarrier.arrive $0xFFFF;
	s2 =	simm.s32 @!p0 $0x1C03  }
0x58: {  	[timem:s3], [sflag:s2] =	dma.local @!p0 [hbm:s0], s1  }
0x59: {  	s0 =	simm.s32 @!p0 $0x3  }
0x5a: {  	_ =	swait.ge @!p0 [sflag:s0], s1  }
0x5b: {  	s1 =	ssub.s32 @!p0 $0x0, s1;
	[sflag:s0] =	ssyncset.done @!p0 $0x0  }
0x5c: {  	[sflag:s0] =	ssyncadd.s32 @!p0 s1  }
0x5d: {  	[bflag:$0x3] =	sbarrier.arrive $0xFFFF  }
0x5e: {  	_ =	shalt  }

// kernel: kernel.30.cloned.1.call-start
scs
__scs_entry_jumppad:
0x0: {  	(pc) =	sbr.rel $0x88, $3  }
0x1: {  	(tag) =	ssettag $0x0;
	lr =	simm.s32 $0x1  }
0x2: {  	[smem:$0x3F97] =	sst lr;
	_ =	strace $0xD0000000  }
0x3: {  	_ = 	snop  }
0x4: {  	_ = 	snop  }
0x5: {  	_ = 	snop  }
0x6: {  	_ = 	snop  }
0x7: {  	_ = 	snop  }
__scs_overlays_trampoline_lowered:
0x8: {  	[smem:$0x3FA6] =	sst s0  }
0x9: {  	[smem:$0x3FA7] =	sst s1  }
0xa: {  	[smem:$0x3FA8] =	sst s2  }
0xb: {  	[smem:$0x3FA9] =	sst s3  }
0xc: {  	[smem:$0x3FAA] =	sst s4  }
0xd: {  	[smem:$0x3FAB] =	sst s5  }
0xe: {  	[smem:$0x3FAC] =	sst s6  }
0xf: {  	[smem:$0x3FAD] =	sst s7  }
0x10: {  	[smem:$0x3FAE] =	sst s8  }
0x11: {  	[smem:$0x3FAF] =	sst s9;
	s0 =	simm.s32 @!p0 $0x0  }
0x12: {  	s1 =	sld [smem:$0x3F95];
	s0 =	simm.s32 @p0 $0x1  }
0x13: {  	[smem:$0x3FB0] =	sst s0;
	s0 =	simm.s32 @!p1 $0x0  }
0x14: {  	s2 =	sld [smem:$0x3F94];
	s0 =	simm.s32 @p1 $0x1  }
0x15: {  	[smem:$0x3FB1] =	sst s0;
	s0 =	simm.s32 @!p2 $0x0  }
0x16: {  	s3 =	sld [smem:$0x3FDB];
	s0 =	simm.s32 @p2 $0x1  }
0x17: {  	s4 =	simm.s32 $0x1BF5;
	[smem:$0x3FB3] =	sst s0  }
0x18: {  	s0 =	sld [smem:$0x3F96];
	_ =	swait.ge [sflag:s4], $0x0  }
0x19: {  	s7 =	sld [smem:$0x3F97]  }
0x1a: {  	s8 =	sadd.s32 $0xFFFFE003, lr  }
0x1b: {  	s9 =	sadd.s32 $0xFFFFFEF7, lr;
	s5 =	simm.s32 $0xFFFFFFFF;
	p2 =	slt.u32 s8, $0xFFFFF086  }
0x1c: {  	p1 =	slt.u32 s9, $0xF7A;
	s5 =	simm.s32 @!p2 $0x0  }
0x1d: {  	s5 =	simm.s32 @p1 $0x1;
	p0 =	seq.s32 s7, s2  }
0x1e: {  	s7 =	smul.u32 @!p0 $0xF7A, s2;
	p2 =	seq.s32 @!p0 s5, $0x0  }
0x1f: {  	s9 =	smul.u32 $0xF7A, s1;
	s8 =	simm.s32 @!p0 $0x1BF5;
	p2 =	por !p2, p0  }
0x20: {  	[sflag:s8] =	ssyncset.s32 @!p0 $0xFFFFF086;
	s6 =	sadd.s32 @!p0 s3, s7;
	s7 =	simm.s32 @!p0 $0x108  }
0x21: {  	s3 =	sadd.s32 s3, s9;
	s6 =	sadd.s32 @!p0 $0x88, s6;
	s7 =	simm.s32 @p2 $0x1082  }
0x22: {  	[simem:s7], [sflag:s8] =	dma.local @!p0 [hbm:s6], $0xF7A  }
0x23: {  	s9 =	sor.u32 $0xD0000000, s2;
	s6 =	simm.s32 $0x108;
	_ =	swait.ge @!p0 [sflag:s8], $0x0  }
0x24: {  	s3 =	sadd.s32 $0x88, s3;
	s6 =	simm.s32 @!p1 $0x1082;
	[sflag:s4] =	ssyncset.s32 $0xFFFFF086  }
0x25: {  	[simem:s6], [sflag:s4] =	dma.local [hbm:s3], $0xF7A  }
0x26: {  	[smem:$0x3F97] =	sst s1;
	(tag) =	ssettag s2;
	_ =	strace s9  }
0x27: {  	s1 =	sld [smem:$0x3FA7]  }
0x28: {  	s2 =	sld [smem:$0x3FA8]  }
0x29: {  	s4 =	sld [smem:$0x3FAA]  }
0x2a: {  	p0 =	seq.s32 s5, $0x0;
	s5 =	sld [smem:$0x3FAB]  }
0x2b: {  	s6 =	sld [smem:$0x3FAC]  }
0x2c: {  	s7 =	sld [smem:$0x3FAD]  }
0x2d: {  	s3 =	simm.s32 $0x108;
	s8 =	sld [smem:$0x3FAE]  }
0x2e: {  	s3 =	simm.s32 @!p0 $0x1082;
	s9 =	sld [smem:$0x3FAF]  }
0x2f: {  	lr =	sadd.s32 s0, s3;
	s0 =	sld [smem:$0x3FA6]  }
0x30: {  	s3 =	sld [smem:$0x3FA9]  }
0x31: {  	[smem:$0x3FB2] =	sst s10  }
0x32: {  	s10 =	sld [smem:$0x3FB0];
	_ =	sdelay $0x3  }
0x33: {  	p0 =	seq.s32 s10, $0x1;
	s10 =	sld [smem:$0x3FB2];
	_ =	sdelay $0x3  }
0x34: {  	[smem:$0x3FB2] =	sst s10  }
0x35: {  	s10 =	sld [smem:$0x3FB1];
	_ =	sdelay $0x3  }
0x36: {  	p1 =	seq.s32 s10, $0x1;
	s10 =	sld [smem:$0x3FB2];
	_ =	sdelay $0x3  }
0x37: {  	[smem:$0x3FB2] =	sst s10  }
0x38: {  	s10 =	sld [smem:$0x3FB3]  }
0x39: {  	_ = 	snop;
	(pc) =	sbr.ind lr, $3  }
0x3a: {  	_ = 	snop  }
0x3b: {  	_ = 	snop  }
0x3c: {  	p2 =	seq.s32 s10, $0x1;
	s10 =	sld [smem:$0x3FB2]  }
0x3d: {  	_ =	shalt  }
0x3e: {  	_ =	shalt  }
0x3f: {  	_ =	shalt  }
0x40: {  	_ =	shalt  }
0x41: {  	_ =	shalt  }
0x42: {  	_ =	shalt  }
0x43: {  	_ =	shalt  }
0x44: {  	_ =	shalt  }
0x45: {  	_ =	shalt  }
0x46: {  	_ =	shalt  }
0x47: {  	_ =	shalt  }
0x48: {  	_ =	shalt  }
0x49: {  	_ =	shalt  }
0x4a: {  	_ =	shalt  }
0x4b: {  	_ =	shalt  }
0x4c: {  	_ =	shalt  }
0x4d: {  	_ =	shalt  }
0x4e: {  	_ =	shalt  }
0x4f: {  	_ =	shalt  }
0x50: {  	_ =	shalt  }
0x51: {  	_ =	shalt  }
0x52: {  	_ =	shalt  }
0x53: {  	_ =	shalt  }
0x54: {  	_ =	shalt  }
0x55: {  	_ =	shalt  }
0x56: {  	_ =	shalt  }
0x57: {  	_ =	shalt  }
0x58: {  	_ =	shalt  }
0x59: {  	_ =	shalt  }
0x5a: {  	_ =	shalt  }
0x5b: {  	_ =	shalt  }
0x5c: {  	_ =	shalt  }
0x5d: {  	_ =	shalt  }
0x5e: {  	_ =	shalt  }
0x5f: {  	_ =	shalt  }
0x60: {  	_ =	shalt  }
0x61: {  	_ =	shalt  }
0x62: {  	_ =	shalt  }
0x63: {  	_ =	shalt  }
0x64: {  	_ =	shalt  }
0x65: {  	_ =	shalt  }
0x66: {  	_ =	shalt  }
0x67: {  	_ =	shalt  }
0x68: {  	_ =	shalt  }
0x69: {  	_ =	shalt  }
0x6a: {  	_ =	shalt  }
0x6b: {  	_ =	shalt  }
0x6c: {  	_ =	shalt  }
0x6d: {  	_ =	shalt  }
0x6e: {  	_ =	shalt  }
0x6f: {  	_ =	shalt  }
0x70: {  	_ =	shalt  }
0x71: {  	_ =	shalt  }
0x72: {  	_ =	shalt  }
0x73: {  	_ =	shalt  }
0x74: {  	_ =	shalt  }
0x75: {  	_ =	shalt  }
0x76: {  	_ =	shalt  }
0x77: {  	_ =	shalt  }
0x78: {  	_ =	shalt  }
0x79: {  	_ =	shalt  }
0x7a: {  	_ =	shalt  }
0x7b: {  	_ =	shalt  }
0x7c: {  	_ =	shalt  }
0x7d: {  	_ =	shalt  }
0x7e: {  	_ =	shalt  }
0x7f: {  	_ =	shalt  }
0x80: {  	_ =	shalt  }
0x81: {  	_ =	shalt  }
0x82: {  	_ =	shalt  }
0x83: {  	_ =	shalt  }
0x84: {  	_ =	shalt  }
0x85: {  	_ =	shalt  }
0x86: {  	_ =	shalt  }
0x87: {  	_ =	shalt  }
.Lfunc_end0:
.L_simem_size_0:
called_computation.5_lowered:
.L_overlay_start_0:
0x88: {  	s2 =	sld [smem:$0x3FD9]  }
0x89: {  	s3 =	sld [smem:$0x3FFE];
	_ =	sdelay $0x1  }
0x8a: {  	s1 =	srdreg.scid  }
0x8b: {  	s0 =	sand.u32 $0x1, s1  }
0x8c: {  	s16 =	sshll.u32 s0, $0xA;
	s2 =	sadd.s32 s3, s2  }
0x8d: {  	s2 =	sadd.s32 s2, s16  }
0x8e: {  	[smem:$0x3FBE] =	sst s2  }
0x8f: {  	_ = 	snop  }
0x90: {  	(tm) =	ssettm $0x1  }
0x91: {  	s17 =	sld [smem:$0x3FFB];
	_ =	sdelay $0x3  }
0x92: {  	_ =	strace s17  }
0x93: {  	s2 =	sld [smem:$0x3FFC];
	_ =	sdelay $0x3  }
0x94: {  	_ =	strace s2  }
0x95: {  	s2 =	sld [smem:$0x3FFD];
	_ =	sdelay $0x3  }
0x96: {  	_ =	strace s2  }
0x97: {  	_ =	strace $0x8FFFFFFF  }
0x98: {  	s18 =	sld [smem:$0x3FDB];
	_ =	sdelay $0x1  }
0x99: {  	s19 =	simm.s32 $_scs_section_size  }
0x9a: {  	s4 =	simm.s32 $_size__tile_overlayer_lowered;
	s5 =	simm.s32 $_tile_overlayer_lowered  }
0x9b: {  	s22 =	simm.s32 $0x1BFF;
	s21 =	sshll.u32 s5, $0x1;
	s2 =	sadd.s32 s19, s18  }
0x9c: {  	s6 =	simm.s32 $0x0;
	s20 =	sshll.u32 s4, $0x1;
	s4 =	sadd.s32 s21, s2  }
0x9d: {  	[timem:s6], [sflag:s22] =	dma.local [hbm:s4], s20  }
0x9e: {  	_ =	swait.ge [sflag:s22], s20  }
0x9f: {  	s3 =	ssub.s32 $0x0, s20;
	[sflag:s22] =	ssyncset.done $0x0  }
0xa0: {  	[sflag:s22] =	ssyncadd.s32 s3;
	_ =	sdelay $0x1  }
0xa1: {  	s23 =	simm.s32 $0x1B8B  }
0xa2: {  	_ =	swait.ge [sflag:s23], $0x1  }
0xa3: {  	[sflag:s23] =	ssyncset.done $0x0  }
0xa4: {  	s25 =	simm.s32 $0x1B8E;
	s24 =	sld [smem:$0x3FFE];
	[sflag:s23] =	ssyncadd.s32 $0xFFFFFFFF  }
0xa5: {  	s26 =	simm.s32 $execute0_lowered;
	[smem:$0x3FD2] =	sst s25  }
0xa6: {  	s4 =	sshll.u32 s26, $0x1;
	_ =	strace $0x80000055;
	[dreg:$0x1] =	wrdreg $0xFFFFFFFF  }
0xa7: {  	s28 =	simm.s32 $_size_execute0_lowered;
	s2 =	sadd.s32 s2, s4;
	[dreg:$0x0] =	wrdreg $0x0  }
0xa8: {  	s4 =	sshll.u32 s28, $0x1;
	[dreg:$0x2] =	wrdreg s2  }
0xa9: {  	[dreg:$0x3] =	wrdreg s4  }
0xaa: {  	[dreg:$0x4] =	wrdreg $0xC0  }
0xab: {  	_ =	task [dreg:s6], $0x5FFFF  }
0xac: {  	[dreg:$0x1] =	wrdreg $0xFFFFFFFF  }
0xad: {  	[dreg:$0x0] =	wrdreg $0x60  }
0xae: {  	[dreg:$0x2] =	wrdreg s24  }
0xaf: {  	[dreg:$0x3] =	wrdreg $0xA8000  }
0xb0: {  	[dreg:$0x4] =	wrdreg $0x9  }
0xb1: {  	_ =	task.clear_ibuf [dreg:s6], $0x5FFFF;
	_ =	strace $0x90000055  }
0xb2: {  	s29 =	simm.s32 $0x9;
	_ =	strace $0x80000057  }
0xb3: {  	_ =	swait.ge [sflag:s29], $0x1  }
0xb4: {  	[sflag:s29] =	ssyncadd.s32 $0xFFFFFFFF  }
0xb5: {  	_ =	strace $0x90000057  }
0xb6: {  	_ =	sfence  }
0xb7: {  	s30 =	sld [smem:$0x0];
	_ =	sdelay $0x2  }
0xb8: {  	s31 =	sshll.u32 s1, $0xD;
	s1 =	sshrl.u32 s1, $0x2  }
0xb9: {  	s3 =	sand.u32 $0x4000, s31;
	s1 =	sadd.s32 s1, s30  }
0xba: {  	s0 =	sor.u32 s3, s0;
	s1 =	sshll.u32 s1, $0x11  }
0xbb: {  	s0 =	sor.u32 s1, s0  }
0xbc: {  	s0 =	sadd.s32 $0x8F2B, s0  }
0xbd: {  	[sflag:s0] =	ssyncadd.remote.s32 $0x1  }
0xbe: {  	_ =	sfence.sel $0xFFFF  }
0xbf: {  	[dreg:$0x0] =	wrdreg $0xFFFFFFFF;
	(pc) =	sbr.abs _section_cstart, $3  }
0xc0: {  	[dreg:$0x1] =	wrdreg $0xFFFFFFFF  }
0xc1: {  	_ =	task.clear_ibuf [dreg:s6], $0x2FFFF;
	_ =	strace $0x9FFFFFFF  }
0xc2: {  	(tm) =	ssettm $0x7FFFFFFF  }
0xc3: {  	_ =	shalt  }
tec
execute0_lowered:
.L_overlay_start_1:
0x0: {  	(tag) =	ssettag $0x1  }
0x1: {  	s1 =	srdreg.scid  }
0x2: {  	s0 =	stileid.u32;
	s4 =	rddreg [dreg:$0x0]  }
0x3: {  	s2 =	rddreg [dreg:$0x1];
	s3 =	simm.s32 $0x0;
	s17 =	simm.s32 $0x1  }
0x4: {  	s18 =	simm.s32 $0x80;
	s19 =	simm.s32 $0x2;
	s20 =	simm.s32 $0x3  }
0x5: {  	s21 =	simm.s32 $0x4;
	s22 =	simm.s32 $0x2700;
	s23 =	simm.s32 $0x2780  }
0x6: {  	s8 =	sand.u32 $0x1, s1;
	s1 =	rddreg [dreg:$0x2];
	s7 =	smul.u32 $0x14000, s0  }
0x7: {  	s24 =	sshll.u32 s0, $0x1;
	[smem:$0x7FF] =	sst s3;
	s13 =	smul.u32 $0x50000, s0  }
0x8: {  	s12 =	sadd.s32 $0xD19C00, s4;
	s29 =	sshll.u32 s0, $0x6;
	s16 =	smul.u32 $0x280000, s0  }
0x9: {  	s5 =	sor.u32 s8, s24;
	s9 =	smul.u32 $0x140000, s8;
	_ =	strace $0x80000056  }
0xa: {  	s11 =	ssub.s32 $0x2, s8;
	s30 =	smul.u32 $0x28000, s8;
	s24 =	simm.s32 $0x0  }
0xb: {  	s6 =	smul.u32 $0x500, s5;
	s10 =	sshrl.u32 s7, $0x3;
	s25 =	sshrl.u32 s11, $0x1  }
0xc: {  	s26 =	sshrl.u32 s13, $0x2;
	s28 =	smul.u32 $0x28000, s5;
	s5 =	sor.u32 $0x1C05, s29  }
0xd: {  	s13 =	sadd.s32 s13, s12;
	s7 =	sadd.s32 s7, s9;
	s10 =	sadd.s32 s10, s4  }
0xe: {  	s11 =	ssub.s32 s11, s25;
	s15 =	sadd.s32 s26, s2;
	s9 =	sadd.s32 s9, s16  }
0xf: {  	s13 =	sadd.s32 s30, s13;
	s6 =	sadd.s32 s6, s4;
	s7 =	sshrl.u32 s7, $0x3  }
0x10: {  	s16 =	sor.u32 $0x8000, s9;
	s14 =	sadd.s32 s7, s4;
	s4 =	sadd.s32 $0x3E00, s10  }
0x11: {  	s6 =	sadd.s32 $0x535C00, s6;
	s7 =	sadd.s32 s12, s28;
	s31 =	sshrl.u32 s16, $0x3  }
0x12: {  	s10 =	smax.u32 s11, $0x1;
	s11 =	sadd.s32 $0x1800, s13;
	s13 =	sshrl.u32 s15, $0x3  }
0x13: {  	s15 =	simm.s32 $0x2800;
	s16 =	simm.s32 $0x6800;
	s8 =	sadd.s32 $0x800, s7  }
0x14: {  	s9 =	sadd.s32 $0x2BE00, s14;
	s12 =	sadd.s32 s31, s12;
	s14 =	simm.s32 $0x5  }
.LBB2_1:
0x15: {  	[spmem:s13], [sflag:s5] =	dma.local [hbm:s4], $0x2800  }
0x16: {  	_ =	swait.ge [sflag:s14], $0x2800  }
0x17: {  	[sflag:s14] =	ssyncset.done $0x0  }
0x18: {  	[sflag:s14] =	ssyncadd.s32 $0xFFFFD800  }
0x19: {  	[tilespmem:s3], [sflag:$0x5] =	stream.linear.gather [hbm4b:s6+s3], $0x2800, $0x38;
	[tilespmem:$0x1E800] =	vst v63  }
0x1a: {  	_ =	swait.ge [sflag:s14], $0x2800  }
0x1b: {  	[sflag:s14] =	ssyncset.done $0x0  }
0x1c: {  	[sflag:s14] =	ssyncadd.s32 $0xFFFFD800  }
0x1d: {  	[bflag:$0x0] =	sbarrier.arrive $0xFFFF  }
0x1e: {  	[tilespmem:s15], [sflag:$0x1] =	stream.linear.gather [hbm4b:s7+s3], $0x4000, $0x38;
	[tilespmem:$0x1E800] =	vst v63  }
0x1f: {  	_ = 	snop  }
0x20: {  	[tilespmem:s16], [sflag:$0x2] =	stream.linear.gather [hbm4b:s8+s3], $0x4000, $0x38;
	[tilespmem:$0x1E800] =	vst v63  }
0x21: {  	_ =	swait.ge [sflag:s17], $0x4000  }
0x22: {  	[sflag:s17] =	ssyncset.done $0x0  }
0x23: {  	s25 =	simm.s32 $0x0;
	[sflag:s17] =	ssyncadd.s32 $0xFFFFC000  }
0x24: {  	[spmem:s2] =	stream.indirect.scatter.add.f32 [tilespmem:s15], [sflag:$0x3], $0x80, s25, s18, $0xb8;
	[tilespmem:$0x1E800] =	vst v63  }
0x25: {  	_ =	swait.ge [sflag:s19], $0x4000  }
0x26: {  	[sflag:s19] =	ssyncset.done $0x0  }
0x27: {  	[sflag:s19] =	ssyncadd.s32 $0xFFFFC000  }
0x28: {  	[spmem:s2] =	stream.indirect.scatter.add.f32 [tilespmem:s16], [sflag:$0x4], $0x80, s18, s18, $0xb8;
	[tilespmem:$0x1E800] =	vst v63  }
0x29: {  	_ =	swait.ge [sflag:s20], $0x4000  }
0x2a: {  	[sflag:s20] =	ssyncset.done $0x0  }
0x2b: {  	s31 =	sadd.s32 $0x0, s12;
	[sflag:s20] =	ssyncadd.s32 $0xFFFFC000  }
0x2c: {  	[tilespmem:s15], [sflag:$0x1] =	stream.linear.gather [hbm4b:s31+s3], $0x4000, $0x38;
	[tilespmem:$0x1E800] =	vst v63  }
0x2d: {  	_ =	swait.ge [sflag:s21], $0x4000  }
0x2e: {  	s28 =	sadd.s32 $0x0, s11;
	[sflag:s21] =	ssyncset.done $0x0  }
0x2f: {  	s26 =	simm.s32 $0x180;
	s25 =	simm.s32 $0x1000;
	[sflag:s21] =	ssyncadd.s32 $0xFFFFC000  }
.LBB2_2:
0x30: {  	[tilespmem:s16], [sflag:$0x2] =	stream.linear.gather [hbm4b:s28+s3], $0x4000, $0x38;
	[tilespmem:$0x1E800] =	vst v63  }
0x31: {  	s28 =	smov.u32 s25  }
0x32: {  	p0 =	sne.s32 s25, $0x26000;
	s25 =	sadd.s32 $0x1000, s25;
	_ =	swait.ge [sflag:s17], $0x4000  }
0x33: {  	[sflag:s17] =	ssyncset.done $0x0  }
0x34: {  	s29 =	sadd.s32 $0xFFFFFF80, s26;
	[sflag:s17] =	ssyncadd.s32 $0xFFFFC000  }
0x35: {  	[spmem:s2] =	stream.indirect.scatter.add.f32 [tilespmem:s15], [sflag:$0x3], $0x80, s29, s18, $0xb8;
	[tilespmem:$0x1E800] =	vst v63  }
0x36: {  	_ =	swait.ge [sflag:s19], $0x4000  }
0x37: {  	[sflag:s19] =	ssyncset.done $0x0  }
0x38: {  	[sflag:s19] =	ssyncadd.s32 $0xFFFFC000  }
0x39: {  	[spmem:s2] =	stream.indirect.scatter.add.f32 [tilespmem:s16], [sflag:$0x4], $0x80, s26, s18, $0xb8;
	[tilespmem:$0x1E800] =	vst v63  }
0x3a: {  	_ =	swait.ge [sflag:s20], $0x4000  }
0x3b: {  	[sflag:s20] =	ssyncset.done $0x0  }
.Ltmp0:
0x3c: {  	s29 =	sadd.s32 s28, s12;
	[sflag:s20] =	ssyncadd.s32 $0xFFFFC000;
	(pc) =	sbr.rel @p0 .LBB2_2-.Ltmp0, $4  }
0x3d: {  	[tilespmem:s15], [sflag:$0x1] =	stream.linear.gather [hbm4b:s29+s3], $0x4000, $0x38;
	[tilespmem:$0x1E800] =	vst v63  }
0x3e: {  	_ =	swait.ge [sflag:s21], $0x4000  }
0x3f: {  	[sflag:s21] =	ssyncset.done $0x0  }
0x40: {  	s28 =	sadd.s32 s28, s11;
	s26 =	sadd.s32 $0x100, s26;
	[sflag:s21] =	ssyncadd.s32 $0xFFFFC000  }
0x41: {  	[tilespmem:s16], [sflag:$0x2] =	stream.linear.gather [hbm4b:s28+s3], $0x4000, $0x38;
	[tilespmem:$0x1E800] =	vst v63  }
0x42: {  	_ =	swait.ge [sflag:s17], $0x4000  }
0x43: {  	[sflag:s17] =	ssyncset.done $0x0  }
0x44: {  	[sflag:s17] =	ssyncadd.s32 $0xFFFFC000  }
0x45: {  	[spmem:s2] =	stream.indirect.scatter.add.f32 [tilespmem:s15], [sflag:$0x3], $0x80, s22, s18, $0xb8;
	[tilespmem:$0x1E800] =	vst v63  }
0x46: {  	_ =	swait.ge [sflag:s19], $0x4000  }
0x47: {  	[sflag:s19] =	ssyncset.done $0x0  }
0x48: {  	[sflag:s19] =	ssyncadd.s32 $0xFFFFC000  }
0x49: {  	[spmem:s2] =	stream.indirect.scatter.add.f32 [tilespmem:s16], [sflag:$0x4], $0x80, s23, s18, $0xb8;
	[tilespmem:$0x1E800] =	vst v63  }
0x4a: {  	_ =	swait.ge [sflag:s20], $0x4000  }
0x4b: {  	[sflag:s20] =	ssyncset.done $0x0  }
0x4c: {  	[sflag:s20] =	ssyncadd.s32 $0xFFFFC000  }
0x4d: {  	_ =	swait.ge [sflag:s21], $0x4000  }
0x4e: {  	s24 =	sadd.s32 $0x1, s24;
	[sflag:s21] =	ssyncset.done $0x0  }
0x4f: {  	p0 =	sne.s32 s24, s10;
	[sflag:s21] =	ssyncadd.s32 $0xFFFFC000  }
.Ltmp1:
0x50: {  	[bflag:$0x0] =	sbarrier.arrive $0xFFFF;
	(pc) =	sbr.rel @p0 .LBB2_1-.Ltmp1, $4  }
0x51: {  	[hbm:s9], [sflag:s5] =	dma.local [spmem:s13], $0x2800  }
0x52: {  	_ =	swait.ge [sflag:s14], $0x2800  }
0x53: {  	[sflag:s14] =	ssyncset.done $0x0  }
0x54: {  	[sflag:s14] =	ssyncadd.s32 $0xFFFFD800  }
0x55: {  	_ =	sfence.sel $0x180000  }
0x56: {  	[bflag:$0x0] =	sbarrier.arrive $0xFFFF  }
0x57: {  	p0 =	sne.s32 s0, $0x0;
	_ =	strace $0x90000056  }
0x58: {  	s0 =	sadd.s32 @!p0 $0x100000, s1;
	[bflag:$0x2] =	sbarrier.arrive $0xFFFF  }
0x59: {  	[sflag:s0] =	ssyncadd.tile.s32 @!p0 $0x1;
	_ =	shalt  }
.Lfunc_end2:
_tile_overlayer_lowered:
.L_overlay_start_2:
0x5a: {  	(tag) =	ssettag $0x2  }
0x5b: {  	s0 =	rddreg [dreg:$0x0];
	s2 =	stileid.u32  }
0x5c: {  	s1 =	rddreg [dreg:$0x1];
	p0 =	sne.s32 s2, $0x0  }
0x5d: {  	s3 =	rddreg [dreg:$0x2];
	[bflag:$0x3] =	sbarrier.arrive $0xFFFF;
	s2 =	simm.s32 @!p0 $0x1C05  }
0x5e: {  	[timem:s3], [sflag:s2] =	dma.local @!p0 [hbm:s0], s1  }
0x5f: {  	s0 =	simm.s32 @!p0 $0x5  }
0x60: {  	_ =	swait.ge @!p0 [sflag:s0], s1  }
0x61: {  	s1 =	ssub.s32 @!p0 $0x0, s1;
	[sflag:s0] =	ssyncset.done @!p0 $0x0  }
0x62: {  	[sflag:s0] =	ssyncadd.s32 @!p0 s1  }
0x63: {  	[bflag:$0x3] =	sbarrier.arrive $0xFFFF  }
0x64: {  	_ =	shalt  }

</sc_bundles>
